<compile_context>
chip_gen: v7x
topology: tpu7x:2x2x1
jax: 0.10.2.dev20260603
libtpu: 0.0.44.dev20260713+nightly
codegen_flags: <defaults>
</compile_context>

<pallas_src>
import functools
import math

import jax
import jax.numpy as jnp
from jax import lax
from jax.experimental import pallas as pl
from jax.experimental.pallas import tpu as pltpu
from jax.experimental.pallas import tpu_sc as plsc

EMB = 64
HALF = 32
BATCH = 16384
MAX_PERIOD = 10000.0
TMAX = 1024

_NC = 2
_NS = 16
_NW = _NC * _NS
_BPW = BATCH // _NW
_RING = 8
_SEG = 128
_NSEG = _BPW // _SEG
_NGRP = _SEG // _RING


def _emb_body(o_ref):
    r = lax.broadcasted_iota(jnp.int32, (HALF, TMAX), 0)
    t = lax.broadcasted_iota(jnp.int32, (HALF, TMAX), 1).astype(jnp.float32)
    k0 = jnp.where(r < 16, 2 * r, 2 * r - HALF).astype(jnp.float32)
    c = -math.log(MAX_PERIOD) / HALF
    a0 = t * jnp.exp(k0 * c)
    a1 = t * jnp.exp((k0 + 1.0) * c)
    v0 = jnp.where(r < 16, jnp.cos(a0), jnp.sin(a0))
    v1 = jnp.where(r < 16, jnp.cos(a1), jnp.sin(a1))
    u0 = lax.bitcast_convert_type(v0.astype(jnp.bfloat16), jnp.uint16)
    u1 = lax.bitcast_convert_type(v1.astype(jnp.bfloat16), jnp.uint16)
    packed = u0.astype(jnp.int32) | lax.shift_left(u1.astype(jnp.int32), 16)
    o_ref[:, :] = packed


_emb_table = pl.pallas_call(
    _emb_body,
    out_shape=jax.ShapeDtypeStruct((HALF, TMAX), jnp.int32),
)


@functools.cache
def _make_sc_gather():
    mesh = plsc.VectorSubcoreMesh(core_axis_name="c", subcore_axis_name="s")

    slab_types = [pltpu.VMEM((EMB, 128), jnp.float32) for _ in range(_RING)]
    gsem_types = [pltpu.SemaphoreType.DMA for _ in range(_RING)]

    @functools.partial(
        pl.kernel,
        mesh=mesh,
        out_type=jax.ShapeDtypeStruct((EMB, BATCH), jnp.float32),
        scratch_types=[
            pltpu.VMEM((_BPW + 8, ), jnp.int32),
            pltpu.VMEM((_BPW + 8, ), jnp.int32),
            pltpu.VMEM((HALF, TMAX), jnp.int32),
            pltpu.VMEM((EMB, 128), jnp.float32),
            pltpu.VMEM((EMB, 128), jnp.float32),
            *slab_types,
            *gsem_types,
            pltpu.SemaphoreType.DMA,
            pltpu.SemaphoreType.DMA,
        ],
        compiler_params=pltpu.CompilerParams(needs_layout_passes=False),
    )
    def _sc_gather(labels_hbm, times_hbm, embp_hbm, tablet_hbm, out_hbm,
                   labels_v, times_v, emb_v, col_a, col_b, *rest):
        slabs = rest[:_RING]
        gsems = rest[_RING:2 * _RING]
        osems = rest[2 * _RING:]
        cols = (col_a, col_b)
        wid = lax.axis_index("s") * _NC + lax.axis_index("c")
        base = wid * _BPW
        pltpu.sync_copy(labels_hbm.at[pl.ds(base, _BPW)],
                        labels_v.at[pl.ds(0, _BPW)])
        pltpu.sync_copy(times_hbm.at[pl.ds(base, _BPW)],
                        times_v.at[pl.ds(0, _BPW)])
        pltpu.sync_copy(embp_hbm, emb_v)

        rows16 = [lax.iota(jnp.int32, 16) + 16 * q for q in range(4)]
        rhalf = [lax.shift_right_logical(rows16[q], 1) for q in range(4)]
        odd16 = [(rows16[q] & 1) == 1 for q in range(4)]
        himask = jnp.full((16,), -65536, jnp.int32)

        def fire(slot, lbl):
            off = pl.multiple_of(
                lax.shift_right_logical(lbl, 7) * 128, 128)
            pltpu.async_copy(
                tablet_hbm.at[:, pl.ds(off, 128)], slabs[slot], gsems[slot])

        def wait_slot(slot):
            pltpu.make_async_copy(
                tablet_hbm.at[:, pl.ds(0, 128)], slabs[slot],
                gsems[slot]).wait()

        def extract(slot, lbl, tstep, colbuf, col):
            lane = jnp.broadcast_to(lbl & 127, (16,))
            tlane = jnp.broadcast_to(tstep, (16,))
            colv = jnp.broadcast_to(col, (16,))
            for q in range(4):
                vals = plsc.load_gather(slabs[slot], [rows16[q], lane])
                w = plsc.load_gather(emb_v, [rhalf[q], tlane])
                lo = plsc.bitcast(lax.shift_left(w, 16), jnp.float32)
                hi = plsc.bitcast(w & himask, jnp.float32)
                emb = jnp.where(odd16[q], hi, lo)
                plsc.store_scatter(colbuf, [rows16[q], colv], vals + emb)

        out_copies = [None, None]
        for s in range(_NSEG):
            cb = s % 2
            if out_copies[cb] is not None:
                out_copies[cb].wait()
            lv0 = labels_v[pl.ds(s * _SEG, 16)]
            for j in range(_RING):
                fire(j, lv0[j])

            def group(c, carry, s=s, cb=cb):
                lv = labels_v[pl.ds(s * _SEG + c * _RING, 16)]
                tv = times_v[pl.ds(s * _SEG + c * _RING, 16)]
                for j in range(_RING):
                    wait_slot(j)
                    extract(j, lv[j], tv[j], cols[cb], c * _RING + j)

                    @pl.when(c < _NGRP - 1)
                    def _():
                        fire(j, lv[_RING + j])
                return carry

            lax.fori_loop(0, _NGRP, group, 0)
            out_copies[cb] = pltpu.async_copy(
                cols[cb],
                out_hbm.at[:, pl.ds(base + s * _SEG, _SEG)],
                osems[cb],
            )
        out_copies[0].wait()
        out_copies[1].wait()

    return _sc_gather


def kernel(timesteps, labels, class_embedding):
    embp = _emb_table()
    out_t = _make_sc_gather()(labels, timesteps, embp, class_embedding.T)
    return out_t.T

# --- scband reference (transcript-rebuilt; emitter-appended) ---
"""Pipeline reference for scband-timestep-label-embedding-46918222741628 (READ-ONLY COPY).

The authoritative reference and input builder live on the scoring server;
editing this copy changes nothing except your own understanding.
"""

import math
import jax, jax.numpy as jnp
import numpy as np

EMBEDDING_DIM = 64
NUM_CLASSES = 1000000
MAX_PERIOD = 10000
BATCH = 16384


def sinusoidal_timestep_embedding(timesteps, embedding_dim, max_period=10000):
    if timesteps.ndim == 2:
        timesteps = timesteps[:, 0]
    half_dim = embedding_dim // 2
    t = timesteps.astype(jnp.float32)
    freq_exponent = -math.log(max_period) * jnp.arange(0, half_dim, dtype=jnp.float32) / half_dim
    freqs = jnp.exp(freq_exponent)
    args = t[:, None] * freqs[None, :]
    emb = jnp.concatenate([jnp.cos(args), jnp.sin(args)], axis=1)
    if embedding_dim % 2 == 1:
        emb = jnp.concatenate([emb, jnp.zeros((t.shape[0], 1), dtype=emb.dtype)], axis=1)
    return emb


def setup_inputs(seed: int = 0) -> dict:
    key = jax.random.key(seed)
    k1, k2, k3 = jax.random.split(key, 3)
    timesteps = jax.random.randint(k1, (BATCH,), 0, 1000, dtype=jnp.int64 if jax.config.jax_enable_x64 else jnp.int32).astype(jnp.int32)
    labels = jax.random.randint(k2, (BATCH,), 0, NUM_CLASSES, dtype=jnp.int32)
    class_embedding = jax.random.normal(k3, (NUM_CLASSES, EMBEDDING_DIM), dtype=jnp.float32)
    return {"timesteps": timesteps, "labels": labels, "class_embedding": class_embedding}


def reference(timesteps, labels, class_embedding):
    time_emb = sinusoidal_timestep_embedding(timesteps, EMBEDDING_DIM, MAX_PERIOD)
    if labels.ndim == 2:
        labels = labels[:, 0]
    class_emb = jnp.take(class_embedding, labels, axis=0)
    return time_emb + class_emb

if __name__ == "__main__":
    import jax
    _d = setup_inputs()
    print(jax.jit(kernel)(*tuple(_d.values())))

</pallas_src>

<mosaic_0001>
#map = affine_map<(d0, d1) -> (0)>
#map1 = affine_map<(d0, d1) -> (0, 0)>
module attributes {stable_mosaic.version = 14 : i64} {
  func.func @_sc_gather(%arg0: i32, %arg1: i32, %arg2: memref<16384xi32, #tpu.memory_space<hbm>>, %arg3: memref<16384xi32, #tpu.memory_space<hbm>>, %arg4: memref<32x1024xi32, #tpu.memory_space<hbm>>, %arg5: memref<64x1000000xf32, #tpu.memory_space<hbm>>, %arg6: memref<64x16384xf32, #tpu.memory_space<hbm>>, %arg7: memref<520xi32, #tpu.memory_space<vmem>>, %arg8: memref<520xi32, #tpu.memory_space<vmem>>, %arg9: memref<32x1024xi32, #tpu.memory_space<vmem>>, %arg10: memref<64x128xf32, #tpu.memory_space<vmem>>, %arg11: memref<64x128xf32, #tpu.memory_space<vmem>>, %arg12: memref<64x128xf32, #tpu.memory_space<vmem>>, %arg13: memref<64x128xf32, #tpu.memory_space<vmem>>, %arg14: memref<64x128xf32, #tpu.memory_space<vmem>>, %arg15: memref<64x128xf32, #tpu.memory_space<vmem>>, %arg16: memref<64x128xf32, #tpu.memory_space<vmem>>, %arg17: memref<64x128xf32, #tpu.memory_space<vmem>>, %arg18: memref<64x128xf32, #tpu.memory_space<vmem>>, %arg19: memref<64x128xf32, #tpu.memory_space<vmem>>, %arg20: memref<!tpu.dma_semaphore, #tpu.memory_space<semaphore_mem>>, %arg21: memref<!tpu.dma_semaphore, #tpu.memory_space<semaphore_mem>>, %arg22: memref<!tpu.dma_semaphore, #tpu.memory_space<semaphore_mem>>, %arg23: memref<!tpu.dma_semaphore, #tpu.memory_space<semaphore_mem>>, %arg24: memref<!tpu.dma_semaphore, #tpu.memory_space<semaphore_mem>>, %arg25: memref<!tpu.dma_semaphore, #tpu.memory_space<semaphore_mem>>, %arg26: memref<!tpu.dma_semaphore, #tpu.memory_space<semaphore_mem>>, %arg27: memref<!tpu.dma_semaphore, #tpu.memory_space<semaphore_mem>>, %arg28: memref<!tpu.dma_semaphore, #tpu.memory_space<semaphore_mem>>, %arg29: memref<!tpu.dma_semaphore, #tpu.memory_space<semaphore_mem>>) attributes {dimension_semantics = [#tpu.dimension_semantics<core_parallel>, #tpu.dimension_semantics<subcore_parallel>], iteration_bounds = array<i64: 2, 16>, scalar_prefetch = 0 : i64, scratch_operands = 23 : i64, tpu.core_type = #tpu.core_type<sc_vector_subcore>, window_params = [{transform_indices = #map}, {transform_indices = #map}, {transform_indices = #map1}, {transform_indices = #map1}, {transform_indices = #map1}]} {
    %mul3A = arith.constant 2 : i32
    %mul3A_0 = arith.muli %arg1, %mul3A : i32
    %add3A = arith.addi %mul3A_0, %arg0 : i32
    %mul3A_1 = arith.constant 512 : i32
    %mul3A_2 = arith.muli %add3A, %mul3A_1 : i32
    "tpu.region"() ({
      %run_scoped3A = tpu.sem_alloc : memref<!tpu.dma_semaphore, #tpu.memory_space<semaphore_mem>>
      %dma_start3A_469 = arith.constant 0 : i32
      %dma_start3A_470 = tpu.memref_slice %arg7[%dma_start3A_469] : memref<520xi32, #tpu.memory_space<vmem>> -> memref<512xi32, #tpu.memory_space<vmem>>
      %dma_start3A_471 = tpu.memref_slice %arg2[%mul3A_2] : memref<16384xi32, #tpu.memory_space<hbm>> -> memref<512xi32, #tpu.memory_space<hbm>>
      %dma_start3A_472 = arith.constant 0 : i32
      %dma_start3A_473 = tpu.memref_slice %arg7[%dma_start3A_472] : memref<520xi32, #tpu.memory_space<vmem>> -> memref<512xi32, #tpu.memory_space<vmem>>
      %dma_start3A_474 = tpu.memref_slice %arg2[%mul3A_2] : memref<16384xi32, #tpu.memory_space<hbm>> -> memref<512xi32, #tpu.memory_space<hbm>>
      tpu.enqueue_dma source(%dma_start3A_474 : memref<512xi32, #tpu.memory_space<hbm>>) target(%dma_start3A_473 : memref<512xi32, #tpu.memory_space<vmem>>) target_semaphore(%run_scoped3A : memref<!tpu.dma_semaphore, #tpu.memory_space<semaphore_mem>>)
      %dma_wait3A_475 = arith.constant 0 : i32
      %dma_wait3A_476 = tpu.memref_slice %arg7[%dma_wait3A_475] : memref<520xi32, #tpu.memory_space<vmem>> -> memref<512xi32, #tpu.memory_space<vmem>>
      %dma_wait3A_477 = tpu.memref_slice %arg2[%mul3A_2] : memref<16384xi32, #tpu.memory_space<hbm>> -> memref<512xi32, #tpu.memory_space<hbm>>
      %dma_wait3A_478 = arith.constant 0 : i32
      %dma_wait3A_479 = tpu.memref_slice %arg7[%dma_wait3A_478] : memref<520xi32, #tpu.memory_space<vmem>> -> memref<512xi32, #tpu.memory_space<vmem>>
      %dma_wait3A_480 = tpu.memref_slice %arg2[%mul3A_2] : memref<16384xi32, #tpu.memory_space<hbm>> -> memref<512xi32, #tpu.memory_space<hbm>>
      tpu.wait_dma2 semaphore(%run_scoped3A : memref<!tpu.dma_semaphore, #tpu.memory_space<semaphore_mem>>) src(%dma_wait3A_480 : memref<512xi32, #tpu.memory_space<hbm>>) dst(%dma_wait3A_479 : memref<512xi32, #tpu.memory_space<vmem>>)
      tpu.yield
    }) : () -> ()
    "tpu.region"() ({
      %run_scoped3A = tpu.sem_alloc : memref<!tpu.dma_semaphore, #tpu.memory_space<semaphore_mem>>
      %dma_start3A_469 = arith.constant 0 : i32
      %dma_start3A_470 = tpu.memref_slice %arg8[%dma_start3A_469] : memref<520xi32, #tpu.memory_space<vmem>> -> memref<512xi32, #tpu.memory_space<vmem>>
      %dma_start3A_471 = tpu.memref_slice %arg3[%mul3A_2] : memref<16384xi32, #tpu.memory_space<hbm>> -> memref<512xi32, #tpu.memory_space<hbm>>
      %dma_start3A_472 = arith.constant 0 : i32
      %dma_start3A_473 = tpu.memref_slice %arg8[%dma_start3A_472] : memref<520xi32, #tpu.memory_space<vmem>> -> memref<512xi32, #tpu.memory_space<vmem>>
      %dma_start3A_474 = tpu.memref_slice %arg3[%mul3A_2] : memref<16384xi32, #tpu.memory_space<hbm>> -> memref<512xi32, #tpu.memory_space<hbm>>
      tpu.enqueue_dma source(%dma_start3A_474 : memref<512xi32, #tpu.memory_space<hbm>>) target(%dma_start3A_473 : memref<512xi32, #tpu.memory_space<vmem>>) target_semaphore(%run_scoped3A : memref<!tpu.dma_semaphore, #tpu.memory_space<semaphore_mem>>)
      %dma_wait3A_475 = arith.constant 0 : i32
      %dma_wait3A_476 = tpu.memref_slice %arg8[%dma_wait3A_475] : memref<520xi32, #tpu.memory_space<vmem>> -> memref<512xi32, #tpu.memory_space<vmem>>
      %dma_wait3A_477 = tpu.memref_slice %arg3[%mul3A_2] : memref<16384xi32, #tpu.memory_space<hbm>> -> memref<512xi32, #tpu.memory_space<hbm>>
      %dma_wait3A_478 = arith.constant 0 : i32
      %dma_wait3A_479 = tpu.memref_slice %arg8[%dma_wait3A_478] : memref<520xi32, #tpu.memory_space<vmem>> -> memref<512xi32, #tpu.memory_space<vmem>>
      %dma_wait3A_480 = tpu.memref_slice %arg3[%mul3A_2] : memref<16384xi32, #tpu.memory_space<hbm>> -> memref<512xi32, #tpu.memory_space<hbm>>
      tpu.wait_dma2 semaphore(%run_scoped3A : memref<!tpu.dma_semaphore, #tpu.memory_space<semaphore_mem>>) src(%dma_wait3A_480 : memref<512xi32, #tpu.memory_space<hbm>>) dst(%dma_wait3A_479 : memref<512xi32, #tpu.memory_space<vmem>>)
      tpu.yield
    }) : () -> ()
    "tpu.region"() ({
      %run_scoped3A = tpu.sem_alloc : memref<!tpu.dma_semaphore, #tpu.memory_space<semaphore_mem>>
      tpu.enqueue_dma source(%arg4 : memref<32x1024xi32, #tpu.memory_space<hbm>>) target(%arg9 : memref<32x1024xi32, #tpu.memory_space<vmem>>) target_semaphore(%run_scoped3A : memref<!tpu.dma_semaphore, #tpu.memory_space<semaphore_mem>>)
      tpu.wait_dma2 semaphore(%run_scoped3A : memref<!tpu.dma_semaphore, #tpu.memory_space<semaphore_mem>>) src(%arg4 : memref<32x1024xi32, #tpu.memory_space<hbm>>) dst(%arg9 : memref<32x1024xi32, #tpu.memory_space<vmem>>)
      tpu.yield
    }) : () -> ()
    %iota3A = tpu.iota {dimensions = array<i32: 0>} : vector<16xi32>
    %add3A_3 = arith.constant 0 : i32
    %add3A_4 = vector.broadcast %add3A_3 : i32 to vector<16xi32>
    %add3A_5 = arith.addi %iota3A, %add3A_4 : vector<16xi32>
    %iota3A_6 = tpu.iota {dimensions = array<i32: 0>} : vector<16xi32>
    %add3A_7 = arith.constant 16 : i32
    %add3A_8 = vector.broadcast %add3A_7 : i32 to vector<16xi32>
    %add3A_9 = arith.addi %iota3A_6, %add3A_8 : vector<16xi32>
    %iota3A_10 = tpu.iota {dimensions = array<i32: 0>} : vector<16xi32>
    %add3A_11 = arith.constant 32 : i32
    %add3A_12 = vector.broadcast %add3A_11 : i32 to vector<16xi32>
    %add3A_13 = arith.addi %iota3A_10, %add3A_12 : vector<16xi32>
    %iota3A_14 = tpu.iota {dimensions = array<i32: 0>} : vector<16xi32>
    %add3A_15 = arith.constant 48 : i32
    %add3A_16 = vector.broadcast %add3A_15 : i32 to vector<16xi32>
    %add3A_17 = arith.addi %iota3A_14, %add3A_16 : vector<16xi32>
    %shift_right_logical3A = arith.constant 1 : i32
    %shift_right_logical3A_18 = vector.broadcast %shift_right_logical3A : i32 to vector<16xi32>
    %shift_right_logical3A_19 = arith.shrui %add3A_5, %shift_right_logical3A_18 : vector<16xi32>
    %shift_right_logical3A_20 = arith.constant 1 : i32
    %shift_right_logical3A_21 = vector.broadcast %shift_right_logical3A_20 : i32 to vector<16xi32>
    %shift_right_logical3A_22 = arith.shrui %add3A_9, %shift_right_logical3A_21 : vector<16xi32>
    %shift_right_logical3A_23 = arith.constant 1 : i32
    %shift_right_logical3A_24 = vector.broadcast %shift_right_logical3A_23 : i32 to vector<16xi32>
    %shift_right_logical3A_25 = arith.shrui %add3A_13, %shift_right_logical3A_24 : vector<16xi32>
    %shift_right_logical3A_26 = arith.constant 1 : i32
    %shift_right_logical3A_27 = vector.broadcast %shift_right_logical3A_26 : i32 to vector<16xi32>
    %shift_right_logical3A_28 = arith.shrui %add3A_17, %shift_right_logical3A_27 : vector<16xi32>
    %and3A = arith.constant 1 : i32
    %and3A_29 = vector.broadcast %and3A : i32 to vector<16xi32>
    %and3A_30 = arith.andi %add3A_5, %and3A_29 : vector<16xi32>
    %eq3A = arith.constant 1 : i32
    %eq3A_31 = vector.broadcast %eq3A : i32 to vector<16xi32>
    %eq3A_32 = arith.cmpi eq, %and3A_30, %eq3A_31 : vector<16xi32>
    %and3A_33 = arith.constant 1 : i32
    %and3A_34 = vector.broadcast %and3A_33 : i32 to vector<16xi32>
    %and3A_35 = arith.andi %add3A_9, %and3A_34 : vector<16xi32>
    %eq3A_36 = arith.constant 1 : i32
    %eq3A_37 = vector.broadcast %eq3A_36 : i32 to vector<16xi32>
    %eq3A_38 = arith.cmpi eq, %and3A_35, %eq3A_37 : vector<16xi32>
    %and3A_39 = arith.constant 1 : i32
    %and3A_40 = vector.broadcast %and3A_39 : i32 to vector<16xi32>
    %and3A_41 = arith.andi %add3A_13, %and3A_40 : vector<16xi32>
    %eq3A_42 = arith.constant 1 : i32
    %eq3A_43 = vector.broadcast %eq3A_42 : i32 to vector<16xi32>
    %eq3A_44 = arith.cmpi eq, %and3A_41, %eq3A_43 : vector<16xi32>
    %and3A_45 = arith.constant 1 : i32
    %and3A_46 = vector.broadcast %and3A_45 : i32 to vector<16xi32>
    %and3A_47 = arith.andi %add3A_17, %and3A_46 : vector<16xi32>
    %eq3A_48 = arith.constant 1 : i32
    %eq3A_49 = vector.broadcast %eq3A_48 : i32 to vector<16xi32>
    %eq3A_50 = arith.cmpi eq, %and3A_47, %eq3A_49 : vector<16xi32>
    %broadcast_in_dim3A = arith.constant -65536 : i32
    %broadcast_in_dim3A_51 = vector.broadcast %broadcast_in_dim3A : i32 to vector<16xi32>
    %get3A = arith.constant 0 : index
    %get3A_52 = tpu.vector_load %arg7[%get3A] {strides = array<i32>} : memref<520xi32, #tpu.memory_space<vmem>>, vector<16xi32>,
    %slice3A = vector.extract_strided_slice %get3A_52 {offsets = [0], sizes = [1], strides = [1]} : vector<16xi32> to vector<1xi32>
    %squeeze3A = vector.extract %slice3A[0] : i32 from vector<1xi32>
    %shift_right_logical3A_53 = arith.constant 7 : i32
    %shift_right_logical3A_54 = arith.shrui %squeeze3A, %shift_right_logical3A_53 : i32
    %mul3A_55 = arith.constant 128 : i32
    %mul3A_56 = arith.muli %shift_right_logical3A_54, %mul3A_55 : i32
    %multiple_of3A = tpu.assume_multiple %mul3A_56, 128 : i32
    %dma_start3A = arith.constant 0 : i32
    %dma_start3A_57 = tpu.memref_slice %arg5[%dma_start3A, %multiple_of3A] : memref<64x1000000xf32, #tpu.memory_space<hbm>> -> memref<64x128xf32, #tpu.memory_space<hbm>>
    %dma_start3A_58 = arith.constant 0 : i32
    %dma_start3A_59 = tpu.memref_slice %arg5[%dma_start3A_58, %multiple_of3A] : memref<64x1000000xf32, #tpu.memory_space<hbm>> -> memref<64x128xf32, #tpu.memory_space<hbm>>
    tpu.enqueue_dma source(%dma_start3A_59 : memref<64x128xf32, #tpu.memory_space<hbm>>) target(%arg12 : memref<64x128xf32, #tpu.memory_space<vmem>>) target_semaphore(%arg20 : memref<!tpu.dma_semaphore, #tpu.memory_space<semaphore_mem>>)
    %slice3A_60 = vector.extract_strided_slice %get3A_52 {offsets = [1], sizes = [1], strides = [1]} : vector<16xi32> to vector<1xi32>
    %squeeze3A_61 = vector.extract %slice3A_60[0] : i32 from vector<1xi32>
    %shift_right_logical3A_62 = arith.constant 7 : i32
    %shift_right_logical3A_63 = arith.shrui %squeeze3A_61, %shift_right_logical3A_62 : i32
    %mul3A_64 = arith.constant 128 : i32
    %mul3A_65 = arith.muli %shift_right_logical3A_63, %mul3A_64 : i32
    %multiple_of3A_66 = tpu.assume_multiple %mul3A_65, 128 : i32
    %dma_start3A_67 = arith.constant 0 : i32
    %dma_start3A_68 = tpu.memref_slice %arg5[%dma_start3A_67, %multiple_of3A_66] : memref<64x1000000xf32, #tpu.memory_space<hbm>> -> memref<64x128xf32, #tpu.memory_space<hbm>>
    %dma_start3A_69 = arith.constant 0 : i32
    %dma_start3A_70 = tpu.memref_slice %arg5[%dma_start3A_69, %multiple_of3A_66] : memref<64x1000000xf32, #tpu.memory_space<hbm>> -> memref<64x128xf32, #tpu.memory_space<hbm>>
    tpu.enqueue_dma source(%dma_start3A_70 : memref<64x128xf32, #tpu.memory_space<hbm>>) target(%arg13 : memref<64x128xf32, #tpu.memory_space<vmem>>) target_semaphore(%arg21 : memref<!tpu.dma_semaphore, #tpu.memory_space<semaphore_mem>>)
    %slice3A_71 = vector.extract_strided_slice %get3A_52 {offsets = [2], sizes = [1], strides = [1]} : vector<16xi32> to vector<1xi32>
    %squeeze3A_72 = vector.extract %slice3A_71[0] : i32 from vector<1xi32>
    %shift_right_logical3A_73 = arith.constant 7 : i32
    %shift_right_logical3A_74 = arith.shrui %squeeze3A_72, %shift_right_logical3A_73 : i32
    %mul3A_75 = arith.constant 128 : i32
    %mul3A_76 = arith.muli %shift_right_logical3A_74, %mul3A_75 : i32
    %multiple_of3A_77 = tpu.assume_multiple %mul3A_76, 128 : i32
    %dma_start3A_78 = arith.constant 0 : i32
    %dma_start3A_79 = tpu.memref_slice %arg5[%dma_start3A_78, %multiple_of3A_77] : memref<64x1000000xf32, #tpu.memory_space<hbm>> -> memref<64x128xf32, #tpu.memory_space<hbm>>
    %dma_start3A_80 = arith.constant 0 : i32
    %dma_start3A_81 = tpu.memref_slice %arg5[%dma_start3A_80, %multiple_of3A_77] : memref<64x1000000xf32, #tpu.memory_space<hbm>> -> memref<64x128xf32, #tpu.memory_space<hbm>>
    tpu.enqueue_dma source(%dma_start3A_81 : memref<64x128xf32, #tpu.memory_space<hbm>>) target(%arg14 : memref<64x128xf32, #tpu.memory_space<vmem>>) target_semaphore(%arg22 : memref<!tpu.dma_semaphore, #tpu.memory_space<semaphore_mem>>)
    %slice3A_82 = vector.extract_strided_slice %get3A_52 {offsets = [3], sizes = [1], strides = [1]} : vector<16xi32> to vector<1xi32>
    %squeeze3A_83 = vector.extract %slice3A_82[0] : i32 from vector<1xi32>
    %shift_right_logical3A_84 = arith.constant 7 : i32
    %shift_right_logical3A_85 = arith.shrui %squeeze3A_83, %shift_right_logical3A_84 : i32
    %mul3A_86 = arith.constant 128 : i32
    %mul3A_87 = arith.muli %shift_right_logical3A_85, %mul3A_86 : i32
    %multiple_of3A_88 = tpu.assume_multiple %mul3A_87, 128 : i32
    %dma_start3A_89 = arith.constant 0 : i32
    %dma_start3A_90 = tpu.memref_slice %arg5[%dma_start3A_89, %multiple_of3A_88] : memref<64x1000000xf32, #tpu.memory_space<hbm>> -> memref<64x128xf32, #tpu.memory_space<hbm>>
    %dma_start3A_91 = arith.constant 0 : i32
    %dma_start3A_92 = tpu.memref_slice %arg5[%dma_start3A_91, %multiple_of3A_88] : memref<64x1000000xf32, #tpu.memory_space<hbm>> -> memref<64x128xf32, #tpu.memory_space<hbm>>
    tpu.enqueue_dma source(%dma_start3A_92 : memref<64x128xf32, #tpu.memory_space<hbm>>) target(%arg15 : memref<64x128xf32, #tpu.memory_space<vmem>>) target_semaphore(%arg23 : memref<!tpu.dma_semaphore, #tpu.memory_space<semaphore_mem>>)
    %slice3A_93 = vector.extract_strided_slice %get3A_52 {offsets = [4], sizes = [1], strides = [1]} : vector<16xi32> to vector<1xi32>
    %squeeze3A_94 = vector.extract %slice3A_93[0] : i32 from vector<1xi32>
    %shift_right_logical3A_95 = arith.constant 7 : i32
    %shift_right_logical3A_96 = arith.shrui %squeeze3A_94, %shift_right_logical3A_95 : i32
    %mul3A_97 = arith.constant 128 : i32
    %mul3A_98 = arith.muli %shift_right_logical3A_96, %mul3A_97 : i32
    %multiple_of3A_99 = tpu.assume_multiple %mul3A_98, 128 : i32
    %dma_start3A_100 = arith.constant 0 : i32
    %dma_start3A_101 = tpu.memref_slice %arg5[%dma_start3A_100, %multiple_of3A_99] : memref<64x1000000xf32, #tpu.memory_space<hbm>> -> memref<64x128xf32, #tpu.memory_space<hbm>>
    %dma_start3A_102 = arith.constant 0 : i32
    %dma_start3A_103 = tpu.memref_slice %arg5[%dma_start3A_102, %multiple_of3A_99] : memref<64x1000000xf32, #tpu.memory_space<hbm>> -> memref<64x128xf32, #tpu.memory_space<hbm>>
    tpu.enqueue_dma source(%dma_start3A_103 : memref<64x128xf32, #tpu.memory_space<hbm>>) target(%arg16 : memref<64x128xf32, #tpu.memory_space<vmem>>) target_semaphore(%arg24 : memref<!tpu.dma_semaphore, #tpu.memory_space<semaphore_mem>>)
    %slice3A_104 = vector.extract_strided_slice %get3A_52 {offsets = [5], sizes = [1], strides = [1]} : vector<16xi32> to vector<1xi32>
    %squeeze3A_105 = vector.extract %slice3A_104[0] : i32 from vector<1xi32>
    %shift_right_logical3A_106 = arith.constant 7 : i32
    %shift_right_logical3A_107 = arith.shrui %squeeze3A_105, %shift_right_logical3A_106 : i32
    %mul3A_108 = arith.constant 128 : i32
    %mul3A_109 = arith.muli %shift_right_logical3A_107, %mul3A_108 : i32
    %multiple_of3A_110 = tpu.assume_multiple %mul3A_109, 128 : i32
    %dma_start3A_111 = arith.constant 0 : i32
    %dma_start3A_112 = tpu.memref_slice %arg5[%dma_start3A_111, %multiple_of3A_110] : memref<64x1000000xf32, #tpu.memory_space<hbm>> -> memref<64x128xf32, #tpu.memory_space<hbm>>
    %dma_start3A_113 = arith.constant 0 : i32
    %dma_start3A_114 = tpu.memref_slice %arg5[%dma_start3A_113, %multiple_of3A_110] : memref<64x1000000xf32, #tpu.memory_space<hbm>> -> memref<64x128xf32, #tpu.memory_space<hbm>>
    tpu.enqueue_dma source(%dma_start3A_114 : memref<64x128xf32, #tpu.memory_space<hbm>>) target(%arg17 : memref<64x128xf32, #tpu.memory_space<vmem>>) target_semaphore(%arg25 : memref<!tpu.dma_semaphore, #tpu.memory_space<semaphore_mem>>)
    %slice3A_115 = vector.extract_strided_slice %get3A_52 {offsets = [6], sizes = [1], strides = [1]} : vector<16xi32> to vector<1xi32>
    %squeeze3A_116 = vector.extract %slice3A_115[0] : i32 from vector<1xi32>
    %shift_right_logical3A_117 = arith.constant 7 : i32
    %shift_right_logical3A_118 = arith.shrui %squeeze3A_116, %shift_right_logical3A_117 : i32
    %mul3A_119 = arith.constant 128 : i32
    %mul3A_120 = arith.muli %shift_right_logical3A_118, %mul3A_119 : i32
    %multiple_of3A_121 = tpu.assume_multiple %mul3A_120, 128 : i32
    %dma_start3A_122 = arith.constant 0 : i32
    %dma_start3A_123 = tpu.memref_slice %arg5[%dma_start3A_122, %multiple_of3A_121] : memref<64x1000000xf32, #tpu.memory_space<hbm>> -> memref<64x128xf32, #tpu.memory_space<hbm>>
    %dma_start3A_124 = arith.constant 0 : i32
    %dma_start3A_125 = tpu.memref_slice %arg5[%dma_start3A_124, %multiple_of3A_121] : memref<64x1000000xf32, #tpu.memory_space<hbm>> -> memref<64x128xf32, #tpu.memory_space<hbm>>
    tpu.enqueue_dma source(%dma_start3A_125 : memref<64x128xf32, #tpu.memory_space<hbm>>) target(%arg18 : memref<64x128xf32, #tpu.memory_space<vmem>>) target_semaphore(%arg26 : memref<!tpu.dma_semaphore, #tpu.memory_space<semaphore_mem>>)
    %slice3A_126 = vector.extract_strided_slice %get3A_52 {offsets = [7], sizes = [1], strides = [1]} : vector<16xi32> to vector<1xi32>
    %squeeze3A_127 = vector.extract %slice3A_126[0] : i32 from vector<1xi32>
    %shift_right_logical3A_128 = arith.constant 7 : i32
    %shift_right_logical3A_129 = arith.shrui %squeeze3A_127, %shift_right_logical3A_128 : i32
    %mul3A_130 = arith.constant 128 : i32
    %mul3A_131 = arith.muli %shift_right_logical3A_129, %mul3A_130 : i32
    %multiple_of3A_132 = tpu.assume_multiple %mul3A_131, 128 : i32
    %dma_start3A_133 = arith.constant 0 : i32
    %dma_start3A_134 = tpu.memref_slice %arg5[%dma_start3A_133, %multiple_of3A_132] : memref<64x1000000xf32, #tpu.memory_space<hbm>> -> memref<64x128xf32, #tpu.memory_space<hbm>>
    %dma_start3A_135 = arith.constant 0 : i32
    %dma_start3A_136 = tpu.memref_slice %arg5[%dma_start3A_135, %multiple_of3A_132] : memref<64x1000000xf32, #tpu.memory_space<hbm>> -> memref<64x128xf32, #tpu.memory_space<hbm>>
    tpu.enqueue_dma source(%dma_start3A_136 : memref<64x128xf32, #tpu.memory_space<hbm>>) target(%arg19 : memref<64x128xf32, #tpu.memory_space<vmem>>) target_semaphore(%arg27 : memref<!tpu.dma_semaphore, #tpu.memory_space<semaphore_mem>>)
    %scan3A = arith.constant 0 : i32
    %scan3A_137 = arith.constant 0 : i32
    %scan3A_138 = arith.constant 16 : i32
    %scan3A_139 = arith.addi %scan3A_137, %scan3A_138 : i32
    %scan3A_140 = arith.constant 1 : i32
    scf.for %scan3A_469 = %scan3A_137 to %scan3A_139 step %scan3A_140  : i32 {
      %mul3A_470 = arith.constant 8 : i32
      %mul3A_471 = arith.muli %scan3A_469, %mul3A_470 : i32
      %add3A_472 = arith.constant 0 : i32
      %add3A_473 = arith.addi %add3A_472, %mul3A_471 : i32
      %get3A_474 = arith.index_cast %add3A_473 : i32 to index
      %get3A_475 = tpu.vector_load %arg7[%get3A_474] {strides = array<i32>} : memref<520xi32, #tpu.memory_space<vmem>>, vector<16xi32>,
      %mul3A_476 = arith.constant 8 : i32
      %mul3A_477 = arith.muli %scan3A_469, %mul3A_476 : i32
      %add3A_478 = arith.constant 0 : i32
      %add3A_479 = arith.addi %add3A_478, %mul3A_477 : i32
      %get3A_480 = arith.index_cast %add3A_479 : i32 to index
      %get3A_481 = tpu.vector_load %arg8[%get3A_480] {strides = array<i32>} : memref<520xi32, #tpu.memory_space<vmem>>, vector<16xi32>,
      %dma_wait3A_482 = arith.constant 0 : i32
      %dma_wait3A_483 = arith.constant 0 : i32
      %dma_wait3A_484 = tpu.memref_slice %arg5[%dma_wait3A_482, %dma_wait3A_483] : memref<64x1000000xf32, #tpu.memory_space<hbm>> -> memref<64x128xf32, #tpu.memory_space<hbm>>
      %dma_wait3A_485 = arith.constant 0 : i32
      %dma_wait3A_486 = arith.constant 0 : i32
      %dma_wait3A_487 = tpu.memref_slice %arg5[%dma_wait3A_485, %dma_wait3A_486] : memref<64x1000000xf32, #tpu.memory_space<hbm>> -> memref<64x128xf32, #tpu.memory_space<hbm>>
      tpu.wait_dma2 semaphore(%arg20 : memref<!tpu.dma_semaphore, #tpu.memory_space<semaphore_mem>>) src(%dma_wait3A_487 : memref<64x128xf32, #tpu.memory_space<hbm>>) dst(%arg12 : memref<64x128xf32, #tpu.memory_space<vmem>>)
      %slice3A_488 = vector.extract_strided_slice %get3A_475 {offsets = [0], sizes = [1], strides = [1]} : vector<16xi32> to vector<1xi32>
      %squeeze3A_489 = vector.extract %slice3A_488[0] : i32 from vector<1xi32>
      %slice3A_490 = vector.extract_strided_slice %get3A_481 {offsets = [0], sizes = [1], strides = [1]} : vector<16xi32> to vector<1xi32>
      %squeeze3A_491 = vector.extract %slice3A_490[0] : i32 from vector<1xi32>
      %mul3A_492 = arith.constant 8 : i32
      %mul3A_493 = arith.muli %scan3A_469, %mul3A_492 : i32
      %add3A_494 = arith.constant 0 : i32
      %add3A_495 = arith.addi %mul3A_493, %add3A_494 : i32
      %and3A_496 = arith.constant 127 : i32
      %and3A_497 = arith.andi %squeeze3A_489, %and3A_496 : i32
      %broadcast_in_dim3A_498 = vector.broadcast %and3A_497 : i32 to vector<16xi32>
      %broadcast_in_dim3A_499 = vector.broadcast %squeeze3A_491 : i32 to vector<16xi32>
      %broadcast_in_dim3A_500 = vector.broadcast %add3A_495 : i32 to vector<16xi32>
      %gather3A = tpu.vector_load_idx %arg12[%add3A_5, %broadcast_in_dim3A_498] : memref<64x128xf32, #tpu.memory_space<vmem>>[vector<16xi32>, vector<16xi32>], vector<16xf32>,
      %gather3A_501 = tpu.vector_load_idx %arg9[%shift_right_logical3A_19, %broadcast_in_dim3A_499] : memref<32x1024xi32, #tpu.memory_space<vmem>>[vector<16xi32>, vector<16xi32>], vector<16xi32>,
      %shift_left3A = arith.constant 16 : i32
      %shift_left3A_502 = vector.broadcast %shift_left3A : i32 to vector<16xi32>
      %shift_left3A_503 = arith.shli %gather3A_501, %shift_left3A_502 : vector<16xi32>
      %bitcast3A = vector.bitcast %shift_left3A_503 : vector<16xi32> to vector<16xf32>
      %and3A_504 = arith.andi %gather3A_501, %broadcast_in_dim3A_51 : vector<16xi32>
      %bitcast3A_505 = vector.bitcast %and3A_504 : vector<16xi32> to vector<16xf32>
      %select_n3A = arith.select %eq3A_32, %bitcast3A_505, %bitcast3A : vector<16xi1>, vector<16xf32>
      %add3A_506 = arith.addf %gather3A, %select_n3A : vector<16xf32>
      tpu.vector_store_idx %arg10[%add3A_5, %broadcast_in_dim3A_500], %add3A_506 : memref<64x128xf32, #tpu.memory_space<vmem>>[vector<16xi32>, vector<16xi32>], vector<16xf32>,
      %gather3A_507 = tpu.vector_load_idx %arg12[%add3A_9, %broadcast_in_dim3A_498] : memref<64x128xf32, #tpu.memory_space<vmem>>[vector<16xi32>, vector<16xi32>], vector<16xf32>,
      %gather3A_508 = tpu.vector_load_idx %arg9[%shift_right_logical3A_22, %broadcast_in_dim3A_499] : memref<32x1024xi32, #tpu.memory_space<vmem>>[vector<16xi32>, vector<16xi32>], vector<16xi32>,
      %shift_left3A_509 = arith.constant 16 : i32
      %shift_left3A_510 = vector.broadcast %shift_left3A_509 : i32 to vector<16xi32>
      %shift_left3A_511 = arith.shli %gather3A_508, %shift_left3A_510 : vector<16xi32>
      %bitcast3A_512 = vector.bitcast %shift_left3A_511 : vector<16xi32> to vector<16xf32>
      %and3A_513 = arith.andi %gather3A_508, %broadcast_in_dim3A_51 : vector<16xi32>
      %bitcast3A_514 = vector.bitcast %and3A_513 : vector<16xi32> to vector<16xf32>
      %select_n3A_515 = arith.select %eq3A_38, %bitcast3A_514, %bitcast3A_512 : vector<16xi1>, vector<16xf32>
      %add3A_516 = arith.addf %gather3A_507, %select_n3A_515 : vector<16xf32>
      tpu.vector_store_idx %arg10[%add3A_9, %broadcast_in_dim3A_500], %add3A_516 : memref<64x128xf32, #tpu.memory_space<vmem>>[vector<16xi32>, vector<16xi32>], vector<16xf32>,
      %gather3A_517 = tpu.vector_load_idx %arg12[%add3A_13, %broadcast_in_dim3A_498] : memref<64x128xf32, #tpu.memory_space<vmem>>[vector<16xi32>, vector<16xi32>], vector<16xf32>,
      %gather3A_518 = tpu.vector_load_idx %arg9[%shift_right_logical3A_25, %broadcast_in_dim3A_499] : memref<32x1024xi32, #tpu.memory_space<vmem>>[vector<16xi32>, vector<16xi32>], vector<16xi32>,
      %shift_left3A_519 = arith.constant 16 : i32
      %shift_left3A_520 = vector.broadcast %shift_left3A_519 : i32 to vector<16xi32>
      %shift_left3A_521 = arith.shli %gather3A_518, %shift_left3A_520 : vector<16xi32>
      %bitcast3A_522 = vector.bitcast %shift_left3A_521 : vector<16xi32> to vector<16xf32>
      %and3A_523 = arith.andi %gather3A_518, %broadcast_in_dim3A_51 : vector<16xi32>
      %bitcast3A_524 = vector.bitcast %and3A_523 : vector<16xi32> to vector<16xf32>
      %select_n3A_525 = arith.select %eq3A_44, %bitcast3A_524, %bitcast3A_522 : vector<16xi1>, vector<16xf32>
      %add3A_526 = arith.addf %gather3A_517, %select_n3A_525 : vector<16xf32>
      tpu.vector_store_idx %arg10[%add3A_13, %broadcast_in_dim3A_500], %add3A_526 : memref<64x128xf32, #tpu.memory_space<vmem>>[vector<16xi32>, vector<16xi32>], vector<16xf32>,
      %gather3A_527 = tpu.vector_load_idx %arg12[%add3A_17, %broadcast_in_dim3A_498] : memref<64x128xf32, #tpu.memory_space<vmem>>[vector<16xi32>, vector<16xi32>], vector<16xf32>,
      %gather3A_528 = tpu.vector_load_idx %arg9[%shift_right_logical3A_28, %broadcast_in_dim3A_499] : memref<32x1024xi32, #tpu.memory_space<vmem>>[vector<16xi32>, vector<16xi32>], vector<16xi32>,
      %shift_left3A_529 = arith.constant 16 : i32
      %shift_left3A_530 = vector.broadcast %shift_left3A_529 : i32 to vector<16xi32>
      %shift_left3A_531 = arith.shli %gather3A_528, %shift_left3A_530 : vector<16xi32>
      %bitcast3A_532 = vector.bitcast %shift_left3A_531 : vector<16xi32> to vector<16xf32>
      %and3A_533 = arith.andi %gather3A_528, %broadcast_in_dim3A_51 : vector<16xi32>
      %bitcast3A_534 = vector.bitcast %and3A_533 : vector<16xi32> to vector<16xf32>
      %select_n3A_535 = arith.select %eq3A_50, %bitcast3A_534, %bitcast3A_532 : vector<16xi1>, vector<16xf32>
      %add3A_536 = arith.addf %gather3A_527, %select_n3A_535 : vector<16xf32>
      tpu.vector_store_idx %arg10[%add3A_17, %broadcast_in_dim3A_500], %add3A_536 : memref<64x128xf32, #tpu.memory_space<vmem>>[vector<16xi32>, vector<16xi32>], vector<16xf32>,
      %lt3A = arith.constant 15 : i32
      %lt3A_537 = arith.cmpi slt, %scan3A_469, %lt3A : i32
      %convert_element_type3A = arith.extui %lt3A_537 : i1 to i32
      %cond3A = arith.constant 0 : i32
      %cond3A_538 = arith.cmpi ne, %convert_element_type3A, %cond3A : i32
      scf.if %cond3A_538 {
        %slice3A_987 = vector.extract_strided_slice %get3A_475 {offsets = [8], sizes = [1], strides = [1]} : vector<16xi32> to vector<1xi32>
        %squeeze3A_988 = vector.extract %slice3A_987[0] : i32 from vector<1xi32>
        %shift_right_logical3A_989 = arith.constant 7 : i32
        %shift_right_logical3A_990 = arith.shrui %squeeze3A_988, %shift_right_logical3A_989 : i32
        %mul3A_991 = arith.constant 128 : i32
        %mul3A_992 = arith.muli %shift_right_logical3A_990, %mul3A_991 : i32
        %multiple_of3A_993 = tpu.assume_multiple %mul3A_992, 128 : i32
        %dma_start3A_994 = arith.constant 0 : i32
        %dma_start3A_995 = tpu.memref_slice %arg5[%dma_start3A_994, %multiple_of3A_993] : memref<64x1000000xf32, #tpu.memory_space<hbm>> -> memref<64x128xf32, #tpu.memory_space<hbm>>
        %dma_start3A_996 = arith.constant 0 : i32
        %dma_start3A_997 = tpu.memref_slice %arg5[%dma_start3A_996, %multiple_of3A_993] : memref<64x1000000xf32, #tpu.memory_space<hbm>> -> memref<64x128xf32, #tpu.memory_space<hbm>>
        tpu.enqueue_dma source(%dma_start3A_997 : memref<64x128xf32, #tpu.memory_space<hbm>>) target(%arg12 : memref<64x128xf32, #tpu.memory_space<vmem>>) target_semaphore(%arg20 : memref<!tpu.dma_semaphore, #tpu.memory_space<semaphore_mem>>)
      } else {
      }
      %dma_wait3A_539 = arith.constant 0 : i32
      %dma_wait3A_540 = arith.constant 0 : i32
      %dma_wait3A_541 = tpu.memref_slice %arg5[%dma_wait3A_539, %dma_wait3A_540] : memref<64x1000000xf32, #tpu.memory_space<hbm>> -> memref<64x128xf32, #tpu.memory_space<hbm>>
      %dma_wait3A_542 = arith.constant 0 : i32
      %dma_wait3A_543 = arith.constant 0 : i32
      %dma_wait3A_544 = tpu.memref_slice %arg5[%dma_wait3A_542, %dma_wait3A_543] : memref<64x1000000xf32, #tpu.memory_space<hbm>> -> memref<64x128xf32, #tpu.memory_space<hbm>>
      tpu.wait_dma2 semaphore(%arg21 : memref<!tpu.dma_semaphore, #tpu.memory_space<semaphore_mem>>) src(%dma_wait3A_544 : memref<64x128xf32, #tpu.memory_space<hbm>>) dst(%arg13 : memref<64x128xf32, #tpu.memory_space<vmem>>)
      %slice3A_545 = vector.extract_strided_slice %get3A_475 {offsets = [1], sizes = [1], strides = [1]} : vector<16xi32> to vector<1xi32>
      %squeeze3A_546 = vector.extract %slice3A_545[0] : i32 from vector<1xi32>
      %slice3A_547 = vector.extract_strided_slice %get3A_481 {offsets = [1], sizes = [1], strides = [1]} : vector<16xi32> to vector<1xi32>
      %squeeze3A_548 = vector.extract %slice3A_547[0] : i32 from vector<1xi32>
      %mul3A_549 = arith.constant 8 : i32
      %mul3A_550 = arith.muli %scan3A_469, %mul3A_549 : i32
      %add3A_551 = arith.constant 1 : i32
      %add3A_552 = arith.addi %mul3A_550, %add3A_551 : i32
      %and3A_553 = arith.constant 127 : i32
      %and3A_554 = arith.andi %squeeze3A_546, %and3A_553 : i32
      %broadcast_in_dim3A_555 = vector.broadcast %and3A_554 : i32 to vector<16xi32>
      %broadcast_in_dim3A_556 = vector.broadcast %squeeze3A_548 : i32 to vector<16xi32>
      %broadcast_in_dim3A_557 = vector.broadcast %add3A_552 : i32 to vector<16xi32>
      %gather3A_558 = tpu.vector_load_idx %arg13[%add3A_5, %broadcast_in_dim3A_555] : memref<64x128xf32, #tpu.memory_space<vmem>>[vector<16xi32>, vector<16xi32>], vector<16xf32>,
      %gather3A_559 = tpu.vector_load_idx %arg9[%shift_right_logical3A_19, %broadcast_in_dim3A_556] : memref<32x1024xi32, #tpu.memory_space<vmem>>[vector<16xi32>, vector<16xi32>], vector<16xi32>,
      %shift_left3A_560 = arith.constant 16 : i32
      %shift_left3A_561 = vector.broadcast %shift_left3A_560 : i32 to vector<16xi32>
      %shift_left3A_562 = arith.shli %gather3A_559, %shift_left3A_561 : vector<16xi32>
      %bitcast3A_563 = vector.bitcast %shift_left3A_562 : vector<16xi32> to vector<16xf32>
      %and3A_564 = arith.andi %gather3A_559, %broadcast_in_dim3A_51 : vector<16xi32>
      %bitcast3A_565 = vector.bitcast %and3A_564 : vector<16xi32> to vector<16xf32>
      %select_n3A_566 = arith.select %eq3A_32, %bitcast3A_565, %bitcast3A_563 : vector<16xi1>, vector<16xf32>
      %add3A_567 = arith.addf %gather3A_558, %select_n3A_566 : vector<16xf32>
      tpu.vector_store_idx %arg10[%add3A_5, %broadcast_in_dim3A_557], %add3A_567 : memref<64x128xf32, #tpu.memory_space<vmem>>[vector<16xi32>, vector<16xi32>], vector<16xf32>,
      %gather3A_568 = tpu.vector_load_idx %arg13[%add3A_9, %broadcast_in_dim3A_555] : memref<64x128xf32, #tpu.memory_space<vmem>>[vector<16xi32>, vector<16xi32>], vector<16xf32>,
      %gather3A_569 = tpu.vector_load_idx %arg9[%shift_right_logical3A_22, %broadcast_in_dim3A_556] : memref<32x1024xi32, #tpu.memory_space<vmem>>[vector<16xi32>, vector<16xi32>], vector<16xi32>,
      %shift_left3A_570 = arith.constant 16 : i32
      %shift_left3A_571 = vector.broadcast %shift_left3A_570 : i32 to vector<16xi32>
      %shift_left3A_572 = arith.shli %gather3A_569, %shift_left3A_571 : vector<16xi32>
      %bitcast3A_573 = vector.bitcast %shift_left3A_572 : vector<16xi32> to vector<16xf32>
      %and3A_574 = arith.andi %gather3A_569, %broadcast_in_dim3A_51 : vector<16xi32>
      %bitcast3A_575 = vector.bitcast %and3A_574 : vector<16xi32> to vector<16xf32>
      %select_n3A_576 = arith.select %eq3A_38, %bitcast3A_575, %bitcast3A_573 : vector<16xi1>, vector<16xf32>
      %add3A_577 = arith.addf %gather3A_568, %select_n3A_576 : vector<16xf32>
      tpu.vector_store_idx %arg10[%add3A_9, %broadcast_in_dim3A_557], %add3A_577 : memref<64x128xf32, #tpu.memory_space<vmem>>[vector<16xi32>, vector<16xi32>], vector<16xf32>,
      %gather3A_578 = tpu.vector_load_idx %arg13[%add3A_13, %broadcast_in_dim3A_555] : memref<64x128xf32, #tpu.memory_space<vmem>>[vector<16xi32>, vector<16xi32>], vector<16xf32>,
      %gather3A_579 = tpu.vector_load_idx %arg9[%shift_right_logical3A_25, %broadcast_in_dim3A_556] : memref<32x1024xi32, #tpu.memory_space<vmem>>[vector<16xi32>, vector<16xi32>], vector<16xi32>,
      %shift_left3A_580 = arith.constant 16 : i32
      %shift_left3A_581 = vector.broadcast %shift_left3A_580 : i32 to vector<16xi32>
      %shift_left3A_582 = arith.shli %gather3A_579, %shift_left3A_581 : vector<16xi32>
      %bitcast3A_583 = vector.bitcast %shift_left3A_582 : vector<16xi32> to vector<16xf32>
      %and3A_584 = arith.andi %gather3A_579, %broadcast_in_dim3A_51 : vector<16xi32>
      %bitcast3A_585 = vector.bitcast %and3A_584 : vector<16xi32> to vector<16xf32>
      %select_n3A_586 = arith.select %eq3A_44, %bitcast3A_585, %bitcast3A_583 : vector<16xi1>, vector<16xf32>
      %add3A_587 = arith.addf %gather3A_578, %select_n3A_586 : vector<16xf32>
      tpu.vector_store_idx %arg10[%add3A_13, %broadcast_in_dim3A_557], %add3A_587 : memref<64x128xf32, #tpu.memory_space<vmem>>[vector<16xi32>, vector<16xi32>], vector<16xf32>,
      %gather3A_588 = tpu.vector_load_idx %arg13[%add3A_17, %broadcast_in_dim3A_555] : memref<64x128xf32, #tpu.memory_space<vmem>>[vector<16xi32>, vector<16xi32>], vector<16xf32>,
      %gather3A_589 = tpu.vector_load_idx %arg9[%shift_right_logical3A_28, %broadcast_in_dim3A_556] : memref<32x1024xi32, #tpu.memory_space<vmem>>[vector<16xi32>, vector<16xi32>], vector<16xi32>,
      %shift_left3A_590 = arith.constant 16 : i32
      %shift_left3A_591 = vector.broadcast %shift_left3A_590 : i32 to vector<16xi32>
      %shift_left3A_592 = arith.shli %gather3A_589, %shift_left3A_591 : vector<16xi32>
      %bitcast3A_593 = vector.bitcast %shift_left3A_592 : vector<16xi32> to vector<16xf32>
      %and3A_594 = arith.andi %gather3A_589, %broadcast_in_dim3A_51 : vector<16xi32>
      %bitcast3A_595 = vector.bitcast %and3A_594 : vector<16xi32> to vector<16xf32>
      %select_n3A_596 = arith.select %eq3A_50, %bitcast3A_595, %bitcast3A_593 : vector<16xi1>, vector<16xf32>
      %add3A_597 = arith.addf %gather3A_588, %select_n3A_596 : vector<16xf32>
      tpu.vector_store_idx %arg10[%add3A_17, %broadcast_in_dim3A_557], %add3A_597 : memref<64x128xf32, #tpu.memory_space<vmem>>[vector<16xi32>, vector<16xi32>], vector<16xf32>,
      %lt3A_598 = arith.constant 15 : i32
      %lt3A_599 = arith.cmpi slt, %scan3A_469, %lt3A_598 : i32
      %convert_element_type3A_600 = arith.extui %lt3A_599 : i1 to i32
      %cond3A_601 = arith.constant 0 : i32
      %cond3A_602 = arith.cmpi ne, %convert_element_type3A_600, %cond3A_601 : i32
      scf.if %cond3A_602 {
        %slice3A_987 = vector.extract_strided_slice %get3A_475 {offsets = [9], sizes = [1], strides = [1]} : vector<16xi32> to vector<1xi32>
        %squeeze3A_988 = vector.extract %slice3A_987[0] : i32 from vector<1xi32>
        %shift_right_logical3A_989 = arith.constant 7 : i32
        %shift_right_logical3A_990 = arith.shrui %squeeze3A_988, %shift_right_logical3A_989 : i32
        %mul3A_991 = arith.constant 128 : i32
        %mul3A_992 = arith.muli %shift_right_logical3A_990, %mul3A_991 : i32
        %multiple_of3A_993 = tpu.assume_multiple %mul3A_992, 128 : i32
        %dma_start3A_994 = arith.constant 0 : i32
        %dma_start3A_995 = tpu.memref_slice %arg5[%dma_start3A_994, %multiple_of3A_993] : memref<64x1000000xf32, #tpu.memory_space<hbm>> -> memref<64x128xf32, #tpu.memory_space<hbm>>
        %dma_start3A_996 = arith.constant 0 : i32
        %dma_start3A_997 = tpu.memref_slice %arg5[%dma_start3A_996, %multiple_of3A_993] : memref<64x1000000xf32, #tpu.memory_space<hbm>> -> memref<64x128xf32, #tpu.memory_space<hbm>>
        tpu.enqueue_dma source(%dma_start3A_997 : memref<64x128xf32, #tpu.memory_space<hbm>>) target(%arg13 : memref<64x128xf32, #tpu.memory_space<vmem>>) target_semaphore(%arg21 : memref<!tpu.dma_semaphore, #tpu.memory_space<semaphore_mem>>)
      } else {
      }
      %dma_wait3A_603 = arith.constant 0 : i32
      %dma_wait3A_604 = arith.constant 0 : i32
      %dma_wait3A_605 = tpu.memref_slice %arg5[%dma_wait3A_603, %dma_wait3A_604] : memref<64x1000000xf32, #tpu.memory_space<hbm>> -> memref<64x128xf32, #tpu.memory_space<hbm>>
      %dma_wait3A_606 = arith.constant 0 : i32
      %dma_wait3A_607 = arith.constant 0 : i32
      %dma_wait3A_608 = tpu.memref_slice %arg5[%dma_wait3A_606, %dma_wait3A_607] : memref<64x1000000xf32, #tpu.memory_space<hbm>> -> memref<64x128xf32, #tpu.memory_space<hbm>>
      tpu.wait_dma2 semaphore(%arg22 : memref<!tpu.dma_semaphore, #tpu.memory_space<semaphore_mem>>) src(%dma_wait3A_608 : memref<64x128xf32, #tpu.memory_space<hbm>>) dst(%arg14 : memref<64x128xf32, #tpu.memory_space<vmem>>)
      %slice3A_609 = vector.extract_strided_slice %get3A_475 {offsets = [2], sizes = [1], strides = [1]} : vector<16xi32> to vector<1xi32>
      %squeeze3A_610 = vector.extract %slice3A_609[0] : i32 from vector<1xi32>
      %slice3A_611 = vector.extract_strided_slice %get3A_481 {offsets = [2], sizes = [1], strides = [1]} : vector<16xi32> to vector<1xi32>
      %squeeze3A_612 = vector.extract %slice3A_611[0] : i32 from vector<1xi32>
      %mul3A_613 = arith.constant 8 : i32
      %mul3A_614 = arith.muli %scan3A_469, %mul3A_613 : i32
      %add3A_615 = arith.constant 2 : i32
      %add3A_616 = arith.addi %mul3A_614, %add3A_615 : i32
      %and3A_617 = arith.constant 127 : i32
      %and3A_618 = arith.andi %squeeze3A_610, %and3A_617 : i32
      %broadcast_in_dim3A_619 = vector.broadcast %and3A_618 : i32 to vector<16xi32>
      %broadcast_in_dim3A_620 = vector.broadcast %squeeze3A_612 : i32 to vector<16xi32>
      %broadcast_in_dim3A_621 = vector.broadcast %add3A_616 : i32 to vector<16xi32>
      %gather3A_622 = tpu.vector_load_idx %arg14[%add3A_5, %broadcast_in_dim3A_619] : memref<64x128xf32, #tpu.memory_space<vmem>>[vector<16xi32>, vector<16xi32>], vector<16xf32>,
      %gather3A_623 = tpu.vector_load_idx %arg9[%shift_right_logical3A_19, %broadcast_in_dim3A_620] : memref<32x1024xi32, #tpu.memory_space<vmem>>[vector<16xi32>, vector<16xi32>], vector<16xi32>,
      %shift_left3A_624 = arith.constant 16 : i32
      %shift_left3A_625 = vector.broadcast %shift_left3A_624 : i32 to vector<16xi32>
      %shift_left3A_626 = arith.shli %gather3A_623, %shift_left3A_625 : vector<16xi32>
      %bitcast3A_627 = vector.bitcast %shift_left3A_626 : vector<16xi32> to vector<16xf32>
      %and3A_628 = arith.andi %gather3A_623, %broadcast_in_dim3A_51 : vector<16xi32>
      %bitcast3A_629 = vector.bitcast %and3A_628 : vector<16xi32> to vector<16xf32>
      %select_n3A_630 = arith.select %eq3A_32, %bitcast3A_629, %bitcast3A_627 : vector<16xi1>, vector<16xf32>
      %add3A_631 = arith.addf %gather3A_622, %select_n3A_630 : vector<16xf32>
      tpu.vector_store_idx %arg10[%add3A_5, %broadcast_in_dim3A_621], %add3A_631 : memref<64x128xf32, #tpu.memory_space<vmem>>[vector<16xi32>, vector<16xi32>], vector<16xf32>,
      %gather3A_632 = tpu.vector_load_idx %arg14[%add3A_9, %broadcast_in_dim3A_619] : memref<64x128xf32, #tpu.memory_space<vmem>>[vector<16xi32>, vector<16xi32>], vector<16xf32>,
      %gather3A_633 = tpu.vector_load_idx %arg9[%shift_right_logical3A_22, %broadcast_in_dim3A_620] : memref<32x1024xi32, #tpu.memory_space<vmem>>[vector<16xi32>, vector<16xi32>], vector<16xi32>,
      %shift_left3A_634 = arith.constant 16 : i32
      %shift_left3A_635 = vector.broadcast %shift_left3A_634 : i32 to vector<16xi32>
      %shift_left3A_636 = arith.shli %gather3A_633, %shift_left3A_635 : vector<16xi32>
      %bitcast3A_637 = vector.bitcast %shift_left3A_636 : vector<16xi32> to vector<16xf32>
      %and3A_638 = arith.andi %gather3A_633, %broadcast_in_dim3A_51 : vector<16xi32>
      %bitcast3A_639 = vector.bitcast %and3A_638 : vector<16xi32> to vector<16xf32>
      %select_n3A_640 = arith.select %eq3A_38, %bitcast3A_639, %bitcast3A_637 : vector<16xi1>, vector<16xf32>
      %add3A_641 = arith.addf %gather3A_632, %select_n3A_640 : vector<16xf32>
      tpu.vector_store_idx %arg10[%add3A_9, %broadcast_in_dim3A_621], %add3A_641 : memref<64x128xf32, #tpu.memory_space<vmem>>[vector<16xi32>, vector<16xi32>], vector<16xf32>,
      %gather3A_642 = tpu.vector_load_idx %arg14[%add3A_13, %broadcast_in_dim3A_619] : memref<64x128xf32, #tpu.memory_space<vmem>>[vector<16xi32>, vector<16xi32>], vector<16xf32>,
      %gather3A_643 = tpu.vector_load_idx %arg9[%shift_right_logical3A_25, %broadcast_in_dim3A_620] : memref<32x1024xi32, #tpu.memory_space<vmem>>[vector<16xi32>, vector<16xi32>], vector<16xi32>,
      %shift_left3A_644 = arith.constant 16 : i32
      %shift_left3A_645 = vector.broadcast %shift_left3A_644 : i32 to vector<16xi32>
      %shift_left3A_646 = arith.shli %gather3A_643, %shift_left3A_645 : vector<16xi32>
      %bitcast3A_647 = vector.bitcast %shift_left3A_646 : vector<16xi32> to vector<16xf32>
      %and3A_648 = arith.andi %gather3A_643, %broadcast_in_dim3A_51 : vector<16xi32>
      %bitcast3A_649 = vector.bitcast %and3A_648 : vector<16xi32> to vector<16xf32>
      %select_n3A_650 = arith.select %eq3A_44, %bitcast3A_649, %bitcast3A_647 : vector<16xi1>, vector<16xf32>
      %add3A_651 = arith.addf %gather3A_642, %select_n3A_650 : vector<16xf32>
      tpu.vector_store_idx %arg10[%add3A_13, %broadcast_in_dim3A_621], %add3A_651 : memref<64x128xf32, #tpu.memory_space<vmem>>[vector<16xi32>, vector<16xi32>], vector<16xf32>,
      %gather3A_652 = tpu.vector_load_idx %arg14[%add3A_17, %broadcast_in_dim3A_619] : memref<64x128xf32, #tpu.memory_space<vmem>>[vector<16xi32>, vector<16xi32>], vector<16xf32>,
      %gather3A_653 = tpu.vector_load_idx %arg9[%shift_right_logical3A_28, %broadcast_in_dim3A_620] : memref<32x1024xi32, #tpu.memory_space<vmem>>[vector<16xi32>, vector<16xi32>], vector<16xi32>,
      %shift_left3A_654 = arith.constant 16 : i32
      %shift_left3A_655 = vector.broadcast %shift_left3A_654 : i32 to vector<16xi32>
      %shift_left3A_656 = arith.shli %gather3A_653, %shift_left3A_655 : vector<16xi32>
      %bitcast3A_657 = vector.bitcast %shift_left3A_656 : vector<16xi32> to vector<16xf32>
      %and3A_658 = arith.andi %gather3A_653, %broadcast_in_dim3A_51 : vector<16xi32>
      %bitcast3A_659 = vector.bitcast %and3A_658 : vector<16xi32> to vector<16xf32>
      %select_n3A_660 = arith.select %eq3A_50, %bitcast3A_659, %bitcast3A_657 : vector<16xi1>, vector<16xf32>
      %add3A_661 = arith.addf %gather3A_652, %select_n3A_660 : vector<16xf32>
      tpu.vector_store_idx %arg10[%add3A_17, %broadcast_in_dim3A_621], %add3A_661 : memref<64x128xf32, #tpu.memory_space<vmem>>[vector<16xi32>, vector<16xi32>], vector<16xf32>,
      %lt3A_662 = arith.constant 15 : i32
      %lt3A_663 = arith.cmpi slt, %scan3A_469, %lt3A_662 : i32
      %convert_element_type3A_664 = arith.extui %lt3A_663 : i1 to i32
      %cond3A_665 = arith.constant 0 : i32
      %cond3A_666 = arith.cmpi ne, %convert_element_type3A_664, %cond3A_665 : i32
      scf.if %cond3A_666 {
        %slice3A_987 = vector.extract_strided_slice %get3A_475 {offsets = [10], sizes = [1], strides = [1]} : vector<16xi32> to vector<1xi32>
        %squeeze3A_988 = vector.extract %slice3A_987[0] : i32 from vector<1xi32>
        %shift_right_logical3A_989 = arith.constant 7 : i32
        %shift_right_logical3A_990 = arith.shrui %squeeze3A_988, %shift_right_logical3A_989 : i32
        %mul3A_991 = arith.constant 128 : i32
        %mul3A_992 = arith.muli %shift_right_logical3A_990, %mul3A_991 : i32
        %multiple_of3A_993 = tpu.assume_multiple %mul3A_992, 128 : i32
        %dma_start3A_994 = arith.constant 0 : i32
        %dma_start3A_995 = tpu.memref_slice %arg5[%dma_start3A_994, %multiple_of3A_993] : memref<64x1000000xf32, #tpu.memory_space<hbm>> -> memref<64x128xf32, #tpu.memory_space<hbm>>
        %dma_start3A_996 = arith.constant 0 : i32
        %dma_start3A_997 = tpu.memref_slice %arg5[%dma_start3A_996, %multiple_of3A_993] : memref<64x1000000xf32, #tpu.memory_space<hbm>> -> memref<64x128xf32, #tpu.memory_space<hbm>>
        tpu.enqueue_dma source(%dma_start3A_997 : memref<64x128xf32, #tpu.memory_space<hbm>>) target(%arg14 : memref<64x128xf32, #tpu.memory_space<vmem>>) target_semaphore(%arg22 : memref<!tpu.dma_semaphore, #tpu.memory_space<semaphore_mem>>)
      } else {
      }
      %dma_wait3A_667 = arith.constant 0 : i32
      %dma_wait3A_668 = arith.constant 0 : i32
      %dma_wait3A_669 = tpu.memref_slice %arg5[%dma_wait3A_667, %dma_wait3A_668] : memref<64x1000000xf32, #tpu.memory_space<hbm>> -> memref<64x128xf32, #tpu.memory_space<hbm>>
      %dma_wait3A_670 = arith.constant 0 : i32
      %dma_wait3A_671 = arith.constant 0 : i32
      %dma_wait3A_672 = tpu.memref_slice %arg5[%dma_wait3A_670, %dma_wait3A_671] : memref<64x1000000xf32, #tpu.memory_space<hbm>> -> memref<64x128xf32, #tpu.memory_space<hbm>>
      tpu.wait_dma2 semaphore(%arg23 : memref<!tpu.dma_semaphore, #tpu.memory_space<semaphore_mem>>) src(%dma_wait3A_672 : memref<64x128xf32, #tpu.memory_space<hbm>>) dst(%arg15 : memref<64x128xf32, #tpu.memory_space<vmem>>)
      %slice3A_673 = vector.extract_strided_slice %get3A_475 {offsets = [3], sizes = [1], strides = [1]} : vector<16xi32> to vector<1xi32>
      %squeeze3A_674 = vector.extract %slice3A_673[0] : i32 from vector<1xi32>
      %slice3A_675 = vector.extract_strided_slice %get3A_481 {offsets = [3], sizes = [1], strides = [1]} : vector<16xi32> to vector<1xi32>
      %squeeze3A_676 = vector.extract %slice3A_675[0] : i32 from vector<1xi32>
      %mul3A_677 = arith.constant 8 : i32
      %mul3A_678 = arith.muli %scan3A_469, %mul3A_677 : i32
      %add3A_679 = arith.constant 3 : i32
      %add3A_680 = arith.addi %mul3A_678, %add3A_679 : i32
      %and3A_681 = arith.constant 127 : i32
      %and3A_682 = arith.andi %squeeze3A_674, %and3A_681 : i32
      %broadcast_in_dim3A_683 = vector.broadcast %and3A_682 : i32 to vector<16xi32>
      %broadcast_in_dim3A_684 = vector.broadcast %squeeze3A_676 : i32 to vector<16xi32>
      %broadcast_in_dim3A_685 = vector.broadcast %add3A_680 : i32 to vector<16xi32>
      %gather3A_686 = tpu.vector_load_idx %arg15[%add3A_5, %broadcast_in_dim3A_683] : memref<64x128xf32, #tpu.memory_space<vmem>>[vector<16xi32>, vector<16xi32>], vector<16xf32>,
      %gather3A_687 = tpu.vector_load_idx %arg9[%shift_right_logical3A_19, %broadcast_in_dim3A_684] : memref<32x1024xi32, #tpu.memory_space<vmem>>[vector<16xi32>, vector<16xi32>], vector<16xi32>,
      %shift_left3A_688 = arith.constant 16 : i32
      %shift_left3A_689 = vector.broadcast %shift_left3A_688 : i32 to vector<16xi32>
      %shift_left3A_690 = arith.shli %gather3A_687, %shift_left3A_689 : vector<16xi32>
      %bitcast3A_691 = vector.bitcast %shift_left3A_690 : vector<16xi32> to vector<16xf32>
      %and3A_692 = arith.andi %gather3A_687, %broadcast_in_dim3A_51 : vector<16xi32>
      %bitcast3A_693 = vector.bitcast %and3A_692 : vector<16xi32> to vector<16xf32>
      %select_n3A_694 = arith.select %eq3A_32, %bitcast3A_693, %bitcast3A_691 : vector<16xi1>, vector<16xf32>
      %add3A_695 = arith.addf %gather3A_686, %select_n3A_694 : vector<16xf32>
      tpu.vector_store_idx %arg10[%add3A_5, %broadcast_in_dim3A_685], %add3A_695 : memref<64x128xf32, #tpu.memory_space<vmem>>[vector<16xi32>, vector<16xi32>], vector<16xf32>,
      %gather3A_696 = tpu.vector_load_idx %arg15[%add3A_9, %broadcast_in_dim3A_683] : memref<64x128xf32, #tpu.memory_space<vmem>>[vector<16xi32>, vector<16xi32>], vector<16xf32>,
      %gather3A_697 = tpu.vector_load_idx %arg9[%shift_right_logical3A_22, %broadcast_in_dim3A_684] : memref<32x1024xi32, #tpu.memory_space<vmem>>[vector<16xi32>, vector<16xi32>], vector<16xi32>,
      %shift_left3A_698 = arith.constant 16 : i32
      %shift_left3A_699 = vector.broadcast %shift_left3A_698 : i32 to vector<16xi32>
      %shift_left3A_700 = arith.shli %gather3A_697, %shift_left3A_699 : vector<16xi32>
      %bitcast3A_701 = vector.bitcast %shift_left3A_700 : vector<16xi32> to vector<16xf32>
      %and3A_702 = arith.andi %gather3A_697, %broadcast_in_dim3A_51 : vector<16xi32>
      %bitcast3A_703 = vector.bitcast %and3A_702 : vector<16xi32> to vector<16xf32>
      %select_n3A_704 = arith.select %eq3A_38, %bitcast3A_703, %bitcast3A_701 : vector<16xi1>, vector<16xf32>
      %add3A_705 = arith.addf %gather3A_696, %select_n3A_704 : vector<16xf32>
      tpu.vector_store_idx %arg10[%add3A_9, %broadcast_in_dim3A_685], %add3A_705 : memref<64x128xf32, #tpu.memory_space<vmem>>[vector<16xi32>, vector<16xi32>], vector<16xf32>,
      %gather3A_706 = tpu.vector_load_idx %arg15[%add3A_13, %broadcast_in_dim3A_683] : memref<64x128xf32, #tpu.memory_space<vmem>>[vector<16xi32>, vector<16xi32>], vector<16xf32>,
      %gather3A_707 = tpu.vector_load_idx %arg9[%shift_right_logical3A_25, %broadcast_in_dim3A_684] : memref<32x1024xi32, #tpu.memory_space<vmem>>[vector<16xi32>, vector<16xi32>], vector<16xi32>,
      %shift_left3A_708 = arith.constant 16 : i32
      %shift_left3A_709 = vector.broadcast %shift_left3A_708 : i32 to vector<16xi32>
      %shift_left3A_710 = arith.shli %gather3A_707, %shift_left3A_709 : vector<16xi32>
      %bitcast3A_711 = vector.bitcast %shift_left3A_710 : vector<16xi32> to vector<16xf32>
      %and3A_712 = arith.andi %gather3A_707, %broadcast_in_dim3A_51 : vector<16xi32>
      %bitcast3A_713 = vector.bitcast %and3A_712 : vector<16xi32> to vector<16xf32>
      %select_n3A_714 = arith.select %eq3A_44, %bitcast3A_713, %bitcast3A_711 : vector<16xi1>, vector<16xf32>
      %add3A_715 = arith.addf %gather3A_706, %select_n3A_714 : vector<16xf32>
      tpu.vector_store_idx %arg10[%add3A_13, %broadcast_in_dim3A_685], %add3A_715 : memref<64x128xf32, #tpu.memory_space<vmem>>[vector<16xi32>, vector<16xi32>], vector<16xf32>,
      %gather3A_716 = tpu.vector_load_idx %arg15[%add3A_17, %broadcast_in_dim3A_683] : memref<64x128xf32, #tpu.memory_space<vmem>>[vector<16xi32>, vector<16xi32>], vector<16xf32>,
      %gather3A_717 = tpu.vector_load_idx %arg9[%shift_right_logical3A_28, %broadcast_in_dim3A_684] : memref<32x1024xi32, #tpu.memory_space<vmem>>[vector<16xi32>, vector<16xi32>], vector<16xi32>,
      %shift_left3A_718 = arith.constant 16 : i32
      %shift_left3A_719 = vector.broadcast %shift_left3A_718 : i32 to vector<16xi32>
      %shift_left3A_720 = arith.shli %gather3A_717, %shift_left3A_719 : vector<16xi32>
      %bitcast3A_721 = vector.bitcast %shift_left3A_720 : vector<16xi32> to vector<16xf32>
      %and3A_722 = arith.andi %gather3A_717, %broadcast_in_dim3A_51 : vector<16xi32>
      %bitcast3A_723 = vector.bitcast %and3A_722 : vector<16xi32> to vector<16xf32>
      %select_n3A_724 = arith.select %eq3A_50, %bitcast3A_723, %bitcast3A_721 : vector<16xi1>, vector<16xf32>
      %add3A_725 = arith.addf %gather3A_716, %select_n3A_724 : vector<16xf32>
      tpu.vector_store_idx %arg10[%add3A_17, %broadcast_in_dim3A_685], %add3A_725 : memref<64x128xf32, #tpu.memory_space<vmem>>[vector<16xi32>, vector<16xi32>], vector<16xf32>,
      %lt3A_726 = arith.constant 15 : i32
      %lt3A_727 = arith.cmpi slt, %scan3A_469, %lt3A_726 : i32
      %convert_element_type3A_728 = arith.extui %lt3A_727 : i1 to i32
      %cond3A_729 = arith.constant 0 : i32
      %cond3A_730 = arith.cmpi ne, %convert_element_type3A_728, %cond3A_729 : i32
      scf.if %cond3A_730 {
        %slice3A_987 = vector.extract_strided_slice %get3A_475 {offsets = [11], sizes = [1], strides = [1]} : vector<16xi32> to vector<1xi32>
        %squeeze3A_988 = vector.extract %slice3A_987[0] : i32 from vector<1xi32>
        %shift_right_logical3A_989 = arith.constant 7 : i32
        %shift_right_logical3A_990 = arith.shrui %squeeze3A_988, %shift_right_logical3A_989 : i32
        %mul3A_991 = arith.constant 128 : i32
        %mul3A_992 = arith.muli %shift_right_logical3A_990, %mul3A_991 : i32
        %multiple_of3A_993 = tpu.assume_multiple %mul3A_992, 128 : i32
        %dma_start3A_994 = arith.constant 0 : i32
        %dma_start3A_995 = tpu.memref_slice %arg5[%dma_start3A_994, %multiple_of3A_993] : memref<64x1000000xf32, #tpu.memory_space<hbm>> -> memref<64x128xf32, #tpu.memory_space<hbm>>
        %dma_start3A_996 = arith.constant 0 : i32
        %dma_start3A_997 = tpu.memref_slice %arg5[%dma_start3A_996, %multiple_of3A_993] : memref<64x1000000xf32, #tpu.memory_space<hbm>> -> memref<64x128xf32, #tpu.memory_space<hbm>>
        tpu.enqueue_dma source(%dma_start3A_997 : memref<64x128xf32, #tpu.memory_space<hbm>>) target(%arg15 : memref<64x128xf32, #tpu.memory_space<vmem>>) target_semaphore(%arg23 : memref<!tpu.dma_semaphore, #tpu.memory_space<semaphore_mem>>)
      } else {
      }
      %dma_wait3A_731 = arith.constant 0 : i32
      %dma_wait3A_732 = arith.constant 0 : i32
      %dma_wait3A_733 = tpu.memref_slice %arg5[%dma_wait3A_731, %dma_wait3A_732] : memref<64x1000000xf32, #tpu.memory_space<hbm>> -> memref<64x128xf32, #tpu.memory_space<hbm>>
      %dma_wait3A_734 = arith.constant 0 : i32
      %dma_wait3A_735 = arith.constant 0 : i32
      %dma_wait3A_736 = tpu.memref_slice %arg5[%dma_wait3A_734, %dma_wait3A_735] : memref<64x1000000xf32, #tpu.memory_space<hbm>> -> memref<64x128xf32, #tpu.memory_space<hbm>>
      tpu.wait_dma2 semaphore(%arg24 : memref<!tpu.dma_semaphore, #tpu.memory_space<semaphore_mem>>) src(%dma_wait3A_736 : memref<64x128xf32, #tpu.memory_space<hbm>>) dst(%arg16 : memref<64x128xf32, #tpu.memory_space<vmem>>)
      %slice3A_737 = vector.extract_strided_slice %get3A_475 {offsets = [4], sizes = [1], strides = [1]} : vector<16xi32> to vector<1xi32>
      %squeeze3A_738 = vector.extract %slice3A_737[0] : i32 from vector<1xi32>
      %slice3A_739 = vector.extract_strided_slice %get3A_481 {offsets = [4], sizes = [1], strides = [1]} : vector<16xi32> to vector<1xi32>
      %squeeze3A_740 = vector.extract %slice3A_739[0] : i32 from vector<1xi32>
      %mul3A_741 = arith.constant 8 : i32
      %mul3A_742 = arith.muli %scan3A_469, %mul3A_741 : i32
      %add3A_743 = arith.constant 4 : i32
      %add3A_744 = arith.addi %mul3A_742, %add3A_743 : i32
      %and3A_745 = arith.constant 127 : i32
      %and3A_746 = arith.andi %squeeze3A_738, %and3A_745 : i32
      %broadcast_in_dim3A_747 = vector.broadcast %and3A_746 : i32 to vector<16xi32>
      %broadcast_in_dim3A_748 = vector.broadcast %squeeze3A_740 : i32 to vector<16xi32>
      %broadcast_in_dim3A_749 = vector.broadcast %add3A_744 : i32 to vector<16xi32>
      %gather3A_750 = tpu.vector_load_idx %arg16[%add3A_5, %broadcast_in_dim3A_747] : memref<64x128xf32, #tpu.memory_space<vmem>>[vector<16xi32>, vector<16xi32>], vector<16xf32>,
      %gather3A_751 = tpu.vector_load_idx %arg9[%shift_right_logical3A_19, %broadcast_in_dim3A_748] : memref<32x1024xi32, #tpu.memory_space<vmem>>[vector<16xi32>, vector<16xi32>], vector<16xi32>,
      %shift_left3A_752 = arith.constant 16 : i32
      %shift_left3A_753 = vector.broadcast %shift_left3A_752 : i32 to vector<16xi32>
      %shift_left3A_754 = arith.shli %gather3A_751, %shift_left3A_753 : vector<16xi32>
      %bitcast3A_755 = vector.bitcast %shift_left3A_754 : vector<16xi32> to vector<16xf32>
      %and3A_756 = arith.andi %gather3A_751, %broadcast_in_dim3A_51 : vector<16xi32>
      %bitcast3A_757 = vector.bitcast %and3A_756 : vector<16xi32> to vector<16xf32>
      %select_n3A_758 = arith.select %eq3A_32, %bitcast3A_757, %bitcast3A_755 : vector<16xi1>, vector<16xf32>
      %add3A_759 = arith.addf %gather3A_750, %select_n3A_758 : vector<16xf32>
      tpu.vector_store_idx %arg10[%add3A_5, %broadcast_in_dim3A_749], %add3A_759 : memref<64x128xf32, #tpu.memory_space<vmem>>[vector<16xi32>, vector<16xi32>], vector<16xf32>,
      %gather3A_760 = tpu.vector_load_idx %arg16[%add3A_9, %broadcast_in_dim3A_747] : memref<64x128xf32, #tpu.memory_space<vmem>>[vector<16xi32>, vector<16xi32>], vector<16xf32>,
      %gather3A_761 = tpu.vector_load_idx %arg9[%shift_right_logical3A_22, %broadcast_in_dim3A_748] : memref<32x1024xi32, #tpu.memory_space<vmem>>[vector<16xi32>, vector<16xi32>], vector<16xi32>,
      %shift_left3A_762 = arith.constant 16 : i32
      %shift_left3A_763 = vector.broadcast %shift_left3A_762 : i32 to vector<16xi32>
      %shift_left3A_764 = arith.shli %gather3A_761, %shift_left3A_763 : vector<16xi32>
      %bitcast3A_765 = vector.bitcast %shift_left3A_764 : vector<16xi32> to vector<16xf32>
      %and3A_766 = arith.andi %gather3A_761, %broadcast_in_dim3A_51 : vector<16xi32>
      %bitcast3A_767 = vector.bitcast %and3A_766 : vector<16xi32> to vector<16xf32>
      %select_n3A_768 = arith.select %eq3A_38, %bitcast3A_767, %bitcast3A_765 : vector<16xi1>, vector<16xf32>
      %add3A_769 = arith.addf %gather3A_760, %select_n3A_768 : vector<16xf32>
      tpu.vector_store_idx %arg10[%add3A_9, %broadcast_in_dim3A_749], %add3A_769 : memref<64x128xf32, #tpu.memory_space<vmem>>[vector<16xi32>, vector<16xi32>], vector<16xf32>,
      %gather3A_770 = tpu.vector_load_idx %arg16[%add3A_13, %broadcast_in_dim3A_747] : memref<64x128xf32, #tpu.memory_space<vmem>>[vector<16xi32>, vector<16xi32>], vector<16xf32>,
      %gather3A_771 = tpu.vector_load_idx %arg9[%shift_right_logical3A_25, %broadcast_in_dim3A_748] : memref<32x1024xi32, #tpu.memory_space<vmem>>[vector<16xi32>, vector<16xi32>], vector<16xi32>,
      %shift_left3A_772 = arith.constant 16 : i32
      %shift_left3A_773 = vector.broadcast %shift_left3A_772 : i32 to vector<16xi32>
      %shift_left3A_774 = arith.shli %gather3A_771, %shift_left3A_773 : vector<16xi32>
      %bitcast3A_775 = vector.bitcast %shift_left3A_774 : vector<16xi32> to vector<16xf32>
      %and3A_776 = arith.andi %gather3A_771, %broadcast_in_dim3A_51 : vector<16xi32>
      %bitcast3A_777 = vector.bitcast %and3A_776 : vector<16xi32> to vector<16xf32>
      %select_n3A_778 = arith.select %eq3A_44, %bitcast3A_777, %bitcast3A_775 : vector<16xi1>, vector<16xf32>
      %add3A_779 = arith.addf %gather3A_770, %select_n3A_778 : vector<16xf32>
      tpu.vector_store_idx %arg10[%add3A_13, %broadcast_in_dim3A_749], %add3A_779 : memref<64x128xf32, #tpu.memory_space<vmem>>[vector<16xi32>, vector<16xi32>], vector<16xf32>,
      %gather3A_780 = tpu.vector_load_idx %arg16[%add3A_17, %broadcast_in_dim3A_747] : memref<64x128xf32, #tpu.memory_space<vmem>>[vector<16xi32>, vector<16xi32>], vector<16xf32>,
      %gather3A_781 = tpu.vector_load_idx %arg9[%shift_right_logical3A_28, %broadcast_in_dim3A_748] : memref<32x1024xi32, #tpu.memory_space<vmem>>[vector<16xi32>, vector<16xi32>], vector<16xi32>,
      %shift_left3A_782 = arith.constant 16 : i32
      %shift_left3A_783 = vector.broadcast %shift_left3A_782 : i32 to vector<16xi32>
      %shift_left3A_784 = arith.shli %gather3A_781, %shift_left3A_783 : vector<16xi32>
      %bitcast3A_785 = vector.bitcast %shift_left3A_784 : vector<16xi32> to vector<16xf32>
      %and3A_786 = arith.andi %gather3A_781, %broadcast_in_dim3A_51 : vector<16xi32>
      %bitcast3A_787 = vector.bitcast %and3A_786 : vector<16xi32> to vector<16xf32>
      %select_n3A_788 = arith.select %eq3A_50, %bitcast3A_787, %bitcast3A_785 : vector<16xi1>, vector<16xf32>
      %add3A_789 = arith.addf %gather3A_780, %select_n3A_788 : vector<16xf32>
      tpu.vector_store_idx %arg10[%add3A_17, %broadcast_in_dim3A_749], %add3A_789 : memref<64x128xf32, #tpu.memory_space<vmem>>[vector<16xi32>, vector<16xi32>], vector<16xf32>,
      %lt3A_790 = arith.constant 15 : i32
      %lt3A_791 = arith.cmpi slt, %scan3A_469, %lt3A_790 : i32
      %convert_element_type3A_792 = arith.extui %lt3A_791 : i1 to i32
      %cond3A_793 = arith.constant 0 : i32
      %cond3A_794 = arith.cmpi ne, %convert_element_type3A_792, %cond3A_793 : i32
      scf.if %cond3A_794 {
        %slice3A_987 = vector.extract_strided_slice %get3A_475 {offsets = [12], sizes = [1], strides = [1]} : vector<16xi32> to vector<1xi32>
        %squeeze3A_988 = vector.extract %slice3A_987[0] : i32 from vector<1xi32>
        %shift_right_logical3A_989 = arith.constant 7 : i32
        %shift_right_logical3A_990 = arith.shrui %squeeze3A_988, %shift_right_logical3A_989 : i32
        %mul3A_991 = arith.constant 128 : i32
        %mul3A_992 = arith.muli %shift_right_logical3A_990, %mul3A_991 : i32
        %multiple_of3A_993 = tpu.assume_multiple %mul3A_992, 128 : i32
        %dma_start3A_994 = arith.constant 0 : i32
        %dma_start3A_995 = tpu.memref_slice %arg5[%dma_start3A_994, %multiple_of3A_993] : memref<64x1000000xf32, #tpu.memory_space<hbm>> -> memref<64x128xf32, #tpu.memory_space<hbm>>
        %dma_start3A_996 = arith.constant 0 : i32
        %dma_start3A_997 = tpu.memref_slice %arg5[%dma_start3A_996, %multiple_of3A_993] : memref<64x1000000xf32, #tpu.memory_space<hbm>> -> memref<64x128xf32, #tpu.memory_space<hbm>>
        tpu.enqueue_dma source(%dma_start3A_997 : memref<64x128xf32, #tpu.memory_space<hbm>>) target(%arg16 : memref<64x128xf32, #tpu.memory_space<vmem>>) target_semaphore(%arg24 : memref<!tpu.dma_semaphore, #tpu.memory_space<semaphore_mem>>)
      } else {
      }
      %dma_wait3A_795 = arith.constant 0 : i32
      %dma_wait3A_796 = arith.constant 0 : i32
      %dma_wait3A_797 = tpu.memref_slice %arg5[%dma_wait3A_795, %dma_wait3A_796] : memref<64x1000000xf32, #tpu.memory_space<hbm>> -> memref<64x128xf32, #tpu.memory_space<hbm>>
      %dma_wait3A_798 = arith.constant 0 : i32
      %dma_wait3A_799 = arith.constant 0 : i32
      %dma_wait3A_800 = tpu.memref_slice %arg5[%dma_wait3A_798, %dma_wait3A_799] : memref<64x1000000xf32, #tpu.memory_space<hbm>> -> memref<64x128xf32, #tpu.memory_space<hbm>>
      tpu.wait_dma2 semaphore(%arg25 : memref<!tpu.dma_semaphore, #tpu.memory_space<semaphore_mem>>) src(%dma_wait3A_800 : memref<64x128xf32, #tpu.memory_space<hbm>>) dst(%arg17 : memref<64x128xf32, #tpu.memory_space<vmem>>)
      %slice3A_801 = vector.extract_strided_slice %get3A_475 {offsets = [5], sizes = [1], strides = [1]} : vector<16xi32> to vector<1xi32>
      %squeeze3A_802 = vector.extract %slice3A_801[0] : i32 from vector<1xi32>
      %slice3A_803 = vector.extract_strided_slice %get3A_481 {offsets = [5], sizes = [1], strides = [1]} : vector<16xi32> to vector<1xi32>
      %squeeze3A_804 = vector.extract %slice3A_803[0] : i32 from vector<1xi32>
      %mul3A_805 = arith.constant 8 : i32
      %mul3A_806 = arith.muli %scan3A_469, %mul3A_805 : i32
      %add3A_807 = arith.constant 5 : i32
      %add3A_808 = arith.addi %mul3A_806, %add3A_807 : i32
      %and3A_809 = arith.constant 127 : i32
      %and3A_810 = arith.andi %squeeze3A_802, %and3A_809 : i32
      %broadcast_in_dim3A_811 = vector.broadcast %and3A_810 : i32 to vector<16xi32>
      %broadcast_in_dim3A_812 = vector.broadcast %squeeze3A_804 : i32 to vector<16xi32>
      %broadcast_in_dim3A_813 = vector.broadcast %add3A_808 : i32 to vector<16xi32>
      %gather3A_814 = tpu.vector_load_idx %arg17[%add3A_5, %broadcast_in_dim3A_811] : memref<64x128xf32, #tpu.memory_space<vmem>>[vector<16xi32>, vector<16xi32>], vector<16xf32>,
      %gather3A_815 = tpu.vector_load_idx %arg9[%shift_right_logical3A_19, %broadcast_in_dim3A_812] : memref<32x1024xi32, #tpu.memory_space<vmem>>[vector<16xi32>, vector<16xi32>], vector<16xi32>,
      %shift_left3A_816 = arith.constant 16 : i32
      %shift_left3A_817 = vector.broadcast %shift_left3A_816 : i32 to vector<16xi32>
      %shift_left3A_818 = arith.shli %gather3A_815, %shift_left3A_817 : vector<16xi32>
      %bitcast3A_819 = vector.bitcast %shift_left3A_818 : vector<16xi32> to vector<16xf32>
      %and3A_820 = arith.andi %gather3A_815, %broadcast_in_dim3A_51 : vector<16xi32>
      %bitcast3A_821 = vector.bitcast %and3A_820 : vector<16xi32> to vector<16xf32>
      %select_n3A_822 = arith.select %eq3A_32, %bitcast3A_821, %bitcast3A_819 : vector<16xi1>, vector<16xf32>
      %add3A_823 = arith.addf %gather3A_814, %select_n3A_822 : vector<16xf32>
      tpu.vector_store_idx %arg10[%add3A_5, %broadcast_in_dim3A_813], %add3A_823 : memref<64x128xf32, #tpu.memory_space<vmem>>[vector<16xi32>, vector<16xi32>], vector<16xf32>,
      %gather3A_824 = tpu.vector_load_idx %arg17[%add3A_9, %broadcast_in_dim3A_811] : memref<64x128xf32, #tpu.memory_space<vmem>>[vector<16xi32>, vector<16xi32>], vector<16xf32>,
      %gather3A_825 = tpu.vector_load_idx %arg9[%shift_right_logical3A_22, %broadcast_in_dim3A_812] : memref<32x1024xi32, #tpu.memory_space<vmem>>[vector<16xi32>, vector<16xi32>], vector<16xi32>,
      %shift_left3A_826 = arith.constant 16 : i32
      %shift_left3A_827 = vector.broadcast %shift_left3A_826 : i32 to vector<16xi32>
      %shift_left3A_828 = arith.shli %gather3A_825, %shift_left3A_827 : vector<16xi32>
      %bitcast3A_829 = vector.bitcast %shift_left3A_828 : vector<16xi32> to vector<16xf32>
      %and3A_830 = arith.andi %gather3A_825, %broadcast_in_dim3A_51 : vector<16xi32>
      %bitcast3A_831 = vector.bitcast %and3A_830 : vector<16xi32> to vector<16xf32>
      %select_n3A_832 = arith.select %eq3A_38, %bitcast3A_831, %bitcast3A_829 : vector<16xi1>, vector<16xf32>
      %add3A_833 = arith.addf %gather3A_824, %select_n3A_832 : vector<16xf32>
      tpu.vector_store_idx %arg10[%add3A_9, %broadcast_in_dim3A_813], %add3A_833 : memref<64x128xf32, #tpu.memory_space<vmem>>[vector<16xi32>, vector<16xi32>], vector<16xf32>,
      %gather3A_834 = tpu.vector_load_idx %arg17[%add3A_13, %broadcast_in_dim3A_811] : memref<64x128xf32, #tpu.memory_space<vmem>>[vector<16xi32>, vector<16xi32>], vector<16xf32>,
      %gather3A_835 = tpu.vector_load_idx %arg9[%shift_right_logical3A_25, %broadcast_in_dim3A_812] : memref<32x1024xi32, #tpu.memory_space<vmem>>[vector<16xi32>, vector<16xi32>], vector<16xi32>,
      %shift_left3A_836 = arith.constant 16 : i32
      %shift_left3A_837 = vector.broadcast %shift_left3A_836 : i32 to vector<16xi32>
      %shift_left3A_838 = arith.shli %gather3A_835, %shift_left3A_837 : vector<16xi32>
      %bitcast3A_839 = vector.bitcast %shift_left3A_838 : vector<16xi32> to vector<16xf32>
      %and3A_840 = arith.andi %gather3A_835, %broadcast_in_dim3A_51 : vector<16xi32>
      %bitcast3A_841 = vector.bitcast %and3A_840 : vector<16xi32> to vector<16xf32>
      %select_n3A_842 = arith.select %eq3A_44, %bitcast3A_841, %bitcast3A_839 : vector<16xi1>, vector<16xf32>
      %add3A_843 = arith.addf %gather3A_834, %select_n3A_842 : vector<16xf32>
      tpu.vector_store_idx %arg10[%add3A_13, %broadcast_in_dim3A_813], %add3A_843 : memref<64x128xf32, #tpu.memory_space<vmem>>[vector<16xi32>, vector<16xi32>], vector<16xf32>,
      %gather3A_844 = tpu.vector_load_idx %arg17[%add3A_17, %broadcast_in_dim3A_811] : memref<64x128xf32, #tpu.memory_space<vmem>>[vector<16xi32>, vector<16xi32>], vector<16xf32>,
      %gather3A_845 = tpu.vector_load_idx %arg9[%shift_right_logical3A_28, %broadcast_in_dim3A_812] : memref<32x1024xi32, #tpu.memory_space<vmem>>[vector<16xi32>, vector<16xi32>], vector<16xi32>,
      %shift_left3A_846 = arith.constant 16 : i32
      %shift_left3A_847 = vector.broadcast %shift_left3A_846 : i32 to vector<16xi32>
      %shift_left3A_848 = arith.shli %gather3A_845, %shift_left3A_847 : vector<16xi32>
      %bitcast3A_849 = vector.bitcast %shift_left3A_848 : vector<16xi32> to vector<16xf32>
      %and3A_850 = arith.andi %gather3A_845, %broadcast_in_dim3A_51 : vector<16xi32>
      %bitcast3A_851 = vector.bitcast %and3A_850 : vector<16xi32> to vector<16xf32>
      %select_n3A_852 = arith.select %eq3A_50, %bitcast3A_851, %bitcast3A_849 : vector<16xi1>, vector<16xf32>
      %add3A_853 = arith.addf %gather3A_844, %select_n3A_852 : vector<16xf32>
      tpu.vector_store_idx %arg10[%add3A_17, %broadcast_in_dim3A_813], %add3A_853 : memref<64x128xf32, #tpu.memory_space<vmem>>[vector<16xi32>, vector<16xi32>], vector<16xf32>,
      %lt3A_854 = arith.constant 15 : i32
      %lt3A_855 = arith.cmpi slt, %scan3A_469, %lt3A_854 : i32
      %convert_element_type3A_856 = arith.extui %lt3A_855 : i1 to i32
      %cond3A_857 = arith.constant 0 : i32
      %cond3A_858 = arith.cmpi ne, %convert_element_type3A_856, %cond3A_857 : i32
      scf.if %cond3A_858 {
        %slice3A_987 = vector.extract_strided_slice %get3A_475 {offsets = [13], sizes = [1], strides = [1]} : vector<16xi32> to vector<1xi32>
        %squeeze3A_988 = vector.extract %slice3A_987[0] : i32 from vector<1xi32>
        %shift_right_logical3A_989 = arith.constant 7 : i32
        %shift_right_logical3A_990 = arith.shrui %squeeze3A_988, %shift_right_logical3A_989 : i32
        %mul3A_991 = arith.constant 128 : i32
        %mul3A_992 = arith.muli %shift_right_logical3A_990, %mul3A_991 : i32
        %multiple_of3A_993 = tpu.assume_multiple %mul3A_992, 128 : i32
        %dma_start3A_994 = arith.constant 0 : i32
        %dma_start3A_995 = tpu.memref_slice %arg5[%dma_start3A_994, %multiple_of3A_993] : memref<64x1000000xf32, #tpu.memory_space<hbm>> -> memref<64x128xf32, #tpu.memory_space<hbm>>
        %dma_start3A_996 = arith.constant 0 : i32
        %dma_start3A_997 = tpu.memref_slice %arg5[%dma_start3A_996, %multiple_of3A_993] : memref<64x1000000xf32, #tpu.memory_space<hbm>> -> memref<64x128xf32, #tpu.memory_space<hbm>>
        tpu.enqueue_dma source(%dma_start3A_997 : memref<64x128xf32, #tpu.memory_space<hbm>>) target(%arg17 : memref<64x128xf32, #tpu.memory_space<vmem>>) target_semaphore(%arg25 : memref<!tpu.dma_semaphore, #tpu.memory_space<semaphore_mem>>)
      } else {
      }
      %dma_wait3A_859 = arith.constant 0 : i32
      %dma_wait3A_860 = arith.constant 0 : i32
      %dma_wait3A_861 = tpu.memref_slice %arg5[%dma_wait3A_859, %dma_wait3A_860] : memref<64x1000000xf32, #tpu.memory_space<hbm>> -> memref<64x128xf32, #tpu.memory_space<hbm>>
      %dma_wait3A_862 = arith.constant 0 : i32
      %dma_wait3A_863 = arith.constant 0 : i32
      %dma_wait3A_864 = tpu.memref_slice %arg5[%dma_wait3A_862, %dma_wait3A_863] : memref<64x1000000xf32, #tpu.memory_space<hbm>> -> memref<64x128xf32, #tpu.memory_space<hbm>>
      tpu.wait_dma2 semaphore(%arg26 : memref<!tpu.dma_semaphore, #tpu.memory_space<semaphore_mem>>) src(%dma_wait3A_864 : memref<64x128xf32, #tpu.memory_space<hbm>>) dst(%arg18 : memref<64x128xf32, #tpu.memory_space<vmem>>)
      %slice3A_865 = vector.extract_strided_slice %get3A_475 {offsets = [6], sizes = [1], strides = [1]} : vector<16xi32> to vector<1xi32>
      %squeeze3A_866 = vector.extract %slice3A_865[0] : i32 from vector<1xi32>
      %slice3A_867 = vector.extract_strided_slice %get3A_481 {offsets = [6], sizes = [1], strides = [1]} : vector<16xi32> to vector<1xi32>
      %squeeze3A_868 = vector.extract %slice3A_867[0] : i32 from vector<1xi32>
      %mul3A_869 = arith.constant 8 : i32
      %mul3A_870 = arith.muli %scan3A_469, %mul3A_869 : i32
      %add3A_871 = arith.constant 6 : i32
      %add3A_872 = arith.addi %mul3A_870, %add3A_871 : i32
      %and3A_873 = arith.constant 127 : i32
      %and3A_874 = arith.andi %squeeze3A_866, %and3A_873 : i32
      %broadcast_in_dim3A_875 = vector.broadcast %and3A_874 : i32 to vector<16xi32>
      %broadcast_in_dim3A_876 = vector.broadcast %squeeze3A_868 : i32 to vector<16xi32>
      %broadcast_in_dim3A_877 = vector.broadcast %add3A_872 : i32 to vector<16xi32>
      %gather3A_878 = tpu.vector_load_idx %arg18[%add3A_5, %broadcast_in_dim3A_875] : memref<64x128xf32, #tpu.memory_space<vmem>>[vector<16xi32>, vector<16xi32>], vector<16xf32>,
      %gather3A_879 = tpu.vector_load_idx %arg9[%shift_right_logical3A_19, %broadcast_in_dim3A_876] : memref<32x1024xi32, #tpu.memory_space<vmem>>[vector<16xi32>, vector<16xi32>], vector<16xi32>,
      %shift_left3A_880 = arith.constant 16 : i32
      %shift_left3A_881 = vector.broadcast %shift_left3A_880 : i32 to vector<16xi32>
      %shift_left3A_882 = arith.shli %gather3A_879, %shift_left3A_881 : vector<16xi32>
      %bitcast3A_883 = vector.bitcast %shift_left3A_882 : vector<16xi32> to vector<16xf32>
      %and3A_884 = arith.andi %gather3A_879, %broadcast_in_dim3A_51 : vector<16xi32>
      %bitcast3A_885 = vector.bitcast %and3A_884 : vector<16xi32> to vector<16xf32>
      %select_n3A_886 = arith.select %eq3A_32, %bitcast3A_885, %bitcast3A_883 : vector<16xi1>, vector<16xf32>
      %add3A_887 = arith.addf %gather3A_878, %select_n3A_886 : vector<16xf32>
      tpu.vector_store_idx %arg10[%add3A_5, %broadcast_in_dim3A_877], %add3A_887 : memref<64x128xf32, #tpu.memory_space<vmem>>[vector<16xi32>, vector<16xi32>], vector<16xf32>,
      %gather3A_888 = tpu.vector_load_idx %arg18[%add3A_9, %broadcast_in_dim3A_875] : memref<64x128xf32, #tpu.memory_space<vmem>>[vector<16xi32>, vector<16xi32>], vector<16xf32>,
      %gather3A_889 = tpu.vector_load_idx %arg9[%shift_right_logical3A_22, %broadcast_in_dim3A_876] : memref<32x1024xi32, #tpu.memory_space<vmem>>[vector<16xi32>, vector<16xi32>], vector<16xi32>,
      %shift_left3A_890 = arith.constant 16 : i32
      %shift_left3A_891 = vector.broadcast %shift_left3A_890 : i32 to vector<16xi32>
      %shift_left3A_892 = arith.shli %gather3A_889, %shift_left3A_891 : vector<16xi32>
      %bitcast3A_893 = vector.bitcast %shift_left3A_892 : vector<16xi32> to vector<16xf32>
      %and3A_894 = arith.andi %gather3A_889, %broadcast_in_dim3A_51 : vector<16xi32>
      %bitcast3A_895 = vector.bitcast %and3A_894 : vector<16xi32> to vector<16xf32>
      %select_n3A_896 = arith.select %eq3A_38, %bitcast3A_895, %bitcast3A_893 : vector<16xi1>, vector<16xf32>
      %add3A_897 = arith.addf %gather3A_888, %select_n3A_896 : vector<16xf32>
      tpu.vector_store_idx %arg10[%add3A_9, %broadcast_in_dim3A_877], %add3A_897 : memref<64x128xf32, #tpu.memory_space<vmem>>[vector<16xi32>, vector<16xi32>], vector<16xf32>,
      %gather3A_898 = tpu.vector_load_idx %arg18[%add3A_13, %broadcast_in_dim3A_875] : memref<64x128xf32, #tpu.memory_space<vmem>>[vector<16xi32>, vector<16xi32>], vector<16xf32>,
      %gather3A_899 = tpu.vector_load_idx %arg9[%shift_right_logical3A_25, %broadcast_in_dim3A_876] : memref<32x1024xi32, #tpu.memory_space<vmem>>[vector<16xi32>, vector<16xi32>], vector<16xi32>,
      %shift_left3A_900 = arith.constant 16 : i32
      %shift_left3A_901 = vector.broadcast %shift_left3A_900 : i32 to vector<16xi32>
      %shift_left3A_902 = arith.shli %gather3A_899, %shift_left3A_901 : vector<16xi32>
      %bitcast3A_903 = vector.bitcast %shift_left3A_902 : vector<16xi32> to vector<16xf32>
      %and3A_904 = arith.andi %gather3A_899, %broadcast_in_dim3A_51 : vector<16xi32>
      %bitcast3A_905 = vector.bitcast %and3A_904 : vector<16xi32> to vector<16xf32>
      %select_n3A_906 = arith.select %eq3A_44, %bitcast3A_905, %bitcast3A_903 : vector<16xi1>, vector<16xf32>
      %add3A_907 = arith.addf %gather3A_898, %select_n3A_906 : vector<16xf32>
      tpu.vector_store_idx %arg10[%add3A_13, %broadcast_in_dim3A_877], %add3A_907 : memref<64x128xf32, #tpu.memory_space<vmem>>[vector<16xi32>, vector<16xi32>], vector<16xf32>,
      %gather3A_908 = tpu.vector_load_idx %arg18[%add3A_17, %broadcast_in_dim3A_875] : memref<64x128xf32, #tpu.memory_space<vmem>>[vector<16xi32>, vector<16xi32>], vector<16xf32>,
      %gather3A_909 = tpu.vector_load_idx %arg9[%shift_right_logical3A_28, %broadcast_in_dim3A_876] : memref<32x1024xi32, #tpu.memory_space<vmem>>[vector<16xi32>, vector<16xi32>], vector<16xi32>,
      %shift_left3A_910 = arith.constant 16 : i32
      %shift_left3A_911 = vector.broadcast %shift_left3A_910 : i32 to vector<16xi32>
      %shift_left3A_912 = arith.shli %gather3A_909, %shift_left3A_911 : vector<16xi32>
      %bitcast3A_913 = vector.bitcast %shift_left3A_912 : vector<16xi32> to vector<16xf32>
      %and3A_914 = arith.andi %gather3A_909, %broadcast_in_dim3A_51 : vector<16xi32>
      %bitcast3A_915 = vector.bitcast %and3A_914 : vector<16xi32> to vector<16xf32>
      %select_n3A_916 = arith.select %eq3A_50, %bitcast3A_915, %bitcast3A_913 : vector<16xi1>, vector<16xf32>
      %add3A_917 = arith.addf %gather3A_908, %select_n3A_916 : vector<16xf32>
      tpu.vector_store_idx %arg10[%add3A_17, %broadcast_in_dim3A_877], %add3A_917 : memref<64x128xf32, #tpu.memory_space<vmem>>[vector<16xi32>, vector<16xi32>], vector<16xf32>,
      %lt3A_918 = arith.constant 15 : i32
      %lt3A_919 = arith.cmpi slt, %scan3A_469, %lt3A_918 : i32
      %convert_element_type3A_920 = arith.extui %lt3A_919 : i1 to i32
      %cond3A_921 = arith.constant 0 : i32
      %cond3A_922 = arith.cmpi ne, %convert_element_type3A_920, %cond3A_921 : i32
      scf.if %cond3A_922 {
        %slice3A_987 = vector.extract_strided_slice %get3A_475 {offsets = [14], sizes = [1], strides = [1]} : vector<16xi32> to vector<1xi32>
        %squeeze3A_988 = vector.extract %slice3A_987[0] : i32 from vector<1xi32>
        %shift_right_logical3A_989 = arith.constant 7 : i32
        %shift_right_logical3A_990 = arith.shrui %squeeze3A_988, %shift_right_logical3A_989 : i32
        %mul3A_991 = arith.constant 128 : i32
        %mul3A_992 = arith.muli %shift_right_logical3A_990, %mul3A_991 : i32
        %multiple_of3A_993 = tpu.assume_multiple %mul3A_992, 128 : i32
        %dma_start3A_994 = arith.constant 0 : i32
        %dma_start3A_995 = tpu.memref_slice %arg5[%dma_start3A_994, %multiple_of3A_993] : memref<64x1000000xf32, #tpu.memory_space<hbm>> -> memref<64x128xf32, #tpu.memory_space<hbm>>
        %dma_start3A_996 = arith.constant 0 : i32
        %dma_start3A_997 = tpu.memref_slice %arg5[%dma_start3A_996, %multiple_of3A_993] : memref<64x1000000xf32, #tpu.memory_space<hbm>> -> memref<64x128xf32, #tpu.memory_space<hbm>>
        tpu.enqueue_dma source(%dma_start3A_997 : memref<64x128xf32, #tpu.memory_space<hbm>>) target(%arg18 : memref<64x128xf32, #tpu.memory_space<vmem>>) target_semaphore(%arg26 : memref<!tpu.dma_semaphore, #tpu.memory_space<semaphore_mem>>)
      } else {
      }
      %dma_wait3A_923 = arith.constant 0 : i32
      %dma_wait3A_924 = arith.constant 0 : i32
      %dma_wait3A_925 = tpu.memref_slice %arg5[%dma_wait3A_923, %dma_wait3A_924] : memref<64x1000000xf32, #tpu.memory_space<hbm>> -> memref<64x128xf32, #tpu.memory_space<hbm>>
      %dma_wait3A_926 = arith.constant 0 : i32
      %dma_wait3A_927 = arith.constant 0 : i32
      %dma_wait3A_928 = tpu.memref_slice %arg5[%dma_wait3A_926, %dma_wait3A_927] : memref<64x1000000xf32, #tpu.memory_space<hbm>> -> memref<64x128xf32, #tpu.memory_space<hbm>>
      tpu.wait_dma2 semaphore(%arg27 : memref<!tpu.dma_semaphore, #tpu.memory_space<semaphore_mem>>) src(%dma_wait3A_928 : memref<64x128xf32, #tpu.memory_space<hbm>>) dst(%arg19 : memref<64x128xf32, #tpu.memory_space<vmem>>)
      %slice3A_929 = vector.extract_strided_slice %get3A_475 {offsets = [7], sizes = [1], strides = [1]} : vector<16xi32> to vector<1xi32>
      %squeeze3A_930 = vector.extract %slice3A_929[0] : i32 from vector<1xi32>
      %slice3A_931 = vector.extract_strided_slice %get3A_481 {offsets = [7], sizes = [1], strides = [1]} : vector<16xi32> to vector<1xi32>
      %squeeze3A_932 = vector.extract %slice3A_931[0] : i32 from vector<1xi32>
      %mul3A_933 = arith.constant 8 : i32
      %mul3A_934 = arith.muli %scan3A_469, %mul3A_933 : i32
      %add3A_935 = arith.constant 7 : i32
      %add3A_936 = arith.addi %mul3A_934, %add3A_935 : i32
      %and3A_937 = arith.constant 127 : i32
      %and3A_938 = arith.andi %squeeze3A_930, %and3A_937 : i32
      %broadcast_in_dim3A_939 = vector.broadcast %and3A_938 : i32 to vector<16xi32>
      %broadcast_in_dim3A_940 = vector.broadcast %squeeze3A_932 : i32 to vector<16xi32>
      %broadcast_in_dim3A_941 = vector.broadcast %add3A_936 : i32 to vector<16xi32>
      %gather3A_942 = tpu.vector_load_idx %arg19[%add3A_5, %broadcast_in_dim3A_939] : memref<64x128xf32, #tpu.memory_space<vmem>>[vector<16xi32>, vector<16xi32>], vector<16xf32>,
      %gather3A_943 = tpu.vector_load_idx %arg9[%shift_right_logical3A_19, %broadcast_in_dim3A_940] : memref<32x1024xi32, #tpu.memory_space<vmem>>[vector<16xi32>, vector<16xi32>], vector<16xi32>,
      %shift_left3A_944 = arith.constant 16 : i32
      %shift_left3A_945 = vector.broadcast %shift_left3A_944 : i32 to vector<16xi32>
      %shift_left3A_946 = arith.shli %gather3A_943, %shift_left3A_945 : vector<16xi32>
      %bitcast3A_947 = vector.bitcast %shift_left3A_946 : vector<16xi32> to vector<16xf32>
      %and3A_948 = arith.andi %gather3A_943, %broadcast_in_dim3A_51 : vector<16xi32>
      %bitcast3A_949 = vector.bitcast %and3A_948 : vector<16xi32> to vector<16xf32>
      %select_n3A_950 = arith.select %eq3A_32, %bitcast3A_949, %bitcast3A_947 : vector<16xi1>, vector<16xf32>
      %add3A_951 = arith.addf %gather3A_942, %select_n3A_950 : vector<16xf32>
      tpu.vector_store_idx %arg10[%add3A_5, %broadcast_in_dim3A_941], %add3A_951 : memref<64x128xf32, #tpu.memory_space<vmem>>[vector<16xi32>, vector<16xi32>], vector<16xf32>,
      %gather3A_952 = tpu.vector_load_idx %arg19[%add3A_9, %broadcast_in_dim3A_939] : memref<64x128xf32, #tpu.memory_space<vmem>>[vector<16xi32>, vector<16xi32>], vector<16xf32>,
      %gather3A_953 = tpu.vector_load_idx %arg9[%shift_right_logical3A_22, %broadcast_in_dim3A_940] : memref<32x1024xi32, #tpu.memory_space<vmem>>[vector<16xi32>, vector<16xi32>], vector<16xi32>,
      %shift_left3A_954 = arith.constant 16 : i32
      %shift_left3A_955 = vector.broadcast %shift_left3A_954 : i32 to vector<16xi32>
      %shift_left3A_956 = arith.shli %gather3A_953, %shift_left3A_955 : vector<16xi32>
      %bitcast3A_957 = vector.bitcast %shift_left3A_956 : vector<16xi32> to vector<16xf32>
      %and3A_958 = arith.andi %gather3A_953, %broadcast_in_dim3A_51 : vector<16xi32>
      %bitcast3A_959 = vector.bitcast %and3A_958 : vector<16xi32> to vector<16xf32>
      %select_n3A_960 = arith.select %eq3A_38, %bitcast3A_959, %bitcast3A_957 : vector<16xi1>, vector<16xf32>
      %add3A_961 = arith.addf %gather3A_952, %select_n3A_960 : vector<16xf32>
      tpu.vector_store_idx %arg10[%add3A_9, %broadcast_in_dim3A_941], %add3A_961 : memref<64x128xf32, #tpu.memory_space<vmem>>[vector<16xi32>, vector<16xi32>], vector<16xf32>,
      %gather3A_962 = tpu.vector_load_idx %arg19[%add3A_13, %broadcast_in_dim3A_939] : memref<64x128xf32, #tpu.memory_space<vmem>>[vector<16xi32>, vector<16xi32>], vector<16xf32>,
      %gather3A_963 = tpu.vector_load_idx %arg9[%shift_right_logical3A_25, %broadcast_in_dim3A_940] : memref<32x1024xi32, #tpu.memory_space<vmem>>[vector<16xi32>, vector<16xi32>], vector<16xi32>,
      %shift_left3A_964 = arith.constant 16 : i32
      %shift_left3A_965 = vector.broadcast %shift_left3A_964 : i32 to vector<16xi32>
      %shift_left3A_966 = arith.shli %gather3A_963, %shift_left3A_965 : vector<16xi32>
      %bitcast3A_967 = vector.bitcast %shift_left3A_966 : vector<16xi32> to vector<16xf32>
      %and3A_968 = arith.andi %gather3A_963, %broadcast_in_dim3A_51 : vector<16xi32>
      %bitcast3A_969 = vector.bitcast %and3A_968 : vector<16xi32> to vector<16xf32>
      %select_n3A_970 = arith.select %eq3A_44, %bitcast3A_969, %bitcast3A_967 : vector<16xi1>, vector<16xf32>
      %add3A_971 = arith.addf %gather3A_962, %select_n3A_970 : vector<16xf32>
      tpu.vector_store_idx %arg10[%add3A_13, %broadcast_in_dim3A_941], %add3A_971 : memref<64x128xf32, #tpu.memory_space<vmem>>[vector<16xi32>, vector<16xi32>], vector<16xf32>,
      %gather3A_972 = tpu.vector_load_idx %arg19[%add3A_17, %broadcast_in_dim3A_939] : memref<64x128xf32, #tpu.memory_space<vmem>>[vector<16xi32>, vector<16xi32>], vector<16xf32>,
      %gather3A_973 = tpu.vector_load_idx %arg9[%shift_right_logical3A_28, %broadcast_in_dim3A_940] : memref<32x1024xi32, #tpu.memory_space<vmem>>[vector<16xi32>, vector<16xi32>], vector<16xi32>,
      %shift_left3A_974 = arith.constant 16 : i32
      %shift_left3A_975 = vector.broadcast %shift_left3A_974 : i32 to vector<16xi32>
      %shift_left3A_976 = arith.shli %gather3A_973, %shift_left3A_975 : vector<16xi32>
      %bitcast3A_977 = vector.bitcast %shift_left3A_976 : vector<16xi32> to vector<16xf32>
      %and3A_978 = arith.andi %gather3A_973, %broadcast_in_dim3A_51 : vector<16xi32>
      %bitcast3A_979 = vector.bitcast %and3A_978 : vector<16xi32> to vector<16xf32>
      %select_n3A_980 = arith.select %eq3A_50, %bitcast3A_979, %bitcast3A_977 : vector<16xi1>, vector<16xf32>
      %add3A_981 = arith.addf %gather3A_972, %select_n3A_980 : vector<16xf32>
      tpu.vector_store_idx %arg10[%add3A_17, %broadcast_in_dim3A_941], %add3A_981 : memref<64x128xf32, #tpu.memory_space<vmem>>[vector<16xi32>, vector<16xi32>], vector<16xf32>,
      %lt3A_982 = arith.constant 15 : i32
      %lt3A_983 = arith.cmpi slt, %scan3A_469, %lt3A_982 : i32
      %convert_element_type3A_984 = arith.extui %lt3A_983 : i1 to i32
      %cond3A_985 = arith.constant 0 : i32
      %cond3A_986 = arith.cmpi ne, %convert_element_type3A_984, %cond3A_985 : i32
      scf.if %cond3A_986 {
        %slice3A_987 = vector.extract_strided_slice %get3A_475 {offsets = [15], sizes = [1], strides = [1]} : vector<16xi32> to vector<1xi32>
        %squeeze3A_988 = vector.extract %slice3A_987[0] : i32 from vector<1xi32>
        %shift_right_logical3A_989 = arith.constant 7 : i32
        %shift_right_logical3A_990 = arith.shrui %squeeze3A_988, %shift_right_logical3A_989 : i32
        %mul3A_991 = arith.constant 128 : i32
        %mul3A_992 = arith.muli %shift_right_logical3A_990, %mul3A_991 : i32
        %multiple_of3A_993 = tpu.assume_multiple %mul3A_992, 128 : i32
        %dma_start3A_994 = arith.constant 0 : i32
        %dma_start3A_995 = tpu.memref_slice %arg5[%dma_start3A_994, %multiple_of3A_993] : memref<64x1000000xf32, #tpu.memory_space<hbm>> -> memref<64x128xf32, #tpu.memory_space<hbm>>
        %dma_start3A_996 = arith.constant 0 : i32
        %dma_start3A_997 = tpu.memref_slice %arg5[%dma_start3A_996, %multiple_of3A_993] : memref<64x1000000xf32, #tpu.memory_space<hbm>> -> memref<64x128xf32, #tpu.memory_space<hbm>>
        tpu.enqueue_dma source(%dma_start3A_997 : memref<64x128xf32, #tpu.memory_space<hbm>>) target(%arg19 : memref<64x128xf32, #tpu.memory_space<vmem>>) target_semaphore(%arg27 : memref<!tpu.dma_semaphore, #tpu.memory_space<semaphore_mem>>)
      } else {
      }
    }
    %scan3A_141 = arith.constant 16 : i32
    %add3A_142 = arith.constant 0 : i32
    %add3A_143 = arith.addi %mul3A_2, %add3A_142 : i32
    %dma_start3A_144 = arith.constant 0 : i32
    %dma_start3A_145 = tpu.memref_slice %arg6[%dma_start3A_144, %add3A_143] : memref<64x16384xf32, #tpu.memory_space<hbm>> -> memref<64x128xf32, #tpu.memory_space<hbm>>
    %dma_start3A_146 = arith.constant 0 : i32
    %dma_start3A_147 = tpu.memref_slice %arg6[%dma_start3A_146, %add3A_143] : memref<64x16384xf32, #tpu.memory_space<hbm>> -> memref<64x128xf32, #tpu.memory_space<hbm>>
    tpu.enqueue_dma source(%arg10 : memref<64x128xf32, #tpu.memory_space<vmem>>) target(%dma_start3A_147 : memref<64x128xf32, #tpu.memory_space<hbm>>) target_semaphore(%arg28 : memref<!tpu.dma_semaphore, #tpu.memory_space<semaphore_mem>>)
    %get3A_148 = arith.constant 128 : index
    %get3A_149 = tpu.vector_load %arg7[%get3A_148] {strides = array<i32>} : memref<520xi32, #tpu.memory_space<vmem>>, vector<16xi32>,
    %slice3A_150 = vector.extract_strided_slice %get3A_149 {offsets = [0], sizes = [1], strides = [1]} : vector<16xi32> to vector<1xi32>
    %squeeze3A_151 = vector.extract %slice3A_150[0] : i32 from vector<1xi32>
    %shift_right_logical3A_152 = arith.constant 7 : i32
    %shift_right_logical3A_153 = arith.shrui %squeeze3A_151, %shift_right_logical3A_152 : i32
    %mul3A_154 = arith.constant 128 : i32
    %mul3A_155 = arith.muli %shift_right_logical3A_153, %mul3A_154 : i32
    %multiple_of3A_156 = tpu.assume_multiple %mul3A_155, 128 : i32
    %dma_start3A_157 = arith.constant 0 : i32
    %dma_start3A_158 = tpu.memref_slice %arg5[%dma_start3A_157, %multiple_of3A_156] : memref<64x1000000xf32, #tpu.memory_space<hbm>> -> memref<64x128xf32, #tpu.memory_space<hbm>>
    %dma_start3A_159 = arith.constant 0 : i32
    %dma_start3A_160 = tpu.memref_slice %arg5[%dma_start3A_159, %multiple_of3A_156] : memref<64x1000000xf32, #tpu.memory_space<hbm>> -> memref<64x128xf32, #tpu.memory_space<hbm>>
    tpu.enqueue_dma source(%dma_start3A_160 : memref<64x128xf32, #tpu.memory_space<hbm>>) target(%arg12 : memref<64x128xf32, #tpu.memory_space<vmem>>) target_semaphore(%arg20 : memref<!tpu.dma_semaphore, #tpu.memory_space<semaphore_mem>>)
    %slice3A_161 = vector.extract_strided_slice %get3A_149 {offsets = [1], sizes = [1], strides = [1]} : vector<16xi32> to vector<1xi32>
    %squeeze3A_162 = vector.extract %slice3A_161[0] : i32 from vector<1xi32>
    %shift_right_logical3A_163 = arith.constant 7 : i32
    %shift_right_logical3A_164 = arith.shrui %squeeze3A_162, %shift_right_logical3A_163 : i32
    %mul3A_165 = arith.constant 128 : i32
    %mul3A_166 = arith.muli %shift_right_logical3A_164, %mul3A_165 : i32
    %multiple_of3A_167 = tpu.assume_multiple %mul3A_166, 128 : i32
    %dma_start3A_168 = arith.constant 0 : i32
    %dma_start3A_169 = tpu.memref_slice %arg5[%dma_start3A_168, %multiple_of3A_167] : memref<64x1000000xf32, #tpu.memory_space<hbm>> -> memref<64x128xf32, #tpu.memory_space<hbm>>
    %dma_start3A_170 = arith.constant 0 : i32
    %dma_start3A_171 = tpu.memref_slice %arg5[%dma_start3A_170, %multiple_of3A_167] : memref<64x1000000xf32, #tpu.memory_space<hbm>> -> memref<64x128xf32, #tpu.memory_space<hbm>>
    tpu.enqueue_dma source(%dma_start3A_171 : memref<64x128xf32, #tpu.memory_space<hbm>>) target(%arg13 : memref<64x128xf32, #tpu.memory_space<vmem>>) target_semaphore(%arg21 : memref<!tpu.dma_semaphore, #tpu.memory_space<semaphore_mem>>)
    %slice3A_172 = vector.extract_strided_slice %get3A_149 {offsets = [2], sizes = [1], strides = [1]} : vector<16xi32> to vector<1xi32>
    %squeeze3A_173 = vector.extract %slice3A_172[0] : i32 from vector<1xi32>
    %shift_right_logical3A_174 = arith.constant 7 : i32
    %shift_right_logical3A_175 = arith.shrui %squeeze3A_173, %shift_right_logical3A_174 : i32
    %mul3A_176 = arith.constant 128 : i32
    %mul3A_177 = arith.muli %shift_right_logical3A_175, %mul3A_176 : i32
    %multiple_of3A_178 = tpu.assume_multiple %mul3A_177, 128 : i32
    %dma_start3A_179 = arith.constant 0 : i32
    %dma_start3A_180 = tpu.memref_slice %arg5[%dma_start3A_179, %multiple_of3A_178] : memref<64x1000000xf32, #tpu.memory_space<hbm>> -> memref<64x128xf32, #tpu.memory_space<hbm>>
    %dma_start3A_181 = arith.constant 0 : i32
    %dma_start3A_182 = tpu.memref_slice %arg5[%dma_start3A_181, %multiple_of3A_178] : memref<64x1000000xf32, #tpu.memory_space<hbm>> -> memref<64x128xf32, #tpu.memory_space<hbm>>
    tpu.enqueue_dma source(%dma_start3A_182 : memref<64x128xf32, #tpu.memory_space<hbm>>) target(%arg14 : memref<64x128xf32, #tpu.memory_space<vmem>>) target_semaphore(%arg22 : memref<!tpu.dma_semaphore, #tpu.memory_space<semaphore_mem>>)
    %slice3A_183 = vector.extract_strided_slice %get3A_149 {offsets = [3], sizes = [1], strides = [1]} : vector<16xi32> to vector<1xi32>
    %squeeze3A_184 = vector.extract %slice3A_183[0] : i32 from vector<1xi32>
    %shift_right_logical3A_185 = arith.constant 7 : i32
    %shift_right_logical3A_186 = arith.shrui %squeeze3A_184, %shift_right_logical3A_185 : i32
    %mul3A_187 = arith.constant 128 : i32
    %mul3A_188 = arith.muli %shift_right_logical3A_186, %mul3A_187 : i32
    %multiple_of3A_189 = tpu.assume_multiple %mul3A_188, 128 : i32
    %dma_start3A_190 = arith.constant 0 : i32
    %dma_start3A_191 = tpu.memref_slice %arg5[%dma_start3A_190, %multiple_of3A_189] : memref<64x1000000xf32, #tpu.memory_space<hbm>> -> memref<64x128xf32, #tpu.memory_space<hbm>>
    %dma_start3A_192 = arith.constant 0 : i32
    %dma_start3A_193 = tpu.memref_slice %arg5[%dma_start3A_192, %multiple_of3A_189] : memref<64x1000000xf32, #tpu.memory_space<hbm>> -> memref<64x128xf32, #tpu.memory_space<hbm>>
    tpu.enqueue_dma source(%dma_start3A_193 : memref<64x128xf32, #tpu.memory_space<hbm>>) target(%arg15 : memref<64x128xf32, #tpu.memory_space<vmem>>) target_semaphore(%arg23 : memref<!tpu.dma_semaphore, #tpu.memory_space<semaphore_mem>>)
    %slice3A_194 = vector.extract_strided_slice %get3A_149 {offsets = [4], sizes = [1], strides = [1]} : vector<16xi32> to vector<1xi32>
    %squeeze3A_195 = vector.extract %slice3A_194[0] : i32 from vector<1xi32>
    %shift_right_logical3A_196 = arith.constant 7 : i32
    %shift_right_logical3A_197 = arith.shrui %squeeze3A_195, %shift_right_logical3A_196 : i32
    %mul3A_198 = arith.constant 128 : i32
    %mul3A_199 = arith.muli %shift_right_logical3A_197, %mul3A_198 : i32
    %multiple_of3A_200 = tpu.assume_multiple %mul3A_199, 128 : i32
    %dma_start3A_201 = arith.constant 0 : i32
    %dma_start3A_202 = tpu.memref_slice %arg5[%dma_start3A_201, %multiple_of3A_200] : memref<64x1000000xf32, #tpu.memory_space<hbm>> -> memref<64x128xf32, #tpu.memory_space<hbm>>
    %dma_start3A_203 = arith.constant 0 : i32
    %dma_start3A_204 = tpu.memref_slice %arg5[%dma_start3A_203, %multiple_of3A_200] : memref<64x1000000xf32, #tpu.memory_space<hbm>> -> memref<64x128xf32, #tpu.memory_space<hbm>>
    tpu.enqueue_dma source(%dma_start3A_204 : memref<64x128xf32, #tpu.memory_space<hbm>>) target(%arg16 : memref<64x128xf32, #tpu.memory_space<vmem>>) target_semaphore(%arg24 : memref<!tpu.dma_semaphore, #tpu.memory_space<semaphore_mem>>)
    %slice3A_205 = vector.extract_strided_slice %get3A_149 {offsets = [5], sizes = [1], strides = [1]} : vector<16xi32> to vector<1xi32>
    %squeeze3A_206 = vector.extract %slice3A_205[0] : i32 from vector<1xi32>
    %shift_right_logical3A_207 = arith.constant 7 : i32
    %shift_right_logical3A_208 = arith.shrui %squeeze3A_206, %shift_right_logical3A_207 : i32
    %mul3A_209 = arith.constant 128 : i32
    %mul3A_210 = arith.muli %shift_right_logical3A_208, %mul3A_209 : i32
    %multiple_of3A_211 = tpu.assume_multiple %mul3A_210, 128 : i32
    %dma_start3A_212 = arith.constant 0 : i32
    %dma_start3A_213 = tpu.memref_slice %arg5[%dma_start3A_212, %multiple_of3A_211] : memref<64x1000000xf32, #tpu.memory_space<hbm>> -> memref<64x128xf32, #tpu.memory_space<hbm>>
    %dma_start3A_214 = arith.constant 0 : i32
    %dma_start3A_215 = tpu.memref_slice %arg5[%dma_start3A_214, %multiple_of3A_211] : memref<64x1000000xf32, #tpu.memory_space<hbm>> -> memref<64x128xf32, #tpu.memory_space<hbm>>
    tpu.enqueue_dma source(%dma_start3A_215 : memref<64x128xf32, #tpu.memory_space<hbm>>) target(%arg17 : memref<64x128xf32, #tpu.memory_space<vmem>>) target_semaphore(%arg25 : memref<!tpu.dma_semaphore, #tpu.memory_space<semaphore_mem>>)
    %slice3A_216 = vector.extract_strided_slice %get3A_149 {offsets = [6], sizes = [1], strides = [1]} : vector<16xi32> to vector<1xi32>
    %squeeze3A_217 = vector.extract %slice3A_216[0] : i32 from vector<1xi32>
    %shift_right_logical3A_218 = arith.constant 7 : i32
    %shift_right_logical3A_219 = arith.shrui %squeeze3A_217, %shift_right_logical3A_218 : i32
    %mul3A_220 = arith.constant 128 : i32
    %mul3A_221 = arith.muli %shift_right_logical3A_219, %mul3A_220 : i32
    %multiple_of3A_222 = tpu.assume_multiple %mul3A_221, 128 : i32
    %dma_start3A_223 = arith.constant 0 : i32
    %dma_start3A_224 = tpu.memref_slice %arg5[%dma_start3A_223, %multiple_of3A_222] : memref<64x1000000xf32, #tpu.memory_space<hbm>> -> memref<64x128xf32, #tpu.memory_space<hbm>>
    %dma_start3A_225 = arith.constant 0 : i32
    %dma_start3A_226 = tpu.memref_slice %arg5[%dma_start3A_225, %multiple_of3A_222] : memref<64x1000000xf32, #tpu.memory_space<hbm>> -> memref<64x128xf32, #tpu.memory_space<hbm>>
    tpu.enqueue_dma source(%dma_start3A_226 : memref<64x128xf32, #tpu.memory_space<hbm>>) target(%arg18 : memref<64x128xf32, #tpu.memory_space<vmem>>) target_semaphore(%arg26 : memref<!tpu.dma_semaphore, #tpu.memory_space<semaphore_mem>>)
    %slice3A_227 = vector.extract_strided_slice %get3A_149 {offsets = [7], sizes = [1], strides = [1]} : vector<16xi32> to vector<1xi32>
    %squeeze3A_228 = vector.extract %slice3A_227[0] : i32 from vector<1xi32>
    %shift_right_logical3A_229 = arith.constant 7 : i32
    %shift_right_logical3A_230 = arith.shrui %squeeze3A_228, %shift_right_logical3A_229 : i32
    %mul3A_231 = arith.constant 128 : i32
    %mul3A_232 = arith.muli %shift_right_logical3A_230, %mul3A_231 : i32
    %multiple_of3A_233 = tpu.assume_multiple %mul3A_232, 128 : i32
    %dma_start3A_234 = arith.constant 0 : i32
    %dma_start3A_235 = tpu.memref_slice %arg5[%dma_start3A_234, %multiple_of3A_233] : memref<64x1000000xf32, #tpu.memory_space<hbm>> -> memref<64x128xf32, #tpu.memory_space<hbm>>
    %dma_start3A_236 = arith.constant 0 : i32
    %dma_start3A_237 = tpu.memref_slice %arg5[%dma_start3A_236, %multiple_of3A_233] : memref<64x1000000xf32, #tpu.memory_space<hbm>> -> memref<64x128xf32, #tpu.memory_space<hbm>>
    tpu.enqueue_dma source(%dma_start3A_237 : memref<64x128xf32, #tpu.memory_space<hbm>>) target(%arg19 : memref<64x128xf32, #tpu.memory_space<vmem>>) target_semaphore(%arg27 : memref<!tpu.dma_semaphore, #tpu.memory_space<semaphore_mem>>)
    %scan3A_238 = arith.constant 0 : i32
    %scan3A_239 = arith.constant 0 : i32
    %scan3A_240 = arith.constant 16 : i32
    %scan3A_241 = arith.addi %scan3A_239, %scan3A_240 : i32
    %scan3A_242 = arith.constant 1 : i32
    scf.for %scan3A_469 = %scan3A_239 to %scan3A_241 step %scan3A_242  : i32 {
      %mul3A_470 = arith.constant 8 : i32
      %mul3A_471 = arith.muli %scan3A_469, %mul3A_470 : i32
      %add3A_472 = arith.constant 128 : i32
      %add3A_473 = arith.addi %add3A_472, %mul3A_471 : i32
      %get3A_474 = arith.index_cast %add3A_473 : i32 to index
      %get3A_475 = tpu.vector_load %arg7[%get3A_474] {strides = array<i32>} : memref<520xi32, #tpu.memory_space<vmem>>, vector<16xi32>,
      %mul3A_476 = arith.constant 8 : i32
      %mul3A_477 = arith.muli %scan3A_469, %mul3A_476 : i32
      %add3A_478 = arith.constant 128 : i32
      %add3A_479 = arith.addi %add3A_478, %mul3A_477 : i32
      %get3A_480 = arith.index_cast %add3A_479 : i32 to index
      %get3A_481 = tpu.vector_load %arg8[%get3A_480] {strides = array<i32>} : memref<520xi32, #tpu.memory_space<vmem>>, vector<16xi32>,
      %dma_wait3A_482 = arith.constant 0 : i32
      %dma_wait3A_483 = arith.constant 0 : i32
      %dma_wait3A_484 = tpu.memref_slice %arg5[%dma_wait3A_482, %dma_wait3A_483] : memref<64x1000000xf32, #tpu.memory_space<hbm>> -> memref<64x128xf32, #tpu.memory_space<hbm>>
      %dma_wait3A_485 = arith.constant 0 : i32
      %dma_wait3A_486 = arith.constant 0 : i32
      %dma_wait3A_487 = tpu.memref_slice %arg5[%dma_wait3A_485, %dma_wait3A_486] : memref<64x1000000xf32, #tpu.memory_space<hbm>> -> memref<64x128xf32, #tpu.memory_space<hbm>>
      tpu.wait_dma2 semaphore(%arg20 : memref<!tpu.dma_semaphore, #tpu.memory_space<semaphore_mem>>) src(%dma_wait3A_487 : memref<64x128xf32, #tpu.memory_space<hbm>>) dst(%arg12 : memref<64x128xf32, #tpu.memory_space<vmem>>)
      %slice3A_488 = vector.extract_strided_slice %get3A_475 {offsets = [0], sizes = [1], strides = [1]} : vector<16xi32> to vector<1xi32>
      %squeeze3A_489 = vector.extract %slice3A_488[0] : i32 from vector<1xi32>
      %slice3A_490 = vector.extract_strided_slice %get3A_481 {offsets = [0], sizes = [1], strides = [1]} : vector<16xi32> to vector<1xi32>
      %squeeze3A_491 = vector.extract %slice3A_490[0] : i32 from vector<1xi32>
      %mul3A_492 = arith.constant 8 : i32
      %mul3A_493 = arith.muli %scan3A_469, %mul3A_492 : i32
      %add3A_494 = arith.constant 0 : i32
      %add3A_495 = arith.addi %mul3A_493, %add3A_494 : i32
      %and3A_496 = arith.constant 127 : i32
      %and3A_497 = arith.andi %squeeze3A_489, %and3A_496 : i32
      %broadcast_in_dim3A_498 = vector.broadcast %and3A_497 : i32 to vector<16xi32>
      %broadcast_in_dim3A_499 = vector.broadcast %squeeze3A_491 : i32 to vector<16xi32>
      %broadcast_in_dim3A_500 = vector.broadcast %add3A_495 : i32 to vector<16xi32>
      %gather3A = tpu.vector_load_idx %arg12[%add3A_5, %broadcast_in_dim3A_498] : memref<64x128xf32, #tpu.memory_space<vmem>>[vector<16xi32>, vector<16xi32>], vector<16xf32>,
      %gather3A_501 = tpu.vector_load_idx %arg9[%shift_right_logical3A_19, %broadcast_in_dim3A_499] : memref<32x1024xi32, #tpu.memory_space<vmem>>[vector<16xi32>, vector<16xi32>], vector<16xi32>,
      %shift_left3A = arith.constant 16 : i32
      %shift_left3A_502 = vector.broadcast %shift_left3A : i32 to vector<16xi32>
      %shift_left3A_503 = arith.shli %gather3A_501, %shift_left3A_502 : vector<16xi32>
      %bitcast3A = vector.bitcast %shift_left3A_503 : vector<16xi32> to vector<16xf32>
      %and3A_504 = arith.andi %gather3A_501, %broadcast_in_dim3A_51 : vector<16xi32>
      %bitcast3A_505 = vector.bitcast %and3A_504 : vector<16xi32> to vector<16xf32>
      %select_n3A = arith.select %eq3A_32, %bitcast3A_505, %bitcast3A : vector<16xi1>, vector<16xf32>
      %add3A_506 = arith.addf %gather3A, %select_n3A : vector<16xf32>
      tpu.vector_store_idx %arg11[%add3A_5, %broadcast_in_dim3A_500], %add3A_506 : memref<64x128xf32, #tpu.memory_space<vmem>>[vector<16xi32>, vector<16xi32>], vector<16xf32>,
      %gather3A_507 = tpu.vector_load_idx %arg12[%add3A_9, %broadcast_in_dim3A_498] : memref<64x128xf32, #tpu.memory_space<vmem>>[vector<16xi32>, vector<16xi32>], vector<16xf32>,
      %gather3A_508 = tpu.vector_load_idx %arg9[%shift_right_logical3A_22, %broadcast_in_dim3A_499] : memref<32x1024xi32, #tpu.memory_space<vmem>>[vector<16xi32>, vector<16xi32>], vector<16xi32>,
      %shift_left3A_509 = arith.constant 16 : i32
      %shift_left3A_510 = vector.broadcast %shift_left3A_509 : i32 to vector<16xi32>
      %shift_left3A_511 = arith.shli %gather3A_508, %shift_left3A_510 : vector<16xi32>
      %bitcast3A_512 = vector.bitcast %shift_left3A_511 : vector<16xi32> to vector<16xf32>
      %and3A_513 = arith.andi %gather3A_508, %broadcast_in_dim3A_51 : vector<16xi32>
      %bitcast3A_514 = vector.bitcast %and3A_513 : vector<16xi32> to vector<16xf32>
      %select_n3A_515 = arith.select %eq3A_38, %bitcast3A_514, %bitcast3A_512 : vector<16xi1>, vector<16xf32>
      %add3A_516 = arith.addf %gather3A_507, %select_n3A_515 : vector<16xf32>
      tpu.vector_store_idx %arg11[%add3A_9, %broadcast_in_dim3A_500], %add3A_516 : memref<64x128xf32, #tpu.memory_space<vmem>>[vector<16xi32>, vector<16xi32>], vector<16xf32>,
      %gather3A_517 = tpu.vector_load_idx %arg12[%add3A_13, %broadcast_in_dim3A_498] : memref<64x128xf32, #tpu.memory_space<vmem>>[vector<16xi32>, vector<16xi32>], vector<16xf32>,
      %gather3A_518 = tpu.vector_load_idx %arg9[%shift_right_logical3A_25, %broadcast_in_dim3A_499] : memref<32x1024xi32, #tpu.memory_space<vmem>>[vector<16xi32>, vector<16xi32>], vector<16xi32>,
      %shift_left3A_519 = arith.constant 16 : i32
      %shift_left3A_520 = vector.broadcast %shift_left3A_519 : i32 to vector<16xi32>
      %shift_left3A_521 = arith.shli %gather3A_518, %shift_left3A_520 : vector<16xi32>
      %bitcast3A_522 = vector.bitcast %shift_left3A_521 : vector<16xi32> to vector<16xf32>
      %and3A_523 = arith.andi %gather3A_518, %broadcast_in_dim3A_51 : vector<16xi32>
      %bitcast3A_524 = vector.bitcast %and3A_523 : vector<16xi32> to vector<16xf32>
      %select_n3A_525 = arith.select %eq3A_44, %bitcast3A_524, %bitcast3A_522 : vector<16xi1>, vector<16xf32>
      %add3A_526 = arith.addf %gather3A_517, %select_n3A_525 : vector<16xf32>
      tpu.vector_store_idx %arg11[%add3A_13, %broadcast_in_dim3A_500], %add3A_526 : memref<64x128xf32, #tpu.memory_space<vmem>>[vector<16xi32>, vector<16xi32>], vector<16xf32>,
      %gather3A_527 = tpu.vector_load_idx %arg12[%add3A_17, %broadcast_in_dim3A_498] : memref<64x128xf32, #tpu.memory_space<vmem>>[vector<16xi32>, vector<16xi32>], vector<16xf32>,
      %gather3A_528 = tpu.vector_load_idx %arg9[%shift_right_logical3A_28, %broadcast_in_dim3A_499] : memref<32x1024xi32, #tpu.memory_space<vmem>>[vector<16xi32>, vector<16xi32>], vector<16xi32>,
      %shift_left3A_529 = arith.constant 16 : i32
      %shift_left3A_530 = vector.broadcast %shift_left3A_529 : i32 to vector<16xi32>
      %shift_left3A_531 = arith.shli %gather3A_528, %shift_left3A_530 : vector<16xi32>
      %bitcast3A_532 = vector.bitcast %shift_left3A_531 : vector<16xi32> to vector<16xf32>
      %and3A_533 = arith.andi %gather3A_528, %broadcast_in_dim3A_51 : vector<16xi32>
      %bitcast3A_534 = vector.bitcast %and3A_533 : vector<16xi32> to vector<16xf32>
      %select_n3A_535 = arith.select %eq3A_50, %bitcast3A_534, %bitcast3A_532 : vector<16xi1>, vector<16xf32>
      %add3A_536 = arith.addf %gather3A_527, %select_n3A_535 : vector<16xf32>
      tpu.vector_store_idx %arg11[%add3A_17, %broadcast_in_dim3A_500], %add3A_536 : memref<64x128xf32, #tpu.memory_space<vmem>>[vector<16xi32>, vector<16xi32>], vector<16xf32>,
      %lt3A = arith.constant 15 : i32
      %lt3A_537 = arith.cmpi slt, %scan3A_469, %lt3A : i32
      %convert_element_type3A = arith.extui %lt3A_537 : i1 to i32
      %cond3A = arith.constant 0 : i32
      %cond3A_538 = arith.cmpi ne, %convert_element_type3A, %cond3A : i32
      scf.if %cond3A_538 {
        %slice3A_987 = vector.extract_strided_slice %get3A_475 {offsets = [8], sizes = [1], strides = [1]} : vector<16xi32> to vector<1xi32>
        %squeeze3A_988 = vector.extract %slice3A_987[0] : i32 from vector<1xi32>
        %shift_right_logical3A_989 = arith.constant 7 : i32
        %shift_right_logical3A_990 = arith.shrui %squeeze3A_988, %shift_right_logical3A_989 : i32
        %mul3A_991 = arith.constant 128 : i32
        %mul3A_992 = arith.muli %shift_right_logical3A_990, %mul3A_991 : i32
        %multiple_of3A_993 = tpu.assume_multiple %mul3A_992, 128 : i32
        %dma_start3A_994 = arith.constant 0 : i32
        %dma_start3A_995 = tpu.memref_slice %arg5[%dma_start3A_994, %multiple_of3A_993] : memref<64x1000000xf32, #tpu.memory_space<hbm>> -> memref<64x128xf32, #tpu.memory_space<hbm>>
        %dma_start3A_996 = arith.constant 0 : i32
        %dma_start3A_997 = tpu.memref_slice %arg5[%dma_start3A_996, %multiple_of3A_993] : memref<64x1000000xf32, #tpu.memory_space<hbm>> -> memref<64x128xf32, #tpu.memory_space<hbm>>
        tpu.enqueue_dma source(%dma_start3A_997 : memref<64x128xf32, #tpu.memory_space<hbm>>) target(%arg12 : memref<64x128xf32, #tpu.memory_space<vmem>>) target_semaphore(%arg20 : memref<!tpu.dma_semaphore, #tpu.memory_space<semaphore_mem>>)
      } else {
      }
      %dma_wait3A_539 = arith.constant 0 : i32
      %dma_wait3A_540 = arith.constant 0 : i32
      %dma_wait3A_541 = tpu.memref_slice %arg5[%dma_wait3A_539, %dma_wait3A_540] : memref<64x1000000xf32, #tpu.memory_space<hbm>> -> memref<64x128xf32, #tpu.memory_space<hbm>>
      %dma_wait3A_542 = arith.constant 0 : i32
      %dma_wait3A_543 = arith.constant 0 : i32
      %dma_wait3A_544 = tpu.memref_slice %arg5[%dma_wait3A_542, %dma_wait3A_543] : memref<64x1000000xf32, #tpu.memory_space<hbm>> -> memref<64x128xf32, #tpu.memory_space<hbm>>
      tpu.wait_dma2 semaphore(%arg21 : memref<!tpu.dma_semaphore, #tpu.memory_space<semaphore_mem>>) src(%dma_wait3A_544 : memref<64x128xf32, #tpu.memory_space<hbm>>) dst(%arg13 : memref<64x128xf32, #tpu.memory_space<vmem>>)
      %slice3A_545 = vector.extract_strided_slice %get3A_475 {offsets = [1], sizes = [1], strides = [1]} : vector<16xi32> to vector<1xi32>
      %squeeze3A_546 = vector.extract %slice3A_545[0] : i32 from vector<1xi32>
      %slice3A_547 = vector.extract_strided_slice %get3A_481 {offsets = [1], sizes = [1], strides = [1]} : vector<16xi32> to vector<1xi32>
      %squeeze3A_548 = vector.extract %slice3A_547[0] : i32 from vector<1xi32>
      %mul3A_549 = arith.constant 8 : i32
      %mul3A_550 = arith.muli %scan3A_469, %mul3A_549 : i32
      %add3A_551 = arith.constant 1 : i32
      %add3A_552 = arith.addi %mul3A_550, %add3A_551 : i32
      %and3A_553 = arith.constant 127 : i32
      %and3A_554 = arith.andi %squeeze3A_546, %and3A_553 : i32
      %broadcast_in_dim3A_555 = vector.broadcast %and3A_554 : i32 to vector<16xi32>
      %broadcast_in_dim3A_556 = vector.broadcast %squeeze3A_548 : i32 to vector<16xi32>
      %broadcast_in_dim3A_557 = vector.broadcast %add3A_552 : i32 to vector<16xi32>
      %gather3A_558 = tpu.vector_load_idx %arg13[%add3A_5, %broadcast_in_dim3A_555] : memref<64x128xf32, #tpu.memory_space<vmem>>[vector<16xi32>, vector<16xi32>], vector<16xf32>,
      %gather3A_559 = tpu.vector_load_idx %arg9[%shift_right_logical3A_19, %broadcast_in_dim3A_556] : memref<32x1024xi32, #tpu.memory_space<vmem>>[vector<16xi32>, vector<16xi32>], vector<16xi32>,
      %shift_left3A_560 = arith.constant 16 : i32
      %shift_left3A_561 = vector.broadcast %shift_left3A_560 : i32 to vector<16xi32>
      %shift_left3A_562 = arith.shli %gather3A_559, %shift_left3A_561 : vector<16xi32>
      %bitcast3A_563 = vector.bitcast %shift_left3A_562 : vector<16xi32> to vector<16xf32>
      %and3A_564 = arith.andi %gather3A_559, %broadcast_in_dim3A_51 : vector<16xi32>
      %bitcast3A_565 = vector.bitcast %and3A_564 : vector<16xi32> to vector<16xf32>
      %select_n3A_566 = arith.select %eq3A_32, %bitcast3A_565, %bitcast3A_563 : vector<16xi1>, vector<16xf32>
      %add3A_567 = arith.addf %gather3A_558, %select_n3A_566 : vector<16xf32>
      tpu.vector_store_idx %arg11[%add3A_5, %broadcast_in_dim3A_557], %add3A_567 : memref<64x128xf32, #tpu.memory_space<vmem>>[vector<16xi32>, vector<16xi32>], vector<16xf32>,
      %gather3A_568 = tpu.vector_load_idx %arg13[%add3A_9, %broadcast_in_dim3A_555] : memref<64x128xf32, #tpu.memory_space<vmem>>[vector<16xi32>, vector<16xi32>], vector<16xf32>,
      %gather3A_569 = tpu.vector_load_idx %arg9[%shift_right_logical3A_22, %broadcast_in_dim3A_556] : memref<32x1024xi32, #tpu.memory_space<vmem>>[vector<16xi32>, vector<16xi32>], vector<16xi32>,
      %shift_left3A_570 = arith.constant 16 : i32
      %shift_left3A_571 = vector.broadcast %shift_left3A_570 : i32 to vector<16xi32>
      %shift_left3A_572 = arith.shli %gather3A_569, %shift_left3A_571 : vector<16xi32>
      %bitcast3A_573 = vector.bitcast %shift_left3A_572 : vector<16xi32> to vector<16xf32>
      %and3A_574 = arith.andi %gather3A_569, %broadcast_in_dim3A_51 : vector<16xi32>
      %bitcast3A_575 = vector.bitcast %and3A_574 : vector<16xi32> to vector<16xf32>
      %select_n3A_576 = arith.select %eq3A_38, %bitcast3A_575, %bitcast3A_573 : vector<16xi1>, vector<16xf32>
      %add3A_577 = arith.addf %gather3A_568, %select_n3A_576 : vector<16xf32>
      tpu.vector_store_idx %arg11[%add3A_9, %broadcast_in_dim3A_557], %add3A_577 : memref<64x128xf32, #tpu.memory_space<vmem>>[vector<16xi32>, vector<16xi32>], vector<16xf32>,
      %gather3A_578 = tpu.vector_load_idx %arg13[%add3A_13, %broadcast_in_dim3A_555] : memref<64x128xf32, #tpu.memory_space<vmem>>[vector<16xi32>, vector<16xi32>], vector<16xf32>,
      %gather3A_579 = tpu.vector_load_idx %arg9[%shift_right_logical3A_25, %broadcast_in_dim3A_556] : memref<32x1024xi32, #tpu.memory_space<vmem>>[vector<16xi32>, vector<16xi32>], vector<16xi32>,
      %shift_left3A_580 = arith.constant 16 : i32
      %shift_left3A_581 = vector.broadcast %shift_left3A_580 : i32 to vector<16xi32>
      %shift_left3A_582 = arith.shli %gather3A_579, %shift_left3A_581 : vector<16xi32>
      %bitcast3A_583 = vector.bitcast %shift_left3A_582 : vector<16xi32> to vector<16xf32>
      %and3A_584 = arith.andi %gather3A_579, %broadcast_in_dim3A_51 : vector<16xi32>
      %bitcast3A_585 = vector.bitcast %and3A_584 : vector<16xi32> to vector<16xf32>
      %select_n3A_586 = arith.select %eq3A_44, %bitcast3A_585, %bitcast3A_583 : vector<16xi1>, vector<16xf32>
      %add3A_587 = arith.addf %gather3A_578, %select_n3A_586 : vector<16xf32>
      tpu.vector_store_idx %arg11[%add3A_13, %broadcast_in_dim3A_557], %add3A_587 : memref<64x128xf32, #tpu.memory_space<vmem>>[vector<16xi32>, vector<16xi32>], vector<16xf32>,
      %gather3A_588 = tpu.vector_load_idx %arg13[%add3A_17, %broadcast_in_dim3A_555] : memref<64x128xf32, #tpu.memory_space<vmem>>[vector<16xi32>, vector<16xi32>], vector<16xf32>,
      %gather3A_589 = tpu.vector_load_idx %arg9[%shift_right_logical3A_28, %broadcast_in_dim3A_556] : memref<32x1024xi32, #tpu.memory_space<vmem>>[vector<16xi32>, vector<16xi32>], vector<16xi32>,
      %shift_left3A_590 = arith.constant 16 : i32
      %shift_left3A_591 = vector.broadcast %shift_left3A_590 : i32 to vector<16xi32>
      %shift_left3A_592 = arith.shli %gather3A_589, %shift_left3A_591 : vector<16xi32>
      %bitcast3A_593 = vector.bitcast %shift_left3A_592 : vector<16xi32> to vector<16xf32>
      %and3A_594 = arith.andi %gather3A_589, %broadcast_in_dim3A_51 : vector<16xi32>
      %bitcast3A_595 = vector.bitcast %and3A_594 : vector<16xi32> to vector<16xf32>
      %select_n3A_596 = arith.select %eq3A_50, %bitcast3A_595, %bitcast3A_593 : vector<16xi1>, vector<16xf32>
      %add3A_597 = arith.addf %gather3A_588, %select_n3A_596 : vector<16xf32>
      tpu.vector_store_idx %arg11[%add3A_17, %broadcast_in_dim3A_557], %add3A_597 : memref<64x128xf32, #tpu.memory_space<vmem>>[vector<16xi32>, vector<16xi32>], vector<16xf32>,
      %lt3A_598 = arith.constant 15 : i32
      %lt3A_599 = arith.cmpi slt, %scan3A_469, %lt3A_598 : i32
      %convert_element_type3A_600 = arith.extui %lt3A_599 : i1 to i32
      %cond3A_601 = arith.constant 0 : i32
      %cond3A_602 = arith.cmpi ne, %convert_element_type3A_600, %cond3A_601 : i32
      scf.if %cond3A_602 {
        %slice3A_987 = vector.extract_strided_slice %get3A_475 {offsets = [9], sizes = [1], strides = [1]} : vector<16xi32> to vector<1xi32>
        %squeeze3A_988 = vector.extract %slice3A_987[0] : i32 from vector<1xi32>
        %shift_right_logical3A_989 = arith.constant 7 : i32
        %shift_right_logical3A_990 = arith.shrui %squeeze3A_988, %shift_right_logical3A_989 : i32
        %mul3A_991 = arith.constant 128 : i32
        %mul3A_992 = arith.muli %shift_right_logical3A_990, %mul3A_991 : i32
        %multiple_of3A_993 = tpu.assume_multiple %mul3A_992, 128 : i32
        %dma_start3A_994 = arith.constant 0 : i32
        %dma_start3A_995 = tpu.memref_slice %arg5[%dma_start3A_994, %multiple_of3A_993] : memref<64x1000000xf32, #tpu.memory_space<hbm>> -> memref<64x128xf32, #tpu.memory_space<hbm>>
        %dma_start3A_996 = arith.constant 0 : i32
        %dma_start3A_997 = tpu.memref_slice %arg5[%dma_start3A_996, %multiple_of3A_993] : memref<64x1000000xf32, #tpu.memory_space<hbm>> -> memref<64x128xf32, #tpu.memory_space<hbm>>
        tpu.enqueue_dma source(%dma_start3A_997 : memref<64x128xf32, #tpu.memory_space<hbm>>) target(%arg13 : memref<64x128xf32, #tpu.memory_space<vmem>>) target_semaphore(%arg21 : memref<!tpu.dma_semaphore, #tpu.memory_space<semaphore_mem>>)
      } else {
      }
      %dma_wait3A_603 = arith.constant 0 : i32
      %dma_wait3A_604 = arith.constant 0 : i32
      %dma_wait3A_605 = tpu.memref_slice %arg5[%dma_wait3A_603, %dma_wait3A_604] : memref<64x1000000xf32, #tpu.memory_space<hbm>> -> memref<64x128xf32, #tpu.memory_space<hbm>>
      %dma_wait3A_606 = arith.constant 0 : i32
      %dma_wait3A_607 = arith.constant 0 : i32
      %dma_wait3A_608 = tpu.memref_slice %arg5[%dma_wait3A_606, %dma_wait3A_607] : memref<64x1000000xf32, #tpu.memory_space<hbm>> -> memref<64x128xf32, #tpu.memory_space<hbm>>
      tpu.wait_dma2 semaphore(%arg22 : memref<!tpu.dma_semaphore, #tpu.memory_space<semaphore_mem>>) src(%dma_wait3A_608 : memref<64x128xf32, #tpu.memory_space<hbm>>) dst(%arg14 : memref<64x128xf32, #tpu.memory_space<vmem>>)
      %slice3A_609 = vector.extract_strided_slice %get3A_475 {offsets = [2], sizes = [1], strides = [1]} : vector<16xi32> to vector<1xi32>
      %squeeze3A_610 = vector.extract %slice3A_609[0] : i32 from vector<1xi32>
      %slice3A_611 = vector.extract_strided_slice %get3A_481 {offsets = [2], sizes = [1], strides = [1]} : vector<16xi32> to vector<1xi32>
      %squeeze3A_612 = vector.extract %slice3A_611[0] : i32 from vector<1xi32>
      %mul3A_613 = arith.constant 8 : i32
      %mul3A_614 = arith.muli %scan3A_469, %mul3A_613 : i32
      %add3A_615 = arith.constant 2 : i32
      %add3A_616 = arith.addi %mul3A_614, %add3A_615 : i32
      %and3A_617 = arith.constant 127 : i32
      %and3A_618 = arith.andi %squeeze3A_610, %and3A_617 : i32
      %broadcast_in_dim3A_619 = vector.broadcast %and3A_618 : i32 to vector<16xi32>
      %broadcast_in_dim3A_620 = vector.broadcast %squeeze3A_612 : i32 to vector<16xi32>
      %broadcast_in_dim3A_621 = vector.broadcast %add3A_616 : i32 to vector<16xi32>
      %gather3A_622 = tpu.vector_load_idx %arg14[%add3A_5, %broadcast_in_dim3A_619] : memref<64x128xf32, #tpu.memory_space<vmem>>[vector<16xi32>, vector<16xi32>], vector<16xf32>,
      %gather3A_623 = tpu.vector_load_idx %arg9[%shift_right_logical3A_19, %broadcast_in_dim3A_620] : memref<32x1024xi32, #tpu.memory_space<vmem>>[vector<16xi32>, vector<16xi32>], vector<16xi32>,
      %shift_left3A_624 = arith.constant 16 : i32
      %shift_left3A_625 = vector.broadcast %shift_left3A_624 : i32 to vector<16xi32>
      %shift_left3A_626 = arith.shli %gather3A_623, %shift_left3A_625 : vector<16xi32>
      %bitcast3A_627 = vector.bitcast %shift_left3A_626 : vector<16xi32> to vector<16xf32>
      %and3A_628 = arith.andi %gather3A_623, %broadcast_in_dim3A_51 : vector<16xi32>
      %bitcast3A_629 = vector.bitcast %and3A_628 : vector<16xi32> to vector<16xf32>
      %select_n3A_630 = arith.select %eq3A_32, %bitcast3A_629, %bitcast3A_627 : vector<16xi1>, vector<16xf32>
      %add3A_631 = arith.addf %gather3A_622, %select_n3A_630 : vector<16xf32>
      tpu.vector_store_idx %arg11[%add3A_5, %broadcast_in_dim3A_621], %add3A_631 : memref<64x128xf32, #tpu.memory_space<vmem>>[vector<16xi32>, vector<16xi32>], vector<16xf32>,
      %gather3A_632 = tpu.vector_load_idx %arg14[%add3A_9, %broadcast_in_dim3A_619] : memref<64x128xf32, #tpu.memory_space<vmem>>[vector<16xi32>, vector<16xi32>], vector<16xf32>,
      %gather3A_633 = tpu.vector_load_idx %arg9[%shift_right_logical3A_22, %broadcast_in_dim3A_620] : memref<32x1024xi32, #tpu.memory_space<vmem>>[vector<16xi32>, vector<16xi32>], vector<16xi32>,
      %shift_left3A_634 = arith.constant 16 : i32
      %shift_left3A_635 = vector.broadcast %shift_left3A_634 : i32 to vector<16xi32>
      %shift_left3A_636 = arith.shli %gather3A_633, %shift_left3A_635 : vector<16xi32>
      %bitcast3A_637 = vector.bitcast %shift_left3A_636 : vector<16xi32> to vector<16xf32>
      %and3A_638 = arith.andi %gather3A_633, %broadcast_in_dim3A_51 : vector<16xi32>
      %bitcast3A_639 = vector.bitcast %and3A_638 : vector<16xi32> to vector<16xf32>
      %select_n3A_640 = arith.select %eq3A_38, %bitcast3A_639, %bitcast3A_637 : vector<16xi1>, vector<16xf32>
      %add3A_641 = arith.addf %gather3A_632, %select_n3A_640 : vector<16xf32>
      tpu.vector_store_idx %arg11[%add3A_9, %broadcast_in_dim3A_621], %add3A_641 : memref<64x128xf32, #tpu.memory_space<vmem>>[vector<16xi32>, vector<16xi32>], vector<16xf32>,
      %gather3A_642 = tpu.vector_load_idx %arg14[%add3A_13, %broadcast_in_dim3A_619] : memref<64x128xf32, #tpu.memory_space<vmem>>[vector<16xi32>, vector<16xi32>], vector<16xf32>,
      %gather3A_643 = tpu.vector_load_idx %arg9[%shift_right_logical3A_25, %broadcast_in_dim3A_620] : memref<32x1024xi32, #tpu.memory_space<vmem>>[vector<16xi32>, vector<16xi32>], vector<16xi32>,
      %shift_left3A_644 = arith.constant 16 : i32
      %shift_left3A_645 = vector.broadcast %shift_left3A_644 : i32 to vector<16xi32>
      %shift_left3A_646 = arith.shli %gather3A_643, %shift_left3A_645 : vector<16xi32>
      %bitcast3A_647 = vector.bitcast %shift_left3A_646 : vector<16xi32> to vector<16xf32>
      %and3A_648 = arith.andi %gather3A_643, %broadcast_in_dim3A_51 : vector<16xi32>
      %bitcast3A_649 = vector.bitcast %and3A_648 : vector<16xi32> to vector<16xf32>
      %select_n3A_650 = arith.select %eq3A_44, %bitcast3A_649, %bitcast3A_647 : vector<16xi1>, vector<16xf32>
      %add3A_651 = arith.addf %gather3A_642, %select_n3A_650 : vector<16xf32>
      tpu.vector_store_idx %arg11[%add3A_13, %broadcast_in_dim3A_621], %add3A_651 : memref<64x128xf32, #tpu.memory_space<vmem>>[vector<16xi32>, vector<16xi32>], vector<16xf32>,
      %gather3A_652 = tpu.vector_load_idx %arg14[%add3A_17, %broadcast_in_dim3A_619] : memref<64x128xf32, #tpu.memory_space<vmem>>[vector<16xi32>, vector<16xi32>], vector<16xf32>,
      %gather3A_653 = tpu.vector_load_idx %arg9[%shift_right_logical3A_28, %broadcast_in_dim3A_620] : memref<32x1024xi32, #tpu.memory_space<vmem>>[vector<16xi32>, vector<16xi32>], vector<16xi32>,
      %shift_left3A_654 = arith.constant 16 : i32
      %shift_left3A_655 = vector.broadcast %shift_left3A_654 : i32 to vector<16xi32>
      %shift_left3A_656 = arith.shli %gather3A_653, %shift_left3A_655 : vector<16xi32>
      %bitcast3A_657 = vector.bitcast %shift_left3A_656 : vector<16xi32> to vector<16xf32>
      %and3A_658 = arith.andi %gather3A_653, %broadcast_in_dim3A_51 : vector<16xi32>
      %bitcast3A_659 = vector.bitcast %and3A_658 : vector<16xi32> to vector<16xf32>
      %select_n3A_660 = arith.select %eq3A_50, %bitcast3A_659, %bitcast3A_657 : vector<16xi1>, vector<16xf32>
      %add3A_661 = arith.addf %gather3A_652, %select_n3A_660 : vector<16xf32>
      tpu.vector_store_idx %arg11[%add3A_17, %broadcast_in_dim3A_621], %add3A_661 : memref<64x128xf32, #tpu.memory_space<vmem>>[vector<16xi32>, vector<16xi32>], vector<16xf32>,
      %lt3A_662 = arith.constant 15 : i32
      %lt3A_663 = arith.cmpi slt, %scan3A_469, %lt3A_662 : i32
      %convert_element_type3A_664 = arith.extui %lt3A_663 : i1 to i32
      %cond3A_665 = arith.constant 0 : i32
      %cond3A_666 = arith.cmpi ne, %convert_element_type3A_664, %cond3A_665 : i32
      scf.if %cond3A_666 {
        %slice3A_987 = vector.extract_strided_slice %get3A_475 {offsets = [10], sizes = [1], strides = [1]} : vector<16xi32> to vector<1xi32>
        %squeeze3A_988 = vector.extract %slice3A_987[0] : i32 from vector<1xi32>
        %shift_right_logical3A_989 = arith.constant 7 : i32
        %shift_right_logical3A_990 = arith.shrui %squeeze3A_988, %shift_right_logical3A_989 : i32
        %mul3A_991 = arith.constant 128 : i32
        %mul3A_992 = arith.muli %shift_right_logical3A_990, %mul3A_991 : i32
        %multiple_of3A_993 = tpu.assume_multiple %mul3A_992, 128 : i32
        %dma_start3A_994 = arith.constant 0 : i32
        %dma_start3A_995 = tpu.memref_slice %arg5[%dma_start3A_994, %multiple_of3A_993] : memref<64x1000000xf32, #tpu.memory_space<hbm>> -> memref<64x128xf32, #tpu.memory_space<hbm>>
        %dma_start3A_996 = arith.constant 0 : i32
        %dma_start3A_997 = tpu.memref_slice %arg5[%dma_start3A_996, %multiple_of3A_993] : memref<64x1000000xf32, #tpu.memory_space<hbm>> -> memref<64x128xf32, #tpu.memory_space<hbm>>
        tpu.enqueue_dma source(%dma_start3A_997 : memref<64x128xf32, #tpu.memory_space<hbm>>) target(%arg14 : memref<64x128xf32, #tpu.memory_space<vmem>>) target_semaphore(%arg22 : memref<!tpu.dma_semaphore, #tpu.memory_space<semaphore_mem>>)
      } else {
      }
      %dma_wait3A_667 = arith.constant 0 : i32
      %dma_wait3A_668 = arith.constant 0 : i32
      %dma_wait3A_669 = tpu.memref_slice %arg5[%dma_wait3A_667, %dma_wait3A_668] : memref<64x1000000xf32, #tpu.memory_space<hbm>> -> memref<64x128xf32, #tpu.memory_space<hbm>>
      %dma_wait3A_670 = arith.constant 0 : i32
      %dma_wait3A_671 = arith.constant 0 : i32
      %dma_wait3A_672 = tpu.memref_slice %arg5[%dma_wait3A_670, %dma_wait3A_671] : memref<64x1000000xf32, #tpu.memory_space<hbm>> -> memref<64x128xf32, #tpu.memory_space<hbm>>
      tpu.wait_dma2 semaphore(%arg23 : memref<!tpu.dma_semaphore, #tpu.memory_space<semaphore_mem>>) src(%dma_wait3A_672 : memref<64x128xf32, #tpu.memory_space<hbm>>) dst(%arg15 : memref<64x128xf32, #tpu.memory_space<vmem>>)
      %slice3A_673 = vector.extract_strided_slice %get3A_475 {offsets = [3], sizes = [1], strides = [1]} : vector<16xi32> to vector<1xi32>
      %squeeze3A_674 = vector.extract %slice3A_673[0] : i32 from vector<1xi32>
      %slice3A_675 = vector.extract_strided_slice %get3A_481 {offsets = [3], sizes = [1], strides = [1]} : vector<16xi32> to vector<1xi32>
      %squeeze3A_676 = vector.extract %slice3A_675[0] : i32 from vector<1xi32>
      %mul3A_677 = arith.constant 8 : i32
      %mul3A_678 = arith.muli %scan3A_469, %mul3A_677 : i32
      %add3A_679 = arith.constant 3 : i32
      %add3A_680 = arith.addi %mul3A_678, %add3A_679 : i32
      %and3A_681 = arith.constant 127 : i32
      %and3A_682 = arith.andi %squeeze3A_674, %and3A_681 : i32
      %broadcast_in_dim3A_683 = vector.broadcast %and3A_682 : i32 to vector<16xi32>
      %broadcast_in_dim3A_684 = vector.broadcast %squeeze3A_676 : i32 to vector<16xi32>
      %broadcast_in_dim3A_685 = vector.broadcast %add3A_680 : i32 to vector<16xi32>
      %gather3A_686 = tpu.vector_load_idx %arg15[%add3A_5, %broadcast_in_dim3A_683] : memref<64x128xf32, #tpu.memory_space<vmem>>[vector<16xi32>, vector<16xi32>], vector<16xf32>,
      %gather3A_687 = tpu.vector_load_idx %arg9[%shift_right_logical3A_19, %broadcast_in_dim3A_684] : memref<32x1024xi32, #tpu.memory_space<vmem>>[vector<16xi32>, vector<16xi32>], vector<16xi32>,
      %shift_left3A_688 = arith.constant 16 : i32
      %shift_left3A_689 = vector.broadcast %shift_left3A_688 : i32 to vector<16xi32>
      %shift_left3A_690 = arith.shli %gather3A_687, %shift_left3A_689 : vector<16xi32>
      %bitcast3A_691 = vector.bitcast %shift_left3A_690 : vector<16xi32> to vector<16xf32>
      %and3A_692 = arith.andi %gather3A_687, %broadcast_in_dim3A_51 : vector<16xi32>
      %bitcast3A_693 = vector.bitcast %and3A_692 : vector<16xi32> to vector<16xf32>
      %select_n3A_694 = arith.select %eq3A_32, %bitcast3A_693, %bitcast3A_691 : vector<16xi1>, vector<16xf32>
      %add3A_695 = arith.addf %gather3A_686, %select_n3A_694 : vector<16xf32>
      tpu.vector_store_idx %arg11[%add3A_5, %broadcast_in_dim3A_685], %add3A_695 : memref<64x128xf32, #tpu.memory_space<vmem>>[vector<16xi32>, vector<16xi32>], vector<16xf32>,
      %gather3A_696 = tpu.vector_load_idx %arg15[%add3A_9, %broadcast_in_dim3A_683] : memref<64x128xf32, #tpu.memory_space<vmem>>[vector<16xi32>, vector<16xi32>], vector<16xf32>,
      %gather3A_697 = tpu.vector_load_idx %arg9[%shift_right_logical3A_22, %broadcast_in_dim3A_684] : memref<32x1024xi32, #tpu.memory_space<vmem>>[vector<16xi32>, vector<16xi32>], vector<16xi32>,
      %shift_left3A_698 = arith.constant 16 : i32
      %shift_left3A_699 = vector.broadcast %shift_left3A_698 : i32 to vector<16xi32>
      %shift_left3A_700 = arith.shli %gather3A_697, %shift_left3A_699 : vector<16xi32>
      %bitcast3A_701 = vector.bitcast %shift_left3A_700 : vector<16xi32> to vector<16xf32>
      %and3A_702 = arith.andi %gather3A_697, %broadcast_in_dim3A_51 : vector<16xi32>
      %bitcast3A_703 = vector.bitcast %and3A_702 : vector<16xi32> to vector<16xf32>
      %select_n3A_704 = arith.select %eq3A_38, %bitcast3A_703, %bitcast3A_701 : vector<16xi1>, vector<16xf32>
      %add3A_705 = arith.addf %gather3A_696, %select_n3A_704 : vector<16xf32>
      tpu.vector_store_idx %arg11[%add3A_9, %broadcast_in_dim3A_685], %add3A_705 : memref<64x128xf32, #tpu.memory_space<vmem>>[vector<16xi32>, vector<16xi32>], vector<16xf32>,
      %gather3A_706 = tpu.vector_load_idx %arg15[%add3A_13, %broadcast_in_dim3A_683] : memref<64x128xf32, #tpu.memory_space<vmem>>[vector<16xi32>, vector<16xi32>], vector<16xf32>,
      %gather3A_707 = tpu.vector_load_idx %arg9[%shift_right_logical3A_25, %broadcast_in_dim3A_684] : memref<32x1024xi32, #tpu.memory_space<vmem>>[vector<16xi32>, vector<16xi32>], vector<16xi32>,
      %shift_left3A_708 = arith.constant 16 : i32
      %shift_left3A_709 = vector.broadcast %shift_left3A_708 : i32 to vector<16xi32>
      %shift_left3A_710 = arith.shli %gather3A_707, %shift_left3A_709 : vector<16xi32>
      %bitcast3A_711 = vector.bitcast %shift_left3A_710 : vector<16xi32> to vector<16xf32>
      %and3A_712 = arith.andi %gather3A_707, %broadcast_in_dim3A_51 : vector<16xi32>
      %bitcast3A_713 = vector.bitcast %and3A_712 : vector<16xi32> to vector<16xf32>
      %select_n3A_714 = arith.select %eq3A_44, %bitcast3A_713, %bitcast3A_711 : vector<16xi1>, vector<16xf32>
      %add3A_715 = arith.addf %gather3A_706, %select_n3A_714 : vector<16xf32>
      tpu.vector_store_idx %arg11[%add3A_13, %broadcast_in_dim3A_685], %add3A_715 : memref<64x128xf32, #tpu.memory_space<vmem>>[vector<16xi32>, vector<16xi32>], vector<16xf32>,
      %gather3A_716 = tpu.vector_load_idx %arg15[%add3A_17, %broadcast_in_dim3A_683] : memref<64x128xf32, #tpu.memory_space<vmem>>[vector<16xi32>, vector<16xi32>], vector<16xf32>,
      %gather3A_717 = tpu.vector_load_idx %arg9[%shift_right_logical3A_28, %broadcast_in_dim3A_684] : memref<32x1024xi32, #tpu.memory_space<vmem>>[vector<16xi32>, vector<16xi32>], vector<16xi32>,
      %shift_left3A_718 = arith.constant 16 : i32
      %shift_left3A_719 = vector.broadcast %shift_left3A_718 : i32 to vector<16xi32>
      %shift_left3A_720 = arith.shli %gather3A_717, %shift_left3A_719 : vector<16xi32>
      %bitcast3A_721 = vector.bitcast %shift_left3A_720 : vector<16xi32> to vector<16xf32>
      %and3A_722 = arith.andi %gather3A_717, %broadcast_in_dim3A_51 : vector<16xi32>
      %bitcast3A_723 = vector.bitcast %and3A_722 : vector<16xi32> to vector<16xf32>
      %select_n3A_724 = arith.select %eq3A_50, %bitcast3A_723, %bitcast3A_721 : vector<16xi1>, vector<16xf32>
      %add3A_725 = arith.addf %gather3A_716, %select_n3A_724 : vector<16xf32>
      tpu.vector_store_idx %arg11[%add3A_17, %broadcast_in_dim3A_685], %add3A_725 : memref<64x128xf32, #tpu.memory_space<vmem>>[vector<16xi32>, vector<16xi32>], vector<16xf32>,
      %lt3A_726 = arith.constant 15 : i32
      %lt3A_727 = arith.cmpi slt, %scan3A_469, %lt3A_726 : i32
      %convert_element_type3A_728 = arith.extui %lt3A_727 : i1 to i32
      %cond3A_729 = arith.constant 0 : i32
      %cond3A_730 = arith.cmpi ne, %convert_element_type3A_728, %cond3A_729 : i32
      scf.if %cond3A_730 {
        %slice3A_987 = vector.extract_strided_slice %get3A_475 {offsets = [11], sizes = [1], strides = [1]} : vector<16xi32> to vector<1xi32>
        %squeeze3A_988 = vector.extract %slice3A_987[0] : i32 from vector<1xi32>
        %shift_right_logical3A_989 = arith.constant 7 : i32
        %shift_right_logical3A_990 = arith.shrui %squeeze3A_988, %shift_right_logical3A_989 : i32
        %mul3A_991 = arith.constant 128 : i32
        %mul3A_992 = arith.muli %shift_right_logical3A_990, %mul3A_991 : i32
        %multiple_of3A_993 = tpu.assume_multiple %mul3A_992, 128 : i32
        %dma_start3A_994 = arith.constant 0 : i32
        %dma_start3A_995 = tpu.memref_slice %arg5[%dma_start3A_994, %multiple_of3A_993] : memref<64x1000000xf32, #tpu.memory_space<hbm>> -> memref<64x128xf32, #tpu.memory_space<hbm>>
        %dma_start3A_996 = arith.constant 0 : i32
        %dma_start3A_997 = tpu.memref_slice %arg5[%dma_start3A_996, %multiple_of3A_993] : memref<64x1000000xf32, #tpu.memory_space<hbm>> -> memref<64x128xf32, #tpu.memory_space<hbm>>
        tpu.enqueue_dma source(%dma_start3A_997 : memref<64x128xf32, #tpu.memory_space<hbm>>) target(%arg15 : memref<64x128xf32, #tpu.memory_space<vmem>>) target_semaphore(%arg23 : memref<!tpu.dma_semaphore, #tpu.memory_space<semaphore_mem>>)
      } else {
      }
      %dma_wait3A_731 = arith.constant 0 : i32
      %dma_wait3A_732 = arith.constant 0 : i32
      %dma_wait3A_733 = tpu.memref_slice %arg5[%dma_wait3A_731, %dma_wait3A_732] : memref<64x1000000xf32, #tpu.memory_space<hbm>> -> memref<64x128xf32, #tpu.memory_space<hbm>>
      %dma_wait3A_734 = arith.constant 0 : i32
      %dma_wait3A_735 = arith.constant 0 : i32
      %dma_wait3A_736 = tpu.memref_slice %arg5[%dma_wait3A_734, %dma_wait3A_735] : memref<64x1000000xf32, #tpu.memory_space<hbm>> -> memref<64x128xf32, #tpu.memory_space<hbm>>
      tpu.wait_dma2 semaphore(%arg24 : memref<!tpu.dma_semaphore, #tpu.memory_space<semaphore_mem>>) src(%dma_wait3A_736 : memref<64x128xf32, #tpu.memory_space<hbm>>) dst(%arg16 : memref<64x128xf32, #tpu.memory_space<vmem>>)
      %slice3A_737 = vector.extract_strided_slice %get3A_475 {offsets = [4], sizes = [1], strides = [1]} : vector<16xi32> to vector<1xi32>
      %squeeze3A_738 = vector.extract %slice3A_737[0] : i32 from vector<1xi32>
      %slice3A_739 = vector.extract_strided_slice %get3A_481 {offsets = [4], sizes = [1], strides = [1]} : vector<16xi32> to vector<1xi32>
      %squeeze3A_740 = vector.extract %slice3A_739[0] : i32 from vector<1xi32>
      %mul3A_741 = arith.constant 8 : i32
      %mul3A_742 = arith.muli %scan3A_469, %mul3A_741 : i32
      %add3A_743 = arith.constant 4 : i32
      %add3A_744 = arith.addi %mul3A_742, %add3A_743 : i32
      %and3A_745 = arith.constant 127 : i32
      %and3A_746 = arith.andi %squeeze3A_738, %and3A_745 : i32
      %broadcast_in_dim3A_747 = vector.broadcast %and3A_746 : i32 to vector<16xi32>
      %broadcast_in_dim3A_748 = vector.broadcast %squeeze3A_740 : i32 to vector<16xi32>
      %broadcast_in_dim3A_749 = vector.broadcast %add3A_744 : i32 to vector<16xi32>
      %gather3A_750 = tpu.vector_load_idx %arg16[%add3A_5, %broadcast_in_dim3A_747] : memref<64x128xf32, #tpu.memory_space<vmem>>[vector<16xi32>, vector<16xi32>], vector<16xf32>,
      %gather3A_751 = tpu.vector_load_idx %arg9[%shift_right_logical3A_19, %broadcast_in_dim3A_748] : memref<32x1024xi32, #tpu.memory_space<vmem>>[vector<16xi32>, vector<16xi32>], vector<16xi32>,
      %shift_left3A_752 = arith.constant 16 : i32
      %shift_left3A_753 = vector.broadcast %shift_left3A_752 : i32 to vector<16xi32>
      %shift_left3A_754 = arith.shli %gather3A_751, %shift_left3A_753 : vector<16xi32>
      %bitcast3A_755 = vector.bitcast %shift_left3A_754 : vector<16xi32> to vector<16xf32>
      %and3A_756 = arith.andi %gather3A_751, %broadcast_in_dim3A_51 : vector<16xi32>
      %bitcast3A_757 = vector.bitcast %and3A_756 : vector<16xi32> to vector<16xf32>
      %select_n3A_758 = arith.select %eq3A_32, %bitcast3A_757, %bitcast3A_755 : vector<16xi1>, vector<16xf32>
      %add3A_759 = arith.addf %gather3A_750, %select_n3A_758 : vector<16xf32>
      tpu.vector_store_idx %arg11[%add3A_5, %broadcast_in_dim3A_749], %add3A_759 : memref<64x128xf32, #tpu.memory_space<vmem>>[vector<16xi32>, vector<16xi32>], vector<16xf32>,
      %gather3A_760 = tpu.vector_load_idx %arg16[%add3A_9, %broadcast_in_dim3A_747] : memref<64x128xf32, #tpu.memory_space<vmem>>[vector<16xi32>, vector<16xi32>], vector<16xf32>,
      %gather3A_761 = tpu.vector_load_idx %arg9[%shift_right_logical3A_22, %broadcast_in_dim3A_748] : memref<32x1024xi32, #tpu.memory_space<vmem>>[vector<16xi32>, vector<16xi32>], vector<16xi32>,
      %shift_left3A_762 = arith.constant 16 : i32
      %shift_left3A_763 = vector.broadcast %shift_left3A_762 : i32 to vector<16xi32>
      %shift_left3A_764 = arith.shli %gather3A_761, %shift_left3A_763 : vector<16xi32>
      %bitcast3A_765 = vector.bitcast %shift_left3A_764 : vector<16xi32> to vector<16xf32>
      %and3A_766 = arith.andi %gather3A_761, %broadcast_in_dim3A_51 : vector<16xi32>
      %bitcast3A_767 = vector.bitcast %and3A_766 : vector<16xi32> to vector<16xf32>
      %select_n3A_768 = arith.select %eq3A_38, %bitcast3A_767, %bitcast3A_765 : vector<16xi1>, vector<16xf32>
      %add3A_769 = arith.addf %gather3A_760, %select_n3A_768 : vector<16xf32>
      tpu.vector_store_idx %arg11[%add3A_9, %broadcast_in_dim3A_749], %add3A_769 : memref<64x128xf32, #tpu.memory_space<vmem>>[vector<16xi32>, vector<16xi32>], vector<16xf32>,
      %gather3A_770 = tpu.vector_load_idx %arg16[%add3A_13, %broadcast_in_dim3A_747] : memref<64x128xf32, #tpu.memory_space<vmem>>[vector<16xi32>, vector<16xi32>], vector<16xf32>,
      %gather3A_771 = tpu.vector_load_idx %arg9[%shift_right_logical3A_25, %broadcast_in_dim3A_748] : memref<32x1024xi32, #tpu.memory_space<vmem>>[vector<16xi32>, vector<16xi32>], vector<16xi32>,
      %shift_left3A_772 = arith.constant 16 : i32
      %shift_left3A_773 = vector.broadcast %shift_left3A_772 : i32 to vector<16xi32>
      %shift_left3A_774 = arith.shli %gather3A_771, %shift_left3A_773 : vector<16xi32>
      %bitcast3A_775 = vector.bitcast %shift_left3A_774 : vector<16xi32> to vector<16xf32>
      %and3A_776 = arith.andi %gather3A_771, %broadcast_in_dim3A_51 : vector<16xi32>
      %bitcast3A_777 = vector.bitcast %and3A_776 : vector<16xi32> to vector<16xf32>
      %select_n3A_778 = arith.select %eq3A_44, %bitcast3A_777, %bitcast3A_775 : vector<16xi1>, vector<16xf32>
      %add3A_779 = arith.addf %gather3A_770, %select_n3A_778 : vector<16xf32>
      tpu.vector_store_idx %arg11[%add3A_13, %broadcast_in_dim3A_749], %add3A_779 : memref<64x128xf32, #tpu.memory_space<vmem>>[vector<16xi32>, vector<16xi32>], vector<16xf32>,
      %gather3A_780 = tpu.vector_load_idx %arg16[%add3A_17, %broadcast_in_dim3A_747] : memref<64x128xf32, #tpu.memory_space<vmem>>[vector<16xi32>, vector<16xi32>], vector<16xf32>,
      %gather3A_781 = tpu.vector_load_idx %arg9[%shift_right_logical3A_28, %broadcast_in_dim3A_748] : memref<32x1024xi32, #tpu.memory_space<vmem>>[vector<16xi32>, vector<16xi32>], vector<16xi32>,
      %shift_left3A_782 = arith.constant 16 : i32
      %shift_left3A_783 = vector.broadcast %shift_left3A_782 : i32 to vector<16xi32>
      %shift_left3A_784 = arith.shli %gather3A_781, %shift_left3A_783 : vector<16xi32>
      %bitcast3A_785 = vector.bitcast %shift_left3A_784 : vector<16xi32> to vector<16xf32>
      %and3A_786 = arith.andi %gather3A_781, %broadcast_in_dim3A_51 : vector<16xi32>
      %bitcast3A_787 = vector.bitcast %and3A_786 : vector<16xi32> to vector<16xf32>
      %select_n3A_788 = arith.select %eq3A_50, %bitcast3A_787, %bitcast3A_785 : vector<16xi1>, vector<16xf32>
      %add3A_789 = arith.addf %gather3A_780, %select_n3A_788 : vector<16xf32>
      tpu.vector_store_idx %arg11[%add3A_17, %broadcast_in_dim3A_749], %add3A_789 : memref<64x128xf32, #tpu.memory_space<vmem>>[vector<16xi32>, vector<16xi32>], vector<16xf32>,
      %lt3A_790 = arith.constant 15 : i32
      %lt3A_791 = arith.cmpi slt, %scan3A_469, %lt3A_790 : i32
      %convert_element_type3A_792 = arith.extui %lt3A_791 : i1 to i32
      %cond3A_793 = arith.constant 0 : i32
      %cond3A_794 = arith.cmpi ne, %convert_element_type3A_792, %cond3A_793 : i32
      scf.if %cond3A_794 {
        %slice3A_987 = vector.extract_strided_slice %get3A_475 {offsets = [12], sizes = [1], strides = [1]} : vector<16xi32> to vector<1xi32>
        %squeeze3A_988 = vector.extract %slice3A_987[0] : i32 from vector<1xi32>
        %shift_right_logical3A_989 = arith.constant 7 : i32
        %shift_right_logical3A_990 = arith.shrui %squeeze3A_988, %shift_right_logical3A_989 : i32
        %mul3A_991 = arith.constant 128 : i32
        %mul3A_992 = arith.muli %shift_right_logical3A_990, %mul3A_991 : i32
        %multiple_of3A_993 = tpu.assume_multiple %mul3A_992, 128 : i32
        %dma_start3A_994 = arith.constant 0 : i32
        %dma_start3A_995 = tpu.memref_slice %arg5[%dma_start3A_994, %multiple_of3A_993] : memref<64x1000000xf32, #tpu.memory_space<hbm>> -> memref<64x128xf32, #tpu.memory_space<hbm>>
        %dma_start3A_996 = arith.constant 0 : i32
        %dma_start3A_997 = tpu.memref_slice %arg5[%dma_start3A_996, %multiple_of3A_993] : memref<64x1000000xf32, #tpu.memory_space<hbm>> -> memref<64x128xf32, #tpu.memory_space<hbm>>
        tpu.enqueue_dma source(%dma_start3A_997 : memref<64x128xf32, #tpu.memory_space<hbm>>) target(%arg16 : memref<64x128xf32, #tpu.memory_space<vmem>>) target_semaphore(%arg24 : memref<!tpu.dma_semaphore, #tpu.memory_space<semaphore_mem>>)
      } else {
      }
      %dma_wait3A_795 = arith.constant 0 : i32
      %dma_wait3A_796 = arith.constant 0 : i32
      %dma_wait3A_797 = tpu.memref_slice %arg5[%dma_wait3A_795, %dma_wait3A_796] : memref<64x1000000xf32, #tpu.memory_space<hbm>> -> memref<64x128xf32, #tpu.memory_space<hbm>>
      %dma_wait3A_798 = arith.constant 0 : i32
      %dma_wait3A_799 = arith.constant 0 : i32
      %dma_wait3A_800 = tpu.memref_slice %arg5[%dma_wait3A_798, %dma_wait3A_799] : memref<64x1000000xf32, #tpu.memory_space<hbm>> -> memref<64x128xf32, #tpu.memory_space<hbm>>
      tpu.wait_dma2 semaphore(%arg25 : memref<!tpu.dma_semaphore, #tpu.memory_space<semaphore_mem>>) src(%dma_wait3A_800 : memref<64x128xf32, #tpu.memory_space<hbm>>) dst(%arg17 : memref<64x128xf32, #tpu.memory_space<vmem>>)
      %slice3A_801 = vector.extract_strided_slice %get3A_475 {offsets = [5], sizes = [1], strides = [1]} : vector<16xi32> to vector<1xi32>
      %squeeze3A_802 = vector.extract %slice3A_801[0] : i32 from vector<1xi32>
      %slice3A_803 = vector.extract_strided_slice %get3A_481 {offsets = [5], sizes = [1], strides = [1]} : vector<16xi32> to vector<1xi32>
      %squeeze3A_804 = vector.extract %slice3A_803[0] : i32 from vector<1xi32>
      %mul3A_805 = arith.constant 8 : i32
      %mul3A_806 = arith.muli %scan3A_469, %mul3A_805 : i32
      %add3A_807 = arith.constant 5 : i32
      %add3A_808 = arith.addi %mul3A_806, %add3A_807 : i32
      %and3A_809 = arith.constant 127 : i32
      %and3A_810 = arith.andi %squeeze3A_802, %and3A_809 : i32
      %broadcast_in_dim3A_811 = vector.broadcast %and3A_810 : i32 to vector<16xi32>
      %broadcast_in_dim3A_812 = vector.broadcast %squeeze3A_804 : i32 to vector<16xi32>
      %broadcast_in_dim3A_813 = vector.broadcast %add3A_808 : i32 to vector<16xi32>
      %gather3A_814 = tpu.vector_load_idx %arg17[%add3A_5, %broadcast_in_dim3A_811] : memref<64x128xf32, #tpu.memory_space<vmem>>[vector<16xi32>, vector<16xi32>], vector<16xf32>,
      %gather3A_815 = tpu.vector_load_idx %arg9[%shift_right_logical3A_19, %broadcast_in_dim3A_812] : memref<32x1024xi32, #tpu.memory_space<vmem>>[vector<16xi32>, vector<16xi32>], vector<16xi32>,
      %shift_left3A_816 = arith.constant 16 : i32
      %shift_left3A_817 = vector.broadcast %shift_left3A_816 : i32 to vector<16xi32>
      %shift_left3A_818 = arith.shli %gather3A_815, %shift_left3A_817 : vector<16xi32>
      %bitcast3A_819 = vector.bitcast %shift_left3A_818 : vector<16xi32> to vector<16xf32>
      %and3A_820 = arith.andi %gather3A_815, %broadcast_in_dim3A_51 : vector<16xi32>
      %bitcast3A_821 = vector.bitcast %and3A_820 : vector<16xi32> to vector<16xf32>
      %select_n3A_822 = arith.select %eq3A_32, %bitcast3A_821, %bitcast3A_819 : vector<16xi1>, vector<16xf32>
      %add3A_823 = arith.addf %gather3A_814, %select_n3A_822 : vector<16xf32>
      tpu.vector_store_idx %arg11[%add3A_5, %broadcast_in_dim3A_813], %add3A_823 : memref<64x128xf32, #tpu.memory_space<vmem>>[vector<16xi32>, vector<16xi32>], vector<16xf32>,
      %gather3A_824 = tpu.vector_load_idx %arg17[%add3A_9, %broadcast_in_dim3A_811] : memref<64x128xf32, #tpu.memory_space<vmem>>[vector<16xi32>, vector<16xi32>], vector<16xf32>,
      %gather3A_825 = tpu.vector_load_idx %arg9[%shift_right_logical3A_22, %broadcast_in_dim3A_812] : memref<32x1024xi32, #tpu.memory_space<vmem>>[vector<16xi32>, vector<16xi32>], vector<16xi32>,
      %shift_left3A_826 = arith.constant 16 : i32
      %shift_left3A_827 = vector.broadcast %shift_left3A_826 : i32 to vector<16xi32>
      %shift_left3A_828 = arith.shli %gather3A_825, %shift_left3A_827 : vector<16xi32>
      %bitcast3A_829 = vector.bitcast %shift_left3A_828 : vector<16xi32> to vector<16xf32>
      %and3A_830 = arith.andi %gather3A_825, %broadcast_in_dim3A_51 : vector<16xi32>
      %bitcast3A_831 = vector.bitcast %and3A_830 : vector<16xi32> to vector<16xf32>
      %select_n3A_832 = arith.select %eq3A_38, %bitcast3A_831, %bitcast3A_829 : vector<16xi1>, vector<16xf32>
      %add3A_833 = arith.addf %gather3A_824, %select_n3A_832 : vector<16xf32>
      tpu.vector_store_idx %arg11[%add3A_9, %broadcast_in_dim3A_813], %add3A_833 : memref<64x128xf32, #tpu.memory_space<vmem>>[vector<16xi32>, vector<16xi32>], vector<16xf32>,
      %gather3A_834 = tpu.vector_load_idx %arg17[%add3A_13, %broadcast_in_dim3A_811] : memref<64x128xf32, #tpu.memory_space<vmem>>[vector<16xi32>, vector<16xi32>], vector<16xf32>,
      %gather3A_835 = tpu.vector_load_idx %arg9[%shift_right_logical3A_25, %broadcast_in_dim3A_812] : memref<32x1024xi32, #tpu.memory_space<vmem>>[vector<16xi32>, vector<16xi32>], vector<16xi32>,
      %shift_left3A_836 = arith.constant 16 : i32
      %shift_left3A_837 = vector.broadcast %shift_left3A_836 : i32 to vector<16xi32>
      %shift_left3A_838 = arith.shli %gather3A_835, %shift_left3A_837 : vector<16xi32>
      %bitcast3A_839 = vector.bitcast %shift_left3A_838 : vector<16xi32> to vector<16xf32>
      %and3A_840 = arith.andi %gather3A_835, %broadcast_in_dim3A_51 : vector<16xi32>
      %bitcast3A_841 = vector.bitcast %and3A_840 : vector<16xi32> to vector<16xf32>
      %select_n3A_842 = arith.select %eq3A_44, %bitcast3A_841, %bitcast3A_839 : vector<16xi1>, vector<16xf32>
      %add3A_843 = arith.addf %gather3A_834, %select_n3A_842 : vector<16xf32>
      tpu.vector_store_idx %arg11[%add3A_13, %broadcast_in_dim3A_813], %add3A_843 : memref<64x128xf32, #tpu.memory_space<vmem>>[vector<16xi32>, vector<16xi32>], vector<16xf32>,
      %gather3A_844 = tpu.vector_load_idx %arg17[%add3A_17, %broadcast_in_dim3A_811] : memref<64x128xf32, #tpu.memory_space<vmem>>[vector<16xi32>, vector<16xi32>], vector<16xf32>,
      %gather3A_845 = tpu.vector_load_idx %arg9[%shift_right_logical3A_28, %broadcast_in_dim3A_812] : memref<32x1024xi32, #tpu.memory_space<vmem>>[vector<16xi32>, vector<16xi32>], vector<16xi32>,
      %shift_left3A_846 = arith.constant 16 : i32
      %shift_left3A_847 = vector.broadcast %shift_left3A_846 : i32 to vector<16xi32>
      %shift_left3A_848 = arith.shli %gather3A_845, %shift_left3A_847 : vector<16xi32>
      %bitcast3A_849 = vector.bitcast %shift_left3A_848 : vector<16xi32> to vector<16xf32>
      %and3A_850 = arith.andi %gather3A_845, %broadcast_in_dim3A_51 : vector<16xi32>
      %bitcast3A_851 = vector.bitcast %and3A_850 : vector<16xi32> to vector<16xf32>
      %select_n3A_852 = arith.select %eq3A_50, %bitcast3A_851, %bitcast3A_849 : vector<16xi1>, vector<16xf32>
      %add3A_853 = arith.addf %gather3A_844, %select_n3A_852 : vector<16xf32>
      tpu.vector_store_idx %arg11[%add3A_17, %broadcast_in_dim3A_813], %add3A_853 : memref<64x128xf32, #tpu.memory_space<vmem>>[vector<16xi32>, vector<16xi32>], vector<16xf32>,
      %lt3A_854 = arith.constant 15 : i32
      %lt3A_855 = arith.cmpi slt, %scan3A_469, %lt3A_854 : i32
      %convert_element_type3A_856 = arith.extui %lt3A_855 : i1 to i32
      %cond3A_857 = arith.constant 0 : i32
      %cond3A_858 = arith.cmpi ne, %convert_element_type3A_856, %cond3A_857 : i32
      scf.if %cond3A_858 {
        %slice3A_987 = vector.extract_strided_slice %get3A_475 {offsets = [13], sizes = [1], strides = [1]} : vector<16xi32> to vector<1xi32>
        %squeeze3A_988 = vector.extract %slice3A_987[0] : i32 from vector<1xi32>
        %shift_right_logical3A_989 = arith.constant 7 : i32
        %shift_right_logical3A_990 = arith.shrui %squeeze3A_988, %shift_right_logical3A_989 : i32
        %mul3A_991 = arith.constant 128 : i32
        %mul3A_992 = arith.muli %shift_right_logical3A_990, %mul3A_991 : i32
        %multiple_of3A_993 = tpu.assume_multiple %mul3A_992, 128 : i32
        %dma_start3A_994 = arith.constant 0 : i32
        %dma_start3A_995 = tpu.memref_slice %arg5[%dma_start3A_994, %multiple_of3A_993] : memref<64x1000000xf32, #tpu.memory_space<hbm>> -> memref<64x128xf32, #tpu.memory_space<hbm>>
        %dma_start3A_996 = arith.constant 0 : i32
        %dma_start3A_997 = tpu.memref_slice %arg5[%dma_start3A_996, %multiple_of3A_993] : memref<64x1000000xf32, #tpu.memory_space<hbm>> -> memref<64x128xf32, #tpu.memory_space<hbm>>
        tpu.enqueue_dma source(%dma_start3A_997 : memref<64x128xf32, #tpu.memory_space<hbm>>) target(%arg17 : memref<64x128xf32, #tpu.memory_space<vmem>>) target_semaphore(%arg25 : memref<!tpu.dma_semaphore, #tpu.memory_space<semaphore_mem>>)
      } else {
      }
      %dma_wait3A_859 = arith.constant 0 : i32
      %dma_wait3A_860 = arith.constant 0 : i32
      %dma_wait3A_861 = tpu.memref_slice %arg5[%dma_wait3A_859, %dma_wait3A_860] : memref<64x1000000xf32, #tpu.memory_space<hbm>> -> memref<64x128xf32, #tpu.memory_space<hbm>>
      %dma_wait3A_862 = arith.constant 0 : i32
      %dma_wait3A_863 = arith.constant 0 : i32
      %dma_wait3A_864 = tpu.memref_slice %arg5[%dma_wait3A_862, %dma_wait3A_863] : memref<64x1000000xf32, #tpu.memory_space<hbm>> -> memref<64x128xf32, #tpu.memory_space<hbm>>
      tpu.wait_dma2 semaphore(%arg26 : memref<!tpu.dma_semaphore, #tpu.memory_space<semaphore_mem>>) src(%dma_wait3A_864 : memref<64x128xf32, #tpu.memory_space<hbm>>) dst(%arg18 : memref<64x128xf32, #tpu.memory_space<vmem>>)
      %slice3A_865 = vector.extract_strided_slice %get3A_475 {offsets = [6], sizes = [1], strides = [1]} : vector<16xi32> to vector<1xi32>
      %squeeze3A_866 = vector.extract %slice3A_865[0] : i32 from vector<1xi32>
      %slice3A_867 = vector.extract_strided_slice %get3A_481 {offsets = [6], sizes = [1], strides = [1]} : vector<16xi32> to vector<1xi32>
      %squeeze3A_868 = vector.extract %slice3A_867[0] : i32 from vector<1xi32>
      %mul3A_869 = arith.constant 8 : i32
      %mul3A_870 = arith.muli %scan3A_469, %mul3A_869 : i32
      %add3A_871 = arith.constant 6 : i32
      %add3A_872 = arith.addi %mul3A_870, %add3A_871 : i32
      %and3A_873 = arith.constant 127 : i32
      %and3A_874 = arith.andi %squeeze3A_866, %and3A_873 : i32
      %broadcast_in_dim3A_875 = vector.broadcast %and3A_874 : i32 to vector<16xi32>
      %broadcast_in_dim3A_876 = vector.broadcast %squeeze3A_868 : i32 to vector<16xi32>
      %broadcast_in_dim3A_877 = vector.broadcast %add3A_872 : i32 to vector<16xi32>
      %gather3A_878 = tpu.vector_load_idx %arg18[%add3A_5, %broadcast_in_dim3A_875] : memref<64x128xf32, #tpu.memory_space<vmem>>[vector<16xi32>, vector<16xi32>], vector<16xf32>,
      %gather3A_879 = tpu.vector_load_idx %arg9[%shift_right_logical3A_19, %broadcast_in_dim3A_876] : memref<32x1024xi32, #tpu.memory_space<vmem>>[vector<16xi32>, vector<16xi32>], vector<16xi32>,
      %shift_left3A_880 = arith.constant 16 : i32
      %shift_left3A_881 = vector.broadcast %shift_left3A_880 : i32 to vector<16xi32>
      %shift_left3A_882 = arith.shli %gather3A_879, %shift_left3A_881 : vector<16xi32>
      %bitcast3A_883 = vector.bitcast %shift_left3A_882 : vector<16xi32> to vector<16xf32>
      %and3A_884 = arith.andi %gather3A_879, %broadcast_in_dim3A_51 : vector<16xi32>
      %bitcast3A_885 = vector.bitcast %and3A_884 : vector<16xi32> to vector<16xf32>
      %select_n3A_886 = arith.select %eq3A_32, %bitcast3A_885, %bitcast3A_883 : vector<16xi1>, vector<16xf32>
      %add3A_887 = arith.addf %gather3A_878, %select_n3A_886 : vector<16xf32>
      tpu.vector_store_idx %arg11[%add3A_5, %broadcast_in_dim3A_877], %add3A_887 : memref<64x128xf32, #tpu.memory_space<vmem>>[vector<16xi32>, vector<16xi32>], vector<16xf32>,
      %gather3A_888 = tpu.vector_load_idx %arg18[%add3A_9, %broadcast_in_dim3A_875] : memref<64x128xf32, #tpu.memory_space<vmem>>[vector<16xi32>, vector<16xi32>], vector<16xf32>,
      %gather3A_889 = tpu.vector_load_idx %arg9[%shift_right_logical3A_22, %broadcast_in_dim3A_876] : memref<32x1024xi32, #tpu.memory_space<vmem>>[vector<16xi32>, vector<16xi32>], vector<16xi32>,
      %shift_left3A_890 = arith.constant 16 : i32
      %shift_left3A_891 = vector.broadcast %shift_left3A_890 : i32 to vector<16xi32>
      %shift_left3A_892 = arith.shli %gather3A_889, %shift_left3A_891 : vector<16xi32>
      %bitcast3A_893 = vector.bitcast %shift_left3A_892 : vector<16xi32> to vector<16xf32>
      %and3A_894 = arith.andi %gather3A_889, %broadcast_in_dim3A_51 : vector<16xi32>
      %bitcast3A_895 = vector.bitcast %and3A_894 : vector<16xi32> to vector<16xf32>
      %select_n3A_896 = arith.select %eq3A_38, %bitcast3A_895, %bitcast3A_893 : vector<16xi1>, vector<16xf32>
      %add3A_897 = arith.addf %gather3A_888, %select_n3A_896 : vector<16xf32>
      tpu.vector_store_idx %arg11[%add3A_9, %broadcast_in_dim3A_877], %add3A_897 : memref<64x128xf32, #tpu.memory_space<vmem>>[vector<16xi32>, vector<16xi32>], vector<16xf32>,
      %gather3A_898 = tpu.vector_load_idx %arg18[%add3A_13, %broadcast_in_dim3A_875] : memref<64x128xf32, #tpu.memory_space<vmem>>[vector<16xi32>, vector<16xi32>], vector<16xf32>,
      %gather3A_899 = tpu.vector_load_idx %arg9[%shift_right_logical3A_25, %broadcast_in_dim3A_876] : memref<32x1024xi32, #tpu.memory_space<vmem>>[vector<16xi32>, vector<16xi32>], vector<16xi32>,
      %shift_left3A_900 = arith.constant 16 : i32
      %shift_left3A_901 = vector.broadcast %shift_left3A_900 : i32 to vector<16xi32>
      %shift_left3A_902 = arith.shli %gather3A_899, %shift_left3A_901 : vector<16xi32>
      %bitcast3A_903 = vector.bitcast %shift_left3A_902 : vector<16xi32> to vector<16xf32>
      %and3A_904 = arith.andi %gather3A_899, %broadcast_in_dim3A_51 : vector<16xi32>
      %bitcast3A_905 = vector.bitcast %and3A_904 : vector<16xi32> to vector<16xf32>
      %select_n3A_906 = arith.select %eq3A_44, %bitcast3A_905, %bitcast3A_903 : vector<16xi1>, vector<16xf32>
      %add3A_907 = arith.addf %gather3A_898, %select_n3A_906 : vector<16xf32>
      tpu.vector_store_idx %arg11[%add3A_13, %broadcast_in_dim3A_877], %add3A_907 : memref<64x128xf32, #tpu.memory_space<vmem>>[vector<16xi32>, vector<16xi32>], vector<16xf32>,
      %gather3A_908 = tpu.vector_load_idx %arg18[%add3A_17, %broadcast_in_dim3A_875] : memref<64x128xf32, #tpu.memory_space<vmem>>[vector<16xi32>, vector<16xi32>], vector<16xf32>,
      %gather3A_909 = tpu.vector_load_idx %arg9[%shift_right_logical3A_28, %broadcast_in_dim3A_876] : memref<32x1024xi32, #tpu.memory_space<vmem>>[vector<16xi32>, vector<16xi32>], vector<16xi32>,
      %shift_left3A_910 = arith.constant 16 : i32
      %shift_left3A_911 = vector.broadcast %shift_left3A_910 : i32 to vector<16xi32>
      %shift_left3A_912 = arith.shli %gather3A_909, %shift_left3A_911 : vector<16xi32>
      %bitcast3A_913 = vector.bitcast %shift_left3A_912 : vector<16xi32> to vector<16xf32>
      %and3A_914 = arith.andi %gather3A_909, %broadcast_in_dim3A_51 : vector<16xi32>
      %bitcast3A_915 = vector.bitcast %and3A_914 : vector<16xi32> to vector<16xf32>
      %select_n3A_916 = arith.select %eq3A_50, %bitcast3A_915, %bitcast3A_913 : vector<16xi1>, vector<16xf32>
      %add3A_917 = arith.addf %gather3A_908, %select_n3A_916 : vector<16xf32>
      tpu.vector_store_idx %arg11[%add3A_17, %broadcast_in_dim3A_877], %add3A_917 : memref<64x128xf32, #tpu.memory_space<vmem>>[vector<16xi32>, vector<16xi32>], vector<16xf32>,
      %lt3A_918 = arith.constant 15 : i32
      %lt3A_919 = arith.cmpi slt, %scan3A_469, %lt3A_918 : i32
      %convert_element_type3A_920 = arith.extui %lt3A_919 : i1 to i32
      %cond3A_921 = arith.constant 0 : i32
      %cond3A_922 = arith.cmpi ne, %convert_element_type3A_920, %cond3A_921 : i32
      scf.if %cond3A_922 {
        %slice3A_987 = vector.extract_strided_slice %get3A_475 {offsets = [14], sizes = [1], strides = [1]} : vector<16xi32> to vector<1xi32>
        %squeeze3A_988 = vector.extract %slice3A_987[0] : i32 from vector<1xi32>
        %shift_right_logical3A_989 = arith.constant 7 : i32
        %shift_right_logical3A_990 = arith.shrui %squeeze3A_988, %shift_right_logical3A_989 : i32
        %mul3A_991 = arith.constant 128 : i32
        %mul3A_992 = arith.muli %shift_right_logical3A_990, %mul3A_991 : i32
        %multiple_of3A_993 = tpu.assume_multiple %mul3A_992, 128 : i32
        %dma_start3A_994 = arith.constant 0 : i32
        %dma_start3A_995 = tpu.memref_slice %arg5[%dma_start3A_994, %multiple_of3A_993] : memref<64x1000000xf32, #tpu.memory_space<hbm>> -> memref<64x128xf32, #tpu.memory_space<hbm>>
        %dma_start3A_996 = arith.constant 0 : i32
        %dma_start3A_997 = tpu.memref_slice %arg5[%dma_start3A_996, %multiple_of3A_993] : memref<64x1000000xf32, #tpu.memory_space<hbm>> -> memref<64x128xf32, #tpu.memory_space<hbm>>
        tpu.enqueue_dma source(%dma_start3A_997 : memref<64x128xf32, #tpu.memory_space<hbm>>) target(%arg18 : memref<64x128xf32, #tpu.memory_space<vmem>>) target_semaphore(%arg26 : memref<!tpu.dma_semaphore, #tpu.memory_space<semaphore_mem>>)
      } else {
      }
      %dma_wait3A_923 = arith.constant 0 : i32
      %dma_wait3A_924 = arith.constant 0 : i32
      %dma_wait3A_925 = tpu.memref_slice %arg5[%dma_wait3A_923, %dma_wait3A_924] : memref<64x1000000xf32, #tpu.memory_space<hbm>> -> memref<64x128xf32, #tpu.memory_space<hbm>>
      %dma_wait3A_926 = arith.constant 0 : i32
      %dma_wait3A_927 = arith.constant 0 : i32
      %dma_wait3A_928 = tpu.memref_slice %arg5[%dma_wait3A_926, %dma_wait3A_927] : memref<64x1000000xf32, #tpu.memory_space<hbm>> -> memref<64x128xf32, #tpu.memory_space<hbm>>
      tpu.wait_dma2 semaphore(%arg27 : memref<!tpu.dma_semaphore, #tpu.memory_space<semaphore_mem>>) src(%dma_wait3A_928 : memref<64x128xf32, #tpu.memory_space<hbm>>) dst(%arg19 : memref<64x128xf32, #tpu.memory_space<vmem>>)
      %slice3A_929 = vector.extract_strided_slice %get3A_475 {offsets = [7], sizes = [1], strides = [1]} : vector<16xi32> to vector<1xi32>
      %squeeze3A_930 = vector.extract %slice3A_929[0] : i32 from vector<1xi32>
      %slice3A_931 = vector.extract_strided_slice %get3A_481 {offsets = [7], sizes = [1], strides = [1]} : vector<16xi32> to vector<1xi32>
      %squeeze3A_932 = vector.extract %slice3A_931[0] : i32 from vector<1xi32>
      %mul3A_933 = arith.constant 8 : i32
      %mul3A_934 = arith.muli %scan3A_469, %mul3A_933 : i32
      %add3A_935 = arith.constant 7 : i32
      %add3A_936 = arith.addi %mul3A_934, %add3A_935 : i32
      %and3A_937 = arith.constant 127 : i32
      %and3A_938 = arith.andi %squeeze3A_930, %and3A_937 : i32
      %broadcast_in_dim3A_939 = vector.broadcast %and3A_938 : i32 to vector<16xi32>
      %broadcast_in_dim3A_940 = vector.broadcast %squeeze3A_932 : i32 to vector<16xi32>
      %broadcast_in_dim3A_941 = vector.broadcast %add3A_936 : i32 to vector<16xi32>
      %gather3A_942 = tpu.vector_load_idx %arg19[%add3A_5, %broadcast_in_dim3A_939] : memref<64x128xf32, #tpu.memory_space<vmem>>[vector<16xi32>, vector<16xi32>], vector<16xf32>,
      %gather3A_943 = tpu.vector_load_idx %arg9[%shift_right_logical3A_19, %broadcast_in_dim3A_940] : memref<32x1024xi32, #tpu.memory_space<vmem>>[vector<16xi32>, vector<16xi32>], vector<16xi32>,
      %shift_left3A_944 = arith.constant 16 : i32
      %shift_left3A_945 = vector.broadcast %shift_left3A_944 : i32 to vector<16xi32>
      %shift_left3A_946 = arith.shli %gather3A_943, %shift_left3A_945 : vector<16xi32>
      %bitcast3A_947 = vector.bitcast %shift_left3A_946 : vector<16xi32> to vector<16xf32>
      %and3A_948 = arith.andi %gather3A_943, %broadcast_in_dim3A_51 : vector<16xi32>
      %bitcast3A_949 = vector.bitcast %and3A_948 : vector<16xi32> to vector<16xf32>
      %select_n3A_950 = arith.select %eq3A_32, %bitcast3A_949, %bitcast3A_947 : vector<16xi1>, vector<16xf32>
      %add3A_951 = arith.addf %gather3A_942, %select_n3A_950 : vector<16xf32>
      tpu.vector_store_idx %arg11[%add3A_5, %broadcast_in_dim3A_941], %add3A_951 : memref<64x128xf32, #tpu.memory_space<vmem>>[vector<16xi32>, vector<16xi32>], vector<16xf32>,
      %gather3A_952 = tpu.vector_load_idx %arg19[%add3A_9, %broadcast_in_dim3A_939] : memref<64x128xf32, #tpu.memory_space<vmem>>[vector<16xi32>, vector<16xi32>], vector<16xf32>,
      %gather3A_953 = tpu.vector_load_idx %arg9[%shift_right_logical3A_22, %broadcast_in_dim3A_940] : memref<32x1024xi32, #tpu.memory_space<vmem>>[vector<16xi32>, vector<16xi32>], vector<16xi32>,
      %shift_left3A_954 = arith.constant 16 : i32
      %shift_left3A_955 = vector.broadcast %shift_left3A_954 : i32 to vector<16xi32>
      %shift_left3A_956 = arith.shli %gather3A_953, %shift_left3A_955 : vector<16xi32>
      %bitcast3A_957 = vector.bitcast %shift_left3A_956 : vector<16xi32> to vector<16xf32>
      %and3A_958 = arith.andi %gather3A_953, %broadcast_in_dim3A_51 : vector<16xi32>
      %bitcast3A_959 = vector.bitcast %and3A_958 : vector<16xi32> to vector<16xf32>
      %select_n3A_960 = arith.select %eq3A_38, %bitcast3A_959, %bitcast3A_957 : vector<16xi1>, vector<16xf32>
      %add3A_961 = arith.addf %gather3A_952, %select_n3A_960 : vector<16xf32>
      tpu.vector_store_idx %arg11[%add3A_9, %broadcast_in_dim3A_941], %add3A_961 : memref<64x128xf32, #tpu.memory_space<vmem>>[vector<16xi32>, vector<16xi32>], vector<16xf32>,
      %gather3A_962 = tpu.vector_load_idx %arg19[%add3A_13, %broadcast_in_dim3A_939] : memref<64x128xf32, #tpu.memory_space<vmem>>[vector<16xi32>, vector<16xi32>], vector<16xf32>,
      %gather3A_963 = tpu.vector_load_idx %arg9[%shift_right_logical3A_25, %broadcast_in_dim3A_940] : memref<32x1024xi32, #tpu.memory_space<vmem>>[vector<16xi32>, vector<16xi32>], vector<16xi32>,
      %shift_left3A_964 = arith.constant 16 : i32
      %shift_left3A_965 = vector.broadcast %shift_left3A_964 : i32 to vector<16xi32>
      %shift_left3A_966 = arith.shli %gather3A_963, %shift_left3A_965 : vector<16xi32>
      %bitcast3A_967 = vector.bitcast %shift_left3A_966 : vector<16xi32> to vector<16xf32>
      %and3A_968 = arith.andi %gather3A_963, %broadcast_in_dim3A_51 : vector<16xi32>
      %bitcast3A_969 = vector.bitcast %and3A_968 : vector<16xi32> to vector<16xf32>
      %select_n3A_970 = arith.select %eq3A_44, %bitcast3A_969, %bitcast3A_967 : vector<16xi1>, vector<16xf32>
      %add3A_971 = arith.addf %gather3A_962, %select_n3A_970 : vector<16xf32>
      tpu.vector_store_idx %arg11[%add3A_13, %broadcast_in_dim3A_941], %add3A_971 : memref<64x128xf32, #tpu.memory_space<vmem>>[vector<16xi32>, vector<16xi32>], vector<16xf32>,
      %gather3A_972 = tpu.vector_load_idx %arg19[%add3A_17, %broadcast_in_dim3A_939] : memref<64x128xf32, #tpu.memory_space<vmem>>[vector<16xi32>, vector<16xi32>], vector<16xf32>,
      %gather3A_973 = tpu.vector_load_idx %arg9[%shift_right_logical3A_28, %broadcast_in_dim3A_940] : memref<32x1024xi32, #tpu.memory_space<vmem>>[vector<16xi32>, vector<16xi32>], vector<16xi32>,
      %shift_left3A_974 = arith.constant 16 : i32
      %shift_left3A_975 = vector.broadcast %shift_left3A_974 : i32 to vector<16xi32>
      %shift_left3A_976 = arith.shli %gather3A_973, %shift_left3A_975 : vector<16xi32>
      %bitcast3A_977 = vector.bitcast %shift_left3A_976 : vector<16xi32> to vector<16xf32>
      %and3A_978 = arith.andi %gather3A_973, %broadcast_in_dim3A_51 : vector<16xi32>
      %bitcast3A_979 = vector.bitcast %and3A_978 : vector<16xi32> to vector<16xf32>
      %select_n3A_980 = arith.select %eq3A_50, %bitcast3A_979, %bitcast3A_977 : vector<16xi1>, vector<16xf32>
      %add3A_981 = arith.addf %gather3A_972, %select_n3A_980 : vector<16xf32>
      tpu.vector_store_idx %arg11[%add3A_17, %broadcast_in_dim3A_941], %add3A_981 : memref<64x128xf32, #tpu.memory_space<vmem>>[vector<16xi32>, vector<16xi32>], vector<16xf32>,
      %lt3A_982 = arith.constant 15 : i32
      %lt3A_983 = arith.cmpi slt, %scan3A_469, %lt3A_982 : i32
      %convert_element_type3A_984 = arith.extui %lt3A_983 : i1 to i32
      %cond3A_985 = arith.constant 0 : i32
      %cond3A_986 = arith.cmpi ne, %convert_element_type3A_984, %cond3A_985 : i32
      scf.if %cond3A_986 {
        %slice3A_987 = vector.extract_strided_slice %get3A_475 {offsets = [15], sizes = [1], strides = [1]} : vector<16xi32> to vector<1xi32>
        %squeeze3A_988 = vector.extract %slice3A_987[0] : i32 from vector<1xi32>
        %shift_right_logical3A_989 = arith.constant 7 : i32
        %shift_right_logical3A_990 = arith.shrui %squeeze3A_988, %shift_right_logical3A_989 : i32
        %mul3A_991 = arith.constant 128 : i32
        %mul3A_992 = arith.muli %shift_right_logical3A_990, %mul3A_991 : i32
        %multiple_of3A_993 = tpu.assume_multiple %mul3A_992, 128 : i32
        %dma_start3A_994 = arith.constant 0 : i32
        %dma_start3A_995 = tpu.memref_slice %arg5[%dma_start3A_994, %multiple_of3A_993] : memref<64x1000000xf32, #tpu.memory_space<hbm>> -> memref<64x128xf32, #tpu.memory_space<hbm>>
        %dma_start3A_996 = arith.constant 0 : i32
        %dma_start3A_997 = tpu.memref_slice %arg5[%dma_start3A_996, %multiple_of3A_993] : memref<64x1000000xf32, #tpu.memory_space<hbm>> -> memref<64x128xf32, #tpu.memory_space<hbm>>
        tpu.enqueue_dma source(%dma_start3A_997 : memref<64x128xf32, #tpu.memory_space<hbm>>) target(%arg19 : memref<64x128xf32, #tpu.memory_space<vmem>>) target_semaphore(%arg27 : memref<!tpu.dma_semaphore, #tpu.memory_space<semaphore_mem>>)
      } else {
      }
    }
    %scan3A_243 = arith.constant 16 : i32
    %add3A_244 = arith.constant 128 : i32
    %add3A_245 = arith.addi %mul3A_2, %add3A_244 : i32
    %dma_start3A_246 = arith.constant 0 : i32
    %dma_start3A_247 = tpu.memref_slice %arg6[%dma_start3A_246, %add3A_245] : memref<64x16384xf32, #tpu.memory_space<hbm>> -> memref<64x128xf32, #tpu.memory_space<hbm>>
    %dma_start3A_248 = arith.constant 0 : i32
    %dma_start3A_249 = tpu.memref_slice %arg6[%dma_start3A_248, %add3A_245] : memref<64x16384xf32, #tpu.memory_space<hbm>> -> memref<64x128xf32, #tpu.memory_space<hbm>>
    tpu.enqueue_dma source(%arg11 : memref<64x128xf32, #tpu.memory_space<vmem>>) target(%dma_start3A_249 : memref<64x128xf32, #tpu.memory_space<hbm>>) target_semaphore(%arg29 : memref<!tpu.dma_semaphore, #tpu.memory_space<semaphore_mem>>)
    %dma_wait3A = arith.constant 0 : i32
    %dma_wait3A_250 = tpu.memref_slice %arg6[%dma_wait3A, %add3A_143] : memref<64x16384xf32, #tpu.memory_space<hbm>> -> memref<64x128xf32, #tpu.memory_space<hbm>>
    %dma_wait3A_251 = arith.constant 0 : i32
    %dma_wait3A_252 = tpu.memref_slice %arg6[%dma_wait3A_251, %add3A_143] : memref<64x16384xf32, #tpu.memory_space<hbm>> -> memref<64x128xf32, #tpu.memory_space<hbm>>
    tpu.wait_dma2 semaphore(%arg28 : memref<!tpu.dma_semaphore, #tpu.memory_space<semaphore_mem>>) src(%arg10 : memref<64x128xf32, #tpu.memory_space<vmem>>) dst(%dma_wait3A_252 : memref<64x128xf32, #tpu.memory_space<hbm>>)
    %get3A_253 = arith.constant 256 : index
    %get3A_254 = tpu.vector_load %arg7[%get3A_253] {strides = array<i32>} : memref<520xi32, #tpu.memory_space<vmem>>, vector<16xi32>,
    %slice3A_255 = vector.extract_strided_slice %get3A_254 {offsets = [0], sizes = [1], strides = [1]} : vector<16xi32> to vector<1xi32>
    %squeeze3A_256 = vector.extract %slice3A_255[0] : i32 from vector<1xi32>
    %shift_right_logical3A_257 = arith.constant 7 : i32
    %shift_right_logical3A_258 = arith.shrui %squeeze3A_256, %shift_right_logical3A_257 : i32
    %mul3A_259 = arith.constant 128 : i32
    %mul3A_260 = arith.muli %shift_right_logical3A_258, %mul3A_259 : i32
    %multiple_of3A_261 = tpu.assume_multiple %mul3A_260, 128 : i32
    %dma_start3A_262 = arith.constant 0 : i32
    %dma_start3A_263 = tpu.memref_slice %arg5[%dma_start3A_262, %multiple_of3A_261] : memref<64x1000000xf32, #tpu.memory_space<hbm>> -> memref<64x128xf32, #tpu.memory_space<hbm>>
    %dma_start3A_264 = arith.constant 0 : i32
    %dma_start3A_265 = tpu.memref_slice %arg5[%dma_start3A_264, %multiple_of3A_261] : memref<64x1000000xf32, #tpu.memory_space<hbm>> -> memref<64x128xf32, #tpu.memory_space<hbm>>
    tpu.enqueue_dma source(%dma_start3A_265 : memref<64x128xf32, #tpu.memory_space<hbm>>) target(%arg12 : memref<64x128xf32, #tpu.memory_space<vmem>>) target_semaphore(%arg20 : memref<!tpu.dma_semaphore, #tpu.memory_space<semaphore_mem>>)
    %slice3A_266 = vector.extract_strided_slice %get3A_254 {offsets = [1], sizes = [1], strides = [1]} : vector<16xi32> to vector<1xi32>
    %squeeze3A_267 = vector.extract %slice3A_266[0] : i32 from vector<1xi32>
    %shift_right_logical3A_268 = arith.constant 7 : i32
    %shift_right_logical3A_269 = arith.shrui %squeeze3A_267, %shift_right_logical3A_268 : i32
    %mul3A_270 = arith.constant 128 : i32
    %mul3A_271 = arith.muli %shift_right_logical3A_269, %mul3A_270 : i32
    %multiple_of3A_272 = tpu.assume_multiple %mul3A_271, 128 : i32
    %dma_start3A_273 = arith.constant 0 : i32
    %dma_start3A_274 = tpu.memref_slice %arg5[%dma_start3A_273, %multiple_of3A_272] : memref<64x1000000xf32, #tpu.memory_space<hbm>> -> memref<64x128xf32, #tpu.memory_space<hbm>>
    %dma_start3A_275 = arith.constant 0 : i32
    %dma_start3A_276 = tpu.memref_slice %arg5[%dma_start3A_275, %multiple_of3A_272] : memref<64x1000000xf32, #tpu.memory_space<hbm>> -> memref<64x128xf32, #tpu.memory_space<hbm>>
    tpu.enqueue_dma source(%dma_start3A_276 : memref<64x128xf32, #tpu.memory_space<hbm>>) target(%arg13 : memref<64x128xf32, #tpu.memory_space<vmem>>) target_semaphore(%arg21 : memref<!tpu.dma_semaphore, #tpu.memory_space<semaphore_mem>>)
    %slice3A_277 = vector.extract_strided_slice %get3A_254 {offsets = [2], sizes = [1], strides = [1]} : vector<16xi32> to vector<1xi32>
    %squeeze3A_278 = vector.extract %slice3A_277[0] : i32 from vector<1xi32>
    %shift_right_logical3A_279 = arith.constant 7 : i32
    %shift_right_logical3A_280 = arith.shrui %squeeze3A_278, %shift_right_logical3A_279 : i32
    %mul3A_281 = arith.constant 128 : i32
    %mul3A_282 = arith.muli %shift_right_logical3A_280, %mul3A_281 : i32
    %multiple_of3A_283 = tpu.assume_multiple %mul3A_282, 128 : i32
    %dma_start3A_284 = arith.constant 0 : i32
    %dma_start3A_285 = tpu.memref_slice %arg5[%dma_start3A_284, %multiple_of3A_283] : memref<64x1000000xf32, #tpu.memory_space<hbm>> -> memref<64x128xf32, #tpu.memory_space<hbm>>
    %dma_start3A_286 = arith.constant 0 : i32
    %dma_start3A_287 = tpu.memref_slice %arg5[%dma_start3A_286, %multiple_of3A_283] : memref<64x1000000xf32, #tpu.memory_space<hbm>> -> memref<64x128xf32, #tpu.memory_space<hbm>>
    tpu.enqueue_dma source(%dma_start3A_287 : memref<64x128xf32, #tpu.memory_space<hbm>>) target(%arg14 : memref<64x128xf32, #tpu.memory_space<vmem>>) target_semaphore(%arg22 : memref<!tpu.dma_semaphore, #tpu.memory_space<semaphore_mem>>)
    %slice3A_288 = vector.extract_strided_slice %get3A_254 {offsets = [3], sizes = [1], strides = [1]} : vector<16xi32> to vector<1xi32>
    %squeeze3A_289 = vector.extract %slice3A_288[0] : i32 from vector<1xi32>
    %shift_right_logical3A_290 = arith.constant 7 : i32
    %shift_right_logical3A_291 = arith.shrui %squeeze3A_289, %shift_right_logical3A_290 : i32
    %mul3A_292 = arith.constant 128 : i32
    %mul3A_293 = arith.muli %shift_right_logical3A_291, %mul3A_292 : i32
    %multiple_of3A_294 = tpu.assume_multiple %mul3A_293, 128 : i32
    %dma_start3A_295 = arith.constant 0 : i32
    %dma_start3A_296 = tpu.memref_slice %arg5[%dma_start3A_295, %multiple_of3A_294] : memref<64x1000000xf32, #tpu.memory_space<hbm>> -> memref<64x128xf32, #tpu.memory_space<hbm>>
    %dma_start3A_297 = arith.constant 0 : i32
    %dma_start3A_298 = tpu.memref_slice %arg5[%dma_start3A_297, %multiple_of3A_294] : memref<64x1000000xf32, #tpu.memory_space<hbm>> -> memref<64x128xf32, #tpu.memory_space<hbm>>
    tpu.enqueue_dma source(%dma_start3A_298 : memref<64x128xf32, #tpu.memory_space<hbm>>) target(%arg15 : memref<64x128xf32, #tpu.memory_space<vmem>>) target_semaphore(%arg23 : memref<!tpu.dma_semaphore, #tpu.memory_space<semaphore_mem>>)
    %slice3A_299 = vector.extract_strided_slice %get3A_254 {offsets = [4], sizes = [1], strides = [1]} : vector<16xi32> to vector<1xi32>
    %squeeze3A_300 = vector.extract %slice3A_299[0] : i32 from vector<1xi32>
    %shift_right_logical3A_301 = arith.constant 7 : i32
    %shift_right_logical3A_302 = arith.shrui %squeeze3A_300, %shift_right_logical3A_301 : i32
    %mul3A_303 = arith.constant 128 : i32
    %mul3A_304 = arith.muli %shift_right_logical3A_302, %mul3A_303 : i32
    %multiple_of3A_305 = tpu.assume_multiple %mul3A_304, 128 : i32
    %dma_start3A_306 = arith.constant 0 : i32
    %dma_start3A_307 = tpu.memref_slice %arg5[%dma_start3A_306, %multiple_of3A_305] : memref<64x1000000xf32, #tpu.memory_space<hbm>> -> memref<64x128xf32, #tpu.memory_space<hbm>>
    %dma_start3A_308 = arith.constant 0 : i32
    %dma_start3A_309 = tpu.memref_slice %arg5[%dma_start3A_308, %multiple_of3A_305] : memref<64x1000000xf32, #tpu.memory_space<hbm>> -> memref<64x128xf32, #tpu.memory_space<hbm>>
    tpu.enqueue_dma source(%dma_start3A_309 : memref<64x128xf32, #tpu.memory_space<hbm>>) target(%arg16 : memref<64x128xf32, #tpu.memory_space<vmem>>) target_semaphore(%arg24 : memref<!tpu.dma_semaphore, #tpu.memory_space<semaphore_mem>>)
    %slice3A_310 = vector.extract_strided_slice %get3A_254 {offsets = [5], sizes = [1], strides = [1]} : vector<16xi32> to vector<1xi32>
    %squeeze3A_311 = vector.extract %slice3A_310[0] : i32 from vector<1xi32>
    %shift_right_logical3A_312 = arith.constant 7 : i32
    %shift_right_logical3A_313 = arith.shrui %squeeze3A_311, %shift_right_logical3A_312 : i32
    %mul3A_314 = arith.constant 128 : i32
    %mul3A_315 = arith.muli %shift_right_logical3A_313, %mul3A_314 : i32
    %multiple_of3A_316 = tpu.assume_multiple %mul3A_315, 128 : i32
    %dma_start3A_317 = arith.constant 0 : i32
    %dma_start3A_318 = tpu.memref_slice %arg5[%dma_start3A_317, %multiple_of3A_316] : memref<64x1000000xf32, #tpu.memory_space<hbm>> -> memref<64x128xf32, #tpu.memory_space<hbm>>
    %dma_start3A_319 = arith.constant 0 : i32
    %dma_start3A_320 = tpu.memref_slice %arg5[%dma_start3A_319, %multiple_of3A_316] : memref<64x1000000xf32, #tpu.memory_space<hbm>> -> memref<64x128xf32, #tpu.memory_space<hbm>>
    tpu.enqueue_dma source(%dma_start3A_320 : memref<64x128xf32, #tpu.memory_space<hbm>>) target(%arg17 : memref<64x128xf32, #tpu.memory_space<vmem>>) target_semaphore(%arg25 : memref<!tpu.dma_semaphore, #tpu.memory_space<semaphore_mem>>)
    %slice3A_321 = vector.extract_strided_slice %get3A_254 {offsets = [6], sizes = [1], strides = [1]} : vector<16xi32> to vector<1xi32>
    %squeeze3A_322 = vector.extract %slice3A_321[0] : i32 from vector<1xi32>
    %shift_right_logical3A_323 = arith.constant 7 : i32
    %shift_right_logical3A_324 = arith.shrui %squeeze3A_322, %shift_right_logical3A_323 : i32
    %mul3A_325 = arith.constant 128 : i32
    %mul3A_326 = arith.muli %shift_right_logical3A_324, %mul3A_325 : i32
    %multiple_of3A_327 = tpu.assume_multiple %mul3A_326, 128 : i32
    %dma_start3A_328 = arith.constant 0 : i32
    %dma_start3A_329 = tpu.memref_slice %arg5[%dma_start3A_328, %multiple_of3A_327] : memref<64x1000000xf32, #tpu.memory_space<hbm>> -> memref<64x128xf32, #tpu.memory_space<hbm>>
    %dma_start3A_330 = arith.constant 0 : i32
    %dma_start3A_331 = tpu.memref_slice %arg5[%dma_start3A_330, %multiple_of3A_327] : memref<64x1000000xf32, #tpu.memory_space<hbm>> -> memref<64x128xf32, #tpu.memory_space<hbm>>
    tpu.enqueue_dma source(%dma_start3A_331 : memref<64x128xf32, #tpu.memory_space<hbm>>) target(%arg18 : memref<64x128xf32, #tpu.memory_space<vmem>>) target_semaphore(%arg26 : memref<!tpu.dma_semaphore, #tpu.memory_space<semaphore_mem>>)
    %slice3A_332 = vector.extract_strided_slice %get3A_254 {offsets = [7], sizes = [1], strides = [1]} : vector<16xi32> to vector<1xi32>
    %squeeze3A_333 = vector.extract %slice3A_332[0] : i32 from vector<1xi32>
    %shift_right_logical3A_334 = arith.constant 7 : i32
    %shift_right_logical3A_335 = arith.shrui %squeeze3A_333, %shift_right_logical3A_334 : i32
    %mul3A_336 = arith.constant 128 : i32
    %mul3A_337 = arith.muli %shift_right_logical3A_335, %mul3A_336 : i32
    %multiple_of3A_338 = tpu.assume_multiple %mul3A_337, 128 : i32
    %dma_start3A_339 = arith.constant 0 : i32
    %dma_start3A_340 = tpu.memref_slice %arg5[%dma_start3A_339, %multiple_of3A_338] : memref<64x1000000xf32, #tpu.memory_space<hbm>> -> memref<64x128xf32, #tpu.memory_space<hbm>>
    %dma_start3A_341 = arith.constant 0 : i32
    %dma_start3A_342 = tpu.memref_slice %arg5[%dma_start3A_341, %multiple_of3A_338] : memref<64x1000000xf32, #tpu.memory_space<hbm>> -> memref<64x128xf32, #tpu.memory_space<hbm>>
    tpu.enqueue_dma source(%dma_start3A_342 : memref<64x128xf32, #tpu.memory_space<hbm>>) target(%arg19 : memref<64x128xf32, #tpu.memory_space<vmem>>) target_semaphore(%arg27 : memref<!tpu.dma_semaphore, #tpu.memory_space<semaphore_mem>>)
    %scan3A_343 = arith.constant 0 : i32
    %scan3A_344 = arith.constant 0 : i32
    %scan3A_345 = arith.constant 16 : i32
    %scan3A_346 = arith.addi %scan3A_344, %scan3A_345 : i32
    %scan3A_347 = arith.constant 1 : i32
    scf.for %scan3A_469 = %scan3A_344 to %scan3A_346 step %scan3A_347  : i32 {
      %mul3A_470 = arith.constant 8 : i32
      %mul3A_471 = arith.muli %scan3A_469, %mul3A_470 : i32
      %add3A_472 = arith.constant 256 : i32
      %add3A_473 = arith.addi %add3A_472, %mul3A_471 : i32
      %get3A_474 = arith.index_cast %add3A_473 : i32 to index
      %get3A_475 = tpu.vector_load %arg7[%get3A_474] {strides = array<i32>} : memref<520xi32, #tpu.memory_space<vmem>>, vector<16xi32>,
      %mul3A_476 = arith.constant 8 : i32
      %mul3A_477 = arith.muli %scan3A_469, %mul3A_476 : i32
      %add3A_478 = arith.constant 256 : i32
      %add3A_479 = arith.addi %add3A_478, %mul3A_477 : i32
      %get3A_480 = arith.index_cast %add3A_479 : i32 to index
      %get3A_481 = tpu.vector_load %arg8[%get3A_480] {strides = array<i32>} : memref<520xi32, #tpu.memory_space<vmem>>, vector<16xi32>,
      %dma_wait3A_482 = arith.constant 0 : i32
      %dma_wait3A_483 = arith.constant 0 : i32
      %dma_wait3A_484 = tpu.memref_slice %arg5[%dma_wait3A_482, %dma_wait3A_483] : memref<64x1000000xf32, #tpu.memory_space<hbm>> -> memref<64x128xf32, #tpu.memory_space<hbm>>
      %dma_wait3A_485 = arith.constant 0 : i32
      %dma_wait3A_486 = arith.constant 0 : i32
      %dma_wait3A_487 = tpu.memref_slice %arg5[%dma_wait3A_485, %dma_wait3A_486] : memref<64x1000000xf32, #tpu.memory_space<hbm>> -> memref<64x128xf32, #tpu.memory_space<hbm>>
      tpu.wait_dma2 semaphore(%arg20 : memref<!tpu.dma_semaphore, #tpu.memory_space<semaphore_mem>>) src(%dma_wait3A_487 : memref<64x128xf32, #tpu.memory_space<hbm>>) dst(%arg12 : memref<64x128xf32, #tpu.memory_space<vmem>>)
      %slice3A_488 = vector.extract_strided_slice %get3A_475 {offsets = [0], sizes = [1], strides = [1]} : vector<16xi32> to vector<1xi32>
      %squeeze3A_489 = vector.extract %slice3A_488[0] : i32 from vector<1xi32>
      %slice3A_490 = vector.extract_strided_slice %get3A_481 {offsets = [0], sizes = [1], strides = [1]} : vector<16xi32> to vector<1xi32>
      %squeeze3A_491 = vector.extract %slice3A_490[0] : i32 from vector<1xi32>
      %mul3A_492 = arith.constant 8 : i32
      %mul3A_493 = arith.muli %scan3A_469, %mul3A_492 : i32
      %add3A_494 = arith.constant 0 : i32
      %add3A_495 = arith.addi %mul3A_493, %add3A_494 : i32
      %and3A_496 = arith.constant 127 : i32
      %and3A_497 = arith.andi %squeeze3A_489, %and3A_496 : i32
      %broadcast_in_dim3A_498 = vector.broadcast %and3A_497 : i32 to vector<16xi32>
      %broadcast_in_dim3A_499 = vector.broadcast %squeeze3A_491 : i32 to vector<16xi32>
      %broadcast_in_dim3A_500 = vector.broadcast %add3A_495 : i32 to vector<16xi32>
      %gather3A = tpu.vector_load_idx %arg12[%add3A_5, %broadcast_in_dim3A_498] : memref<64x128xf32, #tpu.memory_space<vmem>>[vector<16xi32>, vector<16xi32>], vector<16xf32>,
      %gather3A_501 = tpu.vector_load_idx %arg9[%shift_right_logical3A_19, %broadcast_in_dim3A_499] : memref<32x1024xi32, #tpu.memory_space<vmem>>[vector<16xi32>, vector<16xi32>], vector<16xi32>,
      %shift_left3A = arith.constant 16 : i32
      %shift_left3A_502 = vector.broadcast %shift_left3A : i32 to vector<16xi32>
      %shift_left3A_503 = arith.shli %gather3A_501, %shift_left3A_502 : vector<16xi32>
      %bitcast3A = vector.bitcast %shift_left3A_503 : vector<16xi32> to vector<16xf32>
      %and3A_504 = arith.andi %gather3A_501, %broadcast_in_dim3A_51 : vector<16xi32>
      %bitcast3A_505 = vector.bitcast %and3A_504 : vector<16xi32> to vector<16xf32>
      %select_n3A = arith.select %eq3A_32, %bitcast3A_505, %bitcast3A : vector<16xi1>, vector<16xf32>
      %add3A_506 = arith.addf %gather3A, %select_n3A : vector<16xf32>
      tpu.vector_store_idx %arg10[%add3A_5, %broadcast_in_dim3A_500], %add3A_506 : memref<64x128xf32, #tpu.memory_space<vmem>>[vector<16xi32>, vector<16xi32>], vector<16xf32>,
      %gather3A_507 = tpu.vector_load_idx %arg12[%add3A_9, %broadcast_in_dim3A_498] : memref<64x128xf32, #tpu.memory_space<vmem>>[vector<16xi32>, vector<16xi32>], vector<16xf32>,
      %gather3A_508 = tpu.vector_load_idx %arg9[%shift_right_logical3A_22, %broadcast_in_dim3A_499] : memref<32x1024xi32, #tpu.memory_space<vmem>>[vector<16xi32>, vector<16xi32>], vector<16xi32>,
      %shift_left3A_509 = arith.constant 16 : i32
      %shift_left3A_510 = vector.broadcast %shift_left3A_509 : i32 to vector<16xi32>
      %shift_left3A_511 = arith.shli %gather3A_508, %shift_left3A_510 : vector<16xi32>
      %bitcast3A_512 = vector.bitcast %shift_left3A_511 : vector<16xi32> to vector<16xf32>
      %and3A_513 = arith.andi %gather3A_508, %broadcast_in_dim3A_51 : vector<16xi32>
      %bitcast3A_514 = vector.bitcast %and3A_513 : vector<16xi32> to vector<16xf32>
      %select_n3A_515 = arith.select %eq3A_38, %bitcast3A_514, %bitcast3A_512 : vector<16xi1>, vector<16xf32>
      %add3A_516 = arith.addf %gather3A_507, %select_n3A_515 : vector<16xf32>
      tpu.vector_store_idx %arg10[%add3A_9, %broadcast_in_dim3A_500], %add3A_516 : memref<64x128xf32, #tpu.memory_space<vmem>>[vector<16xi32>, vector<16xi32>], vector<16xf32>,
      %gather3A_517 = tpu.vector_load_idx %arg12[%add3A_13, %broadcast_in_dim3A_498] : memref<64x128xf32, #tpu.memory_space<vmem>>[vector<16xi32>, vector<16xi32>], vector<16xf32>,
      %gather3A_518 = tpu.vector_load_idx %arg9[%shift_right_logical3A_25, %broadcast_in_dim3A_499] : memref<32x1024xi32, #tpu.memory_space<vmem>>[vector<16xi32>, vector<16xi32>], vector<16xi32>,
      %shift_left3A_519 = arith.constant 16 : i32
      %shift_left3A_520 = vector.broadcast %shift_left3A_519 : i32 to vector<16xi32>
      %shift_left3A_521 = arith.shli %gather3A_518, %shift_left3A_520 : vector<16xi32>
      %bitcast3A_522 = vector.bitcast %shift_left3A_521 : vector<16xi32> to vector<16xf32>
      %and3A_523 = arith.andi %gather3A_518, %broadcast_in_dim3A_51 : vector<16xi32>
      %bitcast3A_524 = vector.bitcast %and3A_523 : vector<16xi32> to vector<16xf32>
      %select_n3A_525 = arith.select %eq3A_44, %bitcast3A_524, %bitcast3A_522 : vector<16xi1>, vector<16xf32>
      %add3A_526 = arith.addf %gather3A_517, %select_n3A_525 : vector<16xf32>
      tpu.vector_store_idx %arg10[%add3A_13, %broadcast_in_dim3A_500], %add3A_526 : memref<64x128xf32, #tpu.memory_space<vmem>>[vector<16xi32>, vector<16xi32>], vector<16xf32>,
      %gather3A_527 = tpu.vector_load_idx %arg12[%add3A_17, %broadcast_in_dim3A_498] : memref<64x128xf32, #tpu.memory_space<vmem>>[vector<16xi32>, vector<16xi32>], vector<16xf32>,
      %gather3A_528 = tpu.vector_load_idx %arg9[%shift_right_logical3A_28, %broadcast_in_dim3A_499] : memref<32x1024xi32, #tpu.memory_space<vmem>>[vector<16xi32>, vector<16xi32>], vector<16xi32>,
      %shift_left3A_529 = arith.constant 16 : i32
      %shift_left3A_530 = vector.broadcast %shift_left3A_529 : i32 to vector<16xi32>
      %shift_left3A_531 = arith.shli %gather3A_528, %shift_left3A_530 : vector<16xi32>
      %bitcast3A_532 = vector.bitcast %shift_left3A_531 : vector<16xi32> to vector<16xf32>
      %and3A_533 = arith.andi %gather3A_528, %broadcast_in_dim3A_51 : vector<16xi32>
      %bitcast3A_534 = vector.bitcast %and3A_533 : vector<16xi32> to vector<16xf32>
      %select_n3A_535 = arith.select %eq3A_50, %bitcast3A_534, %bitcast3A_532 : vector<16xi1>, vector<16xf32>
      %add3A_536 = arith.addf %gather3A_527, %select_n3A_535 : vector<16xf32>
      tpu.vector_store_idx %arg10[%add3A_17, %broadcast_in_dim3A_500], %add3A_536 : memref<64x128xf32, #tpu.memory_space<vmem>>[vector<16xi32>, vector<16xi32>], vector<16xf32>,
      %lt3A = arith.constant 15 : i32
      %lt3A_537 = arith.cmpi slt, %scan3A_469, %lt3A : i32
      %convert_element_type3A = arith.extui %lt3A_537 : i1 to i32
      %cond3A = arith.constant 0 : i32
      %cond3A_538 = arith.cmpi ne, %convert_element_type3A, %cond3A : i32
      scf.if %cond3A_538 {
        %slice3A_987 = vector.extract_strided_slice %get3A_475 {offsets = [8], sizes = [1], strides = [1]} : vector<16xi32> to vector<1xi32>
        %squeeze3A_988 = vector.extract %slice3A_987[0] : i32 from vector<1xi32>
        %shift_right_logical3A_989 = arith.constant 7 : i32
        %shift_right_logical3A_990 = arith.shrui %squeeze3A_988, %shift_right_logical3A_989 : i32
        %mul3A_991 = arith.constant 128 : i32
        %mul3A_992 = arith.muli %shift_right_logical3A_990, %mul3A_991 : i32
        %multiple_of3A_993 = tpu.assume_multiple %mul3A_992, 128 : i32
        %dma_start3A_994 = arith.constant 0 : i32
        %dma_start3A_995 = tpu.memref_slice %arg5[%dma_start3A_994, %multiple_of3A_993] : memref<64x1000000xf32, #tpu.memory_space<hbm>> -> memref<64x128xf32, #tpu.memory_space<hbm>>
        %dma_start3A_996 = arith.constant 0 : i32
        %dma_start3A_997 = tpu.memref_slice %arg5[%dma_start3A_996, %multiple_of3A_993] : memref<64x1000000xf32, #tpu.memory_space<hbm>> -> memref<64x128xf32, #tpu.memory_space<hbm>>
        tpu.enqueue_dma source(%dma_start3A_997 : memref<64x128xf32, #tpu.memory_space<hbm>>) target(%arg12 : memref<64x128xf32, #tpu.memory_space<vmem>>) target_semaphore(%arg20 : memref<!tpu.dma_semaphore, #tpu.memory_space<semaphore_mem>>)
      } else {
      }
      %dma_wait3A_539 = arith.constant 0 : i32
      %dma_wait3A_540 = arith.constant 0 : i32
      %dma_wait3A_541 = tpu.memref_slice %arg5[%dma_wait3A_539, %dma_wait3A_540] : memref<64x1000000xf32, #tpu.memory_space<hbm>> -> memref<64x128xf32, #tpu.memory_space<hbm>>
      %dma_wait3A_542 = arith.constant 0 : i32
      %dma_wait3A_543 = arith.constant 0 : i32
      %dma_wait3A_544 = tpu.memref_slice %arg5[%dma_wait3A_542, %dma_wait3A_543] : memref<64x1000000xf32, #tpu.memory_space<hbm>> -> memref<64x128xf32, #tpu.memory_space<hbm>>
      tpu.wait_dma2 semaphore(%arg21 : memref<!tpu.dma_semaphore, #tpu.memory_space<semaphore_mem>>) src(%dma_wait3A_544 : memref<64x128xf32, #tpu.memory_space<hbm>>) dst(%arg13 : memref<64x128xf32, #tpu.memory_space<vmem>>)
      %slice3A_545 = vector.extract_strided_slice %get3A_475 {offsets = [1], sizes = [1], strides = [1]} : vector<16xi32> to vector<1xi32>
      %squeeze3A_546 = vector.extract %slice3A_545[0] : i32 from vector<1xi32>
      %slice3A_547 = vector.extract_strided_slice %get3A_481 {offsets = [1], sizes = [1], strides = [1]} : vector<16xi32> to vector<1xi32>
      %squeeze3A_548 = vector.extract %slice3A_547[0] : i32 from vector<1xi32>
      %mul3A_549 = arith.constant 8 : i32
      %mul3A_550 = arith.muli %scan3A_469, %mul3A_549 : i32
      %add3A_551 = arith.constant 1 : i32
      %add3A_552 = arith.addi %mul3A_550, %add3A_551 : i32
      %and3A_553 = arith.constant 127 : i32
      %and3A_554 = arith.andi %squeeze3A_546, %and3A_553 : i32
      %broadcast_in_dim3A_555 = vector.broadcast %and3A_554 : i32 to vector<16xi32>
      %broadcast_in_dim3A_556 = vector.broadcast %squeeze3A_548 : i32 to vector<16xi32>
      %broadcast_in_dim3A_557 = vector.broadcast %add3A_552 : i32 to vector<16xi32>
      %gather3A_558 = tpu.vector_load_idx %arg13[%add3A_5, %broadcast_in_dim3A_555] : memref<64x128xf32, #tpu.memory_space<vmem>>[vector<16xi32>, vector<16xi32>], vector<16xf32>,
      %gather3A_559 = tpu.vector_load_idx %arg9[%shift_right_logical3A_19, %broadcast_in_dim3A_556] : memref<32x1024xi32, #tpu.memory_space<vmem>>[vector<16xi32>, vector<16xi32>], vector<16xi32>,
      %shift_left3A_560 = arith.constant 16 : i32
      %shift_left3A_561 = vector.broadcast %shift_left3A_560 : i32 to vector<16xi32>
      %shift_left3A_562 = arith.shli %gather3A_559, %shift_left3A_561 : vector<16xi32>
      %bitcast3A_563 = vector.bitcast %shift_left3A_562 : vector<16xi32> to vector<16xf32>
      %and3A_564 = arith.andi %gather3A_559, %broadcast_in_dim3A_51 : vector<16xi32>
      %bitcast3A_565 = vector.bitcast %and3A_564 : vector<16xi32> to vector<16xf32>
      %select_n3A_566 = arith.select %eq3A_32, %bitcast3A_565, %bitcast3A_563 : vector<16xi1>, vector<16xf32>
      %add3A_567 = arith.addf %gather3A_558, %select_n3A_566 : vector<16xf32>
      tpu.vector_store_idx %arg10[%add3A_5, %broadcast_in_dim3A_557], %add3A_567 : memref<64x128xf32, #tpu.memory_space<vmem>>[vector<16xi32>, vector<16xi32>], vector<16xf32>,
      %gather3A_568 = tpu.vector_load_idx %arg13[%add3A_9, %broadcast_in_dim3A_555] : memref<64x128xf32, #tpu.memory_space<vmem>>[vector<16xi32>, vector<16xi32>], vector<16xf32>,
      %gather3A_569 = tpu.vector_load_idx %arg9[%shift_right_logical3A_22, %broadcast_in_dim3A_556] : memref<32x1024xi32, #tpu.memory_space<vmem>>[vector<16xi32>, vector<16xi32>], vector<16xi32>,
      %shift_left3A_570 = arith.constant 16 : i32
      %shift_left3A_571 = vector.broadcast %shift_left3A_570 : i32 to vector<16xi32>
      %shift_left3A_572 = arith.shli %gather3A_569, %shift_left3A_571 : vector<16xi32>
      %bitcast3A_573 = vector.bitcast %shift_left3A_572 : vector<16xi32> to vector<16xf32>
      %and3A_574 = arith.andi %gather3A_569, %broadcast_in_dim3A_51 : vector<16xi32>
      %bitcast3A_575 = vector.bitcast %and3A_574 : vector<16xi32> to vector<16xf32>
      %select_n3A_576 = arith.select %eq3A_38, %bitcast3A_575, %bitcast3A_573 : vector<16xi1>, vector<16xf32>
      %add3A_577 = arith.addf %gather3A_568, %select_n3A_576 : vector<16xf32>
      tpu.vector_store_idx %arg10[%add3A_9, %broadcast_in_dim3A_557], %add3A_577 : memref<64x128xf32, #tpu.memory_space<vmem>>[vector<16xi32>, vector<16xi32>], vector<16xf32>,
      %gather3A_578 = tpu.vector_load_idx %arg13[%add3A_13, %broadcast_in_dim3A_555] : memref<64x128xf32, #tpu.memory_space<vmem>>[vector<16xi32>, vector<16xi32>], vector<16xf32>,
      %gather3A_579 = tpu.vector_load_idx %arg9[%shift_right_logical3A_25, %broadcast_in_dim3A_556] : memref<32x1024xi32, #tpu.memory_space<vmem>>[vector<16xi32>, vector<16xi32>], vector<16xi32>,
      %shift_left3A_580 = arith.constant 16 : i32
      %shift_left3A_581 = vector.broadcast %shift_left3A_580 : i32 to vector<16xi32>
      %shift_left3A_582 = arith.shli %gather3A_579, %shift_left3A_581 : vector<16xi32>
      %bitcast3A_583 = vector.bitcast %shift_left3A_582 : vector<16xi32> to vector<16xf32>
      %and3A_584 = arith.andi %gather3A_579, %broadcast_in_dim3A_51 : vector<16xi32>
      %bitcast3A_585 = vector.bitcast %and3A_584 : vector<16xi32> to vector<16xf32>
      %select_n3A_586 = arith.select %eq3A_44, %bitcast3A_585, %bitcast3A_583 : vector<16xi1>, vector<16xf32>
      %add3A_587 = arith.addf %gather3A_578, %select_n3A_586 : vector<16xf32>
      tpu.vector_store_idx %arg10[%add3A_13, %broadcast_in_dim3A_557], %add3A_587 : memref<64x128xf32, #tpu.memory_space<vmem>>[vector<16xi32>, vector<16xi32>], vector<16xf32>,
      %gather3A_588 = tpu.vector_load_idx %arg13[%add3A_17, %broadcast_in_dim3A_555] : memref<64x128xf32, #tpu.memory_space<vmem>>[vector<16xi32>, vector<16xi32>], vector<16xf32>,
      %gather3A_589 = tpu.vector_load_idx %arg9[%shift_right_logical3A_28, %broadcast_in_dim3A_556] : memref<32x1024xi32, #tpu.memory_space<vmem>>[vector<16xi32>, vector<16xi32>], vector<16xi32>,
      %shift_left3A_590 = arith.constant 16 : i32
      %shift_left3A_591 = vector.broadcast %shift_left3A_590 : i32 to vector<16xi32>
      %shift_left3A_592 = arith.shli %gather3A_589, %shift_left3A_591 : vector<16xi32>
      %bitcast3A_593 = vector.bitcast %shift_left3A_592 : vector<16xi32> to vector<16xf32>
      %and3A_594 = arith.andi %gather3A_589, %broadcast_in_dim3A_51 : vector<16xi32>
      %bitcast3A_595 = vector.bitcast %and3A_594 : vector<16xi32> to vector<16xf32>
      %select_n3A_596 = arith.select %eq3A_50, %bitcast3A_595, %bitcast3A_593 : vector<16xi1>, vector<16xf32>
      %add3A_597 = arith.addf %gather3A_588, %select_n3A_596 : vector<16xf32>
      tpu.vector_store_idx %arg10[%add3A_17, %broadcast_in_dim3A_557], %add3A_597 : memref<64x128xf32, #tpu.memory_space<vmem>>[vector<16xi32>, vector<16xi32>], vector<16xf32>,
      %lt3A_598 = arith.constant 15 : i32
      %lt3A_599 = arith.cmpi slt, %scan3A_469, %lt3A_598 : i32
      %convert_element_type3A_600 = arith.extui %lt3A_599 : i1 to i32
      %cond3A_601 = arith.constant 0 : i32
      %cond3A_602 = arith.cmpi ne, %convert_element_type3A_600, %cond3A_601 : i32
      scf.if %cond3A_602 {
        %slice3A_987 = vector.extract_strided_slice %get3A_475 {offsets = [9], sizes = [1], strides = [1]} : vector<16xi32> to vector<1xi32>
        %squeeze3A_988 = vector.extract %slice3A_987[0] : i32 from vector<1xi32>
        %shift_right_logical3A_989 = arith.constant 7 : i32
        %shift_right_logical3A_990 = arith.shrui %squeeze3A_988, %shift_right_logical3A_989 : i32
        %mul3A_991 = arith.constant 128 : i32
        %mul3A_992 = arith.muli %shift_right_logical3A_990, %mul3A_991 : i32
        %multiple_of3A_993 = tpu.assume_multiple %mul3A_992, 128 : i32
        %dma_start3A_994 = arith.constant 0 : i32
        %dma_start3A_995 = tpu.memref_slice %arg5[%dma_start3A_994, %multiple_of3A_993] : memref<64x1000000xf32, #tpu.memory_space<hbm>> -> memref<64x128xf32, #tpu.memory_space<hbm>>
        %dma_start3A_996 = arith.constant 0 : i32
        %dma_start3A_997 = tpu.memref_slice %arg5[%dma_start3A_996, %multiple_of3A_993] : memref<64x1000000xf32, #tpu.memory_space<hbm>> -> memref<64x128xf32, #tpu.memory_space<hbm>>
        tpu.enqueue_dma source(%dma_start3A_997 : memref<64x128xf32, #tpu.memory_space<hbm>>) target(%arg13 : memref<64x128xf32, #tpu.memory_space<vmem>>) target_semaphore(%arg21 : memref<!tpu.dma_semaphore, #tpu.memory_space<semaphore_mem>>)
      } else {
      }
      %dma_wait3A_603 = arith.constant 0 : i32
      %dma_wait3A_604 = arith.constant 0 : i32
      %dma_wait3A_605 = tpu.memref_slice %arg5[%dma_wait3A_603, %dma_wait3A_604] : memref<64x1000000xf32, #tpu.memory_space<hbm>> -> memref<64x128xf32, #tpu.memory_space<hbm>>
      %dma_wait3A_606 = arith.constant 0 : i32
      %dma_wait3A_607 = arith.constant 0 : i32
      %dma_wait3A_608 = tpu.memref_slice %arg5[%dma_wait3A_606, %dma_wait3A_607] : memref<64x1000000xf32, #tpu.memory_space<hbm>> -> memref<64x128xf32, #tpu.memory_space<hbm>>
      tpu.wait_dma2 semaphore(%arg22 : memref<!tpu.dma_semaphore, #tpu.memory_space<semaphore_mem>>) src(%dma_wait3A_608 : memref<64x128xf32, #tpu.memory_space<hbm>>) dst(%arg14 : memref<64x128xf32, #tpu.memory_space<vmem>>)
      %slice3A_609 = vector.extract_strided_slice %get3A_475 {offsets = [2], sizes = [1], strides = [1]} : vector<16xi32> to vector<1xi32>
      %squeeze3A_610 = vector.extract %slice3A_609[0] : i32 from vector<1xi32>
      %slice3A_611 = vector.extract_strided_slice %get3A_481 {offsets = [2], sizes = [1], strides = [1]} : vector<16xi32> to vector<1xi32>
      %squeeze3A_612 = vector.extract %slice3A_611[0] : i32 from vector<1xi32>
      %mul3A_613 = arith.constant 8 : i32
      %mul3A_614 = arith.muli %scan3A_469, %mul3A_613 : i32
      %add3A_615 = arith.constant 2 : i32
      %add3A_616 = arith.addi %mul3A_614, %add3A_615 : i32
      %and3A_617 = arith.constant 127 : i32
      %and3A_618 = arith.andi %squeeze3A_610, %and3A_617 : i32
      %broadcast_in_dim3A_619 = vector.broadcast %and3A_618 : i32 to vector<16xi32>
      %broadcast_in_dim3A_620 = vector.broadcast %squeeze3A_612 : i32 to vector<16xi32>
      %broadcast_in_dim3A_621 = vector.broadcast %add3A_616 : i32 to vector<16xi32>
      %gather3A_622 = tpu.vector_load_idx %arg14[%add3A_5, %broadcast_in_dim3A_619] : memref<64x128xf32, #tpu.memory_space<vmem>>[vector<16xi32>, vector<16xi32>], vector<16xf32>,
      %gather3A_623 = tpu.vector_load_idx %arg9[%shift_right_logical3A_19, %broadcast_in_dim3A_620] : memref<32x1024xi32, #tpu.memory_space<vmem>>[vector<16xi32>, vector<16xi32>], vector<16xi32>,
      %shift_left3A_624 = arith.constant 16 : i32
      %shift_left3A_625 = vector.broadcast %shift_left3A_624 : i32 to vector<16xi32>
      %shift_left3A_626 = arith.shli %gather3A_623, %shift_left3A_625 : vector<16xi32>
      %bitcast3A_627 = vector.bitcast %shift_left3A_626 : vector<16xi32> to vector<16xf32>
      %and3A_628 = arith.andi %gather3A_623, %broadcast_in_dim3A_51 : vector<16xi32>
      %bitcast3A_629 = vector.bitcast %and3A_628 : vector<16xi32> to vector<16xf32>
      %select_n3A_630 = arith.select %eq3A_32, %bitcast3A_629, %bitcast3A_627 : vector<16xi1>, vector<16xf32>
      %add3A_631 = arith.addf %gather3A_622, %select_n3A_630 : vector<16xf32>
      tpu.vector_store_idx %arg10[%add3A_5, %broadcast_in_dim3A_621], %add3A_631 : memref<64x128xf32, #tpu.memory_space<vmem>>[vector<16xi32>, vector<16xi32>], vector<16xf32>,
      %gather3A_632 = tpu.vector_load_idx %arg14[%add3A_9, %broadcast_in_dim3A_619] : memref<64x128xf32, #tpu.memory_space<vmem>>[vector<16xi32>, vector<16xi32>], vector<16xf32>,
      %gather3A_633 = tpu.vector_load_idx %arg9[%shift_right_logical3A_22, %broadcast_in_dim3A_620] : memref<32x1024xi32, #tpu.memory_space<vmem>>[vector<16xi32>, vector<16xi32>], vector<16xi32>,
      %shift_left3A_634 = arith.constant 16 : i32
      %shift_left3A_635 = vector.broadcast %shift_left3A_634 : i32 to vector<16xi32>
      %shift_left3A_636 = arith.shli %gather3A_633, %shift_left3A_635 : vector<16xi32>
      %bitcast3A_637 = vector.bitcast %shift_left3A_636 : vector<16xi32> to vector<16xf32>
      %and3A_638 = arith.andi %gather3A_633, %broadcast_in_dim3A_51 : vector<16xi32>
      %bitcast3A_639 = vector.bitcast %and3A_638 : vector<16xi32> to vector<16xf32>
      %select_n3A_640 = arith.select %eq3A_38, %bitcast3A_639, %bitcast3A_637 : vector<16xi1>, vector<16xf32>
      %add3A_641 = arith.addf %gather3A_632, %select_n3A_640 : vector<16xf32>
      tpu.vector_store_idx %arg10[%add3A_9, %broadcast_in_dim3A_621], %add3A_641 : memref<64x128xf32, #tpu.memory_space<vmem>>[vector<16xi32>, vector<16xi32>], vector<16xf32>,
      %gather3A_642 = tpu.vector_load_idx %arg14[%add3A_13, %broadcast_in_dim3A_619] : memref<64x128xf32, #tpu.memory_space<vmem>>[vector<16xi32>, vector<16xi32>], vector<16xf32>,
      %gather3A_643 = tpu.vector_load_idx %arg9[%shift_right_logical3A_25, %broadcast_in_dim3A_620] : memref<32x1024xi32, #tpu.memory_space<vmem>>[vector<16xi32>, vector<16xi32>], vector<16xi32>,
      %shift_left3A_644 = arith.constant 16 : i32
      %shift_left3A_645 = vector.broadcast %shift_left3A_644 : i32 to vector<16xi32>
      %shift_left3A_646 = arith.shli %gather3A_643, %shift_left3A_645 : vector<16xi32>
      %bitcast3A_647 = vector.bitcast %shift_left3A_646 : vector<16xi32> to vector<16xf32>
      %and3A_648 = arith.andi %gather3A_643, %broadcast_in_dim3A_51 : vector<16xi32>
      %bitcast3A_649 = vector.bitcast %and3A_648 : vector<16xi32> to vector<16xf32>
      %select_n3A_650 = arith.select %eq3A_44, %bitcast3A_649, %bitcast3A_647 : vector<16xi1>, vector<16xf32>
      %add3A_651 = arith.addf %gather3A_642, %select_n3A_650 : vector<16xf32>
      tpu.vector_store_idx %arg10[%add3A_13, %broadcast_in_dim3A_621], %add3A_651 : memref<64x128xf32, #tpu.memory_space<vmem>>[vector<16xi32>, vector<16xi32>], vector<16xf32>,
      %gather3A_652 = tpu.vector_load_idx %arg14[%add3A_17, %broadcast_in_dim3A_619] : memref<64x128xf32, #tpu.memory_space<vmem>>[vector<16xi32>, vector<16xi32>], vector<16xf32>,
      %gather3A_653 = tpu.vector_load_idx %arg9[%shift_right_logical3A_28, %broadcast_in_dim3A_620] : memref<32x1024xi32, #tpu.memory_space<vmem>>[vector<16xi32>, vector<16xi32>], vector<16xi32>,
      %shift_left3A_654 = arith.constant 16 : i32
      %shift_left3A_655 = vector.broadcast %shift_left3A_654 : i32 to vector<16xi32>
      %shift_left3A_656 = arith.shli %gather3A_653, %shift_left3A_655 : vector<16xi32>
      %bitcast3A_657 = vector.bitcast %shift_left3A_656 : vector<16xi32> to vector<16xf32>
      %and3A_658 = arith.andi %gather3A_653, %broadcast_in_dim3A_51 : vector<16xi32>
      %bitcast3A_659 = vector.bitcast %and3A_658 : vector<16xi32> to vector<16xf32>
      %select_n3A_660 = arith.select %eq3A_50, %bitcast3A_659, %bitcast3A_657 : vector<16xi1>, vector<16xf32>
      %add3A_661 = arith.addf %gather3A_652, %select_n3A_660 : vector<16xf32>
      tpu.vector_store_idx %arg10[%add3A_17, %broadcast_in_dim3A_621], %add3A_661 : memref<64x128xf32, #tpu.memory_space<vmem>>[vector<16xi32>, vector<16xi32>], vector<16xf32>,
      %lt3A_662 = arith.constant 15 : i32
      %lt3A_663 = arith.cmpi slt, %scan3A_469, %lt3A_662 : i32
      %convert_element_type3A_664 = arith.extui %lt3A_663 : i1 to i32
      %cond3A_665 = arith.constant 0 : i32
      %cond3A_666 = arith.cmpi ne, %convert_element_type3A_664, %cond3A_665 : i32
      scf.if %cond3A_666 {
        %slice3A_987 = vector.extract_strided_slice %get3A_475 {offsets = [10], sizes = [1], strides = [1]} : vector<16xi32> to vector<1xi32>
        %squeeze3A_988 = vector.extract %slice3A_987[0] : i32 from vector<1xi32>
        %shift_right_logical3A_989 = arith.constant 7 : i32
        %shift_right_logical3A_990 = arith.shrui %squeeze3A_988, %shift_right_logical3A_989 : i32
        %mul3A_991 = arith.constant 128 : i32
        %mul3A_992 = arith.muli %shift_right_logical3A_990, %mul3A_991 : i32
        %multiple_of3A_993 = tpu.assume_multiple %mul3A_992, 128 : i32
        %dma_start3A_994 = arith.constant 0 : i32
        %dma_start3A_995 = tpu.memref_slice %arg5[%dma_start3A_994, %multiple_of3A_993] : memref<64x1000000xf32, #tpu.memory_space<hbm>> -> memref<64x128xf32, #tpu.memory_space<hbm>>
        %dma_start3A_996 = arith.constant 0 : i32
        %dma_start3A_997 = tpu.memref_slice %arg5[%dma_start3A_996, %multiple_of3A_993] : memref<64x1000000xf32, #tpu.memory_space<hbm>> -> memref<64x128xf32, #tpu.memory_space<hbm>>
        tpu.enqueue_dma source(%dma_start3A_997 : memref<64x128xf32, #tpu.memory_space<hbm>>) target(%arg14 : memref<64x128xf32, #tpu.memory_space<vmem>>) target_semaphore(%arg22 : memref<!tpu.dma_semaphore, #tpu.memory_space<semaphore_mem>>)
      } else {
      }
      %dma_wait3A_667 = arith.constant 0 : i32
      %dma_wait3A_668 = arith.constant 0 : i32
      %dma_wait3A_669 = tpu.memref_slice %arg5[%dma_wait3A_667, %dma_wait3A_668] : memref<64x1000000xf32, #tpu.memory_space<hbm>> -> memref<64x128xf32, #tpu.memory_space<hbm>>
      %dma_wait3A_670 = arith.constant 0 : i32
      %dma_wait3A_671 = arith.constant 0 : i32
      %dma_wait3A_672 = tpu.memref_slice %arg5[%dma_wait3A_670, %dma_wait3A_671] : memref<64x1000000xf32, #tpu.memory_space<hbm>> -> memref<64x128xf32, #tpu.memory_space<hbm>>
      tpu.wait_dma2 semaphore(%arg23 : memref<!tpu.dma_semaphore, #tpu.memory_space<semaphore_mem>>) src(%dma_wait3A_672 : memref<64x128xf32, #tpu.memory_space<hbm>>) dst(%arg15 : memref<64x128xf32, #tpu.memory_space<vmem>>)
      %slice3A_673 = vector.extract_strided_slice %get3A_475 {offsets = [3], sizes = [1], strides = [1]} : vector<16xi32> to vector<1xi32>
      %squeeze3A_674 = vector.extract %slice3A_673[0] : i32 from vector<1xi32>
      %slice3A_675 = vector.extract_strided_slice %get3A_481 {offsets = [3], sizes = [1], strides = [1]} : vector<16xi32> to vector<1xi32>
      %squeeze3A_676 = vector.extract %slice3A_675[0] : i32 from vector<1xi32>
      %mul3A_677 = arith.constant 8 : i32
      %mul3A_678 = arith.muli %scan3A_469, %mul3A_677 : i32
      %add3A_679 = arith.constant 3 : i32
      %add3A_680 = arith.addi %mul3A_678, %add3A_679 : i32
      %and3A_681 = arith.constant 127 : i32
      %and3A_682 = arith.andi %squeeze3A_674, %and3A_681 : i32
      %broadcast_in_dim3A_683 = vector.broadcast %and3A_682 : i32 to vector<16xi32>
      %broadcast_in_dim3A_684 = vector.broadcast %squeeze3A_676 : i32 to vector<16xi32>
      %broadcast_in_dim3A_685 = vector.broadcast %add3A_680 : i32 to vector<16xi32>
      %gather3A_686 = tpu.vector_load_idx %arg15[%add3A_5, %broadcast_in_dim3A_683] : memref<64x128xf32, #tpu.memory_space<vmem>>[vector<16xi32>, vector<16xi32>], vector<16xf32>,
      %gather3A_687 = tpu.vector_load_idx %arg9[%shift_right_logical3A_19, %broadcast_in_dim3A_684] : memref<32x1024xi32, #tpu.memory_space<vmem>>[vector<16xi32>, vector<16xi32>], vector<16xi32>,
      %shift_left3A_688 = arith.constant 16 : i32
      %shift_left3A_689 = vector.broadcast %shift_left3A_688 : i32 to vector<16xi32>
      %shift_left3A_690 = arith.shli %gather3A_687, %shift_left3A_689 : vector<16xi32>
      %bitcast3A_691 = vector.bitcast %shift_left3A_690 : vector<16xi32> to vector<16xf32>
      %and3A_692 = arith.andi %gather3A_687, %broadcast_in_dim3A_51 : vector<16xi32>
      %bitcast3A_693 = vector.bitcast %and3A_692 : vector<16xi32> to vector<16xf32>
      %select_n3A_694 = arith.select %eq3A_32, %bitcast3A_693, %bitcast3A_691 : vector<16xi1>, vector<16xf32>
      %add3A_695 = arith.addf %gather3A_686, %select_n3A_694 : vector<16xf32>
      tpu.vector_store_idx %arg10[%add3A_5, %broadcast_in_dim3A_685], %add3A_695 : memref<64x128xf32, #tpu.memory_space<vmem>>[vector<16xi32>, vector<16xi32>], vector<16xf32>,
      %gather3A_696 = tpu.vector_load_idx %arg15[%add3A_9, %broadcast_in_dim3A_683] : memref<64x128xf32, #tpu.memory_space<vmem>>[vector<16xi32>, vector<16xi32>], vector<16xf32>,
      %gather3A_697 = tpu.vector_load_idx %arg9[%shift_right_logical3A_22, %broadcast_in_dim3A_684] : memref<32x1024xi32, #tpu.memory_space<vmem>>[vector<16xi32>, vector<16xi32>], vector<16xi32>,
      %shift_left3A_698 = arith.constant 16 : i32
      %shift_left3A_699 = vector.broadcast %shift_left3A_698 : i32 to vector<16xi32>
      %shift_left3A_700 = arith.shli %gather3A_697, %shift_left3A_699 : vector<16xi32>
      %bitcast3A_701 = vector.bitcast %shift_left3A_700 : vector<16xi32> to vector<16xf32>
      %and3A_702 = arith.andi %gather3A_697, %broadcast_in_dim3A_51 : vector<16xi32>
      %bitcast3A_703 = vector.bitcast %and3A_702 : vector<16xi32> to vector<16xf32>
      %select_n3A_704 = arith.select %eq3A_38, %bitcast3A_703, %bitcast3A_701 : vector<16xi1>, vector<16xf32>
      %add3A_705 = arith.addf %gather3A_696, %select_n3A_704 : vector<16xf32>
      tpu.vector_store_idx %arg10[%add3A_9, %broadcast_in_dim3A_685], %add3A_705 : memref<64x128xf32, #tpu.memory_space<vmem>>[vector<16xi32>, vector<16xi32>], vector<16xf32>,
      %gather3A_706 = tpu.vector_load_idx %arg15[%add3A_13, %broadcast_in_dim3A_683] : memref<64x128xf32, #tpu.memory_space<vmem>>[vector<16xi32>, vector<16xi32>], vector<16xf32>,
      %gather3A_707 = tpu.vector_load_idx %arg9[%shift_right_logical3A_25, %broadcast_in_dim3A_684] : memref<32x1024xi32, #tpu.memory_space<vmem>>[vector<16xi32>, vector<16xi32>], vector<16xi32>,
      %shift_left3A_708 = arith.constant 16 : i32
      %shift_left3A_709 = vector.broadcast %shift_left3A_708 : i32 to vector<16xi32>
      %shift_left3A_710 = arith.shli %gather3A_707, %shift_left3A_709 : vector<16xi32>
      %bitcast3A_711 = vector.bitcast %shift_left3A_710 : vector<16xi32> to vector<16xf32>
      %and3A_712 = arith.andi %gather3A_707, %broadcast_in_dim3A_51 : vector<16xi32>
      %bitcast3A_713 = vector.bitcast %and3A_712 : vector<16xi32> to vector<16xf32>
      %select_n3A_714 = arith.select %eq3A_44, %bitcast3A_713, %bitcast3A_711 : vector<16xi1>, vector<16xf32>
      %add3A_715 = arith.addf %gather3A_706, %select_n3A_714 : vector<16xf32>
      tpu.vector_store_idx %arg10[%add3A_13, %broadcast_in_dim3A_685], %add3A_715 : memref<64x128xf32, #tpu.memory_space<vmem>>[vector<16xi32>, vector<16xi32>], vector<16xf32>,
      %gather3A_716 = tpu.vector_load_idx %arg15[%add3A_17, %broadcast_in_dim3A_683] : memref<64x128xf32, #tpu.memory_space<vmem>>[vector<16xi32>, vector<16xi32>], vector<16xf32>,
      %gather3A_717 = tpu.vector_load_idx %arg9[%shift_right_logical3A_28, %broadcast_in_dim3A_684] : memref<32x1024xi32, #tpu.memory_space<vmem>>[vector<16xi32>, vector<16xi32>], vector<16xi32>,
      %shift_left3A_718 = arith.constant 16 : i32
      %shift_left3A_719 = vector.broadcast %shift_left3A_718 : i32 to vector<16xi32>
      %shift_left3A_720 = arith.shli %gather3A_717, %shift_left3A_719 : vector<16xi32>
      %bitcast3A_721 = vector.bitcast %shift_left3A_720 : vector<16xi32> to vector<16xf32>
      %and3A_722 = arith.andi %gather3A_717, %broadcast_in_dim3A_51 : vector<16xi32>
      %bitcast3A_723 = vector.bitcast %and3A_722 : vector<16xi32> to vector<16xf32>
      %select_n3A_724 = arith.select %eq3A_50, %bitcast3A_723, %bitcast3A_721 : vector<16xi1>, vector<16xf32>
      %add3A_725 = arith.addf %gather3A_716, %select_n3A_724 : vector<16xf32>
      tpu.vector_store_idx %arg10[%add3A_17, %broadcast_in_dim3A_685], %add3A_725 : memref<64x128xf32, #tpu.memory_space<vmem>>[vector<16xi32>, vector<16xi32>], vector<16xf32>,
      %lt3A_726 = arith.constant 15 : i32
      %lt3A_727 = arith.cmpi slt, %scan3A_469, %lt3A_726 : i32
      %convert_element_type3A_728 = arith.extui %lt3A_727 : i1 to i32
      %cond3A_729 = arith.constant 0 : i32
      %cond3A_730 = arith.cmpi ne, %convert_element_type3A_728, %cond3A_729 : i32
      scf.if %cond3A_730 {
        %slice3A_987 = vector.extract_strided_slice %get3A_475 {offsets = [11], sizes = [1], strides = [1]} : vector<16xi32> to vector<1xi32>
        %squeeze3A_988 = vector.extract %slice3A_987[0] : i32 from vector<1xi32>
        %shift_right_logical3A_989 = arith.constant 7 : i32
        %shift_right_logical3A_990 = arith.shrui %squeeze3A_988, %shift_right_logical3A_989 : i32
        %mul3A_991 = arith.constant 128 : i32
        %mul3A_992 = arith.muli %shift_right_logical3A_990, %mul3A_991 : i32
        %multiple_of3A_993 = tpu.assume_multiple %mul3A_992, 128 : i32
        %dma_start3A_994 = arith.constant 0 : i32
        %dma_start3A_995 = tpu.memref_slice %arg5[%dma_start3A_994, %multiple_of3A_993] : memref<64x1000000xf32, #tpu.memory_space<hbm>> -> memref<64x128xf32, #tpu.memory_space<hbm>>
        %dma_start3A_996 = arith.constant 0 : i32
        %dma_start3A_997 = tpu.memref_slice %arg5[%dma_start3A_996, %multiple_of3A_993] : memref<64x1000000xf32, #tpu.memory_space<hbm>> -> memref<64x128xf32, #tpu.memory_space<hbm>>
        tpu.enqueue_dma source(%dma_start3A_997 : memref<64x128xf32, #tpu.memory_space<hbm>>) target(%arg15 : memref<64x128xf32, #tpu.memory_space<vmem>>) target_semaphore(%arg23 : memref<!tpu.dma_semaphore, #tpu.memory_space<semaphore_mem>>)
      } else {
      }
      %dma_wait3A_731 = arith.constant 0 : i32
      %dma_wait3A_732 = arith.constant 0 : i32
      %dma_wait3A_733 = tpu.memref_slice %arg5[%dma_wait3A_731, %dma_wait3A_732] : memref<64x1000000xf32, #tpu.memory_space<hbm>> -> memref<64x128xf32, #tpu.memory_space<hbm>>
      %dma_wait3A_734 = arith.constant 0 : i32
      %dma_wait3A_735 = arith.constant 0 : i32
      %dma_wait3A_736 = tpu.memref_slice %arg5[%dma_wait3A_734, %dma_wait3A_735] : memref<64x1000000xf32, #tpu.memory_space<hbm>> -> memref<64x128xf32, #tpu.memory_space<hbm>>
      tpu.wait_dma2 semaphore(%arg24 : memref<!tpu.dma_semaphore, #tpu.memory_space<semaphore_mem>>) src(%dma_wait3A_736 : memref<64x128xf32, #tpu.memory_space<hbm>>) dst(%arg16 : memref<64x128xf32, #tpu.memory_space<vmem>>)
      %slice3A_737 = vector.extract_strided_slice %get3A_475 {offsets = [4], sizes = [1], strides = [1]} : vector<16xi32> to vector<1xi32>
      %squeeze3A_738 = vector.extract %slice3A_737[0] : i32 from vector<1xi32>
      %slice3A_739 = vector.extract_strided_slice %get3A_481 {offsets = [4], sizes = [1], strides = [1]} : vector<16xi32> to vector<1xi32>
      %squeeze3A_740 = vector.extract %slice3A_739[0] : i32 from vector<1xi32>
      %mul3A_741 = arith.constant 8 : i32
      %mul3A_742 = arith.muli %scan3A_469, %mul3A_741 : i32
      %add3A_743 = arith.constant 4 : i32
      %add3A_744 = arith.addi %mul3A_742, %add3A_743 : i32
      %and3A_745 = arith.constant 127 : i32
      %and3A_746 = arith.andi %squeeze3A_738, %and3A_745 : i32
      %broadcast_in_dim3A_747 = vector.broadcast %and3A_746 : i32 to vector<16xi32>
      %broadcast_in_dim3A_748 = vector.broadcast %squeeze3A_740 : i32 to vector<16xi32>
      %broadcast_in_dim3A_749 = vector.broadcast %add3A_744 : i32 to vector<16xi32>
      %gather3A_750 = tpu.vector_load_idx %arg16[%add3A_5, %broadcast_in_dim3A_747] : memref<64x128xf32, #tpu.memory_space<vmem>>[vector<16xi32>, vector<16xi32>], vector<16xf32>,
      %gather3A_751 = tpu.vector_load_idx %arg9[%shift_right_logical3A_19, %broadcast_in_dim3A_748] : memref<32x1024xi32, #tpu.memory_space<vmem>>[vector<16xi32>, vector<16xi32>], vector<16xi32>,
      %shift_left3A_752 = arith.constant 16 : i32
      %shift_left3A_753 = vector.broadcast %shift_left3A_752 : i32 to vector<16xi32>
      %shift_left3A_754 = arith.shli %gather3A_751, %shift_left3A_753 : vector<16xi32>
      %bitcast3A_755 = vector.bitcast %shift_left3A_754 : vector<16xi32> to vector<16xf32>
      %and3A_756 = arith.andi %gather3A_751, %broadcast_in_dim3A_51 : vector<16xi32>
      %bitcast3A_757 = vector.bitcast %and3A_756 : vector<16xi32> to vector<16xf32>
      %select_n3A_758 = arith.select %eq3A_32, %bitcast3A_757, %bitcast3A_755 : vector<16xi1>, vector<16xf32>
      %add3A_759 = arith.addf %gather3A_750, %select_n3A_758 : vector<16xf32>
      tpu.vector_store_idx %arg10[%add3A_5, %broadcast_in_dim3A_749], %add3A_759 : memref<64x128xf32, #tpu.memory_space<vmem>>[vector<16xi32>, vector<16xi32>], vector<16xf32>,
      %gather3A_760 = tpu.vector_load_idx %arg16[%add3A_9, %broadcast_in_dim3A_747] : memref<64x128xf32, #tpu.memory_space<vmem>>[vector<16xi32>, vector<16xi32>], vector<16xf32>,
      %gather3A_761 = tpu.vector_load_idx %arg9[%shift_right_logical3A_22, %broadcast_in_dim3A_748] : memref<32x1024xi32, #tpu.memory_space<vmem>>[vector<16xi32>, vector<16xi32>], vector<16xi32>,
      %shift_left3A_762 = arith.constant 16 : i32
      %shift_left3A_763 = vector.broadcast %shift_left3A_762 : i32 to vector<16xi32>
      %shift_left3A_764 = arith.shli %gather3A_761, %shift_left3A_763 : vector<16xi32>
      %bitcast3A_765 = vector.bitcast %shift_left3A_764 : vector<16xi32> to vector<16xf32>
      %and3A_766 = arith.andi %gather3A_761, %broadcast_in_dim3A_51 : vector<16xi32>
      %bitcast3A_767 = vector.bitcast %and3A_766 : vector<16xi32> to vector<16xf32>
      %select_n3A_768 = arith.select %eq3A_38, %bitcast3A_767, %bitcast3A_765 : vector<16xi1>, vector<16xf32>
      %add3A_769 = arith.addf %gather3A_760, %select_n3A_768 : vector<16xf32>
      tpu.vector_store_idx %arg10[%add3A_9, %broadcast_in_dim3A_749], %add3A_769 : memref<64x128xf32, #tpu.memory_space<vmem>>[vector<16xi32>, vector<16xi32>], vector<16xf32>,
      %gather3A_770 = tpu.vector_load_idx %arg16[%add3A_13, %broadcast_in_dim3A_747] : memref<64x128xf32, #tpu.memory_space<vmem>>[vector<16xi32>, vector<16xi32>], vector<16xf32>,
      %gather3A_771 = tpu.vector_load_idx %arg9[%shift_right_logical3A_25, %broadcast_in_dim3A_748] : memref<32x1024xi32, #tpu.memory_space<vmem>>[vector<16xi32>, vector<16xi32>], vector<16xi32>,
      %shift_left3A_772 = arith.constant 16 : i32
      %shift_left3A_773 = vector.broadcast %shift_left3A_772 : i32 to vector<16xi32>
      %shift_left3A_774 = arith.shli %gather3A_771, %shift_left3A_773 : vector<16xi32>
      %bitcast3A_775 = vector.bitcast %shift_left3A_774 : vector<16xi32> to vector<16xf32>
      %and3A_776 = arith.andi %gather3A_771, %broadcast_in_dim3A_51 : vector<16xi32>
      %bitcast3A_777 = vector.bitcast %and3A_776 : vector<16xi32> to vector<16xf32>
      %select_n3A_778 = arith.select %eq3A_44, %bitcast3A_777, %bitcast3A_775 : vector<16xi1>, vector<16xf32>
      %add3A_779 = arith.addf %gather3A_770, %select_n3A_778 : vector<16xf32>
      tpu.vector_store_idx %arg10[%add3A_13, %broadcast_in_dim3A_749], %add3A_779 : memref<64x128xf32, #tpu.memory_space<vmem>>[vector<16xi32>, vector<16xi32>], vector<16xf32>,
      %gather3A_780 = tpu.vector_load_idx %arg16[%add3A_17, %broadcast_in_dim3A_747] : memref<64x128xf32, #tpu.memory_space<vmem>>[vector<16xi32>, vector<16xi32>], vector<16xf32>,
      %gather3A_781 = tpu.vector_load_idx %arg9[%shift_right_logical3A_28, %broadcast_in_dim3A_748] : memref<32x1024xi32, #tpu.memory_space<vmem>>[vector<16xi32>, vector<16xi32>], vector<16xi32>,
      %shift_left3A_782 = arith.constant 16 : i32
      %shift_left3A_783 = vector.broadcast %shift_left3A_782 : i32 to vector<16xi32>
      %shift_left3A_784 = arith.shli %gather3A_781, %shift_left3A_783 : vector<16xi32>
      %bitcast3A_785 = vector.bitcast %shift_left3A_784 : vector<16xi32> to vector<16xf32>
      %and3A_786 = arith.andi %gather3A_781, %broadcast_in_dim3A_51 : vector<16xi32>
      %bitcast3A_787 = vector.bitcast %and3A_786 : vector<16xi32> to vector<16xf32>
      %select_n3A_788 = arith.select %eq3A_50, %bitcast3A_787, %bitcast3A_785 : vector<16xi1>, vector<16xf32>
      %add3A_789 = arith.addf %gather3A_780, %select_n3A_788 : vector<16xf32>
      tpu.vector_store_idx %arg10[%add3A_17, %broadcast_in_dim3A_749], %add3A_789 : memref<64x128xf32, #tpu.memory_space<vmem>>[vector<16xi32>, vector<16xi32>], vector<16xf32>,
      %lt3A_790 = arith.constant 15 : i32
      %lt3A_791 = arith.cmpi slt, %scan3A_469, %lt3A_790 : i32
      %convert_element_type3A_792 = arith.extui %lt3A_791 : i1 to i32
      %cond3A_793 = arith.constant 0 : i32
      %cond3A_794 = arith.cmpi ne, %convert_element_type3A_792, %cond3A_793 : i32
      scf.if %cond3A_794 {
        %slice3A_987 = vector.extract_strided_slice %get3A_475 {offsets = [12], sizes = [1], strides = [1]} : vector<16xi32> to vector<1xi32>
        %squeeze3A_988 = vector.extract %slice3A_987[0] : i32 from vector<1xi32>
        %shift_right_logical3A_989 = arith.constant 7 : i32
        %shift_right_logical3A_990 = arith.shrui %squeeze3A_988, %shift_right_logical3A_989 : i32
        %mul3A_991 = arith.constant 128 : i32
        %mul3A_992 = arith.muli %shift_right_logical3A_990, %mul3A_991 : i32
        %multiple_of3A_993 = tpu.assume_multiple %mul3A_992, 128 : i32
        %dma_start3A_994 = arith.constant 0 : i32
        %dma_start3A_995 = tpu.memref_slice %arg5[%dma_start3A_994, %multiple_of3A_993] : memref<64x1000000xf32, #tpu.memory_space<hbm>> -> memref<64x128xf32, #tpu.memory_space<hbm>>
        %dma_start3A_996 = arith.constant 0 : i32
        %dma_start3A_997 = tpu.memref_slice %arg5[%dma_start3A_996, %multiple_of3A_993] : memref<64x1000000xf32, #tpu.memory_space<hbm>> -> memref<64x128xf32, #tpu.memory_space<hbm>>
        tpu.enqueue_dma source(%dma_start3A_997 : memref<64x128xf32, #tpu.memory_space<hbm>>) target(%arg16 : memref<64x128xf32, #tpu.memory_space<vmem>>) target_semaphore(%arg24 : memref<!tpu.dma_semaphore, #tpu.memory_space<semaphore_mem>>)
      } else {
      }
      %dma_wait3A_795 = arith.constant 0 : i32
      %dma_wait3A_796 = arith.constant 0 : i32
      %dma_wait3A_797 = tpu.memref_slice %arg5[%dma_wait3A_795, %dma_wait3A_796] : memref<64x1000000xf32, #tpu.memory_space<hbm>> -> memref<64x128xf32, #tpu.memory_space<hbm>>
      %dma_wait3A_798 = arith.constant 0 : i32
      %dma_wait3A_799 = arith.constant 0 : i32
      %dma_wait3A_800 = tpu.memref_slice %arg5[%dma_wait3A_798, %dma_wait3A_799] : memref<64x1000000xf32, #tpu.memory_space<hbm>> -> memref<64x128xf32, #tpu.memory_space<hbm>>
      tpu.wait_dma2 semaphore(%arg25 : memref<!tpu.dma_semaphore, #tpu.memory_space<semaphore_mem>>) src(%dma_wait3A_800 : memref<64x128xf32, #tpu.memory_space<hbm>>) dst(%arg17 : memref<64x128xf32, #tpu.memory_space<vmem>>)
      %slice3A_801 = vector.extract_strided_slice %get3A_475 {offsets = [5], sizes = [1], strides = [1]} : vector<16xi32> to vector<1xi32>
      %squeeze3A_802 = vector.extract %slice3A_801[0] : i32 from vector<1xi32>
      %slice3A_803 = vector.extract_strided_slice %get3A_481 {offsets = [5], sizes = [1], strides = [1]} : vector<16xi32> to vector<1xi32>
      %squeeze3A_804 = vector.extract %slice3A_803[0] : i32 from vector<1xi32>
      %mul3A_805 = arith.constant 8 : i32
      %mul3A_806 = arith.muli %scan3A_469, %mul3A_805 : i32
      %add3A_807 = arith.constant 5 : i32
      %add3A_808 = arith.addi %mul3A_806, %add3A_807 : i32
      %and3A_809 = arith.constant 127 : i32
      %and3A_810 = arith.andi %squeeze3A_802, %and3A_809 : i32
      %broadcast_in_dim3A_811 = vector.broadcast %and3A_810 : i32 to vector<16xi32>
      %broadcast_in_dim3A_812 = vector.broadcast %squeeze3A_804 : i32 to vector<16xi32>
      %broadcast_in_dim3A_813 = vector.broadcast %add3A_808 : i32 to vector<16xi32>
      %gather3A_814 = tpu.vector_load_idx %arg17[%add3A_5, %broadcast_in_dim3A_811] : memref<64x128xf32, #tpu.memory_space<vmem>>[vector<16xi32>, vector<16xi32>], vector<16xf32>,
      %gather3A_815 = tpu.vector_load_idx %arg9[%shift_right_logical3A_19, %broadcast_in_dim3A_812] : memref<32x1024xi32, #tpu.memory_space<vmem>>[vector<16xi32>, vector<16xi32>], vector<16xi32>,
      %shift_left3A_816 = arith.constant 16 : i32
      %shift_left3A_817 = vector.broadcast %shift_left3A_816 : i32 to vector<16xi32>
      %shift_left3A_818 = arith.shli %gather3A_815, %shift_left3A_817 : vector<16xi32>
      %bitcast3A_819 = vector.bitcast %shift_left3A_818 : vector<16xi32> to vector<16xf32>
      %and3A_820 = arith.andi %gather3A_815, %broadcast_in_dim3A_51 : vector<16xi32>
      %bitcast3A_821 = vector.bitcast %and3A_820 : vector<16xi32> to vector<16xf32>
      %select_n3A_822 = arith.select %eq3A_32, %bitcast3A_821, %bitcast3A_819 : vector<16xi1>, vector<16xf32>
      %add3A_823 = arith.addf %gather3A_814, %select_n3A_822 : vector<16xf32>
      tpu.vector_store_idx %arg10[%add3A_5, %broadcast_in_dim3A_813], %add3A_823 : memref<64x128xf32, #tpu.memory_space<vmem>>[vector<16xi32>, vector<16xi32>], vector<16xf32>,
      %gather3A_824 = tpu.vector_load_idx %arg17[%add3A_9, %broadcast_in_dim3A_811] : memref<64x128xf32, #tpu.memory_space<vmem>>[vector<16xi32>, vector<16xi32>], vector<16xf32>,
      %gather3A_825 = tpu.vector_load_idx %arg9[%shift_right_logical3A_22, %broadcast_in_dim3A_812] : memref<32x1024xi32, #tpu.memory_space<vmem>>[vector<16xi32>, vector<16xi32>], vector<16xi32>,
      %shift_left3A_826 = arith.constant 16 : i32
      %shift_left3A_827 = vector.broadcast %shift_left3A_826 : i32 to vector<16xi32>
      %shift_left3A_828 = arith.shli %gather3A_825, %shift_left3A_827 : vector<16xi32>
      %bitcast3A_829 = vector.bitcast %shift_left3A_828 : vector<16xi32> to vector<16xf32>
      %and3A_830 = arith.andi %gather3A_825, %broadcast_in_dim3A_51 : vector<16xi32>
      %bitcast3A_831 = vector.bitcast %and3A_830 : vector<16xi32> to vector<16xf32>
      %select_n3A_832 = arith.select %eq3A_38, %bitcast3A_831, %bitcast3A_829 : vector<16xi1>, vector<16xf32>
      %add3A_833 = arith.addf %gather3A_824, %select_n3A_832 : vector<16xf32>
      tpu.vector_store_idx %arg10[%add3A_9, %broadcast_in_dim3A_813], %add3A_833 : memref<64x128xf32, #tpu.memory_space<vmem>>[vector<16xi32>, vector<16xi32>], vector<16xf32>,
      %gather3A_834 = tpu.vector_load_idx %arg17[%add3A_13, %broadcast_in_dim3A_811] : memref<64x128xf32, #tpu.memory_space<vmem>>[vector<16xi32>, vector<16xi32>], vector<16xf32>,
      %gather3A_835 = tpu.vector_load_idx %arg9[%shift_right_logical3A_25, %broadcast_in_dim3A_812] : memref<32x1024xi32, #tpu.memory_space<vmem>>[vector<16xi32>, vector<16xi32>], vector<16xi32>,
      %shift_left3A_836 = arith.constant 16 : i32
      %shift_left3A_837 = vector.broadcast %shift_left3A_836 : i32 to vector<16xi32>
      %shift_left3A_838 = arith.shli %gather3A_835, %shift_left3A_837 : vector<16xi32>
      %bitcast3A_839 = vector.bitcast %shift_left3A_838 : vector<16xi32> to vector<16xf32>
      %and3A_840 = arith.andi %gather3A_835, %broadcast_in_dim3A_51 : vector<16xi32>
      %bitcast3A_841 = vector.bitcast %and3A_840 : vector<16xi32> to vector<16xf32>
      %select_n3A_842 = arith.select %eq3A_44, %bitcast3A_841, %bitcast3A_839 : vector<16xi1>, vector<16xf32>
      %add3A_843 = arith.addf %gather3A_834, %select_n3A_842 : vector<16xf32>
      tpu.vector_store_idx %arg10[%add3A_13, %broadcast_in_dim3A_813], %add3A_843 : memref<64x128xf32, #tpu.memory_space<vmem>>[vector<16xi32>, vector<16xi32>], vector<16xf32>,
      %gather3A_844 = tpu.vector_load_idx %arg17[%add3A_17, %broadcast_in_dim3A_811] : memref<64x128xf32, #tpu.memory_space<vmem>>[vector<16xi32>, vector<16xi32>], vector<16xf32>,
      %gather3A_845 = tpu.vector_load_idx %arg9[%shift_right_logical3A_28, %broadcast_in_dim3A_812] : memref<32x1024xi32, #tpu.memory_space<vmem>>[vector<16xi32>, vector<16xi32>], vector<16xi32>,
      %shift_left3A_846 = arith.constant 16 : i32
      %shift_left3A_847 = vector.broadcast %shift_left3A_846 : i32 to vector<16xi32>
      %shift_left3A_848 = arith.shli %gather3A_845, %shift_left3A_847 : vector<16xi32>
      %bitcast3A_849 = vector.bitcast %shift_left3A_848 : vector<16xi32> to vector<16xf32>
      %and3A_850 = arith.andi %gather3A_845, %broadcast_in_dim3A_51 : vector<16xi32>
      %bitcast3A_851 = vector.bitcast %and3A_850 : vector<16xi32> to vector<16xf32>
      %select_n3A_852 = arith.select %eq3A_50, %bitcast3A_851, %bitcast3A_849 : vector<16xi1>, vector<16xf32>
      %add3A_853 = arith.addf %gather3A_844, %select_n3A_852 : vector<16xf32>
      tpu.vector_store_idx %arg10[%add3A_17, %broadcast_in_dim3A_813], %add3A_853 : memref<64x128xf32, #tpu.memory_space<vmem>>[vector<16xi32>, vector<16xi32>], vector<16xf32>,
      %lt3A_854 = arith.constant 15 : i32
      %lt3A_855 = arith.cmpi slt, %scan3A_469, %lt3A_854 : i32
      %convert_element_type3A_856 = arith.extui %lt3A_855 : i1 to i32
      %cond3A_857 = arith.constant 0 : i32
      %cond3A_858 = arith.cmpi ne, %convert_element_type3A_856, %cond3A_857 : i32
      scf.if %cond3A_858 {
        %slice3A_987 = vector.extract_strided_slice %get3A_475 {offsets = [13], sizes = [1], strides = [1]} : vector<16xi32> to vector<1xi32>
        %squeeze3A_988 = vector.extract %slice3A_987[0] : i32 from vector<1xi32>
        %shift_right_logical3A_989 = arith.constant 7 : i32
        %shift_right_logical3A_990 = arith.shrui %squeeze3A_988, %shift_right_logical3A_989 : i32
        %mul3A_991 = arith.constant 128 : i32
        %mul3A_992 = arith.muli %shift_right_logical3A_990, %mul3A_991 : i32
        %multiple_of3A_993 = tpu.assume_multiple %mul3A_992, 128 : i32
        %dma_start3A_994 = arith.constant 0 : i32
        %dma_start3A_995 = tpu.memref_slice %arg5[%dma_start3A_994, %multiple_of3A_993] : memref<64x1000000xf32, #tpu.memory_space<hbm>> -> memref<64x128xf32, #tpu.memory_space<hbm>>
        %dma_start3A_996 = arith.constant 0 : i32
        %dma_start3A_997 = tpu.memref_slice %arg5[%dma_start3A_996, %multiple_of3A_993] : memref<64x1000000xf32, #tpu.memory_space<hbm>> -> memref<64x128xf32, #tpu.memory_space<hbm>>
        tpu.enqueue_dma source(%dma_start3A_997 : memref<64x128xf32, #tpu.memory_space<hbm>>) target(%arg17 : memref<64x128xf32, #tpu.memory_space<vmem>>) target_semaphore(%arg25 : memref<!tpu.dma_semaphore, #tpu.memory_space<semaphore_mem>>)
      } else {
      }
      %dma_wait3A_859 = arith.constant 0 : i32
      %dma_wait3A_860 = arith.constant 0 : i32
      %dma_wait3A_861 = tpu.memref_slice %arg5[%dma_wait3A_859, %dma_wait3A_860] : memref<64x1000000xf32, #tpu.memory_space<hbm>> -> memref<64x128xf32, #tpu.memory_space<hbm>>
      %dma_wait3A_862 = arith.constant 0 : i32
      %dma_wait3A_863 = arith.constant 0 : i32
      %dma_wait3A_864 = tpu.memref_slice %arg5[%dma_wait3A_862, %dma_wait3A_863] : memref<64x1000000xf32, #tpu.memory_space<hbm>> -> memref<64x128xf32, #tpu.memory_space<hbm>>
      tpu.wait_dma2 semaphore(%arg26 : memref<!tpu.dma_semaphore, #tpu.memory_space<semaphore_mem>>) src(%dma_wait3A_864 : memref<64x128xf32, #tpu.memory_space<hbm>>) dst(%arg18 : memref<64x128xf32, #tpu.memory_space<vmem>>)
      %slice3A_865 = vector.extract_strided_slice %get3A_475 {offsets = [6], sizes = [1], strides = [1]} : vector<16xi32> to vector<1xi32>
      %squeeze3A_866 = vector.extract %slice3A_865[0] : i32 from vector<1xi32>
      %slice3A_867 = vector.extract_strided_slice %get3A_481 {offsets = [6], sizes = [1], strides = [1]} : vector<16xi32> to vector<1xi32>
      %squeeze3A_868 = vector.extract %slice3A_867[0] : i32 from vector<1xi32>
      %mul3A_869 = arith.constant 8 : i32
      %mul3A_870 = arith.muli %scan3A_469, %mul3A_869 : i32
      %add3A_871 = arith.constant 6 : i32
      %add3A_872 = arith.addi %mul3A_870, %add3A_871 : i32
      %and3A_873 = arith.constant 127 : i32
      %and3A_874 = arith.andi %squeeze3A_866, %and3A_873 : i32
      %broadcast_in_dim3A_875 = vector.broadcast %and3A_874 : i32 to vector<16xi32>
      %broadcast_in_dim3A_876 = vector.broadcast %squeeze3A_868 : i32 to vector<16xi32>
      %broadcast_in_dim3A_877 = vector.broadcast %add3A_872 : i32 to vector<16xi32>
      %gather3A_878 = tpu.vector_load_idx %arg18[%add3A_5, %broadcast_in_dim3A_875] : memref<64x128xf32, #tpu.memory_space<vmem>>[vector<16xi32>, vector<16xi32>], vector<16xf32>,
      %gather3A_879 = tpu.vector_load_idx %arg9[%shift_right_logical3A_19, %broadcast_in_dim3A_876] : memref<32x1024xi32, #tpu.memory_space<vmem>>[vector<16xi32>, vector<16xi32>], vector<16xi32>,
      %shift_left3A_880 = arith.constant 16 : i32
      %shift_left3A_881 = vector.broadcast %shift_left3A_880 : i32 to vector<16xi32>
      %shift_left3A_882 = arith.shli %gather3A_879, %shift_left3A_881 : vector<16xi32>
      %bitcast3A_883 = vector.bitcast %shift_left3A_882 : vector<16xi32> to vector<16xf32>
      %and3A_884 = arith.andi %gather3A_879, %broadcast_in_dim3A_51 : vector<16xi32>
      %bitcast3A_885 = vector.bitcast %and3A_884 : vector<16xi32> to vector<16xf32>
      %select_n3A_886 = arith.select %eq3A_32, %bitcast3A_885, %bitcast3A_883 : vector<16xi1>, vector<16xf32>
      %add3A_887 = arith.addf %gather3A_878, %select_n3A_886 : vector<16xf32>
      tpu.vector_store_idx %arg10[%add3A_5, %broadcast_in_dim3A_877], %add3A_887 : memref<64x128xf32, #tpu.memory_space<vmem>>[vector<16xi32>, vector<16xi32>], vector<16xf32>,
      %gather3A_888 = tpu.vector_load_idx %arg18[%add3A_9, %broadcast_in_dim3A_875] : memref<64x128xf32, #tpu.memory_space<vmem>>[vector<16xi32>, vector<16xi32>], vector<16xf32>,
      %gather3A_889 = tpu.vector_load_idx %arg9[%shift_right_logical3A_22, %broadcast_in_dim3A_876] : memref<32x1024xi32, #tpu.memory_space<vmem>>[vector<16xi32>, vector<16xi32>], vector<16xi32>,
      %shift_left3A_890 = arith.constant 16 : i32
      %shift_left3A_891 = vector.broadcast %shift_left3A_890 : i32 to vector<16xi32>
      %shift_left3A_892 = arith.shli %gather3A_889, %shift_left3A_891 : vector<16xi32>
      %bitcast3A_893 = vector.bitcast %shift_left3A_892 : vector<16xi32> to vector<16xf32>
      %and3A_894 = arith.andi %gather3A_889, %broadcast_in_dim3A_51 : vector<16xi32>
      %bitcast3A_895 = vector.bitcast %and3A_894 : vector<16xi32> to vector<16xf32>
      %select_n3A_896 = arith.select %eq3A_38, %bitcast3A_895, %bitcast3A_893 : vector<16xi1>, vector<16xf32>
      %add3A_897 = arith.addf %gather3A_888, %select_n3A_896 : vector<16xf32>
      tpu.vector_store_idx %arg10[%add3A_9, %broadcast_in_dim3A_877], %add3A_897 : memref<64x128xf32, #tpu.memory_space<vmem>>[vector<16xi32>, vector<16xi32>], vector<16xf32>,
      %gather3A_898 = tpu.vector_load_idx %arg18[%add3A_13, %broadcast_in_dim3A_875] : memref<64x128xf32, #tpu.memory_space<vmem>>[vector<16xi32>, vector<16xi32>], vector<16xf32>,
      %gather3A_899 = tpu.vector_load_idx %arg9[%shift_right_logical3A_25, %broadcast_in_dim3A_876] : memref<32x1024xi32, #tpu.memory_space<vmem>>[vector<16xi32>, vector<16xi32>], vector<16xi32>,
      %shift_left3A_900 = arith.constant 16 : i32
      %shift_left3A_901 = vector.broadcast %shift_left3A_900 : i32 to vector<16xi32>
      %shift_left3A_902 = arith.shli %gather3A_899, %shift_left3A_901 : vector<16xi32>
      %bitcast3A_903 = vector.bitcast %shift_left3A_902 : vector<16xi32> to vector<16xf32>
      %and3A_904 = arith.andi %gather3A_899, %broadcast_in_dim3A_51 : vector<16xi32>
      %bitcast3A_905 = vector.bitcast %and3A_904 : vector<16xi32> to vector<16xf32>
      %select_n3A_906 = arith.select %eq3A_44, %bitcast3A_905, %bitcast3A_903 : vector<16xi1>, vector<16xf32>
      %add3A_907 = arith.addf %gather3A_898, %select_n3A_906 : vector<16xf32>
      tpu.vector_store_idx %arg10[%add3A_13, %broadcast_in_dim3A_877], %add3A_907 : memref<64x128xf32, #tpu.memory_space<vmem>>[vector<16xi32>, vector<16xi32>], vector<16xf32>,
      %gather3A_908 = tpu.vector_load_idx %arg18[%add3A_17, %broadcast_in_dim3A_875] : memref<64x128xf32, #tpu.memory_space<vmem>>[vector<16xi32>, vector<16xi32>], vector<16xf32>,
      %gather3A_909 = tpu.vector_load_idx %arg9[%shift_right_logical3A_28, %broadcast_in_dim3A_876] : memref<32x1024xi32, #tpu.memory_space<vmem>>[vector<16xi32>, vector<16xi32>], vector<16xi32>,
      %shift_left3A_910 = arith.constant 16 : i32
      %shift_left3A_911 = vector.broadcast %shift_left3A_910 : i32 to vector<16xi32>
      %shift_left3A_912 = arith.shli %gather3A_909, %shift_left3A_911 : vector<16xi32>
      %bitcast3A_913 = vector.bitcast %shift_left3A_912 : vector<16xi32> to vector<16xf32>
      %and3A_914 = arith.andi %gather3A_909, %broadcast_in_dim3A_51 : vector<16xi32>
      %bitcast3A_915 = vector.bitcast %and3A_914 : vector<16xi32> to vector<16xf32>
      %select_n3A_916 = arith.select %eq3A_50, %bitcast3A_915, %bitcast3A_913 : vector<16xi1>, vector<16xf32>
      %add3A_917 = arith.addf %gather3A_908, %select_n3A_916 : vector<16xf32>
      tpu.vector_store_idx %arg10[%add3A_17, %broadcast_in_dim3A_877], %add3A_917 : memref<64x128xf32, #tpu.memory_space<vmem>>[vector<16xi32>, vector<16xi32>], vector<16xf32>,
      %lt3A_918 = arith.constant 15 : i32
      %lt3A_919 = arith.cmpi slt, %scan3A_469, %lt3A_918 : i32
      %convert_element_type3A_920 = arith.extui %lt3A_919 : i1 to i32
      %cond3A_921 = arith.constant 0 : i32
      %cond3A_922 = arith.cmpi ne, %convert_element_type3A_920, %cond3A_921 : i32
      scf.if %cond3A_922 {
        %slice3A_987 = vector.extract_strided_slice %get3A_475 {offsets = [14], sizes = [1], strides = [1]} : vector<16xi32> to vector<1xi32>
        %squeeze3A_988 = vector.extract %slice3A_987[0] : i32 from vector<1xi32>
        %shift_right_logical3A_989 = arith.constant 7 : i32
        %shift_right_logical3A_990 = arith.shrui %squeeze3A_988, %shift_right_logical3A_989 : i32
        %mul3A_991 = arith.constant 128 : i32
        %mul3A_992 = arith.muli %shift_right_logical3A_990, %mul3A_991 : i32
        %multiple_of3A_993 = tpu.assume_multiple %mul3A_992, 128 : i32
        %dma_start3A_994 = arith.constant 0 : i32
        %dma_start3A_995 = tpu.memref_slice %arg5[%dma_start3A_994, %multiple_of3A_993] : memref<64x1000000xf32, #tpu.memory_space<hbm>> -> memref<64x128xf32, #tpu.memory_space<hbm>>
        %dma_start3A_996 = arith.constant 0 : i32
        %dma_start3A_997 = tpu.memref_slice %arg5[%dma_start3A_996, %multiple_of3A_993] : memref<64x1000000xf32, #tpu.memory_space<hbm>> -> memref<64x128xf32, #tpu.memory_space<hbm>>
        tpu.enqueue_dma source(%dma_start3A_997 : memref<64x128xf32, #tpu.memory_space<hbm>>) target(%arg18 : memref<64x128xf32, #tpu.memory_space<vmem>>) target_semaphore(%arg26 : memref<!tpu.dma_semaphore, #tpu.memory_space<semaphore_mem>>)
      } else {
      }
      %dma_wait3A_923 = arith.constant 0 : i32
      %dma_wait3A_924 = arith.constant 0 : i32
      %dma_wait3A_925 = tpu.memref_slice %arg5[%dma_wait3A_923, %dma_wait3A_924] : memref<64x1000000xf32, #tpu.memory_space<hbm>> -> memref<64x128xf32, #tpu.memory_space<hbm>>
      %dma_wait3A_926 = arith.constant 0 : i32
      %dma_wait3A_927 = arith.constant 0 : i32
      %dma_wait3A_928 = tpu.memref_slice %arg5[%dma_wait3A_926, %dma_wait3A_927] : memref<64x1000000xf32, #tpu.memory_space<hbm>> -> memref<64x128xf32, #tpu.memory_space<hbm>>
      tpu.wait_dma2 semaphore(%arg27 : memref<!tpu.dma_semaphore, #tpu.memory_space<semaphore_mem>>) src(%dma_wait3A_928 : memref<64x128xf32, #tpu.memory_space<hbm>>) dst(%arg19 : memref<64x128xf32, #tpu.memory_space<vmem>>)
      %slice3A_929 = vector.extract_strided_slice %get3A_475 {offsets = [7], sizes = [1], strides = [1]} : vector<16xi32> to vector<1xi32>
      %squeeze3A_930 = vector.extract %slice3A_929[0] : i32 from vector<1xi32>
      %slice3A_931 = vector.extract_strided_slice %get3A_481 {offsets = [7], sizes = [1], strides = [1]} : vector<16xi32> to vector<1xi32>
      %squeeze3A_932 = vector.extract %slice3A_931[0] : i32 from vector<1xi32>
      %mul3A_933 = arith.constant 8 : i32
      %mul3A_934 = arith.muli %scan3A_469, %mul3A_933 : i32
      %add3A_935 = arith.constant 7 : i32
      %add3A_936 = arith.addi %mul3A_934, %add3A_935 : i32
      %and3A_937 = arith.constant 127 : i32
      %and3A_938 = arith.andi %squeeze3A_930, %and3A_937 : i32
      %broadcast_in_dim3A_939 = vector.broadcast %and3A_938 : i32 to vector<16xi32>
      %broadcast_in_dim3A_940 = vector.broadcast %squeeze3A_932 : i32 to vector<16xi32>
      %broadcast_in_dim3A_941 = vector.broadcast %add3A_936 : i32 to vector<16xi32>
      %gather3A_942 = tpu.vector_load_idx %arg19[%add3A_5, %broadcast_in_dim3A_939] : memref<64x128xf32, #tpu.memory_space<vmem>>[vector<16xi32>, vector<16xi32>], vector<16xf32>,
      %gather3A_943 = tpu.vector_load_idx %arg9[%shift_right_logical3A_19, %broadcast_in_dim3A_940] : memref<32x1024xi32, #tpu.memory_space<vmem>>[vector<16xi32>, vector<16xi32>], vector<16xi32>,
      %shift_left3A_944 = arith.constant 16 : i32
      %shift_left3A_945 = vector.broadcast %shift_left3A_944 : i32 to vector<16xi32>
      %shift_left3A_946 = arith.shli %gather3A_943, %shift_left3A_945 : vector<16xi32>
      %bitcast3A_947 = vector.bitcast %shift_left3A_946 : vector<16xi32> to vector<16xf32>
      %and3A_948 = arith.andi %gather3A_943, %broadcast_in_dim3A_51 : vector<16xi32>
      %bitcast3A_949 = vector.bitcast %and3A_948 : vector<16xi32> to vector<16xf32>
      %select_n3A_950 = arith.select %eq3A_32, %bitcast3A_949, %bitcast3A_947 : vector<16xi1>, vector<16xf32>
      %add3A_951 = arith.addf %gather3A_942, %select_n3A_950 : vector<16xf32>
      tpu.vector_store_idx %arg10[%add3A_5, %broadcast_in_dim3A_941], %add3A_951 : memref<64x128xf32, #tpu.memory_space<vmem>>[vector<16xi32>, vector<16xi32>], vector<16xf32>,
      %gather3A_952 = tpu.vector_load_idx %arg19[%add3A_9, %broadcast_in_dim3A_939] : memref<64x128xf32, #tpu.memory_space<vmem>>[vector<16xi32>, vector<16xi32>], vector<16xf32>,
      %gather3A_953 = tpu.vector_load_idx %arg9[%shift_right_logical3A_22, %broadcast_in_dim3A_940] : memref<32x1024xi32, #tpu.memory_space<vmem>>[vector<16xi32>, vector<16xi32>], vector<16xi32>,
      %shift_left3A_954 = arith.constant 16 : i32
      %shift_left3A_955 = vector.broadcast %shift_left3A_954 : i32 to vector<16xi32>
      %shift_left3A_956 = arith.shli %gather3A_953, %shift_left3A_955 : vector<16xi32>
      %bitcast3A_957 = vector.bitcast %shift_left3A_956 : vector<16xi32> to vector<16xf32>
      %and3A_958 = arith.andi %gather3A_953, %broadcast_in_dim3A_51 : vector<16xi32>
      %bitcast3A_959 = vector.bitcast %and3A_958 : vector<16xi32> to vector<16xf32>
      %select_n3A_960 = arith.select %eq3A_38, %bitcast3A_959, %bitcast3A_957 : vector<16xi1>, vector<16xf32>
      %add3A_961 = arith.addf %gather3A_952, %select_n3A_960 : vector<16xf32>
      tpu.vector_store_idx %arg10[%add3A_9, %broadcast_in_dim3A_941], %add3A_961 : memref<64x128xf32, #tpu.memory_space<vmem>>[vector<16xi32>, vector<16xi32>], vector<16xf32>,
      %gather3A_962 = tpu.vector_load_idx %arg19[%add3A_13, %broadcast_in_dim3A_939] : memref<64x128xf32, #tpu.memory_space<vmem>>[vector<16xi32>, vector<16xi32>], vector<16xf32>,
      %gather3A_963 = tpu.vector_load_idx %arg9[%shift_right_logical3A_25, %broadcast_in_dim3A_940] : memref<32x1024xi32, #tpu.memory_space<vmem>>[vector<16xi32>, vector<16xi32>], vector<16xi32>,
      %shift_left3A_964 = arith.constant 16 : i32
      %shift_left3A_965 = vector.broadcast %shift_left3A_964 : i32 to vector<16xi32>
      %shift_left3A_966 = arith.shli %gather3A_963, %shift_left3A_965 : vector<16xi32>
      %bitcast3A_967 = vector.bitcast %shift_left3A_966 : vector<16xi32> to vector<16xf32>
      %and3A_968 = arith.andi %gather3A_963, %broadcast_in_dim3A_51 : vector<16xi32>
      %bitcast3A_969 = vector.bitcast %and3A_968 : vector<16xi32> to vector<16xf32>
      %select_n3A_970 = arith.select %eq3A_44, %bitcast3A_969, %bitcast3A_967 : vector<16xi1>, vector<16xf32>
      %add3A_971 = arith.addf %gather3A_962, %select_n3A_970 : vector<16xf32>
      tpu.vector_store_idx %arg10[%add3A_13, %broadcast_in_dim3A_941], %add3A_971 : memref<64x128xf32, #tpu.memory_space<vmem>>[vector<16xi32>, vector<16xi32>], vector<16xf32>,
      %gather3A_972 = tpu.vector_load_idx %arg19[%add3A_17, %broadcast_in_dim3A_939] : memref<64x128xf32, #tpu.memory_space<vmem>>[vector<16xi32>, vector<16xi32>], vector<16xf32>,
      %gather3A_973 = tpu.vector_load_idx %arg9[%shift_right_logical3A_28, %broadcast_in_dim3A_940] : memref<32x1024xi32, #tpu.memory_space<vmem>>[vector<16xi32>, vector<16xi32>], vector<16xi32>,
      %shift_left3A_974 = arith.constant 16 : i32
      %shift_left3A_975 = vector.broadcast %shift_left3A_974 : i32 to vector<16xi32>
      %shift_left3A_976 = arith.shli %gather3A_973, %shift_left3A_975 : vector<16xi32>
      %bitcast3A_977 = vector.bitcast %shift_left3A_976 : vector<16xi32> to vector<16xf32>
      %and3A_978 = arith.andi %gather3A_973, %broadcast_in_dim3A_51 : vector<16xi32>
      %bitcast3A_979 = vector.bitcast %and3A_978 : vector<16xi32> to vector<16xf32>
      %select_n3A_980 = arith.select %eq3A_50, %bitcast3A_979, %bitcast3A_977 : vector<16xi1>, vector<16xf32>
      %add3A_981 = arith.addf %gather3A_972, %select_n3A_980 : vector<16xf32>
      tpu.vector_store_idx %arg10[%add3A_17, %broadcast_in_dim3A_941], %add3A_981 : memref<64x128xf32, #tpu.memory_space<vmem>>[vector<16xi32>, vector<16xi32>], vector<16xf32>,
      %lt3A_982 = arith.constant 15 : i32
      %lt3A_983 = arith.cmpi slt, %scan3A_469, %lt3A_982 : i32
      %convert_element_type3A_984 = arith.extui %lt3A_983 : i1 to i32
      %cond3A_985 = arith.constant 0 : i32
      %cond3A_986 = arith.cmpi ne, %convert_element_type3A_984, %cond3A_985 : i32
      scf.if %cond3A_986 {
        %slice3A_987 = vector.extract_strided_slice %get3A_475 {offsets = [15], sizes = [1], strides = [1]} : vector<16xi32> to vector<1xi32>
        %squeeze3A_988 = vector.extract %slice3A_987[0] : i32 from vector<1xi32>
        %shift_right_logical3A_989 = arith.constant 7 : i32
        %shift_right_logical3A_990 = arith.shrui %squeeze3A_988, %shift_right_logical3A_989 : i32
        %mul3A_991 = arith.constant 128 : i32
        %mul3A_992 = arith.muli %shift_right_logical3A_990, %mul3A_991 : i32
        %multiple_of3A_993 = tpu.assume_multiple %mul3A_992, 128 : i32
        %dma_start3A_994 = arith.constant 0 : i32
        %dma_start3A_995 = tpu.memref_slice %arg5[%dma_start3A_994, %multiple_of3A_993] : memref<64x1000000xf32, #tpu.memory_space<hbm>> -> memref<64x128xf32, #tpu.memory_space<hbm>>
        %dma_start3A_996 = arith.constant 0 : i32
        %dma_start3A_997 = tpu.memref_slice %arg5[%dma_start3A_996, %multiple_of3A_993] : memref<64x1000000xf32, #tpu.memory_space<hbm>> -> memref<64x128xf32, #tpu.memory_space<hbm>>
        tpu.enqueue_dma source(%dma_start3A_997 : memref<64x128xf32, #tpu.memory_space<hbm>>) target(%arg19 : memref<64x128xf32, #tpu.memory_space<vmem>>) target_semaphore(%arg27 : memref<!tpu.dma_semaphore, #tpu.memory_space<semaphore_mem>>)
      } else {
      }
    }
    %scan3A_348 = arith.constant 16 : i32
    %add3A_349 = arith.constant 256 : i32
    %add3A_350 = arith.addi %mul3A_2, %add3A_349 : i32
    %dma_start3A_351 = arith.constant 0 : i32
    %dma_start3A_352 = tpu.memref_slice %arg6[%dma_start3A_351, %add3A_350] : memref<64x16384xf32, #tpu.memory_space<hbm>> -> memref<64x128xf32, #tpu.memory_space<hbm>>
    %dma_start3A_353 = arith.constant 0 : i32
    %dma_start3A_354 = tpu.memref_slice %arg6[%dma_start3A_353, %add3A_350] : memref<64x16384xf32, #tpu.memory_space<hbm>> -> memref<64x128xf32, #tpu.memory_space<hbm>>
    tpu.enqueue_dma source(%arg10 : memref<64x128xf32, #tpu.memory_space<vmem>>) target(%dma_start3A_354 : memref<64x128xf32, #tpu.memory_space<hbm>>) target_semaphore(%arg28 : memref<!tpu.dma_semaphore, #tpu.memory_space<semaphore_mem>>)
    %dma_wait3A_355 = arith.constant 0 : i32
    %dma_wait3A_356 = tpu.memref_slice %arg6[%dma_wait3A_355, %add3A_245] : memref<64x16384xf32, #tpu.memory_space<hbm>> -> memref<64x128xf32, #tpu.memory_space<hbm>>
    %dma_wait3A_357 = arith.constant 0 : i32
    %dma_wait3A_358 = tpu.memref_slice %arg6[%dma_wait3A_357, %add3A_245] : memref<64x16384xf32, #tpu.memory_space<hbm>> -> memref<64x128xf32, #tpu.memory_space<hbm>>
    tpu.wait_dma2 semaphore(%arg29 : memref<!tpu.dma_semaphore, #tpu.memory_space<semaphore_mem>>) src(%arg11 : memref<64x128xf32, #tpu.memory_space<vmem>>) dst(%dma_wait3A_358 : memref<64x128xf32, #tpu.memory_space<hbm>>)
    %get3A_359 = arith.constant 384 : index
    %get3A_360 = tpu.vector_load %arg7[%get3A_359] {strides = array<i32>} : memref<520xi32, #tpu.memory_space<vmem>>, vector<16xi32>,
    %slice3A_361 = vector.extract_strided_slice %get3A_360 {offsets = [0], sizes = [1], strides = [1]} : vector<16xi32> to vector<1xi32>
    %squeeze3A_362 = vector.extract %slice3A_361[0] : i32 from vector<1xi32>
    %shift_right_logical3A_363 = arith.constant 7 : i32
    %shift_right_logical3A_364 = arith.shrui %squeeze3A_362, %shift_right_logical3A_363 : i32
    %mul3A_365 = arith.constant 128 : i32
    %mul3A_366 = arith.muli %shift_right_logical3A_364, %mul3A_365 : i32
    %multiple_of3A_367 = tpu.assume_multiple %mul3A_366, 128 : i32
    %dma_start3A_368 = arith.constant 0 : i32
    %dma_start3A_369 = tpu.memref_slice %arg5[%dma_start3A_368, %multiple_of3A_367] : memref<64x1000000xf32, #tpu.memory_space<hbm>> -> memref<64x128xf32, #tpu.memory_space<hbm>>
    %dma_start3A_370 = arith.constant 0 : i32
    %dma_start3A_371 = tpu.memref_slice %arg5[%dma_start3A_370, %multiple_of3A_367] : memref<64x1000000xf32, #tpu.memory_space<hbm>> -> memref<64x128xf32, #tpu.memory_space<hbm>>
    tpu.enqueue_dma source(%dma_start3A_371 : memref<64x128xf32, #tpu.memory_space<hbm>>) target(%arg12 : memref<64x128xf32, #tpu.memory_space<vmem>>) target_semaphore(%arg20 : memref<!tpu.dma_semaphore, #tpu.memory_space<semaphore_mem>>)
    %slice3A_372 = vector.extract_strided_slice %get3A_360 {offsets = [1], sizes = [1], strides = [1]} : vector<16xi32> to vector<1xi32>
    %squeeze3A_373 = vector.extract %slice3A_372[0] : i32 from vector<1xi32>
    %shift_right_logical3A_374 = arith.constant 7 : i32
    %shift_right_logical3A_375 = arith.shrui %squeeze3A_373, %shift_right_logical3A_374 : i32
    %mul3A_376 = arith.constant 128 : i32
    %mul3A_377 = arith.muli %shift_right_logical3A_375, %mul3A_376 : i32
    %multiple_of3A_378 = tpu.assume_multiple %mul3A_377, 128 : i32
    %dma_start3A_379 = arith.constant 0 : i32
    %dma_start3A_380 = tpu.memref_slice %arg5[%dma_start3A_379, %multiple_of3A_378] : memref<64x1000000xf32, #tpu.memory_space<hbm>> -> memref<64x128xf32, #tpu.memory_space<hbm>>
    %dma_start3A_381 = arith.constant 0 : i32
    %dma_start3A_382 = tpu.memref_slice %arg5[%dma_start3A_381, %multiple_of3A_378] : memref<64x1000000xf32, #tpu.memory_space<hbm>> -> memref<64x128xf32, #tpu.memory_space<hbm>>
    tpu.enqueue_dma source(%dma_start3A_382 : memref<64x128xf32, #tpu.memory_space<hbm>>) target(%arg13 : memref<64x128xf32, #tpu.memory_space<vmem>>) target_semaphore(%arg21 : memref<!tpu.dma_semaphore, #tpu.memory_space<semaphore_mem>>)
    %slice3A_383 = vector.extract_strided_slice %get3A_360 {offsets = [2], sizes = [1], strides = [1]} : vector<16xi32> to vector<1xi32>
    %squeeze3A_384 = vector.extract %slice3A_383[0] : i32 from vector<1xi32>
    %shift_right_logical3A_385 = arith.constant 7 : i32
    %shift_right_logical3A_386 = arith.shrui %squeeze3A_384, %shift_right_logical3A_385 : i32
    %mul3A_387 = arith.constant 128 : i32
    %mul3A_388 = arith.muli %shift_right_logical3A_386, %mul3A_387 : i32
    %multiple_of3A_389 = tpu.assume_multiple %mul3A_388, 128 : i32
    %dma_start3A_390 = arith.constant 0 : i32
    %dma_start3A_391 = tpu.memref_slice %arg5[%dma_start3A_390, %multiple_of3A_389] : memref<64x1000000xf32, #tpu.memory_space<hbm>> -> memref<64x128xf32, #tpu.memory_space<hbm>>
    %dma_start3A_392 = arith.constant 0 : i32
    %dma_start3A_393 = tpu.memref_slice %arg5[%dma_start3A_392, %multiple_of3A_389] : memref<64x1000000xf32, #tpu.memory_space<hbm>> -> memref<64x128xf32, #tpu.memory_space<hbm>>
    tpu.enqueue_dma source(%dma_start3A_393 : memref<64x128xf32, #tpu.memory_space<hbm>>) target(%arg14 : memref<64x128xf32, #tpu.memory_space<vmem>>) target_semaphore(%arg22 : memref<!tpu.dma_semaphore, #tpu.memory_space<semaphore_mem>>)
    %slice3A_394 = vector.extract_strided_slice %get3A_360 {offsets = [3], sizes = [1], strides = [1]} : vector<16xi32> to vector<1xi32>
    %squeeze3A_395 = vector.extract %slice3A_394[0] : i32 from vector<1xi32>
    %shift_right_logical3A_396 = arith.constant 7 : i32
    %shift_right_logical3A_397 = arith.shrui %squeeze3A_395, %shift_right_logical3A_396 : i32
    %mul3A_398 = arith.constant 128 : i32
    %mul3A_399 = arith.muli %shift_right_logical3A_397, %mul3A_398 : i32
    %multiple_of3A_400 = tpu.assume_multiple %mul3A_399, 128 : i32
    %dma_start3A_401 = arith.constant 0 : i32
    %dma_start3A_402 = tpu.memref_slice %arg5[%dma_start3A_401, %multiple_of3A_400] : memref<64x1000000xf32, #tpu.memory_space<hbm>> -> memref<64x128xf32, #tpu.memory_space<hbm>>
    %dma_start3A_403 = arith.constant 0 : i32
    %dma_start3A_404 = tpu.memref_slice %arg5[%dma_start3A_403, %multiple_of3A_400] : memref<64x1000000xf32, #tpu.memory_space<hbm>> -> memref<64x128xf32, #tpu.memory_space<hbm>>
    tpu.enqueue_dma source(%dma_start3A_404 : memref<64x128xf32, #tpu.memory_space<hbm>>) target(%arg15 : memref<64x128xf32, #tpu.memory_space<vmem>>) target_semaphore(%arg23 : memref<!tpu.dma_semaphore, #tpu.memory_space<semaphore_mem>>)
    %slice3A_405 = vector.extract_strided_slice %get3A_360 {offsets = [4], sizes = [1], strides = [1]} : vector<16xi32> to vector<1xi32>
    %squeeze3A_406 = vector.extract %slice3A_405[0] : i32 from vector<1xi32>
    %shift_right_logical3A_407 = arith.constant 7 : i32
    %shift_right_logical3A_408 = arith.shrui %squeeze3A_406, %shift_right_logical3A_407 : i32
    %mul3A_409 = arith.constant 128 : i32
    %mul3A_410 = arith.muli %shift_right_logical3A_408, %mul3A_409 : i32
    %multiple_of3A_411 = tpu.assume_multiple %mul3A_410, 128 : i32
    %dma_start3A_412 = arith.constant 0 : i32
    %dma_start3A_413 = tpu.memref_slice %arg5[%dma_start3A_412, %multiple_of3A_411] : memref<64x1000000xf32, #tpu.memory_space<hbm>> -> memref<64x128xf32, #tpu.memory_space<hbm>>
    %dma_start3A_414 = arith.constant 0 : i32
    %dma_start3A_415 = tpu.memref_slice %arg5[%dma_start3A_414, %multiple_of3A_411] : memref<64x1000000xf32, #tpu.memory_space<hbm>> -> memref<64x128xf32, #tpu.memory_space<hbm>>
    tpu.enqueue_dma source(%dma_start3A_415 : memref<64x128xf32, #tpu.memory_space<hbm>>) target(%arg16 : memref<64x128xf32, #tpu.memory_space<vmem>>) target_semaphore(%arg24 : memref<!tpu.dma_semaphore, #tpu.memory_space<semaphore_mem>>)
    %slice3A_416 = vector.extract_strided_slice %get3A_360 {offsets = [5], sizes = [1], strides = [1]} : vector<16xi32> to vector<1xi32>
    %squeeze3A_417 = vector.extract %slice3A_416[0] : i32 from vector<1xi32>
    %shift_right_logical3A_418 = arith.constant 7 : i32
    %shift_right_logical3A_419 = arith.shrui %squeeze3A_417, %shift_right_logical3A_418 : i32
    %mul3A_420 = arith.constant 128 : i32
    %mul3A_421 = arith.muli %shift_right_logical3A_419, %mul3A_420 : i32
    %multiple_of3A_422 = tpu.assume_multiple %mul3A_421, 128 : i32
    %dma_start3A_423 = arith.constant 0 : i32
    %dma_start3A_424 = tpu.memref_slice %arg5[%dma_start3A_423, %multiple_of3A_422] : memref<64x1000000xf32, #tpu.memory_space<hbm>> -> memref<64x128xf32, #tpu.memory_space<hbm>>
    %dma_start3A_425 = arith.constant 0 : i32
    %dma_start3A_426 = tpu.memref_slice %arg5[%dma_start3A_425, %multiple_of3A_422] : memref<64x1000000xf32, #tpu.memory_space<hbm>> -> memref<64x128xf32, #tpu.memory_space<hbm>>
    tpu.enqueue_dma source(%dma_start3A_426 : memref<64x128xf32, #tpu.memory_space<hbm>>) target(%arg17 : memref<64x128xf32, #tpu.memory_space<vmem>>) target_semaphore(%arg25 : memref<!tpu.dma_semaphore, #tpu.memory_space<semaphore_mem>>)
    %slice3A_427 = vector.extract_strided_slice %get3A_360 {offsets = [6], sizes = [1], strides = [1]} : vector<16xi32> to vector<1xi32>
    %squeeze3A_428 = vector.extract %slice3A_427[0] : i32 from vector<1xi32>
    %shift_right_logical3A_429 = arith.constant 7 : i32
    %shift_right_logical3A_430 = arith.shrui %squeeze3A_428, %shift_right_logical3A_429 : i32
    %mul3A_431 = arith.constant 128 : i32
    %mul3A_432 = arith.muli %shift_right_logical3A_430, %mul3A_431 : i32
    %multiple_of3A_433 = tpu.assume_multiple %mul3A_432, 128 : i32
    %dma_start3A_434 = arith.constant 0 : i32
    %dma_start3A_435 = tpu.memref_slice %arg5[%dma_start3A_434, %multiple_of3A_433] : memref<64x1000000xf32, #tpu.memory_space<hbm>> -> memref<64x128xf32, #tpu.memory_space<hbm>>
    %dma_start3A_436 = arith.constant 0 : i32
    %dma_start3A_437 = tpu.memref_slice %arg5[%dma_start3A_436, %multiple_of3A_433] : memref<64x1000000xf32, #tpu.memory_space<hbm>> -> memref<64x128xf32, #tpu.memory_space<hbm>>
    tpu.enqueue_dma source(%dma_start3A_437 : memref<64x128xf32, #tpu.memory_space<hbm>>) target(%arg18 : memref<64x128xf32, #tpu.memory_space<vmem>>) target_semaphore(%arg26 : memref<!tpu.dma_semaphore, #tpu.memory_space<semaphore_mem>>)
    %slice3A_438 = vector.extract_strided_slice %get3A_360 {offsets = [7], sizes = [1], strides = [1]} : vector<16xi32> to vector<1xi32>
    %squeeze3A_439 = vector.extract %slice3A_438[0] : i32 from vector<1xi32>
    %shift_right_logical3A_440 = arith.constant 7 : i32
    %shift_right_logical3A_441 = arith.shrui %squeeze3A_439, %shift_right_logical3A_440 : i32
    %mul3A_442 = arith.constant 128 : i32
    %mul3A_443 = arith.muli %shift_right_logical3A_441, %mul3A_442 : i32
    %multiple_of3A_444 = tpu.assume_multiple %mul3A_443, 128 : i32
    %dma_start3A_445 = arith.constant 0 : i32
    %dma_start3A_446 = tpu.memref_slice %arg5[%dma_start3A_445, %multiple_of3A_444] : memref<64x1000000xf32, #tpu.memory_space<hbm>> -> memref<64x128xf32, #tpu.memory_space<hbm>>
    %dma_start3A_447 = arith.constant 0 : i32
    %dma_start3A_448 = tpu.memref_slice %arg5[%dma_start3A_447, %multiple_of3A_444] : memref<64x1000000xf32, #tpu.memory_space<hbm>> -> memref<64x128xf32, #tpu.memory_space<hbm>>
    tpu.enqueue_dma source(%dma_start3A_448 : memref<64x128xf32, #tpu.memory_space<hbm>>) target(%arg19 : memref<64x128xf32, #tpu.memory_space<vmem>>) target_semaphore(%arg27 : memref<!tpu.dma_semaphore, #tpu.memory_space<semaphore_mem>>)
    %scan3A_449 = arith.constant 0 : i32
    %scan3A_450 = arith.constant 0 : i32
    %scan3A_451 = arith.constant 16 : i32
    %scan3A_452 = arith.addi %scan3A_450, %scan3A_451 : i32
    %scan3A_453 = arith.constant 1 : i32
    scf.for %scan3A_469 = %scan3A_450 to %scan3A_452 step %scan3A_453  : i32 {
      %mul3A_470 = arith.constant 8 : i32
      %mul3A_471 = arith.muli %scan3A_469, %mul3A_470 : i32
      %add3A_472 = arith.constant 384 : i32
      %add3A_473 = arith.addi %add3A_472, %mul3A_471 : i32
      %get3A_474 = arith.index_cast %add3A_473 : i32 to index
      %get3A_475 = tpu.vector_load %arg7[%get3A_474] {strides = array<i32>} : memref<520xi32, #tpu.memory_space<vmem>>, vector<16xi32>,
      %mul3A_476 = arith.constant 8 : i32
      %mul3A_477 = arith.muli %scan3A_469, %mul3A_476 : i32
      %add3A_478 = arith.constant 384 : i32
      %add3A_479 = arith.addi %add3A_478, %mul3A_477 : i32
      %get3A_480 = arith.index_cast %add3A_479 : i32 to index
      %get3A_481 = tpu.vector_load %arg8[%get3A_480] {strides = array<i32>} : memref<520xi32, #tpu.memory_space<vmem>>, vector<16xi32>,
      %dma_wait3A_482 = arith.constant 0 : i32
      %dma_wait3A_483 = arith.constant 0 : i32
      %dma_wait3A_484 = tpu.memref_slice %arg5[%dma_wait3A_482, %dma_wait3A_483] : memref<64x1000000xf32, #tpu.memory_space<hbm>> -> memref<64x128xf32, #tpu.memory_space<hbm>>
      %dma_wait3A_485 = arith.constant 0 : i32
      %dma_wait3A_486 = arith.constant 0 : i32
      %dma_wait3A_487 = tpu.memref_slice %arg5[%dma_wait3A_485, %dma_wait3A_486] : memref<64x1000000xf32, #tpu.memory_space<hbm>> -> memref<64x128xf32, #tpu.memory_space<hbm>>
      tpu.wait_dma2 semaphore(%arg20 : memref<!tpu.dma_semaphore, #tpu.memory_space<semaphore_mem>>) src(%dma_wait3A_487 : memref<64x128xf32, #tpu.memory_space<hbm>>) dst(%arg12 : memref<64x128xf32, #tpu.memory_space<vmem>>)
      %slice3A_488 = vector.extract_strided_slice %get3A_475 {offsets = [0], sizes = [1], strides = [1]} : vector<16xi32> to vector<1xi32>
      %squeeze3A_489 = vector.extract %slice3A_488[0] : i32 from vector<1xi32>
      %slice3A_490 = vector.extract_strided_slice %get3A_481 {offsets = [0], sizes = [1], strides = [1]} : vector<16xi32> to vector<1xi32>
      %squeeze3A_491 = vector.extract %slice3A_490[0] : i32 from vector<1xi32>
      %mul3A_492 = arith.constant 8 : i32
      %mul3A_493 = arith.muli %scan3A_469, %mul3A_492 : i32
      %add3A_494 = arith.constant 0 : i32
      %add3A_495 = arith.addi %mul3A_493, %add3A_494 : i32
      %and3A_496 = arith.constant 127 : i32
      %and3A_497 = arith.andi %squeeze3A_489, %and3A_496 : i32
      %broadcast_in_dim3A_498 = vector.broadcast %and3A_497 : i32 to vector<16xi32>
      %broadcast_in_dim3A_499 = vector.broadcast %squeeze3A_491 : i32 to vector<16xi32>
      %broadcast_in_dim3A_500 = vector.broadcast %add3A_495 : i32 to vector<16xi32>
      %gather3A = tpu.vector_load_idx %arg12[%add3A_5, %broadcast_in_dim3A_498] : memref<64x128xf32, #tpu.memory_space<vmem>>[vector<16xi32>, vector<16xi32>], vector<16xf32>,
      %gather3A_501 = tpu.vector_load_idx %arg9[%shift_right_logical3A_19, %broadcast_in_dim3A_499] : memref<32x1024xi32, #tpu.memory_space<vmem>>[vector<16xi32>, vector<16xi32>], vector<16xi32>,
      %shift_left3A = arith.constant 16 : i32
      %shift_left3A_502 = vector.broadcast %shift_left3A : i32 to vector<16xi32>
      %shift_left3A_503 = arith.shli %gather3A_501, %shift_left3A_502 : vector<16xi32>
      %bitcast3A = vector.bitcast %shift_left3A_503 : vector<16xi32> to vector<16xf32>
      %and3A_504 = arith.andi %gather3A_501, %broadcast_in_dim3A_51 : vector<16xi32>
      %bitcast3A_505 = vector.bitcast %and3A_504 : vector<16xi32> to vector<16xf32>
      %select_n3A = arith.select %eq3A_32, %bitcast3A_505, %bitcast3A : vector<16xi1>, vector<16xf32>
      %add3A_506 = arith.addf %gather3A, %select_n3A : vector<16xf32>
      tpu.vector_store_idx %arg11[%add3A_5, %broadcast_in_dim3A_500], %add3A_506 : memref<64x128xf32, #tpu.memory_space<vmem>>[vector<16xi32>, vector<16xi32>], vector<16xf32>,
      %gather3A_507 = tpu.vector_load_idx %arg12[%add3A_9, %broadcast_in_dim3A_498] : memref<64x128xf32, #tpu.memory_space<vmem>>[vector<16xi32>, vector<16xi32>], vector<16xf32>,
      %gather3A_508 = tpu.vector_load_idx %arg9[%shift_right_logical3A_22, %broadcast_in_dim3A_499] : memref<32x1024xi32, #tpu.memory_space<vmem>>[vector<16xi32>, vector<16xi32>], vector<16xi32>,
      %shift_left3A_509 = arith.constant 16 : i32
      %shift_left3A_510 = vector.broadcast %shift_left3A_509 : i32 to vector<16xi32>
      %shift_left3A_511 = arith.shli %gather3A_508, %shift_left3A_510 : vector<16xi32>
      %bitcast3A_512 = vector.bitcast %shift_left3A_511 : vector<16xi32> to vector<16xf32>
      %and3A_513 = arith.andi %gather3A_508, %broadcast_in_dim3A_51 : vector<16xi32>
      %bitcast3A_514 = vector.bitcast %and3A_513 : vector<16xi32> to vector<16xf32>
      %select_n3A_515 = arith.select %eq3A_38, %bitcast3A_514, %bitcast3A_512 : vector<16xi1>, vector<16xf32>
      %add3A_516 = arith.addf %gather3A_507, %select_n3A_515 : vector<16xf32>
      tpu.vector_store_idx %arg11[%add3A_9, %broadcast_in_dim3A_500], %add3A_516 : memref<64x128xf32, #tpu.memory_space<vmem>>[vector<16xi32>, vector<16xi32>], vector<16xf32>,
      %gather3A_517 = tpu.vector_load_idx %arg12[%add3A_13, %broadcast_in_dim3A_498] : memref<64x128xf32, #tpu.memory_space<vmem>>[vector<16xi32>, vector<16xi32>], vector<16xf32>,
      %gather3A_518 = tpu.vector_load_idx %arg9[%shift_right_logical3A_25, %broadcast_in_dim3A_499] : memref<32x1024xi32, #tpu.memory_space<vmem>>[vector<16xi32>, vector<16xi32>], vector<16xi32>,
      %shift_left3A_519 = arith.constant 16 : i32
      %shift_left3A_520 = vector.broadcast %shift_left3A_519 : i32 to vector<16xi32>
      %shift_left3A_521 = arith.shli %gather3A_518, %shift_left3A_520 : vector<16xi32>
      %bitcast3A_522 = vector.bitcast %shift_left3A_521 : vector<16xi32> to vector<16xf32>
      %and3A_523 = arith.andi %gather3A_518, %broadcast_in_dim3A_51 : vector<16xi32>
      %bitcast3A_524 = vector.bitcast %and3A_523 : vector<16xi32> to vector<16xf32>
      %select_n3A_525 = arith.select %eq3A_44, %bitcast3A_524, %bitcast3A_522 : vector<16xi1>, vector<16xf32>
      %add3A_526 = arith.addf %gather3A_517, %select_n3A_525 : vector<16xf32>
      tpu.vector_store_idx %arg11[%add3A_13, %broadcast_in_dim3A_500], %add3A_526 : memref<64x128xf32, #tpu.memory_space<vmem>>[vector<16xi32>, vector<16xi32>], vector<16xf32>,
      %gather3A_527 = tpu.vector_load_idx %arg12[%add3A_17, %broadcast_in_dim3A_498] : memref<64x128xf32, #tpu.memory_space<vmem>>[vector<16xi32>, vector<16xi32>], vector<16xf32>,
      %gather3A_528 = tpu.vector_load_idx %arg9[%shift_right_logical3A_28, %broadcast_in_dim3A_499] : memref<32x1024xi32, #tpu.memory_space<vmem>>[vector<16xi32>, vector<16xi32>], vector<16xi32>,
      %shift_left3A_529 = arith.constant 16 : i32
      %shift_left3A_530 = vector.broadcast %shift_left3A_529 : i32 to vector<16xi32>
      %shift_left3A_531 = arith.shli %gather3A_528, %shift_left3A_530 : vector<16xi32>
      %bitcast3A_532 = vector.bitcast %shift_left3A_531 : vector<16xi32> to vector<16xf32>
      %and3A_533 = arith.andi %gather3A_528, %broadcast_in_dim3A_51 : vector<16xi32>
      %bitcast3A_534 = vector.bitcast %and3A_533 : vector<16xi32> to vector<16xf32>
      %select_n3A_535 = arith.select %eq3A_50, %bitcast3A_534, %bitcast3A_532 : vector<16xi1>, vector<16xf32>
      %add3A_536 = arith.addf %gather3A_527, %select_n3A_535 : vector<16xf32>
      tpu.vector_store_idx %arg11[%add3A_17, %broadcast_in_dim3A_500], %add3A_536 : memref<64x128xf32, #tpu.memory_space<vmem>>[vector<16xi32>, vector<16xi32>], vector<16xf32>,
      %lt3A = arith.constant 15 : i32
      %lt3A_537 = arith.cmpi slt, %scan3A_469, %lt3A : i32
      %convert_element_type3A = arith.extui %lt3A_537 : i1 to i32
      %cond3A = arith.constant 0 : i32
      %cond3A_538 = arith.cmpi ne, %convert_element_type3A, %cond3A : i32
      scf.if %cond3A_538 {
        %slice3A_987 = vector.extract_strided_slice %get3A_475 {offsets = [8], sizes = [1], strides = [1]} : vector<16xi32> to vector<1xi32>
        %squeeze3A_988 = vector.extract %slice3A_987[0] : i32 from vector<1xi32>
        %shift_right_logical3A_989 = arith.constant 7 : i32
        %shift_right_logical3A_990 = arith.shrui %squeeze3A_988, %shift_right_logical3A_989 : i32
        %mul3A_991 = arith.constant 128 : i32
        %mul3A_992 = arith.muli %shift_right_logical3A_990, %mul3A_991 : i32
        %multiple_of3A_993 = tpu.assume_multiple %mul3A_992, 128 : i32
        %dma_start3A_994 = arith.constant 0 : i32
        %dma_start3A_995 = tpu.memref_slice %arg5[%dma_start3A_994, %multiple_of3A_993] : memref<64x1000000xf32, #tpu.memory_space<hbm>> -> memref<64x128xf32, #tpu.memory_space<hbm>>
        %dma_start3A_996 = arith.constant 0 : i32
        %dma_start3A_997 = tpu.memref_slice %arg5[%dma_start3A_996, %multiple_of3A_993] : memref<64x1000000xf32, #tpu.memory_space<hbm>> -> memref<64x128xf32, #tpu.memory_space<hbm>>
        tpu.enqueue_dma source(%dma_start3A_997 : memref<64x128xf32, #tpu.memory_space<hbm>>) target(%arg12 : memref<64x128xf32, #tpu.memory_space<vmem>>) target_semaphore(%arg20 : memref<!tpu.dma_semaphore, #tpu.memory_space<semaphore_mem>>)
      } else {
      }
      %dma_wait3A_539 = arith.constant 0 : i32
      %dma_wait3A_540 = arith.constant 0 : i32
      %dma_wait3A_541 = tpu.memref_slice %arg5[%dma_wait3A_539, %dma_wait3A_540] : memref<64x1000000xf32, #tpu.memory_space<hbm>> -> memref<64x128xf32, #tpu.memory_space<hbm>>
      %dma_wait3A_542 = arith.constant 0 : i32
      %dma_wait3A_543 = arith.constant 0 : i32
      %dma_wait3A_544 = tpu.memref_slice %arg5[%dma_wait3A_542, %dma_wait3A_543] : memref<64x1000000xf32, #tpu.memory_space<hbm>> -> memref<64x128xf32, #tpu.memory_space<hbm>>
      tpu.wait_dma2 semaphore(%arg21 : memref<!tpu.dma_semaphore, #tpu.memory_space<semaphore_mem>>) src(%dma_wait3A_544 : memref<64x128xf32, #tpu.memory_space<hbm>>) dst(%arg13 : memref<64x128xf32, #tpu.memory_space<vmem>>)
      %slice3A_545 = vector.extract_strided_slice %get3A_475 {offsets = [1], sizes = [1], strides = [1]} : vector<16xi32> to vector<1xi32>
      %squeeze3A_546 = vector.extract %slice3A_545[0] : i32 from vector<1xi32>
      %slice3A_547 = vector.extract_strided_slice %get3A_481 {offsets = [1], sizes = [1], strides = [1]} : vector<16xi32> to vector<1xi32>
      %squeeze3A_548 = vector.extract %slice3A_547[0] : i32 from vector<1xi32>
      %mul3A_549 = arith.constant 8 : i32
      %mul3A_550 = arith.muli %scan3A_469, %mul3A_549 : i32
      %add3A_551 = arith.constant 1 : i32
      %add3A_552 = arith.addi %mul3A_550, %add3A_551 : i32
      %and3A_553 = arith.constant 127 : i32
      %and3A_554 = arith.andi %squeeze3A_546, %and3A_553 : i32
      %broadcast_in_dim3A_555 = vector.broadcast %and3A_554 : i32 to vector<16xi32>
      %broadcast_in_dim3A_556 = vector.broadcast %squeeze3A_548 : i32 to vector<16xi32>
      %broadcast_in_dim3A_557 = vector.broadcast %add3A_552 : i32 to vector<16xi32>
      %gather3A_558 = tpu.vector_load_idx %arg13[%add3A_5, %broadcast_in_dim3A_555] : memref<64x128xf32, #tpu.memory_space<vmem>>[vector<16xi32>, vector<16xi32>], vector<16xf32>,
      %gather3A_559 = tpu.vector_load_idx %arg9[%shift_right_logical3A_19, %broadcast_in_dim3A_556] : memref<32x1024xi32, #tpu.memory_space<vmem>>[vector<16xi32>, vector<16xi32>], vector<16xi32>,
      %shift_left3A_560 = arith.constant 16 : i32
      %shift_left3A_561 = vector.broadcast %shift_left3A_560 : i32 to vector<16xi32>
      %shift_left3A_562 = arith.shli %gather3A_559, %shift_left3A_561 : vector<16xi32>
      %bitcast3A_563 = vector.bitcast %shift_left3A_562 : vector<16xi32> to vector<16xf32>
      %and3A_564 = arith.andi %gather3A_559, %broadcast_in_dim3A_51 : vector<16xi32>
      %bitcast3A_565 = vector.bitcast %and3A_564 : vector<16xi32> to vector<16xf32>
      %select_n3A_566 = arith.select %eq3A_32, %bitcast3A_565, %bitcast3A_563 : vector<16xi1>, vector<16xf32>
      %add3A_567 = arith.addf %gather3A_558, %select_n3A_566 : vector<16xf32>
      tpu.vector_store_idx %arg11[%add3A_5, %broadcast_in_dim3A_557], %add3A_567 : memref<64x128xf32, #tpu.memory_space<vmem>>[vector<16xi32>, vector<16xi32>], vector<16xf32>,
      %gather3A_568 = tpu.vector_load_idx %arg13[%add3A_9, %broadcast_in_dim3A_555] : memref<64x128xf32, #tpu.memory_space<vmem>>[vector<16xi32>, vector<16xi32>], vector<16xf32>,
      %gather3A_569 = tpu.vector_load_idx %arg9[%shift_right_logical3A_22, %broadcast_in_dim3A_556] : memref<32x1024xi32, #tpu.memory_space<vmem>>[vector<16xi32>, vector<16xi32>], vector<16xi32>,
      %shift_left3A_570 = arith.constant 16 : i32
      %shift_left3A_571 = vector.broadcast %shift_left3A_570 : i32 to vector<16xi32>
      %shift_left3A_572 = arith.shli %gather3A_569, %shift_left3A_571 : vector<16xi32>
      %bitcast3A_573 = vector.bitcast %shift_left3A_572 : vector<16xi32> to vector<16xf32>
      %and3A_574 = arith.andi %gather3A_569, %broadcast_in_dim3A_51 : vector<16xi32>
      %bitcast3A_575 = vector.bitcast %and3A_574 : vector<16xi32> to vector<16xf32>
      %select_n3A_576 = arith.select %eq3A_38, %bitcast3A_575, %bitcast3A_573 : vector<16xi1>, vector<16xf32>
      %add3A_577 = arith.addf %gather3A_568, %select_n3A_576 : vector<16xf32>
      tpu.vector_store_idx %arg11[%add3A_9, %broadcast_in_dim3A_557], %add3A_577 : memref<64x128xf32, #tpu.memory_space<vmem>>[vector<16xi32>, vector<16xi32>], vector<16xf32>,
      %gather3A_578 = tpu.vector_load_idx %arg13[%add3A_13, %broadcast_in_dim3A_555] : memref<64x128xf32, #tpu.memory_space<vmem>>[vector<16xi32>, vector<16xi32>], vector<16xf32>,
      %gather3A_579 = tpu.vector_load_idx %arg9[%shift_right_logical3A_25, %broadcast_in_dim3A_556] : memref<32x1024xi32, #tpu.memory_space<vmem>>[vector<16xi32>, vector<16xi32>], vector<16xi32>,
      %shift_left3A_580 = arith.constant 16 : i32
      %shift_left3A_581 = vector.broadcast %shift_left3A_580 : i32 to vector<16xi32>
      %shift_left3A_582 = arith.shli %gather3A_579, %shift_left3A_581 : vector<16xi32>
      %bitcast3A_583 = vector.bitcast %shift_left3A_582 : vector<16xi32> to vector<16xf32>
      %and3A_584 = arith.andi %gather3A_579, %broadcast_in_dim3A_51 : vector<16xi32>
      %bitcast3A_585 = vector.bitcast %and3A_584 : vector<16xi32> to vector<16xf32>
      %select_n3A_586 = arith.select %eq3A_44, %bitcast3A_585, %bitcast3A_583 : vector<16xi1>, vector<16xf32>
      %add3A_587 = arith.addf %gather3A_578, %select_n3A_586 : vector<16xf32>
      tpu.vector_store_idx %arg11[%add3A_13, %broadcast_in_dim3A_557], %add3A_587 : memref<64x128xf32, #tpu.memory_space<vmem>>[vector<16xi32>, vector<16xi32>], vector<16xf32>,
      %gather3A_588 = tpu.vector_load_idx %arg13[%add3A_17, %broadcast_in_dim3A_555] : memref<64x128xf32, #tpu.memory_space<vmem>>[vector<16xi32>, vector<16xi32>], vector<16xf32>,
      %gather3A_589 = tpu.vector_load_idx %arg9[%shift_right_logical3A_28, %broadcast_in_dim3A_556] : memref<32x1024xi32, #tpu.memory_space<vmem>>[vector<16xi32>, vector<16xi32>], vector<16xi32>,
      %shift_left3A_590 = arith.constant 16 : i32
      %shift_left3A_591 = vector.broadcast %shift_left3A_590 : i32 to vector<16xi32>
      %shift_left3A_592 = arith.shli %gather3A_589, %shift_left3A_591 : vector<16xi32>
      %bitcast3A_593 = vector.bitcast %shift_left3A_592 : vector<16xi32> to vector<16xf32>
      %and3A_594 = arith.andi %gather3A_589, %broadcast_in_dim3A_51 : vector<16xi32>
      %bitcast3A_595 = vector.bitcast %and3A_594 : vector<16xi32> to vector<16xf32>
      %select_n3A_596 = arith.select %eq3A_50, %bitcast3A_595, %bitcast3A_593 : vector<16xi1>, vector<16xf32>
      %add3A_597 = arith.addf %gather3A_588, %select_n3A_596 : vector<16xf32>
      tpu.vector_store_idx %arg11[%add3A_17, %broadcast_in_dim3A_557], %add3A_597 : memref<64x128xf32, #tpu.memory_space<vmem>>[vector<16xi32>, vector<16xi32>], vector<16xf32>,
      %lt3A_598 = arith.constant 15 : i32
      %lt3A_599 = arith.cmpi slt, %scan3A_469, %lt3A_598 : i32
      %convert_element_type3A_600 = arith.extui %lt3A_599 : i1 to i32
      %cond3A_601 = arith.constant 0 : i32
      %cond3A_602 = arith.cmpi ne, %convert_element_type3A_600, %cond3A_601 : i32
      scf.if %cond3A_602 {
        %slice3A_987 = vector.extract_strided_slice %get3A_475 {offsets = [9], sizes = [1], strides = [1]} : vector<16xi32> to vector<1xi32>
        %squeeze3A_988 = vector.extract %slice3A_987[0] : i32 from vector<1xi32>
        %shift_right_logical3A_989 = arith.constant 7 : i32
        %shift_right_logical3A_990 = arith.shrui %squeeze3A_988, %shift_right_logical3A_989 : i32
        %mul3A_991 = arith.constant 128 : i32
        %mul3A_992 = arith.muli %shift_right_logical3A_990, %mul3A_991 : i32
        %multiple_of3A_993 = tpu.assume_multiple %mul3A_992, 128 : i32
        %dma_start3A_994 = arith.constant 0 : i32
        %dma_start3A_995 = tpu.memref_slice %arg5[%dma_start3A_994, %multiple_of3A_993] : memref<64x1000000xf32, #tpu.memory_space<hbm>> -> memref<64x128xf32, #tpu.memory_space<hbm>>
        %dma_start3A_996 = arith.constant 0 : i32
        %dma_start3A_997 = tpu.memref_slice %arg5[%dma_start3A_996, %multiple_of3A_993] : memref<64x1000000xf32, #tpu.memory_space<hbm>> -> memref<64x128xf32, #tpu.memory_space<hbm>>
        tpu.enqueue_dma source(%dma_start3A_997 : memref<64x128xf32, #tpu.memory_space<hbm>>) target(%arg13 : memref<64x128xf32, #tpu.memory_space<vmem>>) target_semaphore(%arg21 : memref<!tpu.dma_semaphore, #tpu.memory_space<semaphore_mem>>)
      } else {
      }
      %dma_wait3A_603 = arith.constant 0 : i32
      %dma_wait3A_604 = arith.constant 0 : i32
      %dma_wait3A_605 = tpu.memref_slice %arg5[%dma_wait3A_603, %dma_wait3A_604] : memref<64x1000000xf32, #tpu.memory_space<hbm>> -> memref<64x128xf32, #tpu.memory_space<hbm>>
      %dma_wait3A_606 = arith.constant 0 : i32
      %dma_wait3A_607 = arith.constant 0 : i32
      %dma_wait3A_608 = tpu.memref_slice %arg5[%dma_wait3A_606, %dma_wait3A_607] : memref<64x1000000xf32, #tpu.memory_space<hbm>> -> memref<64x128xf32, #tpu.memory_space<hbm>>
      tpu.wait_dma2 semaphore(%arg22 : memref<!tpu.dma_semaphore, #tpu.memory_space<semaphore_mem>>) src(%dma_wait3A_608 : memref<64x128xf32, #tpu.memory_space<hbm>>) dst(%arg14 : memref<64x128xf32, #tpu.memory_space<vmem>>)
      %slice3A_609 = vector.extract_strided_slice %get3A_475 {offsets = [2], sizes = [1], strides = [1]} : vector<16xi32> to vector<1xi32>
      %squeeze3A_610 = vector.extract %slice3A_609[0] : i32 from vector<1xi32>
      %slice3A_611 = vector.extract_strided_slice %get3A_481 {offsets = [2], sizes = [1], strides = [1]} : vector<16xi32> to vector<1xi32>
      %squeeze3A_612 = vector.extract %slice3A_611[0] : i32 from vector<1xi32>
      %mul3A_613 = arith.constant 8 : i32
      %mul3A_614 = arith.muli %scan3A_469, %mul3A_613 : i32
      %add3A_615 = arith.constant 2 : i32
      %add3A_616 = arith.addi %mul3A_614, %add3A_615 : i32
      %and3A_617 = arith.constant 127 : i32
      %and3A_618 = arith.andi %squeeze3A_610, %and3A_617 : i32
      %broadcast_in_dim3A_619 = vector.broadcast %and3A_618 : i32 to vector<16xi32>
      %broadcast_in_dim3A_620 = vector.broadcast %squeeze3A_612 : i32 to vector<16xi32>
      %broadcast_in_dim3A_621 = vector.broadcast %add3A_616 : i32 to vector<16xi32>
      %gather3A_622 = tpu.vector_load_idx %arg14[%add3A_5, %broadcast_in_dim3A_619] : memref<64x128xf32, #tpu.memory_space<vmem>>[vector<16xi32>, vector<16xi32>], vector<16xf32>,
      %gather3A_623 = tpu.vector_load_idx %arg9[%shift_right_logical3A_19, %broadcast_in_dim3A_620] : memref<32x1024xi32, #tpu.memory_space<vmem>>[vector<16xi32>, vector<16xi32>], vector<16xi32>,
      %shift_left3A_624 = arith.constant 16 : i32
      %shift_left3A_625 = vector.broadcast %shift_left3A_624 : i32 to vector<16xi32>
      %shift_left3A_626 = arith.shli %gather3A_623, %shift_left3A_625 : vector<16xi32>
      %bitcast3A_627 = vector.bitcast %shift_left3A_626 : vector<16xi32> to vector<16xf32>
      %and3A_628 = arith.andi %gather3A_623, %broadcast_in_dim3A_51 : vector<16xi32>
      %bitcast3A_629 = vector.bitcast %and3A_628 : vector<16xi32> to vector<16xf32>
      %select_n3A_630 = arith.select %eq3A_32, %bitcast3A_629, %bitcast3A_627 : vector<16xi1>, vector<16xf32>
      %add3A_631 = arith.addf %gather3A_622, %select_n3A_630 : vector<16xf32>
      tpu.vector_store_idx %arg11[%add3A_5, %broadcast_in_dim3A_621], %add3A_631 : memref<64x128xf32, #tpu.memory_space<vmem>>[vector<16xi32>, vector<16xi32>], vector<16xf32>,
      %gather3A_632 = tpu.vector_load_idx %arg14[%add3A_9, %broadcast_in_dim3A_619] : memref<64x128xf32, #tpu.memory_space<vmem>>[vector<16xi32>, vector<16xi32>], vector<16xf32>,
      %gather3A_633 = tpu.vector_load_idx %arg9[%shift_right_logical3A_22, %broadcast_in_dim3A_620] : memref<32x1024xi32, #tpu.memory_space<vmem>>[vector<16xi32>, vector<16xi32>], vector<16xi32>,
      %shift_left3A_634 = arith.constant 16 : i32
      %shift_left3A_635 = vector.broadcast %shift_left3A_634 : i32 to vector<16xi32>
      %shift_left3A_636 = arith.shli %gather3A_633, %shift_left3A_635 : vector<16xi32>
      %bitcast3A_637 = vector.bitcast %shift_left3A_636 : vector<16xi32> to vector<16xf32>
      %and3A_638 = arith.andi %gather3A_633, %broadcast_in_dim3A_51 : vector<16xi32>
      %bitcast3A_639 = vector.bitcast %and3A_638 : vector<16xi32> to vector<16xf32>
      %select_n3A_640 = arith.select %eq3A_38, %bitcast3A_639, %bitcast3A_637 : vector<16xi1>, vector<16xf32>
      %add3A_641 = arith.addf %gather3A_632, %select_n3A_640 : vector<16xf32>
      tpu.vector_store_idx %arg11[%add3A_9, %broadcast_in_dim3A_621], %add3A_641 : memref<64x128xf32, #tpu.memory_space<vmem>>[vector<16xi32>, vector<16xi32>], vector<16xf32>,
      %gather3A_642 = tpu.vector_load_idx %arg14[%add3A_13, %broadcast_in_dim3A_619] : memref<64x128xf32, #tpu.memory_space<vmem>>[vector<16xi32>, vector<16xi32>], vector<16xf32>,
      %gather3A_643 = tpu.vector_load_idx %arg9[%shift_right_logical3A_25, %broadcast_in_dim3A_620] : memref<32x1024xi32, #tpu.memory_space<vmem>>[vector<16xi32>, vector<16xi32>], vector<16xi32>,
      %shift_left3A_644 = arith.constant 16 : i32
      %shift_left3A_645 = vector.broadcast %shift_left3A_644 : i32 to vector<16xi32>
      %shift_left3A_646 = arith.shli %gather3A_643, %shift_left3A_645 : vector<16xi32>
      %bitcast3A_647 = vector.bitcast %shift_left3A_646 : vector<16xi32> to vector<16xf32>
      %and3A_648 = arith.andi %gather3A_643, %broadcast_in_dim3A_51 : vector<16xi32>
      %bitcast3A_649 = vector.bitcast %and3A_648 : vector<16xi32> to vector<16xf32>
      %select_n3A_650 = arith.select %eq3A_44, %bitcast3A_649, %bitcast3A_647 : vector<16xi1>, vector<16xf32>
      %add3A_651 = arith.addf %gather3A_642, %select_n3A_650 : vector<16xf32>
      tpu.vector_store_idx %arg11[%add3A_13, %broadcast_in_dim3A_621], %add3A_651 : memref<64x128xf32, #tpu.memory_space<vmem>>[vector<16xi32>, vector<16xi32>], vector<16xf32>,
      %gather3A_652 = tpu.vector_load_idx %arg14[%add3A_17, %broadcast_in_dim3A_619] : memref<64x128xf32, #tpu.memory_space<vmem>>[vector<16xi32>, vector<16xi32>], vector<16xf32>,
      %gather3A_653 = tpu.vector_load_idx %arg9[%shift_right_logical3A_28, %broadcast_in_dim3A_620] : memref<32x1024xi32, #tpu.memory_space<vmem>>[vector<16xi32>, vector<16xi32>], vector<16xi32>,
      %shift_left3A_654 = arith.constant 16 : i32
      %shift_left3A_655 = vector.broadcast %shift_left3A_654 : i32 to vector<16xi32>
      %shift_left3A_656 = arith.shli %gather3A_653, %shift_left3A_655 : vector<16xi32>
      %bitcast3A_657 = vector.bitcast %shift_left3A_656 : vector<16xi32> to vector<16xf32>
      %and3A_658 = arith.andi %gather3A_653, %broadcast_in_dim3A_51 : vector<16xi32>
      %bitcast3A_659 = vector.bitcast %and3A_658 : vector<16xi32> to vector<16xf32>
      %select_n3A_660 = arith.select %eq3A_50, %bitcast3A_659, %bitcast3A_657 : vector<16xi1>, vector<16xf32>
      %add3A_661 = arith.addf %gather3A_652, %select_n3A_660 : vector<16xf32>
      tpu.vector_store_idx %arg11[%add3A_17, %broadcast_in_dim3A_621], %add3A_661 : memref<64x128xf32, #tpu.memory_space<vmem>>[vector<16xi32>, vector<16xi32>], vector<16xf32>,
      %lt3A_662 = arith.constant 15 : i32
      %lt3A_663 = arith.cmpi slt, %scan3A_469, %lt3A_662 : i32
      %convert_element_type3A_664 = arith.extui %lt3A_663 : i1 to i32
      %cond3A_665 = arith.constant 0 : i32
      %cond3A_666 = arith.cmpi ne, %convert_element_type3A_664, %cond3A_665 : i32
      scf.if %cond3A_666 {
        %slice3A_987 = vector.extract_strided_slice %get3A_475 {offsets = [10], sizes = [1], strides = [1]} : vector<16xi32> to vector<1xi32>
        %squeeze3A_988 = vector.extract %slice3A_987[0] : i32 from vector<1xi32>
        %shift_right_logical3A_989 = arith.constant 7 : i32
        %shift_right_logical3A_990 = arith.shrui %squeeze3A_988, %shift_right_logical3A_989 : i32
        %mul3A_991 = arith.constant 128 : i32
        %mul3A_992 = arith.muli %shift_right_logical3A_990, %mul3A_991 : i32
        %multiple_of3A_993 = tpu.assume_multiple %mul3A_992, 128 : i32
        %dma_start3A_994 = arith.constant 0 : i32
        %dma_start3A_995 = tpu.memref_slice %arg5[%dma_start3A_994, %multiple_of3A_993] : memref<64x1000000xf32, #tpu.memory_space<hbm>> -> memref<64x128xf32, #tpu.memory_space<hbm>>
        %dma_start3A_996 = arith.constant 0 : i32
        %dma_start3A_997 = tpu.memref_slice %arg5[%dma_start3A_996, %multiple_of3A_993] : memref<64x1000000xf32, #tpu.memory_space<hbm>> -> memref<64x128xf32, #tpu.memory_space<hbm>>
        tpu.enqueue_dma source(%dma_start3A_997 : memref<64x128xf32, #tpu.memory_space<hbm>>) target(%arg14 : memref<64x128xf32, #tpu.memory_space<vmem>>) target_semaphore(%arg22 : memref<!tpu.dma_semaphore, #tpu.memory_space<semaphore_mem>>)
      } else {
      }
      %dma_wait3A_667 = arith.constant 0 : i32
      %dma_wait3A_668 = arith.constant 0 : i32
      %dma_wait3A_669 = tpu.memref_slice %arg5[%dma_wait3A_667, %dma_wait3A_668] : memref<64x1000000xf32, #tpu.memory_space<hbm>> -> memref<64x128xf32, #tpu.memory_space<hbm>>
      %dma_wait3A_670 = arith.constant 0 : i32
      %dma_wait3A_671 = arith.constant 0 : i32
      %dma_wait3A_672 = tpu.memref_slice %arg5[%dma_wait3A_670, %dma_wait3A_671] : memref<64x1000000xf32, #tpu.memory_space<hbm>> -> memref<64x128xf32, #tpu.memory_space<hbm>>
      tpu.wait_dma2 semaphore(%arg23 : memref<!tpu.dma_semaphore, #tpu.memory_space<semaphore_mem>>) src(%dma_wait3A_672 : memref<64x128xf32, #tpu.memory_space<hbm>>) dst(%arg15 : memref<64x128xf32, #tpu.memory_space<vmem>>)
      %slice3A_673 = vector.extract_strided_slice %get3A_475 {offsets = [3], sizes = [1], strides = [1]} : vector<16xi32> to vector<1xi32>
      %squeeze3A_674 = vector.extract %slice3A_673[0] : i32 from vector<1xi32>
      %slice3A_675 = vector.extract_strided_slice %get3A_481 {offsets = [3], sizes = [1], strides = [1]} : vector<16xi32> to vector<1xi32>
      %squeeze3A_676 = vector.extract %slice3A_675[0] : i32 from vector<1xi32>
      %mul3A_677 = arith.constant 8 : i32
      %mul3A_678 = arith.muli %scan3A_469, %mul3A_677 : i32
      %add3A_679 = arith.constant 3 : i32
      %add3A_680 = arith.addi %mul3A_678, %add3A_679 : i32
      %and3A_681 = arith.constant 127 : i32
      %and3A_682 = arith.andi %squeeze3A_674, %and3A_681 : i32
      %broadcast_in_dim3A_683 = vector.broadcast %and3A_682 : i32 to vector<16xi32>
      %broadcast_in_dim3A_684 = vector.broadcast %squeeze3A_676 : i32 to vector<16xi32>
      %broadcast_in_dim3A_685 = vector.broadcast %add3A_680 : i32 to vector<16xi32>
      %gather3A_686 = tpu.vector_load_idx %arg15[%add3A_5, %broadcast_in_dim3A_683] : memref<64x128xf32, #tpu.memory_space<vmem>>[vector<16xi32>, vector<16xi32>], vector<16xf32>,
      %gather3A_687 = tpu.vector_load_idx %arg9[%shift_right_logical3A_19, %broadcast_in_dim3A_684] : memref<32x1024xi32, #tpu.memory_space<vmem>>[vector<16xi32>, vector<16xi32>], vector<16xi32>,
      %shift_left3A_688 = arith.constant 16 : i32
      %shift_left3A_689 = vector.broadcast %shift_left3A_688 : i32 to vector<16xi32>
      %shift_left3A_690 = arith.shli %gather3A_687, %shift_left3A_689 : vector<16xi32>
      %bitcast3A_691 = vector.bitcast %shift_left3A_690 : vector<16xi32> to vector<16xf32>
      %and3A_692 = arith.andi %gather3A_687, %broadcast_in_dim3A_51 : vector<16xi32>
      %bitcast3A_693 = vector.bitcast %and3A_692 : vector<16xi32> to vector<16xf32>
      %select_n3A_694 = arith.select %eq3A_32, %bitcast3A_693, %bitcast3A_691 : vector<16xi1>, vector<16xf32>
      %add3A_695 = arith.addf %gather3A_686, %select_n3A_694 : vector<16xf32>
      tpu.vector_store_idx %arg11[%add3A_5, %broadcast_in_dim3A_685], %add3A_695 : memref<64x128xf32, #tpu.memory_space<vmem>>[vector<16xi32>, vector<16xi32>], vector<16xf32>,
      %gather3A_696 = tpu.vector_load_idx %arg15[%add3A_9, %broadcast_in_dim3A_683] : memref<64x128xf32, #tpu.memory_space<vmem>>[vector<16xi32>, vector<16xi32>], vector<16xf32>,
      %gather3A_697 = tpu.vector_load_idx %arg9[%shift_right_logical3A_22, %broadcast_in_dim3A_684] : memref<32x1024xi32, #tpu.memory_space<vmem>>[vector<16xi32>, vector<16xi32>], vector<16xi32>,
      %shift_left3A_698 = arith.constant 16 : i32
      %shift_left3A_699 = vector.broadcast %shift_left3A_698 : i32 to vector<16xi32>
      %shift_left3A_700 = arith.shli %gather3A_697, %shift_left3A_699 : vector<16xi32>
      %bitcast3A_701 = vector.bitcast %shift_left3A_700 : vector<16xi32> to vector<16xf32>
      %and3A_702 = arith.andi %gather3A_697, %broadcast_in_dim3A_51 : vector<16xi32>
      %bitcast3A_703 = vector.bitcast %and3A_702 : vector<16xi32> to vector<16xf32>
      %select_n3A_704 = arith.select %eq3A_38, %bitcast3A_703, %bitcast3A_701 : vector<16xi1>, vector<16xf32>
      %add3A_705 = arith.addf %gather3A_696, %select_n3A_704 : vector<16xf32>
      tpu.vector_store_idx %arg11[%add3A_9, %broadcast_in_dim3A_685], %add3A_705 : memref<64x128xf32, #tpu.memory_space<vmem>>[vector<16xi32>, vector<16xi32>], vector<16xf32>,
      %gather3A_706 = tpu.vector_load_idx %arg15[%add3A_13, %broadcast_in_dim3A_683] : memref<64x128xf32, #tpu.memory_space<vmem>>[vector<16xi32>, vector<16xi32>], vector<16xf32>,
      %gather3A_707 = tpu.vector_load_idx %arg9[%shift_right_logical3A_25, %broadcast_in_dim3A_684] : memref<32x1024xi32, #tpu.memory_space<vmem>>[vector<16xi32>, vector<16xi32>], vector<16xi32>,
      %shift_left3A_708 = arith.constant 16 : i32
      %shift_left3A_709 = vector.broadcast %shift_left3A_708 : i32 to vector<16xi32>
      %shift_left3A_710 = arith.shli %gather3A_707, %shift_left3A_709 : vector<16xi32>
      %bitcast3A_711 = vector.bitcast %shift_left3A_710 : vector<16xi32> to vector<16xf32>
      %and3A_712 = arith.andi %gather3A_707, %broadcast_in_dim3A_51 : vector<16xi32>
      %bitcast3A_713 = vector.bitcast %and3A_712 : vector<16xi32> to vector<16xf32>
      %select_n3A_714 = arith.select %eq3A_44, %bitcast3A_713, %bitcast3A_711 : vector<16xi1>, vector<16xf32>
      %add3A_715 = arith.addf %gather3A_706, %select_n3A_714 : vector<16xf32>
      tpu.vector_store_idx %arg11[%add3A_13, %broadcast_in_dim3A_685], %add3A_715 : memref<64x128xf32, #tpu.memory_space<vmem>>[vector<16xi32>, vector<16xi32>], vector<16xf32>,
      %gather3A_716 = tpu.vector_load_idx %arg15[%add3A_17, %broadcast_in_dim3A_683] : memref<64x128xf32, #tpu.memory_space<vmem>>[vector<16xi32>, vector<16xi32>], vector<16xf32>,
      %gather3A_717 = tpu.vector_load_idx %arg9[%shift_right_logical3A_28, %broadcast_in_dim3A_684] : memref<32x1024xi32, #tpu.memory_space<vmem>>[vector<16xi32>, vector<16xi32>], vector<16xi32>,
      %shift_left3A_718 = arith.constant 16 : i32
      %shift_left3A_719 = vector.broadcast %shift_left3A_718 : i32 to vector<16xi32>
      %shift_left3A_720 = arith.shli %gather3A_717, %shift_left3A_719 : vector<16xi32>
      %bitcast3A_721 = vector.bitcast %shift_left3A_720 : vector<16xi32> to vector<16xf32>
      %and3A_722 = arith.andi %gather3A_717, %broadcast_in_dim3A_51 : vector<16xi32>
      %bitcast3A_723 = vector.bitcast %and3A_722 : vector<16xi32> to vector<16xf32>
      %select_n3A_724 = arith.select %eq3A_50, %bitcast3A_723, %bitcast3A_721 : vector<16xi1>, vector<16xf32>
      %add3A_725 = arith.addf %gather3A_716, %select_n3A_724 : vector<16xf32>
      tpu.vector_store_idx %arg11[%add3A_17, %broadcast_in_dim3A_685], %add3A_725 : memref<64x128xf32, #tpu.memory_space<vmem>>[vector<16xi32>, vector<16xi32>], vector<16xf32>,
      %lt3A_726 = arith.constant 15 : i32
      %lt3A_727 = arith.cmpi slt, %scan3A_469, %lt3A_726 : i32
      %convert_element_type3A_728 = arith.extui %lt3A_727 : i1 to i32
      %cond3A_729 = arith.constant 0 : i32
      %cond3A_730 = arith.cmpi ne, %convert_element_type3A_728, %cond3A_729 : i32
      scf.if %cond3A_730 {
        %slice3A_987 = vector.extract_strided_slice %get3A_475 {offsets = [11], sizes = [1], strides = [1]} : vector<16xi32> to vector<1xi32>
        %squeeze3A_988 = vector.extract %slice3A_987[0] : i32 from vector<1xi32>
        %shift_right_logical3A_989 = arith.constant 7 : i32
        %shift_right_logical3A_990 = arith.shrui %squeeze3A_988, %shift_right_logical3A_989 : i32
        %mul3A_991 = arith.constant 128 : i32
        %mul3A_992 = arith.muli %shift_right_logical3A_990, %mul3A_991 : i32
        %multiple_of3A_993 = tpu.assume_multiple %mul3A_992, 128 : i32
        %dma_start3A_994 = arith.constant 0 : i32
        %dma_start3A_995 = tpu.memref_slice %arg5[%dma_start3A_994, %multiple_of3A_993] : memref<64x1000000xf32, #tpu.memory_space<hbm>> -> memref<64x128xf32, #tpu.memory_space<hbm>>
        %dma_start3A_996 = arith.constant 0 : i32
        %dma_start3A_997 = tpu.memref_slice %arg5[%dma_start3A_996, %multiple_of3A_993] : memref<64x1000000xf32, #tpu.memory_space<hbm>> -> memref<64x128xf32, #tpu.memory_space<hbm>>
        tpu.enqueue_dma source(%dma_start3A_997 : memref<64x128xf32, #tpu.memory_space<hbm>>) target(%arg15 : memref<64x128xf32, #tpu.memory_space<vmem>>) target_semaphore(%arg23 : memref<!tpu.dma_semaphore, #tpu.memory_space<semaphore_mem>>)
      } else {
      }
      %dma_wait3A_731 = arith.constant 0 : i32
      %dma_wait3A_732 = arith.constant 0 : i32
      %dma_wait3A_733 = tpu.memref_slice %arg5[%dma_wait3A_731, %dma_wait3A_732] : memref<64x1000000xf32, #tpu.memory_space<hbm>> -> memref<64x128xf32, #tpu.memory_space<hbm>>
      %dma_wait3A_734 = arith.constant 0 : i32
      %dma_wait3A_735 = arith.constant 0 : i32
      %dma_wait3A_736 = tpu.memref_slice %arg5[%dma_wait3A_734, %dma_wait3A_735] : memref<64x1000000xf32, #tpu.memory_space<hbm>> -> memref<64x128xf32, #tpu.memory_space<hbm>>
      tpu.wait_dma2 semaphore(%arg24 : memref<!tpu.dma_semaphore, #tpu.memory_space<semaphore_mem>>) src(%dma_wait3A_736 : memref<64x128xf32, #tpu.memory_space<hbm>>) dst(%arg16 : memref<64x128xf32, #tpu.memory_space<vmem>>)
      %slice3A_737 = vector.extract_strided_slice %get3A_475 {offsets = [4], sizes = [1], strides = [1]} : vector<16xi32> to vector<1xi32>
      %squeeze3A_738 = vector.extract %slice3A_737[0] : i32 from vector<1xi32>
      %slice3A_739 = vector.extract_strided_slice %get3A_481 {offsets = [4], sizes = [1], strides = [1]} : vector<16xi32> to vector<1xi32>
      %squeeze3A_740 = vector.extract %slice3A_739[0] : i32 from vector<1xi32>
      %mul3A_741 = arith.constant 8 : i32
      %mul3A_742 = arith.muli %scan3A_469, %mul3A_741 : i32
      %add3A_743 = arith.constant 4 : i32
      %add3A_744 = arith.addi %mul3A_742, %add3A_743 : i32
      %and3A_745 = arith.constant 127 : i32
      %and3A_746 = arith.andi %squeeze3A_738, %and3A_745 : i32
      %broadcast_in_dim3A_747 = vector.broadcast %and3A_746 : i32 to vector<16xi32>
      %broadcast_in_dim3A_748 = vector.broadcast %squeeze3A_740 : i32 to vector<16xi32>
      %broadcast_in_dim3A_749 = vector.broadcast %add3A_744 : i32 to vector<16xi32>
      %gather3A_750 = tpu.vector_load_idx %arg16[%add3A_5, %broadcast_in_dim3A_747] : memref<64x128xf32, #tpu.memory_space<vmem>>[vector<16xi32>, vector<16xi32>], vector<16xf32>,
      %gather3A_751 = tpu.vector_load_idx %arg9[%shift_right_logical3A_19, %broadcast_in_dim3A_748] : memref<32x1024xi32, #tpu.memory_space<vmem>>[vector<16xi32>, vector<16xi32>], vector<16xi32>,
      %shift_left3A_752 = arith.constant 16 : i32
      %shift_left3A_753 = vector.broadcast %shift_left3A_752 : i32 to vector<16xi32>
      %shift_left3A_754 = arith.shli %gather3A_751, %shift_left3A_753 : vector<16xi32>
      %bitcast3A_755 = vector.bitcast %shift_left3A_754 : vector<16xi32> to vector<16xf32>
      %and3A_756 = arith.andi %gather3A_751, %broadcast_in_dim3A_51 : vector<16xi32>
      %bitcast3A_757 = vector.bitcast %and3A_756 : vector<16xi32> to vector<16xf32>
      %select_n3A_758 = arith.select %eq3A_32, %bitcast3A_757, %bitcast3A_755 : vector<16xi1>, vector<16xf32>
      %add3A_759 = arith.addf %gather3A_750, %select_n3A_758 : vector<16xf32>
      tpu.vector_store_idx %arg11[%add3A_5, %broadcast_in_dim3A_749], %add3A_759 : memref<64x128xf32, #tpu.memory_space<vmem>>[vector<16xi32>, vector<16xi32>], vector<16xf32>,
      %gather3A_760 = tpu.vector_load_idx %arg16[%add3A_9, %broadcast_in_dim3A_747] : memref<64x128xf32, #tpu.memory_space<vmem>>[vector<16xi32>, vector<16xi32>], vector<16xf32>,
      %gather3A_761 = tpu.vector_load_idx %arg9[%shift_right_logical3A_22, %broadcast_in_dim3A_748] : memref<32x1024xi32, #tpu.memory_space<vmem>>[vector<16xi32>, vector<16xi32>], vector<16xi32>,
      %shift_left3A_762 = arith.constant 16 : i32
      %shift_left3A_763 = vector.broadcast %shift_left3A_762 : i32 to vector<16xi32>
      %shift_left3A_764 = arith.shli %gather3A_761, %shift_left3A_763 : vector<16xi32>
      %bitcast3A_765 = vector.bitcast %shift_left3A_764 : vector<16xi32> to vector<16xf32>
      %and3A_766 = arith.andi %gather3A_761, %broadcast_in_dim3A_51 : vector<16xi32>
      %bitcast3A_767 = vector.bitcast %and3A_766 : vector<16xi32> to vector<16xf32>
      %select_n3A_768 = arith.select %eq3A_38, %bitcast3A_767, %bitcast3A_765 : vector<16xi1>, vector<16xf32>
      %add3A_769 = arith.addf %gather3A_760, %select_n3A_768 : vector<16xf32>
      tpu.vector_store_idx %arg11[%add3A_9, %broadcast_in_dim3A_749], %add3A_769 : memref<64x128xf32, #tpu.memory_space<vmem>>[vector<16xi32>, vector<16xi32>], vector<16xf32>,
      %gather3A_770 = tpu.vector_load_idx %arg16[%add3A_13, %broadcast_in_dim3A_747] : memref<64x128xf32, #tpu.memory_space<vmem>>[vector<16xi32>, vector<16xi32>], vector<16xf32>,
      %gather3A_771 = tpu.vector_load_idx %arg9[%shift_right_logical3A_25, %broadcast_in_dim3A_748] : memref<32x1024xi32, #tpu.memory_space<vmem>>[vector<16xi32>, vector<16xi32>], vector<16xi32>,
      %shift_left3A_772 = arith.constant 16 : i32
      %shift_left3A_773 = vector.broadcast %shift_left3A_772 : i32 to vector<16xi32>
      %shift_left3A_774 = arith.shli %gather3A_771, %shift_left3A_773 : vector<16xi32>
      %bitcast3A_775 = vector.bitcast %shift_left3A_774 : vector<16xi32> to vector<16xf32>
      %and3A_776 = arith.andi %gather3A_771, %broadcast_in_dim3A_51 : vector<16xi32>
      %bitcast3A_777 = vector.bitcast %and3A_776 : vector<16xi32> to vector<16xf32>
      %select_n3A_778 = arith.select %eq3A_44, %bitcast3A_777, %bitcast3A_775 : vector<16xi1>, vector<16xf32>
      %add3A_779 = arith.addf %gather3A_770, %select_n3A_778 : vector<16xf32>
      tpu.vector_store_idx %arg11[%add3A_13, %broadcast_in_dim3A_749], %add3A_779 : memref<64x128xf32, #tpu.memory_space<vmem>>[vector<16xi32>, vector<16xi32>], vector<16xf32>,
      %gather3A_780 = tpu.vector_load_idx %arg16[%add3A_17, %broadcast_in_dim3A_747] : memref<64x128xf32, #tpu.memory_space<vmem>>[vector<16xi32>, vector<16xi32>], vector<16xf32>,
      %gather3A_781 = tpu.vector_load_idx %arg9[%shift_right_logical3A_28, %broadcast_in_dim3A_748] : memref<32x1024xi32, #tpu.memory_space<vmem>>[vector<16xi32>, vector<16xi32>], vector<16xi32>,
      %shift_left3A_782 = arith.constant 16 : i32
      %shift_left3A_783 = vector.broadcast %shift_left3A_782 : i32 to vector<16xi32>
      %shift_left3A_784 = arith.shli %gather3A_781, %shift_left3A_783 : vector<16xi32>
      %bitcast3A_785 = vector.bitcast %shift_left3A_784 : vector<16xi32> to vector<16xf32>
      %and3A_786 = arith.andi %gather3A_781, %broadcast_in_dim3A_51 : vector<16xi32>
      %bitcast3A_787 = vector.bitcast %and3A_786 : vector<16xi32> to vector<16xf32>
      %select_n3A_788 = arith.select %eq3A_50, %bitcast3A_787, %bitcast3A_785 : vector<16xi1>, vector<16xf32>
      %add3A_789 = arith.addf %gather3A_780, %select_n3A_788 : vector<16xf32>
      tpu.vector_store_idx %arg11[%add3A_17, %broadcast_in_dim3A_749], %add3A_789 : memref<64x128xf32, #tpu.memory_space<vmem>>[vector<16xi32>, vector<16xi32>], vector<16xf32>,
      %lt3A_790 = arith.constant 15 : i32
      %lt3A_791 = arith.cmpi slt, %scan3A_469, %lt3A_790 : i32
      %convert_element_type3A_792 = arith.extui %lt3A_791 : i1 to i32
      %cond3A_793 = arith.constant 0 : i32
      %cond3A_794 = arith.cmpi ne, %convert_element_type3A_792, %cond3A_793 : i32
      scf.if %cond3A_794 {
        %slice3A_987 = vector.extract_strided_slice %get3A_475 {offsets = [12], sizes = [1], strides = [1]} : vector<16xi32> to vector<1xi32>
        %squeeze3A_988 = vector.extract %slice3A_987[0] : i32 from vector<1xi32>
        %shift_right_logical3A_989 = arith.constant 7 : i32
        %shift_right_logical3A_990 = arith.shrui %squeeze3A_988, %shift_right_logical3A_989 : i32
        %mul3A_991 = arith.constant 128 : i32
        %mul3A_992 = arith.muli %shift_right_logical3A_990, %mul3A_991 : i32
        %multiple_of3A_993 = tpu.assume_multiple %mul3A_992, 128 : i32
        %dma_start3A_994 = arith.constant 0 : i32
        %dma_start3A_995 = tpu.memref_slice %arg5[%dma_start3A_994, %multiple_of3A_993] : memref<64x1000000xf32, #tpu.memory_space<hbm>> -> memref<64x128xf32, #tpu.memory_space<hbm>>
        %dma_start3A_996 = arith.constant 0 : i32
        %dma_start3A_997 = tpu.memref_slice %arg5[%dma_start3A_996, %multiple_of3A_993] : memref<64x1000000xf32, #tpu.memory_space<hbm>> -> memref<64x128xf32, #tpu.memory_space<hbm>>
        tpu.enqueue_dma source(%dma_start3A_997 : memref<64x128xf32, #tpu.memory_space<hbm>>) target(%arg16 : memref<64x128xf32, #tpu.memory_space<vmem>>) target_semaphore(%arg24 : memref<!tpu.dma_semaphore, #tpu.memory_space<semaphore_mem>>)
      } else {
      }
      %dma_wait3A_795 = arith.constant 0 : i32
      %dma_wait3A_796 = arith.constant 0 : i32
      %dma_wait3A_797 = tpu.memref_slice %arg5[%dma_wait3A_795, %dma_wait3A_796] : memref<64x1000000xf32, #tpu.memory_space<hbm>> -> memref<64x128xf32, #tpu.memory_space<hbm>>
      %dma_wait3A_798 = arith.constant 0 : i32
      %dma_wait3A_799 = arith.constant 0 : i32
      %dma_wait3A_800 = tpu.memref_slice %arg5[%dma_wait3A_798, %dma_wait3A_799] : memref<64x1000000xf32, #tpu.memory_space<hbm>> -> memref<64x128xf32, #tpu.memory_space<hbm>>
      tpu.wait_dma2 semaphore(%arg25 : memref<!tpu.dma_semaphore, #tpu.memory_space<semaphore_mem>>) src(%dma_wait3A_800 : memref<64x128xf32, #tpu.memory_space<hbm>>) dst(%arg17 : memref<64x128xf32, #tpu.memory_space<vmem>>)
      %slice3A_801 = vector.extract_strided_slice %get3A_475 {offsets = [5], sizes = [1], strides = [1]} : vector<16xi32> to vector<1xi32>
      %squeeze3A_802 = vector.extract %slice3A_801[0] : i32 from vector<1xi32>
      %slice3A_803 = vector.extract_strided_slice %get3A_481 {offsets = [5], sizes = [1], strides = [1]} : vector<16xi32> to vector<1xi32>
      %squeeze3A_804 = vector.extract %slice3A_803[0] : i32 from vector<1xi32>
      %mul3A_805 = arith.constant 8 : i32
      %mul3A_806 = arith.muli %scan3A_469, %mul3A_805 : i32
      %add3A_807 = arith.constant 5 : i32
      %add3A_808 = arith.addi %mul3A_806, %add3A_807 : i32
      %and3A_809 = arith.constant 127 : i32
      %and3A_810 = arith.andi %squeeze3A_802, %and3A_809 : i32
      %broadcast_in_dim3A_811 = vector.broadcast %and3A_810 : i32 to vector<16xi32>
      %broadcast_in_dim3A_812 = vector.broadcast %squeeze3A_804 : i32 to vector<16xi32>
      %broadcast_in_dim3A_813 = vector.broadcast %add3A_808 : i32 to vector<16xi32>
      %gather3A_814 = tpu.vector_load_idx %arg17[%add3A_5, %broadcast_in_dim3A_811] : memref<64x128xf32, #tpu.memory_space<vmem>>[vector<16xi32>, vector<16xi32>], vector<16xf32>,
      %gather3A_815 = tpu.vector_load_idx %arg9[%shift_right_logical3A_19, %broadcast_in_dim3A_812] : memref<32x1024xi32, #tpu.memory_space<vmem>>[vector<16xi32>, vector<16xi32>], vector<16xi32>,
      %shift_left3A_816 = arith.constant 16 : i32
      %shift_left3A_817 = vector.broadcast %shift_left3A_816 : i32 to vector<16xi32>
      %shift_left3A_818 = arith.shli %gather3A_815, %shift_left3A_817 : vector<16xi32>
      %bitcast3A_819 = vector.bitcast %shift_left3A_818 : vector<16xi32> to vector<16xf32>
      %and3A_820 = arith.andi %gather3A_815, %broadcast_in_dim3A_51 : vector<16xi32>
      %bitcast3A_821 = vector.bitcast %and3A_820 : vector<16xi32> to vector<16xf32>
      %select_n3A_822 = arith.select %eq3A_32, %bitcast3A_821, %bitcast3A_819 : vector<16xi1>, vector<16xf32>
      %add3A_823 = arith.addf %gather3A_814, %select_n3A_822 : vector<16xf32>
      tpu.vector_store_idx %arg11[%add3A_5, %broadcast_in_dim3A_813], %add3A_823 : memref<64x128xf32, #tpu.memory_space<vmem>>[vector<16xi32>, vector<16xi32>], vector<16xf32>,
      %gather3A_824 = tpu.vector_load_idx %arg17[%add3A_9, %broadcast_in_dim3A_811] : memref<64x128xf32, #tpu.memory_space<vmem>>[vector<16xi32>, vector<16xi32>], vector<16xf32>,
      %gather3A_825 = tpu.vector_load_idx %arg9[%shift_right_logical3A_22, %broadcast_in_dim3A_812] : memref<32x1024xi32, #tpu.memory_space<vmem>>[vector<16xi32>, vector<16xi32>], vector<16xi32>,
      %shift_left3A_826 = arith.constant 16 : i32
      %shift_left3A_827 = vector.broadcast %shift_left3A_826 : i32 to vector<16xi32>
      %shift_left3A_828 = arith.shli %gather3A_825, %shift_left3A_827 : vector<16xi32>
      %bitcast3A_829 = vector.bitcast %shift_left3A_828 : vector<16xi32> to vector<16xf32>
      %and3A_830 = arith.andi %gather3A_825, %broadcast_in_dim3A_51 : vector<16xi32>
      %bitcast3A_831 = vector.bitcast %and3A_830 : vector<16xi32> to vector<16xf32>
      %select_n3A_832 = arith.select %eq3A_38, %bitcast3A_831, %bitcast3A_829 : vector<16xi1>, vector<16xf32>
      %add3A_833 = arith.addf %gather3A_824, %select_n3A_832 : vector<16xf32>
      tpu.vector_store_idx %arg11[%add3A_9, %broadcast_in_dim3A_813], %add3A_833 : memref<64x128xf32, #tpu.memory_space<vmem>>[vector<16xi32>, vector<16xi32>], vector<16xf32>,
      %gather3A_834 = tpu.vector_load_idx %arg17[%add3A_13, %broadcast_in_dim3A_811] : memref<64x128xf32, #tpu.memory_space<vmem>>[vector<16xi32>, vector<16xi32>], vector<16xf32>,
      %gather3A_835 = tpu.vector_load_idx %arg9[%shift_right_logical3A_25, %broadcast_in_dim3A_812] : memref<32x1024xi32, #tpu.memory_space<vmem>>[vector<16xi32>, vector<16xi32>], vector<16xi32>,
      %shift_left3A_836 = arith.constant 16 : i32
      %shift_left3A_837 = vector.broadcast %shift_left3A_836 : i32 to vector<16xi32>
      %shift_left3A_838 = arith.shli %gather3A_835, %shift_left3A_837 : vector<16xi32>
      %bitcast3A_839 = vector.bitcast %shift_left3A_838 : vector<16xi32> to vector<16xf32>
      %and3A_840 = arith.andi %gather3A_835, %broadcast_in_dim3A_51 : vector<16xi32>
      %bitcast3A_841 = vector.bitcast %and3A_840 : vector<16xi32> to vector<16xf32>
      %select_n3A_842 = arith.select %eq3A_44, %bitcast3A_841, %bitcast3A_839 : vector<16xi1>, vector<16xf32>
      %add3A_843 = arith.addf %gather3A_834, %select_n3A_842 : vector<16xf32>
      tpu.vector_store_idx %arg11[%add3A_13, %broadcast_in_dim3A_813], %add3A_843 : memref<64x128xf32, #tpu.memory_space<vmem>>[vector<16xi32>, vector<16xi32>], vector<16xf32>,
      %gather3A_844 = tpu.vector_load_idx %arg17[%add3A_17, %broadcast_in_dim3A_811] : memref<64x128xf32, #tpu.memory_space<vmem>>[vector<16xi32>, vector<16xi32>], vector<16xf32>,
      %gather3A_845 = tpu.vector_load_idx %arg9[%shift_right_logical3A_28, %broadcast_in_dim3A_812] : memref<32x1024xi32, #tpu.memory_space<vmem>>[vector<16xi32>, vector<16xi32>], vector<16xi32>,
      %shift_left3A_846 = arith.constant 16 : i32
      %shift_left3A_847 = vector.broadcast %shift_left3A_846 : i32 to vector<16xi32>
      %shift_left3A_848 = arith.shli %gather3A_845, %shift_left3A_847 : vector<16xi32>
      %bitcast3A_849 = vector.bitcast %shift_left3A_848 : vector<16xi32> to vector<16xf32>
      %and3A_850 = arith.andi %gather3A_845, %broadcast_in_dim3A_51 : vector<16xi32>
      %bitcast3A_851 = vector.bitcast %and3A_850 : vector<16xi32> to vector<16xf32>
      %select_n3A_852 = arith.select %eq3A_50, %bitcast3A_851, %bitcast3A_849 : vector<16xi1>, vector<16xf32>
      %add3A_853 = arith.addf %gather3A_844, %select_n3A_852 : vector<16xf32>
      tpu.vector_store_idx %arg11[%add3A_17, %broadcast_in_dim3A_813], %add3A_853 : memref<64x128xf32, #tpu.memory_space<vmem>>[vector<16xi32>, vector<16xi32>], vector<16xf32>,
      %lt3A_854 = arith.constant 15 : i32
      %lt3A_855 = arith.cmpi slt, %scan3A_469, %lt3A_854 : i32
      %convert_element_type3A_856 = arith.extui %lt3A_855 : i1 to i32
      %cond3A_857 = arith.constant 0 : i32
      %cond3A_858 = arith.cmpi ne, %convert_element_type3A_856, %cond3A_857 : i32
      scf.if %cond3A_858 {
        %slice3A_987 = vector.extract_strided_slice %get3A_475 {offsets = [13], sizes = [1], strides = [1]} : vector<16xi32> to vector<1xi32>
        %squeeze3A_988 = vector.extract %slice3A_987[0] : i32 from vector<1xi32>
        %shift_right_logical3A_989 = arith.constant 7 : i32
        %shift_right_logical3A_990 = arith.shrui %squeeze3A_988, %shift_right_logical3A_989 : i32
        %mul3A_991 = arith.constant 128 : i32
        %mul3A_992 = arith.muli %shift_right_logical3A_990, %mul3A_991 : i32
        %multiple_of3A_993 = tpu.assume_multiple %mul3A_992, 128 : i32
        %dma_start3A_994 = arith.constant 0 : i32
        %dma_start3A_995 = tpu.memref_slice %arg5[%dma_start3A_994, %multiple_of3A_993] : memref<64x1000000xf32, #tpu.memory_space<hbm>> -> memref<64x128xf32, #tpu.memory_space<hbm>>
        %dma_start3A_996 = arith.constant 0 : i32
        %dma_start3A_997 = tpu.memref_slice %arg5[%dma_start3A_996, %multiple_of3A_993] : memref<64x1000000xf32, #tpu.memory_space<hbm>> -> memref<64x128xf32, #tpu.memory_space<hbm>>
        tpu.enqueue_dma source(%dma_start3A_997 : memref<64x128xf32, #tpu.memory_space<hbm>>) target(%arg17 : memref<64x128xf32, #tpu.memory_space<vmem>>) target_semaphore(%arg25 : memref<!tpu.dma_semaphore, #tpu.memory_space<semaphore_mem>>)
      } else {
      }
      %dma_wait3A_859 = arith.constant 0 : i32
      %dma_wait3A_860 = arith.constant 0 : i32
      %dma_wait3A_861 = tpu.memref_slice %arg5[%dma_wait3A_859, %dma_wait3A_860] : memref<64x1000000xf32, #tpu.memory_space<hbm>> -> memref<64x128xf32, #tpu.memory_space<hbm>>
      %dma_wait3A_862 = arith.constant 0 : i32
      %dma_wait3A_863 = arith.constant 0 : i32
      %dma_wait3A_864 = tpu.memref_slice %arg5[%dma_wait3A_862, %dma_wait3A_863] : memref<64x1000000xf32, #tpu.memory_space<hbm>> -> memref<64x128xf32, #tpu.memory_space<hbm>>
      tpu.wait_dma2 semaphore(%arg26 : memref<!tpu.dma_semaphore, #tpu.memory_space<semaphore_mem>>) src(%dma_wait3A_864 : memref<64x128xf32, #tpu.memory_space<hbm>>) dst(%arg18 : memref<64x128xf32, #tpu.memory_space<vmem>>)
      %slice3A_865 = vector.extract_strided_slice %get3A_475 {offsets = [6], sizes = [1], strides = [1]} : vector<16xi32> to vector<1xi32>
      %squeeze3A_866 = vector.extract %slice3A_865[0] : i32 from vector<1xi32>
      %slice3A_867 = vector.extract_strided_slice %get3A_481 {offsets = [6], sizes = [1], strides = [1]} : vector<16xi32> to vector<1xi32>
      %squeeze3A_868 = vector.extract %slice3A_867[0] : i32 from vector<1xi32>
      %mul3A_869 = arith.constant 8 : i32
      %mul3A_870 = arith.muli %scan3A_469, %mul3A_869 : i32
      %add3A_871 = arith.constant 6 : i32
      %add3A_872 = arith.addi %mul3A_870, %add3A_871 : i32
      %and3A_873 = arith.constant 127 : i32
      %and3A_874 = arith.andi %squeeze3A_866, %and3A_873 : i32
      %broadcast_in_dim3A_875 = vector.broadcast %and3A_874 : i32 to vector<16xi32>
      %broadcast_in_dim3A_876 = vector.broadcast %squeeze3A_868 : i32 to vector<16xi32>
      %broadcast_in_dim3A_877 = vector.broadcast %add3A_872 : i32 to vector<16xi32>
      %gather3A_878 = tpu.vector_load_idx %arg18[%add3A_5, %broadcast_in_dim3A_875] : memref<64x128xf32, #tpu.memory_space<vmem>>[vector<16xi32>, vector<16xi32>], vector<16xf32>,
      %gather3A_879 = tpu.vector_load_idx %arg9[%shift_right_logical3A_19, %broadcast_in_dim3A_876] : memref<32x1024xi32, #tpu.memory_space<vmem>>[vector<16xi32>, vector<16xi32>], vector<16xi32>,
      %shift_left3A_880 = arith.constant 16 : i32
      %shift_left3A_881 = vector.broadcast %shift_left3A_880 : i32 to vector<16xi32>
      %shift_left3A_882 = arith.shli %gather3A_879, %shift_left3A_881 : vector<16xi32>
      %bitcast3A_883 = vector.bitcast %shift_left3A_882 : vector<16xi32> to vector<16xf32>
      %and3A_884 = arith.andi %gather3A_879, %broadcast_in_dim3A_51 : vector<16xi32>
      %bitcast3A_885 = vector.bitcast %and3A_884 : vector<16xi32> to vector<16xf32>
      %select_n3A_886 = arith.select %eq3A_32, %bitcast3A_885, %bitcast3A_883 : vector<16xi1>, vector<16xf32>
      %add3A_887 = arith.addf %gather3A_878, %select_n3A_886 : vector<16xf32>
      tpu.vector_store_idx %arg11[%add3A_5, %broadcast_in_dim3A_877], %add3A_887 : memref<64x128xf32, #tpu.memory_space<vmem>>[vector<16xi32>, vector<16xi32>], vector<16xf32>,
      %gather3A_888 = tpu.vector_load_idx %arg18[%add3A_9, %broadcast_in_dim3A_875] : memref<64x128xf32, #tpu.memory_space<vmem>>[vector<16xi32>, vector<16xi32>], vector<16xf32>,
      %gather3A_889 = tpu.vector_load_idx %arg9[%shift_right_logical3A_22, %broadcast_in_dim3A_876] : memref<32x1024xi32, #tpu.memory_space<vmem>>[vector<16xi32>, vector<16xi32>], vector<16xi32>,
      %shift_left3A_890 = arith.constant 16 : i32
      %shift_left3A_891 = vector.broadcast %shift_left3A_890 : i32 to vector<16xi32>
      %shift_left3A_892 = arith.shli %gather3A_889, %shift_left3A_891 : vector<16xi32>
      %bitcast3A_893 = vector.bitcast %shift_left3A_892 : vector<16xi32> to vector<16xf32>
      %and3A_894 = arith.andi %gather3A_889, %broadcast_in_dim3A_51 : vector<16xi32>
      %bitcast3A_895 = vector.bitcast %and3A_894 : vector<16xi32> to vector<16xf32>
      %select_n3A_896 = arith.select %eq3A_38, %bitcast3A_895, %bitcast3A_893 : vector<16xi1>, vector<16xf32>
      %add3A_897 = arith.addf %gather3A_888, %select_n3A_896 : vector<16xf32>
      tpu.vector_store_idx %arg11[%add3A_9, %broadcast_in_dim3A_877], %add3A_897 : memref<64x128xf32, #tpu.memory_space<vmem>>[vector<16xi32>, vector<16xi32>], vector<16xf32>,
      %gather3A_898 = tpu.vector_load_idx %arg18[%add3A_13, %broadcast_in_dim3A_875] : memref<64x128xf32, #tpu.memory_space<vmem>>[vector<16xi32>, vector<16xi32>], vector<16xf32>,
      %gather3A_899 = tpu.vector_load_idx %arg9[%shift_right_logical3A_25, %broadcast_in_dim3A_876] : memref<32x1024xi32, #tpu.memory_space<vmem>>[vector<16xi32>, vector<16xi32>], vector<16xi32>,
      %shift_left3A_900 = arith.constant 16 : i32
      %shift_left3A_901 = vector.broadcast %shift_left3A_900 : i32 to vector<16xi32>
      %shift_left3A_902 = arith.shli %gather3A_899, %shift_left3A_901 : vector<16xi32>
      %bitcast3A_903 = vector.bitcast %shift_left3A_902 : vector<16xi32> to vector<16xf32>
      %and3A_904 = arith.andi %gather3A_899, %broadcast_in_dim3A_51 : vector<16xi32>
      %bitcast3A_905 = vector.bitcast %and3A_904 : vector<16xi32> to vector<16xf32>
      %select_n3A_906 = arith.select %eq3A_44, %bitcast3A_905, %bitcast3A_903 : vector<16xi1>, vector<16xf32>
      %add3A_907 = arith.addf %gather3A_898, %select_n3A_906 : vector<16xf32>
      tpu.vector_store_idx %arg11[%add3A_13, %broadcast_in_dim3A_877], %add3A_907 : memref<64x128xf32, #tpu.memory_space<vmem>>[vector<16xi32>, vector<16xi32>], vector<16xf32>,
      %gather3A_908 = tpu.vector_load_idx %arg18[%add3A_17, %broadcast_in_dim3A_875] : memref<64x128xf32, #tpu.memory_space<vmem>>[vector<16xi32>, vector<16xi32>], vector<16xf32>,
      %gather3A_909 = tpu.vector_load_idx %arg9[%shift_right_logical3A_28, %broadcast_in_dim3A_876] : memref<32x1024xi32, #tpu.memory_space<vmem>>[vector<16xi32>, vector<16xi32>], vector<16xi32>,
      %shift_left3A_910 = arith.constant 16 : i32
      %shift_left3A_911 = vector.broadcast %shift_left3A_910 : i32 to vector<16xi32>
      %shift_left3A_912 = arith.shli %gather3A_909, %shift_left3A_911 : vector<16xi32>
      %bitcast3A_913 = vector.bitcast %shift_left3A_912 : vector<16xi32> to vector<16xf32>
      %and3A_914 = arith.andi %gather3A_909, %broadcast_in_dim3A_51 : vector<16xi32>
      %bitcast3A_915 = vector.bitcast %and3A_914 : vector<16xi32> to vector<16xf32>
      %select_n3A_916 = arith.select %eq3A_50, %bitcast3A_915, %bitcast3A_913 : vector<16xi1>, vector<16xf32>
      %add3A_917 = arith.addf %gather3A_908, %select_n3A_916 : vector<16xf32>
      tpu.vector_store_idx %arg11[%add3A_17, %broadcast_in_dim3A_877], %add3A_917 : memref<64x128xf32, #tpu.memory_space<vmem>>[vector<16xi32>, vector<16xi32>], vector<16xf32>,
      %lt3A_918 = arith.constant 15 : i32
      %lt3A_919 = arith.cmpi slt, %scan3A_469, %lt3A_918 : i32
      %convert_element_type3A_920 = arith.extui %lt3A_919 : i1 to i32
      %cond3A_921 = arith.constant 0 : i32
      %cond3A_922 = arith.cmpi ne, %convert_element_type3A_920, %cond3A_921 : i32
      scf.if %cond3A_922 {
        %slice3A_987 = vector.extract_strided_slice %get3A_475 {offsets = [14], sizes = [1], strides = [1]} : vector<16xi32> to vector<1xi32>
        %squeeze3A_988 = vector.extract %slice3A_987[0] : i32 from vector<1xi32>
        %shift_right_logical3A_989 = arith.constant 7 : i32
        %shift_right_logical3A_990 = arith.shrui %squeeze3A_988, %shift_right_logical3A_989 : i32
        %mul3A_991 = arith.constant 128 : i32
        %mul3A_992 = arith.muli %shift_right_logical3A_990, %mul3A_991 : i32
        %multiple_of3A_993 = tpu.assume_multiple %mul3A_992, 128 : i32
        %dma_start3A_994 = arith.constant 0 : i32
        %dma_start3A_995 = tpu.memref_slice %arg5[%dma_start3A_994, %multiple_of3A_993] : memref<64x1000000xf32, #tpu.memory_space<hbm>> -> memref<64x128xf32, #tpu.memory_space<hbm>>
        %dma_start3A_996 = arith.constant 0 : i32
        %dma_start3A_997 = tpu.memref_slice %arg5[%dma_start3A_996, %multiple_of3A_993] : memref<64x1000000xf32, #tpu.memory_space<hbm>> -> memref<64x128xf32, #tpu.memory_space<hbm>>
        tpu.enqueue_dma source(%dma_start3A_997 : memref<64x128xf32, #tpu.memory_space<hbm>>) target(%arg18 : memref<64x128xf32, #tpu.memory_space<vmem>>) target_semaphore(%arg26 : memref<!tpu.dma_semaphore, #tpu.memory_space<semaphore_mem>>)
      } else {
      }
      %dma_wait3A_923 = arith.constant 0 : i32
      %dma_wait3A_924 = arith.constant 0 : i32
      %dma_wait3A_925 = tpu.memref_slice %arg5[%dma_wait3A_923, %dma_wait3A_924] : memref<64x1000000xf32, #tpu.memory_space<hbm>> -> memref<64x128xf32, #tpu.memory_space<hbm>>
      %dma_wait3A_926 = arith.constant 0 : i32
      %dma_wait3A_927 = arith.constant 0 : i32
      %dma_wait3A_928 = tpu.memref_slice %arg5[%dma_wait3A_926, %dma_wait3A_927] : memref<64x1000000xf32, #tpu.memory_space<hbm>> -> memref<64x128xf32, #tpu.memory_space<hbm>>
      tpu.wait_dma2 semaphore(%arg27 : memref<!tpu.dma_semaphore, #tpu.memory_space<semaphore_mem>>) src(%dma_wait3A_928 : memref<64x128xf32, #tpu.memory_space<hbm>>) dst(%arg19 : memref<64x128xf32, #tpu.memory_space<vmem>>)
      %slice3A_929 = vector.extract_strided_slice %get3A_475 {offsets = [7], sizes = [1], strides = [1]} : vector<16xi32> to vector<1xi32>
      %squeeze3A_930 = vector.extract %slice3A_929[0] : i32 from vector<1xi32>
      %slice3A_931 = vector.extract_strided_slice %get3A_481 {offsets = [7], sizes = [1], strides = [1]} : vector<16xi32> to vector<1xi32>
      %squeeze3A_932 = vector.extract %slice3A_931[0] : i32 from vector<1xi32>
      %mul3A_933 = arith.constant 8 : i32
      %mul3A_934 = arith.muli %scan3A_469, %mul3A_933 : i32
      %add3A_935 = arith.constant 7 : i32
      %add3A_936 = arith.addi %mul3A_934, %add3A_935 : i32
      %and3A_937 = arith.constant 127 : i32
      %and3A_938 = arith.andi %squeeze3A_930, %and3A_937 : i32
      %broadcast_in_dim3A_939 = vector.broadcast %and3A_938 : i32 to vector<16xi32>
      %broadcast_in_dim3A_940 = vector.broadcast %squeeze3A_932 : i32 to vector<16xi32>
      %broadcast_in_dim3A_941 = vector.broadcast %add3A_936 : i32 to vector<16xi32>
      %gather3A_942 = tpu.vector_load_idx %arg19[%add3A_5, %broadcast_in_dim3A_939] : memref<64x128xf32, #tpu.memory_space<vmem>>[vector<16xi32>, vector<16xi32>], vector<16xf32>,
      %gather3A_943 = tpu.vector_load_idx %arg9[%shift_right_logical3A_19, %broadcast_in_dim3A_940] : memref<32x1024xi32, #tpu.memory_space<vmem>>[vector<16xi32>, vector<16xi32>], vector<16xi32>,
      %shift_left3A_944 = arith.constant 16 : i32
      %shift_left3A_945 = vector.broadcast %shift_left3A_944 : i32 to vector<16xi32>
      %shift_left3A_946 = arith.shli %gather3A_943, %shift_left3A_945 : vector<16xi32>
      %bitcast3A_947 = vector.bitcast %shift_left3A_946 : vector<16xi32> to vector<16xf32>
      %and3A_948 = arith.andi %gather3A_943, %broadcast_in_dim3A_51 : vector<16xi32>
      %bitcast3A_949 = vector.bitcast %and3A_948 : vector<16xi32> to vector<16xf32>
      %select_n3A_950 = arith.select %eq3A_32, %bitcast3A_949, %bitcast3A_947 : vector<16xi1>, vector<16xf32>
      %add3A_951 = arith.addf %gather3A_942, %select_n3A_950 : vector<16xf32>
      tpu.vector_store_idx %arg11[%add3A_5, %broadcast_in_dim3A_941], %add3A_951 : memref<64x128xf32, #tpu.memory_space<vmem>>[vector<16xi32>, vector<16xi32>], vector<16xf32>,
      %gather3A_952 = tpu.vector_load_idx %arg19[%add3A_9, %broadcast_in_dim3A_939] : memref<64x128xf32, #tpu.memory_space<vmem>>[vector<16xi32>, vector<16xi32>], vector<16xf32>,
      %gather3A_953 = tpu.vector_load_idx %arg9[%shift_right_logical3A_22, %broadcast_in_dim3A_940] : memref<32x1024xi32, #tpu.memory_space<vmem>>[vector<16xi32>, vector<16xi32>], vector<16xi32>,
      %shift_left3A_954 = arith.constant 16 : i32
      %shift_left3A_955 = vector.broadcast %shift_left3A_954 : i32 to vector<16xi32>
      %shift_left3A_956 = arith.shli %gather3A_953, %shift_left3A_955 : vector<16xi32>
      %bitcast3A_957 = vector.bitcast %shift_left3A_956 : vector<16xi32> to vector<16xf32>
      %and3A_958 = arith.andi %gather3A_953, %broadcast_in_dim3A_51 : vector<16xi32>
      %bitcast3A_959 = vector.bitcast %and3A_958 : vector<16xi32> to vector<16xf32>
      %select_n3A_960 = arith.select %eq3A_38, %bitcast3A_959, %bitcast3A_957 : vector<16xi1>, vector<16xf32>
      %add3A_961 = arith.addf %gather3A_952, %select_n3A_960 : vector<16xf32>
      tpu.vector_store_idx %arg11[%add3A_9, %broadcast_in_dim3A_941], %add3A_961 : memref<64x128xf32, #tpu.memory_space<vmem>>[vector<16xi32>, vector<16xi32>], vector<16xf32>,
      %gather3A_962 = tpu.vector_load_idx %arg19[%add3A_13, %broadcast_in_dim3A_939] : memref<64x128xf32, #tpu.memory_space<vmem>>[vector<16xi32>, vector<16xi32>], vector<16xf32>,
      %gather3A_963 = tpu.vector_load_idx %arg9[%shift_right_logical3A_25, %broadcast_in_dim3A_940] : memref<32x1024xi32, #tpu.memory_space<vmem>>[vector<16xi32>, vector<16xi32>], vector<16xi32>,
      %shift_left3A_964 = arith.constant 16 : i32
      %shift_left3A_965 = vector.broadcast %shift_left3A_964 : i32 to vector<16xi32>
      %shift_left3A_966 = arith.shli %gather3A_963, %shift_left3A_965 : vector<16xi32>
      %bitcast3A_967 = vector.bitcast %shift_left3A_966 : vector<16xi32> to vector<16xf32>
      %and3A_968 = arith.andi %gather3A_963, %broadcast_in_dim3A_51 : vector<16xi32>
      %bitcast3A_969 = vector.bitcast %and3A_968 : vector<16xi32> to vector<16xf32>
      %select_n3A_970 = arith.select %eq3A_44, %bitcast3A_969, %bitcast3A_967 : vector<16xi1>, vector<16xf32>
      %add3A_971 = arith.addf %gather3A_962, %select_n3A_970 : vector<16xf32>
      tpu.vector_store_idx %arg11[%add3A_13, %broadcast_in_dim3A_941], %add3A_971 : memref<64x128xf32, #tpu.memory_space<vmem>>[vector<16xi32>, vector<16xi32>], vector<16xf32>,
      %gather3A_972 = tpu.vector_load_idx %arg19[%add3A_17, %broadcast_in_dim3A_939] : memref<64x128xf32, #tpu.memory_space<vmem>>[vector<16xi32>, vector<16xi32>], vector<16xf32>,
      %gather3A_973 = tpu.vector_load_idx %arg9[%shift_right_logical3A_28, %broadcast_in_dim3A_940] : memref<32x1024xi32, #tpu.memory_space<vmem>>[vector<16xi32>, vector<16xi32>], vector<16xi32>,
      %shift_left3A_974 = arith.constant 16 : i32
      %shift_left3A_975 = vector.broadcast %shift_left3A_974 : i32 to vector<16xi32>
      %shift_left3A_976 = arith.shli %gather3A_973, %shift_left3A_975 : vector<16xi32>
      %bitcast3A_977 = vector.bitcast %shift_left3A_976 : vector<16xi32> to vector<16xf32>
      %and3A_978 = arith.andi %gather3A_973, %broadcast_in_dim3A_51 : vector<16xi32>
      %bitcast3A_979 = vector.bitcast %and3A_978 : vector<16xi32> to vector<16xf32>
      %select_n3A_980 = arith.select %eq3A_50, %bitcast3A_979, %bitcast3A_977 : vector<16xi1>, vector<16xf32>
      %add3A_981 = arith.addf %gather3A_972, %select_n3A_980 : vector<16xf32>
      tpu.vector_store_idx %arg11[%add3A_17, %broadcast_in_dim3A_941], %add3A_981 : memref<64x128xf32, #tpu.memory_space<vmem>>[vector<16xi32>, vector<16xi32>], vector<16xf32>,
      %lt3A_982 = arith.constant 15 : i32
      %lt3A_983 = arith.cmpi slt, %scan3A_469, %lt3A_982 : i32
      %convert_element_type3A_984 = arith.extui %lt3A_983 : i1 to i32
      %cond3A_985 = arith.constant 0 : i32
      %cond3A_986 = arith.cmpi ne, %convert_element_type3A_984, %cond3A_985 : i32
      scf.if %cond3A_986 {
        %slice3A_987 = vector.extract_strided_slice %get3A_475 {offsets = [15], sizes = [1], strides = [1]} : vector<16xi32> to vector<1xi32>
        %squeeze3A_988 = vector.extract %slice3A_987[0] : i32 from vector<1xi32>
        %shift_right_logical3A_989 = arith.constant 7 : i32
        %shift_right_logical3A_990 = arith.shrui %squeeze3A_988, %shift_right_logical3A_989 : i32
        %mul3A_991 = arith.constant 128 : i32
        %mul3A_992 = arith.muli %shift_right_logical3A_990, %mul3A_991 : i32
        %multiple_of3A_993 = tpu.assume_multiple %mul3A_992, 128 : i32
        %dma_start3A_994 = arith.constant 0 : i32
        %dma_start3A_995 = tpu.memref_slice %arg5[%dma_start3A_994, %multiple_of3A_993] : memref<64x1000000xf32, #tpu.memory_space<hbm>> -> memref<64x128xf32, #tpu.memory_space<hbm>>
        %dma_start3A_996 = arith.constant 0 : i32
        %dma_start3A_997 = tpu.memref_slice %arg5[%dma_start3A_996, %multiple_of3A_993] : memref<64x1000000xf32, #tpu.memory_space<hbm>> -> memref<64x128xf32, #tpu.memory_space<hbm>>
        tpu.enqueue_dma source(%dma_start3A_997 : memref<64x128xf32, #tpu.memory_space<hbm>>) target(%arg19 : memref<64x128xf32, #tpu.memory_space<vmem>>) target_semaphore(%arg27 : memref<!tpu.dma_semaphore, #tpu.memory_space<semaphore_mem>>)
      } else {
      }
    }
    %scan3A_454 = arith.constant 16 : i32
    %add3A_455 = arith.constant 384 : i32
    %add3A_456 = arith.addi %mul3A_2, %add3A_455 : i32
    %dma_start3A_457 = arith.constant 0 : i32
    %dma_start3A_458 = tpu.memref_slice %arg6[%dma_start3A_457, %add3A_456] : memref<64x16384xf32, #tpu.memory_space<hbm>> -> memref<64x128xf32, #tpu.memory_space<hbm>>
    %dma_start3A_459 = arith.constant 0 : i32
    %dma_start3A_460 = tpu.memref_slice %arg6[%dma_start3A_459, %add3A_456] : memref<64x16384xf32, #tpu.memory_space<hbm>> -> memref<64x128xf32, #tpu.memory_space<hbm>>
    tpu.enqueue_dma source(%arg11 : memref<64x128xf32, #tpu.memory_space<vmem>>) target(%dma_start3A_460 : memref<64x128xf32, #tpu.memory_space<hbm>>) target_semaphore(%arg29 : memref<!tpu.dma_semaphore, #tpu.memory_space<semaphore_mem>>)
    %dma_wait3A_461 = arith.constant 0 : i32
    %dma_wait3A_462 = tpu.memref_slice %arg6[%dma_wait3A_461, %add3A_350] : memref<64x16384xf32, #tpu.memory_space<hbm>> -> memref<64x128xf32, #tpu.memory_space<hbm>>
    %dma_wait3A_463 = arith.constant 0 : i32
    %dma_wait3A_464 = tpu.memref_slice %arg6[%dma_wait3A_463, %add3A_350] : memref<64x16384xf32, #tpu.memory_space<hbm>> -> memref<64x128xf32, #tpu.memory_space<hbm>>
    tpu.wait_dma2 semaphore(%arg28 : memref<!tpu.dma_semaphore, #tpu.memory_space<semaphore_mem>>) src(%arg10 : memref<64x128xf32, #tpu.memory_space<vmem>>) dst(%dma_wait3A_464 : memref<64x128xf32, #tpu.memory_space<hbm>>)
    %dma_wait3A_465 = arith.constant 0 : i32
    %dma_wait3A_466 = tpu.memref_slice %arg6[%dma_wait3A_465, %add3A_456] : memref<64x16384xf32, #tpu.memory_space<hbm>> -> memref<64x128xf32, #tpu.memory_space<hbm>>
    %dma_wait3A_467 = arith.constant 0 : i32
    %dma_wait3A_468 = tpu.memref_slice %arg6[%dma_wait3A_467, %add3A_456] : memref<64x16384xf32, #tpu.memory_space<hbm>> -> memref<64x128xf32, #tpu.memory_space<hbm>>
    tpu.wait_dma2 semaphore(%arg29 : memref<!tpu.dma_semaphore, #tpu.memory_space<semaphore_mem>>) src(%arg11 : memref<64x128xf32, #tpu.memory_space<vmem>>) dst(%dma_wait3A_468 : memref<64x128xf32, #tpu.memory_space<hbm>>)
    return
  }
}

module attributes {stable_mosaic.version = 14 : i64} {
  func.func @_emb_body(%arg0: memref<32x1024xi32, #tpu.memory_space<vmem>>) attributes {dimension_semantics = [], scalar_prefetch = 0 : i64, scratch_operands = 0 : i64, tpu.core_type = #tpu.core_type<tc>} {
    %iota3A = tpu.iota {dimensions = array<i32: 0>} : vector<32x1024xi32>
    %iota3A_0 = tpu.iota {dimensions = array<i32: 1>} : vector<32x1024xi32>
    %convert_element_type3A = arith.sitofp %iota3A_0 : vector<32x1024xi32> to vector<32x1024xf32>
    %lt3A = arith.constant 16 : i32
    %lt3A_1 = vector.broadcast %lt3A : i32 to vector<32x1024xi32>
    %lt3A_2 = arith.cmpi slt, %iota3A, %lt3A_1 : vector<32x1024xi32>
    %mul3A = arith.constant 2 : i32
    %mul3A_3 = vector.broadcast %mul3A : i32 to vector<32x1024xi32>
    %mul3A_4 = arith.muli %mul3A_3, %iota3A : vector<32x1024xi32>
    %mul3A_5 = arith.constant 2 : i32
    %mul3A_6 = vector.broadcast %mul3A_5 : i32 to vector<32x1024xi32>
    %mul3A_7 = arith.muli %mul3A_6, %iota3A : vector<32x1024xi32>
    %sub3A = arith.constant 32 : i32
    %sub3A_8 = vector.broadcast %sub3A : i32 to vector<32x1024xi32>
    %sub3A_9 = arith.subi %mul3A_7, %sub3A_8 : vector<32x1024xi32>
    %select_n3A = arith.select %lt3A_2, %mul3A_4, %sub3A_9 : vector<32x1024xi1>, vector<32x1024xi32>
    %convert_element_type3A_10 = arith.sitofp %select_n3A : vector<32x1024xi32> to vector<32x1024xf32>
    %mul3A_11 = arith.constant -0.287823141 : f32
    %mul3A_12 = vector.broadcast %mul3A_11 : f32 to vector<32x1024xf32>
    %mul3A_13 = arith.mulf %convert_element_type3A_10, %mul3A_12 : vector<32x1024xf32>
    %exp3A = math.exp %mul3A_13 : vector<32x1024xf32>
    %mul3A_14 = arith.mulf %convert_element_type3A, %exp3A : vector<32x1024xf32>
    %add3A = arith.constant 1.000000e+00 : f32
    %add3A_15 = vector.broadcast %add3A : f32 to vector<32x1024xf32>
    %add3A_16 = arith.addf %convert_element_type3A_10, %add3A_15 : vector<32x1024xf32>
    %mul3A_17 = arith.constant -0.287823141 : f32
    %mul3A_18 = vector.broadcast %mul3A_17 : f32 to vector<32x1024xf32>
    %mul3A_19 = arith.mulf %add3A_16, %mul3A_18 : vector<32x1024xf32>
    %exp3A_20 = math.exp %mul3A_19 : vector<32x1024xf32>
    %mul3A_21 = arith.mulf %convert_element_type3A, %exp3A_20 : vector<32x1024xf32>
    %lt3A_22 = arith.constant 16 : i32
    %lt3A_23 = vector.broadcast %lt3A_22 : i32 to vector<32x1024xi32>
    %lt3A_24 = arith.cmpi slt, %iota3A, %lt3A_23 : vector<32x1024xi32>
    %cos3A = math.cos %mul3A_14 : vector<32x1024xf32>
    %sin3A = math.sin %mul3A_14 : vector<32x1024xf32>
    %select_n3A_25 = arith.select %lt3A_24, %cos3A, %sin3A : vector<32x1024xi1>, vector<32x1024xf32>
    %lt3A_26 = arith.constant 16 : i32
    %lt3A_27 = vector.broadcast %lt3A_26 : i32 to vector<32x1024xi32>
    %lt3A_28 = arith.cmpi slt, %iota3A, %lt3A_27 : vector<32x1024xi32>
    %cos3A_29 = math.cos %mul3A_21 : vector<32x1024xf32>
    %sin3A_30 = math.sin %mul3A_21 : vector<32x1024xf32>
    %select_n3A_31 = arith.select %lt3A_28, %cos3A_29, %sin3A_30 : vector<32x1024xi1>, vector<32x1024xf32>
    %convert_element_type3A_32 = arith.truncf %select_n3A_25 : vector<32x1024xf32> to vector<32x1024xbf16>
    %bitcast_convert_type3A = tpu.bitcast %convert_element_type3A_32 : vector<32x1024xbf16> -> vector<32x1024xi16>
    %convert_element_type3A_33 = arith.truncf %select_n3A_31 : vector<32x1024xf32> to vector<32x1024xbf16>
    %bitcast_convert_type3A_34 = tpu.bitcast %convert_element_type3A_33 : vector<32x1024xbf16> -> vector<32x1024xi16>
    %convert_element_type3A_35 = arith.extui %bitcast_convert_type3A : vector<32x1024xi16> to vector<32x1024xi32>
    %convert_element_type3A_36 = arith.extui %bitcast_convert_type3A_34 : vector<32x1024xi16> to vector<32x1024xi32>
    %shift_left3A = arith.constant 16 : i32
    %shift_left3A_37 = vector.broadcast %shift_left3A : i32 to vector<32x1024xi32>
    %shift_left3A_38 = arith.shli %convert_element_type3A_36, %shift_left3A_37 : vector<32x1024xi32>
    %or3A = arith.ori %convert_element_type3A_35, %shift_left3A_38 : vector<32x1024xi32>
    %swap3A = arith.constant 0 : index
    %swap3A_39 = arith.constant 0 : index
    %swap3A_40 = vector.load %arg0[%swap3A, %swap3A_39] : memref<32x1024xi32, #tpu.memory_space<vmem>>, vector<32x1024xi32>
    tpu.vector_store %arg0[%swap3A, %swap3A_39], %or3A {strides = array<i32>} : memref<32x1024xi32, #tpu.memory_space<vmem>>, vector<32x1024xi32>,
    return
  }
}

</mosaic_0001>

<sc_bundles>
// kernel: kernel.4.cloned.1.call-start
scs
__scs_entry_jumppad:
0x0: {  	(pc) =	sbr.rel $0x88, $3  }
0x1: {  	(tag) =	ssettag $0x0;
	lr =	simm.s32 $0x1  }
0x2: {  	[smem:$0x3F9E] =	sst lr;
	_ =	strace $0xD0000000  }
0x3: {  	_ = 	snop  }
0x4: {  	_ = 	snop  }
0x5: {  	_ = 	snop  }
0x6: {  	_ = 	snop  }
0x7: {  	_ = 	snop  }
__scs_overlays_trampoline_lowered:
0x8: {  	[smem:$0x3FAD] =	sst s0  }
0x9: {  	[smem:$0x3FAE] =	sst s1  }
0xa: {  	[smem:$0x3FAF] =	sst s2  }
0xb: {  	[smem:$0x3FB0] =	sst s3  }
0xc: {  	[smem:$0x3FB1] =	sst s4  }
0xd: {  	[smem:$0x3FB2] =	sst s5  }
0xe: {  	[smem:$0x3FB3] =	sst s6  }
0xf: {  	[smem:$0x3FB4] =	sst s7  }
0x10: {  	[smem:$0x3FB5] =	sst s8  }
0x11: {  	[smem:$0x3FB6] =	sst s9;
	s0 =	simm.s32 @!p0 $0x0  }
0x12: {  	s1 =	sld [smem:$0x3F9C];
	s0 =	simm.s32 @p0 $0x1  }
0x13: {  	[smem:$0x3FB7] =	sst s0;
	s0 =	simm.s32 @!p1 $0x0  }
0x14: {  	s2 =	sld [smem:$0x3F9B];
	s0 =	simm.s32 @p1 $0x1  }
0x15: {  	[smem:$0x3FB8] =	sst s0;
	s0 =	simm.s32 @!p2 $0x0  }
0x16: {  	s3 =	sld [smem:$0x3FDB];
	s0 =	simm.s32 @p2 $0x1  }
0x17: {  	s4 =	simm.s32 $0x1BF5;
	[smem:$0x3FBA] =	sst s0  }
0x18: {  	s0 =	sld [smem:$0x3F9D];
	_ =	swait.ge [sflag:s4], $0x0  }
0x19: {  	s7 =	sld [smem:$0x3F9E]  }
0x1a: {  	s8 =	sadd.s32 $0xFFFFE003, lr  }
0x1b: {  	s9 =	sadd.s32 $0xFFFFFEF7, lr;
	s5 =	simm.s32 $0xFFFFFFFF;
	p2 =	slt.u32 s8, $0xFFFFF086  }
0x1c: {  	p1 =	slt.u32 s9, $0xF7A;
	s5 =	simm.s32 @!p2 $0x0  }
0x1d: {  	s5 =	simm.s32 @p1 $0x1;
	p0 =	seq.s32 s7, s2  }
0x1e: {  	s7 =	smul.u32 @!p0 $0xF7A, s2;
	p2 =	seq.s32 @!p0 s5, $0x0  }
0x1f: {  	s9 =	smul.u32 $0xF7A, s1;
	s8 =	simm.s32 @!p0 $0x1BF5;
	p2 =	por !p2, p0  }
0x20: {  	[sflag:s8] =	ssyncset.s32 @!p0 $0xFFFFF086;
	s6 =	sadd.s32 @!p0 s3, s7;
	s7 =	simm.s32 @!p0 $0x108  }
0x21: {  	s3 =	sadd.s32 s3, s9;
	s6 =	sadd.s32 @!p0 $0x88, s6;
	s7 =	simm.s32 @p2 $0x1082  }
0x22: {  	[simem:s7], [sflag:s8] =	dma.local @!p0 [hbm:s6], $0xF7A  }
0x23: {  	s9 =	sor.u32 $0xD0000000, s2;
	s6 =	simm.s32 $0x108;
	_ =	swait.ge @!p0 [sflag:s8], $0x0  }
0x24: {  	s3 =	sadd.s32 $0x88, s3;
	s6 =	simm.s32 @!p1 $0x1082;
	[sflag:s4] =	ssyncset.s32 $0xFFFFF086  }
0x25: {  	[simem:s6], [sflag:s4] =	dma.local [hbm:s3], $0xF7A  }
0x26: {  	[smem:$0x3F9E] =	sst s1;
	(tag) =	ssettag s2;
	_ =	strace s9  }
0x27: {  	s1 =	sld [smem:$0x3FAE]  }
0x28: {  	s2 =	sld [smem:$0x3FAF]  }
0x29: {  	s4 =	sld [smem:$0x3FB1]  }
0x2a: {  	p0 =	seq.s32 s5, $0x0;
	s5 =	sld [smem:$0x3FB2]  }
0x2b: {  	s6 =	sld [smem:$0x3FB3]  }
0x2c: {  	s7 =	sld [smem:$0x3FB4]  }
0x2d: {  	s3 =	simm.s32 $0x108;
	s8 =	sld [smem:$0x3FB5]  }
0x2e: {  	s3 =	simm.s32 @!p0 $0x1082;
	s9 =	sld [smem:$0x3FB6]  }
0x2f: {  	lr =	sadd.s32 s0, s3;
	s0 =	sld [smem:$0x3FAD]  }
0x30: {  	s3 =	sld [smem:$0x3FB0]  }
0x31: {  	[smem:$0x3FB9] =	sst s10  }
0x32: {  	s10 =	sld [smem:$0x3FB7];
	_ =	sdelay $0x3  }
0x33: {  	p0 =	seq.s32 s10, $0x1;
	s10 =	sld [smem:$0x3FB9];
	_ =	sdelay $0x3  }
0x34: {  	[smem:$0x3FB9] =	sst s10  }
0x35: {  	s10 =	sld [smem:$0x3FB8];
	_ =	sdelay $0x3  }
0x36: {  	p1 =	seq.s32 s10, $0x1;
	s10 =	sld [smem:$0x3FB9];
	_ =	sdelay $0x3  }
0x37: {  	[smem:$0x3FB9] =	sst s10  }
0x38: {  	s10 =	sld [smem:$0x3FBA]  }
0x39: {  	_ = 	snop;
	(pc) =	sbr.ind lr, $3  }
0x3a: {  	_ = 	snop  }
0x3b: {  	_ = 	snop  }
0x3c: {  	p2 =	seq.s32 s10, $0x1;
	s10 =	sld [smem:$0x3FB9]  }
0x3d: {  	_ =	shalt  }
0x3e: {  	_ =	shalt  }
0x3f: {  	_ =	shalt  }
0x40: {  	_ =	shalt  }
0x41: {  	_ =	shalt  }
0x42: {  	_ =	shalt  }
0x43: {  	_ =	shalt  }
0x44: {  	_ =	shalt  }
0x45: {  	_ =	shalt  }
0x46: {  	_ =	shalt  }
0x47: {  	_ =	shalt  }
0x48: {  	_ =	shalt  }
0x49: {  	_ =	shalt  }
0x4a: {  	_ =	shalt  }
0x4b: {  	_ =	shalt  }
0x4c: {  	_ =	shalt  }
0x4d: {  	_ =	shalt  }
0x4e: {  	_ =	shalt  }
0x4f: {  	_ =	shalt  }
0x50: {  	_ =	shalt  }
0x51: {  	_ =	shalt  }
0x52: {  	_ =	shalt  }
0x53: {  	_ =	shalt  }
0x54: {  	_ =	shalt  }
0x55: {  	_ =	shalt  }
0x56: {  	_ =	shalt  }
0x57: {  	_ =	shalt  }
0x58: {  	_ =	shalt  }
0x59: {  	_ =	shalt  }
0x5a: {  	_ =	shalt  }
0x5b: {  	_ =	shalt  }
0x5c: {  	_ =	shalt  }
0x5d: {  	_ =	shalt  }
0x5e: {  	_ =	shalt  }
0x5f: {  	_ =	shalt  }
0x60: {  	_ =	shalt  }
0x61: {  	_ =	shalt  }
0x62: {  	_ =	shalt  }
0x63: {  	_ =	shalt  }
0x64: {  	_ =	shalt  }
0x65: {  	_ =	shalt  }
0x66: {  	_ =	shalt  }
0x67: {  	_ =	shalt  }
0x68: {  	_ =	shalt  }
0x69: {  	_ =	shalt  }
0x6a: {  	_ =	shalt  }
0x6b: {  	_ =	shalt  }
0x6c: {  	_ =	shalt  }
0x6d: {  	_ =	shalt  }
0x6e: {  	_ =	shalt  }
0x6f: {  	_ =	shalt  }
0x70: {  	_ =	shalt  }
0x71: {  	_ =	shalt  }
0x72: {  	_ =	shalt  }
0x73: {  	_ =	shalt  }
0x74: {  	_ =	shalt  }
0x75: {  	_ =	shalt  }
0x76: {  	_ =	shalt  }
0x77: {  	_ =	shalt  }
0x78: {  	_ =	shalt  }
0x79: {  	_ =	shalt  }
0x7a: {  	_ =	shalt  }
0x7b: {  	_ =	shalt  }
0x7c: {  	_ =	shalt  }
0x7d: {  	_ =	shalt  }
0x7e: {  	_ =	shalt  }
0x7f: {  	_ =	shalt  }
0x80: {  	_ =	shalt  }
0x81: {  	_ =	shalt  }
0x82: {  	_ =	shalt  }
0x83: {  	_ =	shalt  }
0x84: {  	_ =	shalt  }
0x85: {  	_ =	shalt  }
0x86: {  	_ =	shalt  }
0x87: {  	_ =	shalt  }
.Lfunc_end0:
.L_simem_size_0:
called_computation_lowered:
.L_overlay_start_0:
0x88: {  	s2 =	sld [smem:$0x3FD9]  }
0x89: {  	s3 =	sld [smem:$0x3FFE];
	_ =	sdelay $0x1  }
0x8a: {  	s1 =	srdreg.scid  }
0x8b: {  	s0 =	sand.u32 $0x1, s1  }
0x8c: {  	s17 =	sshll.u32 s0, $0xA;
	s2 =	sadd.s32 s3, s2  }
0x8d: {  	s2 =	sadd.s32 s2, s17  }
0x8e: {  	[smem:$0x3FC5] =	sst s2  }
0x8f: {  	_ = 	snop  }
0x90: {  	s2 =	sld [smem:$0x3FC9]  }
0x91: {  	s18 =	sld [smem:$0x3FC8]  }
0x92: {  	s4 =	sld [smem:$0x3FC7]  }
0x93: {  	s5 =	sld [smem:$0x3FD0];
	(tm) =	ssettm $0x1  }
0x94: {  	s6 =	sld [smem:$0x3FFB];
	_ =	sdelay $0x3  }
0x95: {  	_ =	strace s6  }
0x96: {  	s6 =	sld [smem:$0x3FFC];
	_ =	sdelay $0x3  }
0x97: {  	_ =	strace s6  }
0x98: {  	s6 =	sld [smem:$0x3FFD];
	_ =	sdelay $0x3  }
0x99: {  	_ =	strace s6  }
0x9a: {  	_ =	strace $0x8FFFFFFF  }
0x9b: {  	s19 =	sld [smem:$0x3FDB];
	_ =	sdelay $0x1  }
0x9c: {  	s7 =	simm.s32 $_scs_section_size  }
0x9d: {  	s8 =	simm.s32 $_size__tile_overlayer_lowered;
	s9 =	simm.s32 $_tile_overlayer_lowered  }
0x9e: {  	s22 =	simm.s32 $0x1BFF;
	s21 =	sshll.u32 s9, $0x1;
	s6 =	sadd.s32 s7, s19  }
0x9f: {  	s10 =	simm.s32 $0x0;
	s20 =	sshll.u32 s8, $0x1;
	s8 =	sadd.s32 s21, s6  }
0xa0: {  	[timem:s10], [sflag:s22] =	dma.local [hbm:s8], s20  }
0xa1: {  	_ =	swait.ge [sflag:s22], s20  }
0xa2: {  	s7 =	ssub.s32 $0x0, s20;
	[sflag:s22] =	ssyncset.done $0x0  }
0xa3: {  	[sflag:s22] =	ssyncadd.s32 s7;
	_ =	sdelay $0x1  }
0xa4: {  	s23 =	simm.s32 $0x1B8B  }
0xa5: {  	_ =	swait.ge [sflag:s23], $0x1  }
0xa6: {  	[sflag:s23] =	ssyncset.done $0x0  }
0xa7: {  	s25 =	simm.s32 $0x1B8E;
	s24 =	sld [smem:$0x3FFE];
	[sflag:s23] =	ssyncadd.s32 $0xFFFFFFFF  }
0xa8: {  	s26 =	simm.s32 $execute0_lowered;
	[smem:$0x3FD2] =	sst s25  }
0xa9: {  	s8 =	sshll.u32 s26, $0x1;
	_ =	strace $0x80000046;
	[dreg:$0x1] =	wrdreg $0xFFFFFFFF  }
0xaa: {  	s28 =	simm.s32 $_size_execute0_lowered;
	s6 =	sadd.s32 s6, s8;
	[dreg:$0x0] =	wrdreg $0x0  }
0xab: {  	s8 =	sshll.u32 s28, $0x1;
	[dreg:$0x2] =	wrdreg s6  }
0xac: {  	[dreg:$0x3] =	wrdreg s8  }
0xad: {  	[dreg:$0x4] =	wrdreg $0xC0  }
0xae: {  	_ =	task [dreg:s10], $0x5FFFF  }
0xaf: {  	[dreg:$0x1] =	wrdreg $0xFFFFFFFF  }
0xb0: {  	[dreg:$0x0] =	wrdreg $0x60  }
0xb1: {  	[dreg:$0x2] =	wrdreg s18  }
0xb2: {  	[dreg:$0x3] =	wrdreg s2  }
0xb3: {  	[dreg:$0x4] =	wrdreg s24  }
0xb4: {  	[dreg:$0x5] =	wrdreg s4  }
0xb5: {  	[dreg:$0x6] =	wrdreg s5  }
0xb6: {  	[dreg:$0x7] =	wrdreg $0x9  }
0xb7: {  	_ =	task.clear_ibuf [dreg:s10], $0x8FFFF;
	_ =	strace $0x90000046  }
0xb8: {  	s29 =	simm.s32 $0x9;
	_ =	strace $0x80000048  }
0xb9: {  	_ =	swait.ge [sflag:s29], $0x1  }
0xba: {  	[sflag:s29] =	ssyncadd.s32 $0xFFFFFFFF  }
0xbb: {  	_ =	strace $0x90000048  }
0xbc: {  	_ =	sfence  }
0xbd: {  	s30 =	sld [smem:$0x0];
	_ =	sdelay $0x2  }
0xbe: {  	s31 =	sshll.u32 s1, $0xD;
	s1 =	sshrl.u32 s1, $0x2  }
0xbf: {  	s3 =	sand.u32 $0x4000, s31;
	s1 =	sadd.s32 s1, s30  }
0xc0: {  	s0 =	sor.u32 s3, s0;
	s1 =	sshll.u32 s1, $0x11  }
0xc1: {  	s0 =	sor.u32 s1, s0  }
0xc2: {  	s0 =	sadd.s32 $0x8F2B, s0  }
0xc3: {  	[sflag:s0] =	ssyncadd.remote.s32 $0x1  }
0xc4: {  	_ =	sfence.sel $0xFFFF  }
0xc5: {  	[dreg:$0x0] =	wrdreg $0xFFFFFFFF;
	(pc) =	sbr.abs _section_cstart, $3  }
0xc6: {  	[dreg:$0x1] =	wrdreg $0xFFFFFFFF  }
0xc7: {  	_ =	task.clear_ibuf [dreg:s10], $0x2FFFF;
	_ =	strace $0x9FFFFFFF  }
0xc8: {  	(tm) =	ssettm $0x7FFFFFFF  }
0xc9: {  	_ =	shalt  }
tec
execute0_lowered:
.L_overlay_start_1:
0x0: {  	(tag) =	ssettag $0x1  }
0x1: {  	s0 =	rddreg [dreg:$0x0]  }
0x2: {  	s2 =	rddreg [dreg:$0x1]  }
0x3: {  	s3 =	rddreg [dreg:$0x2]  }
0x4: {  	s1 =	rddreg [dreg:$0x3]  }
0x5: {  	s4 =	rddreg [dreg:$0x4];
	s6 =	simm.s32 $0x0;
	s5 =	srdreg.scid  }
0x6: {  	s7 =	stileid.u32;
	s12 =	simm.s32 $0xB;
	s13 =	simm.s32 $0x500  }
0x7: {  	s14 =	simm.s32 $0x400;
	s15 =	simm.s32 $0x7A1400;
	s16 =	simm.s32 $0xC500  }
0x8: {  	s17 =	simm.s32 $0xE500;
	s18 =	simm.s32 $0x10500;
	s28 =	simm.s32 $0x3  }
0x9: {  	s29 =	simm.s32 $0x4;
	s30 =	simm.s32 $0x5;
	s31 =	simm.s32 $0x6  }
0xa: {  	s9 =	simm.s32 $0x0;
	[smem:$0x7FF] =	sst s6;
	s5 =	sand.u32 $0x1, s5  }
0xb: {  	s7 =	sshll.u32 s7, $0xA;
	s3 =	sadd.s32 $0x600, s3;
	s19 =	ssub.s32 $0x2, s5  }
0xc: {  	s5 =	sshll.u32 s5, $0x9;
	_ =	strace $0x80000047;
	s8 =	sshrl.u32 s19, $0x1  }
0xd: {  	[dreg:$0x6] =	wrdreg s3;
	s5 =	sor.u32 s5, s7;
	s20 =	ssub.s32 s19, s8  }
0xe: {  	vm0 =	vcmask $0xB08;
	vm1 =	vcmask $0x300;
	s21 =	sshrl.u32 s5, $0x3;
	s23 =	sadd.s32 s4, s5;
	s19 =	simm.s32 $0x12500  }
0xf: {  	v1 =	vlaneseq.u32;
	vm0 =	vmor vm1, vm0;
	s5 =	simm.s32 $0xA500;
	s0 =	sadd.s32 s0, s21;
	[dreg:$0x9] =	wrdreg s23  }
0x10: {  	vm1 =	vcmask $0x1310;
	v0 =	vmul.u32 $0x80, v1;
	v1 =	vshrl.u32 v1, $0x1;
	s22 =	sadd.s32 s2, s21;
	s24 =	sadd.s32 $0x80, s23;
	[dreg:$0x7] =	wrdreg s0  }
0x11: {  	vm0 =	vmor vm0, vm1;
	vm1 =	vcmask $0x1B18;
	v1 =	vmul.u32 $0x80, v1;
	s25 =	sadd.s32 $0x100, s23;
	s26 =	smax.u32 s20, $0x1;
	[dreg:$0x8] =	wrdreg s22  }
.Ltmp0:
0x12: {  	vm0 =	vmor vm0, vm1;
	vm1 =	vcmask $0x2320;
	v2 =	vor.u32 $0x800, v0;
	s20 =	simm.s32 $0x14500;
	[dreg:$0xa] =	wrdreg s24;
	(pc) =	sbr.rel .LBB2_1-.Ltmp0, $4  }
0x13: {  	v4 =	vor.u32 $0x1000, v0;
	vm0 =	vmor vm0, vm1;
	vm1 =	vcmask $0x2B28;
	s21 =	simm.s32 $0x16500;
	s2 =	simm.s32 $0x8;
	[dreg:$0xb] =	wrdreg s25  }
0x14: {  	v6 =	vor.u32 $0x1800, v0;
	vm0 =	vmor vm0, vm1;
	vm1 =	vcmask $0x3330;
	s0 =	sadd.s32 $0x180, s23;
	[dreg:$0xd] =	wrdreg s26;
	s22 =	simm.s32 $0x18500  }
0x15: {  	v3 =	vor.u32 $0x2000, v1;
	s23 =	simm.s32 $0x1A500;
	s24 =	simm.s32 $0x1;
	s25 =	simm.s32 $0x8500;
	vm0 =	vmor vm0, vm1;
	vm1 =	vcmask $0x3B38  }
0x16: {  	v5 =	vor.u32 $0x4000, v1;
	v7 =	vor.u32 $0x6000, v1;
	s26 =	simm.s32 $0x2;
	[dreg:$0xc] =	wrdreg s0;
	vm0 =	vmor vm0, vm1;
	s0 =	simm.s32 $0x7  }
.LBB2_13:
0x17: {  	s3 =	rddreg [dreg:$0xc];
	s4 =	simm.s32 $0x20000;
	s8 =	simm.s32 $0x9  }
0x18: {  	[hbm4b:s3+s14] =	stream.strided.scatter [tilespmem:s5], [sflag:$0xA], $0x2000, s4, s14, $0x38;
	[tilespmem:$0x1C500] =	vst v63  }
0x19: {  	_ =	swait.ge [sflag:s8], $0x2000  }
0x1a: {  	[sflag:s8] =	ssyncset.done $0x0  }
0x1b: {  	s10 =	simm.s32 $0xA;
	[sflag:s8] =	ssyncadd.s32 $0xFFFFE000  }
0x1c: {  	_ =	swait.ge [sflag:s10], $0x2000  }
0x1d: {  	s9 =	sadd.s32 $0x1, s9;
	s11 =	rddreg [dreg:$0xd]  }
0x1e: {  	p0 =	sne.s32 s9, s11  }
.Ltmp1:
0x1f: {  	_ = 	snop;
	(pc) =	sbr.rel @!p0 .LBB2_14-.Ltmp1, $3  }
0x20: {  	_ =	sdelay $0x1  }
0x21: {  	[sflag:s10] =	ssyncset.done $0x0  }
0x22: {  	[sflag:s10] =	ssyncadd.s32 $0xFFFFE000  }
.LBB2_1:
0x23: {  	s3 =	simm.s32 $0x0;
	s4 =	rddreg [dreg:$0x7]  }
0x24: {  	[tilespmem:s3], [sflag:$0xB] =	stream.linear.gather [hbm4b:s4+s3], $0x200, $0x38;
	[tilespmem:$0x1C500] =	vst v63  }
0x25: {  	_ =	swait.ge [sflag:s12], $0x200  }
0x26: {  	[sflag:s12] =	ssyncset.done $0x0  }
0x27: {  	s10 =	simm.s32 $0x280;
	s8 =	rddreg [dreg:$0x8];
	[sflag:s12] =	ssyncadd.s32 $0xFFFFFE00  }
0x28: {  	[tilespmem:s10], [sflag:$0xB] =	stream.linear.gather [hbm4b:s8+s3], $0x200, $0x38;
	[tilespmem:$0x1C500] =	vst v63  }
0x29: {  	_ =	swait.ge [sflag:s12], $0x200  }
0x2a: {  	[sflag:s12] =	ssyncset.done $0x0  }
0x2b: {  	s11 =	rddreg [dreg:$0x6];
	[sflag:s12] =	ssyncadd.s32 $0xFFFFFE00  }
0x2c: {  	[tilespmem:s13], [sflag:$0xB] =	stream.linear.gather [hbm4b:s11+s3], $0x8000, $0x38;
	[tilespmem:$0x1C500] =	vst v63  }
0x2d: {  	_ =	swait.ge [sflag:s12], $0x8000  }
0x2e: {  	[sflag:s12] =	ssyncset.done $0x0  }
0x2f: {  	[sflag:s12] =	ssyncadd.s32 $0xFFFF8000  }
0x30: {  	v8 =	vld [tilespmem:$0x0];
	_ =	sdelay $0x4  }
0x31: {  	(v2sf) =	vpush v8, $0x0  }
0x32: {  	(v2sf) =	vpush v8, $0x1;
	_ =	sdelay $0x1  }
0x33: {  	(v2sf) =	vpush v8, $0x2;
	_ =	sdelay $0x4  }
0x34: {  	(v2sf) =	vpush v8, $0x3  }
0x35: {  	(v2sf) =	vpush v8, $0x4;
	_ =	sdelay $0x5  }
0x36: {  	s6 =	spop (v2sf);
	(v2sf) =	vpush v8, $0x5  }
0x37: {  	s7 =	spop (v2sf);
	(v2sf) =	vpush v8, $0x6  }
0x38: {  	s3 =	sand.u32 $0xFFFFF80, s6  }
0x39: {  	s3 =	sadd.s32 s1, s3;
	s8 =	spop (v2sf)  }
0x3a: {  	(v2sf) =	vpush v8, $0x7;
	[tilespmem:s16], [sflag:$0x1] =	stream.strided.gather [hbm4b:s3+s14], $0x2000, s15, s14, $0x38;
	[tilespmem:$0x1C500] =	vst v63  }
0x3b: {  	s3 =	sand.u32 $0xFFFFF80, s7  }
0x3c: {  	s3 =	sadd.s32 s1, s3  }
0x3d: {  	[tilespmem:s17], [sflag:$0x2] =	stream.strided.gather [hbm4b:s3+s14], $0x2000, s15, s14, $0x38;
	[tilespmem:$0x1C500] =	vst v63  }
0x3e: {  	s11 =	spop (v2sf);
	s3 =	sand.u32 $0xFFFFF80, s8  }
0x3f: {  	s6 =	sand.u32 $0xFFFFF80, s11;
	s7 =	spop (v2sf);
	s3 =	sadd.s32 s1, s3  }
0x40: {  	[tilespmem:s18], [sflag:$0x3] =	stream.strided.gather [hbm4b:s3+s14], $0x2000, s15, s14, $0x38;
	[tilespmem:$0x1C500] =	vst v63  }
0x41: {  	s8 =	sand.u32 $0xFFFFF80, s7;
	s3 =	sadd.s32 s1, s6  }
0x42: {  	[tilespmem:s19], [sflag:$0x4] =	stream.strided.gather [hbm4b:s3+s14], $0x2000, s15, s14, $0x38;
	[tilespmem:$0x1C500] =	vst v63  }
0x43: {  	s3 =	sadd.s32 s1, s8  }
0x44: {  	[tilespmem:s20], [sflag:$0x5] =	stream.strided.gather [hbm4b:s3+s14], $0x2000, s15, s14, $0x38;
	[tilespmem:$0x1C500] =	vst v63  }
0x45: {  	s11 =	spop (v2sf)  }
0x46: {  	s6 =	sand.u32 $0xFFFFF80, s11;
	s7 =	spop (v2sf)  }
0x47: {  	s3 =	sadd.s32 s1, s6;
	s8 =	sand.u32 $0xFFFFF80, s7  }
0x48: {  	[tilespmem:s21], [sflag:$0x6] =	stream.strided.gather [hbm4b:s3+s14], $0x2000, s15, s14, $0x38;
	[tilespmem:$0x1C500] =	vst v63  }
0x49: {  	s11 =	spop (v2sf);
	s3 =	sadd.s32 s1, s8  }
0x4a: {  	[tilespmem:s22], [sflag:$0x7] =	stream.strided.gather [hbm4b:s3+s14], $0x2000, s15, s14, $0x38;
	[tilespmem:$0x1C500] =	vst v63  }
0x4b: {  	s3 =	sand.u32 $0xFFFFF80, s11  }
0x4c: {  	s7 =	simm.s32 $0x7;
	s11 =	simm.s32 $0x0;
	s3 =	sadd.s32 s1, s3  }
0x4d: {  	[tilespmem:s23], [sflag:$0x8] =	stream.strided.gather [hbm4b:s3+s14], $0x2000, s15, s14, $0x38;
	[tilespmem:$0x1C500] =	vst v63  }
.LBB2_2:
0x4e: {  	v8 =	vld [tilespmem:s11+$0x0];
	_ =	sdelay $0x3  }
0x4f: {  	v9 =	vld [tilespmem:s10+$0x0];
	_ =	swait.ge [sflag:s24], $0x2000  }
0x50: {  	(v2sf) =	vpush v8, $0x0;
	_ =	sdelay $0x9  }
0x51: {  	v10 =	vbroadcast v9, $0x0;
	_ =	sdelay $0x1  }
0x52: {  	v11 =	vshll.u32 v10, $0x3  }
0x53: {  	v10 =	vand.u32 $0x7F, v10;
	v11 =	vand.u32 $0xFFFFFC00, v11  }
0x54: {  	v10 =	vor.u32 v10, v11  }
0x55: {  	v11 =	vor.u32 v1, v10;
	s3 =	spop (v2sf)  }
0x56: {  	s3 =	sand.u32 $0x7F, s3  }
0x57: {  	v12 =	vor.u32 s3, v0  }
0x58: {  	[sflag:s24] =	ssyncset.done $0x0  }
0x59: {  	s4 =	sadd.s32 $0xFFFFFFF9, s7;
	[sflag:s24] =	ssyncadd.s32 $0xFFFFE000  }
0x5a: {  	v13 =	vmov s4;
	v11 =	vld.idx.msk [tilespmem:v11+s13+$0x0], $0xffff  }
0x5b: {  	v13 =	vand.u32 $0x78, v13  }
0x5c: {  	v13 =	vbroadcast v13, $0x0;
	v12 =	vld.idx.msk [tilespmem:v12+s16+$0x0], $0xffff;
	_ =	sdelay $0x1  }
0x5d: {  	v14 =	vor.u32 v0, v13  }
0x5e: {  	v16 =	vadd.s32 v3, v10;
	v15 =	vshll.u32 v11, $0x10;
	v11 =	vand.u32 $0xFFFF0000, v11  }
0x5f: {  	v11 =	vsel vm0, v15, v11  }
0x60: {  	v45 =	vor.u32 s3, v2;
	v11 =	vadd.f32 v11, v12;
	_ =	sdelay $0x1  }
0x61: {  	[tilespmem:v14+s25+$0x0] =	vst.idx.msk $0xffff, v11  }
0x62: {  	v11 =	vld.idx.msk [tilespmem:v16+s13+$0x0], $0xffff;
	_ =	sdelay $0x1  }
0x63: {  	v12 =	vld.idx.msk [tilespmem:v45+s16+$0x0], $0xffff;
	_ =	sdelay $0x1  }
0x64: {  	v46 =	vor.u32 v2, v13  }
0x65: {  	v48 =	vadd.s32 v5, v10;
	v47 =	vshll.u32 v11, $0x10;
	v11 =	vand.u32 $0xFFFF0000, v11  }
0x66: {  	v11 =	vsel vm0, v47, v11  }
0x67: {  	v49 =	vor.u32 s3, v4;
	v11 =	vadd.f32 v11, v12;
	_ =	sdelay $0x1  }
0x68: {  	[tilespmem:v46+s25+$0x0] =	vst.idx.msk $0xffff, v11  }
0x69: {  	v11 =	vld.idx.msk [tilespmem:v48+s13+$0x0], $0xffff  }
0x6a: {  	p0 =	seq.s32 s7, $0x7F  }
0x6b: {  	(v2sf) =	vpush @!p0 v8, $0x8;
	v12 =	vld.idx.msk [tilespmem:v49+s16+$0x0], $0xffff;
	_ =	sdelay $0x1  }
0x6c: {  	v50 =	vor.u32 v4, v13  }
0x6d: {  	v10 =	vadd.s32 v7, v10;
	v51 =	vshll.u32 v11, $0x10;
	v11 =	vand.u32 $0xFFFF0000, v11  }
0x6e: {  	v11 =	vsel vm0, v51, v11  }
0x6f: {  	v52 =	vor.u32 s3, v6;
	v11 =	vadd.f32 v11, v12;
	_ =	sdelay $0x1  }
0x70: {  	[tilespmem:v50+s25+$0x0] =	vst.idx.msk $0xffff, v11  }
0x71: {  	v10 =	vld.idx.msk [tilespmem:v10+s13+$0x0], $0xffff;
	_ =	sdelay $0x1  }
0x72: {  	v11 =	vld.idx.msk [tilespmem:v52+s16+$0x0], $0xffff;
	_ =	sdelay $0x1  }
0x73: {  	v53 =	vor.u32 v6, v13  }
0x74: {  	v54 =	vshll.u32 v10, $0x10;
	v10 =	vand.u32 $0xFFFF0000, v10  }
0x75: {  	v10 =	vsel vm0, v54, v10  }
0x76: {  	s3 =	spop @!p0 (v2sf);
	v10 =	vadd.f32 v10, v11  }
0x77: {  	s4 =	simm.s32 @!p0 $0x7A1400;
	s3 =	sand.u32 @!p0 $0xFFFFF80, s3  }
0x78: {  	s8 =	simm.s32 @!p0 $0xC500;
	s6 =	sadd.s32 @!p0 s1, s3;
	s3 =	simm.s32 @!p0 $0x400;
	[tilespmem:v53+s25+$0x0] =	vst.idx.msk $0xffff, v10  }
0x79: {  	[tilespmem:s8], [sflag:$0x1] =	stream.strided.gather @!p0 [hbm4b:s6+s3], $0x2000, s4, s3, $0x38;
	[tilespmem:$0x1C500] =	vst v63  }
0x7a: {  	_ =	swait.ge [sflag:s26], $0x2000  }
0x7b: {  	(v2sf) =	vpush v8, $0x1;
	_ =	sdelay $0x9  }
0x7c: {  	v10 =	vbroadcast v9, $0x1;
	_ =	sdelay $0x1  }
0x7d: {  	v11 =	vshll.u32 v10, $0x3  }
0x7e: {  	v10 =	vand.u32 $0x7F, v10;
	v11 =	vand.u32 $0xFFFFFC00, v11  }
0x7f: {  	v10 =	vor.u32 v10, v11  }
0x80: {  	v11 =	vor.u32 v1, v10;
	s8 =	spop (v2sf)  }
0x81: {  	s6 =	sand.u32 $0x7F, s8  }
0x82: {  	v55 =	vor.u32 s6, v0  }
0x83: {  	[sflag:s26] =	ssyncset.done $0x0  }
0x84: {  	[sflag:s26] =	ssyncadd.s32 $0xFFFFE000;
	s8 =	sadd.s32 $0xFFFFFFFA, s7  }
0x85: {  	v11 =	vld.idx.msk [tilespmem:v11+s13+$0x0], $0xffff;
	v56 =	vmov s8  }
0x86: {  	v13 =	vand.u32 $0x79, v56  }
0x87: {  	v13 =	vbroadcast v13, $0x0;
	v12 =	vld.idx.msk [tilespmem:v55+s17+$0x0], $0xffff;
	_ =	sdelay $0x1  }
0x88: {  	v57 =	vor.u32 v0, v13  }
0x89: {  	v59 =	vadd.s32 v3, v10;
	v58 =	vshll.u32 v11, $0x10;
	v11 =	vand.u32 $0xFFFF0000, v11  }
0x8a: {  	v11 =	vsel vm0, v58, v11  }
0x8b: {  	v60 =	vor.u32 s6, v2;
	v11 =	vadd.f32 v11, v12;
	_ =	sdelay $0x1  }
0x8c: {  	[tilespmem:v57+s25+$0x0] =	vst.idx.msk $0xffff, v11  }
0x8d: {  	v11 =	vld.idx.msk [tilespmem:v59+s13+$0x0], $0xffff;
	_ =	sdelay $0x1  }
0x8e: {  	v12 =	vld.idx.msk [tilespmem:v60+s17+$0x0], $0xffff;
	_ =	sdelay $0x1  }
0x8f: {  	v61 =	vor.u32 v2, v13  }
0x90: {  	v63 =	vadd.s32 v5, v10;
	v62 =	vshll.u32 v11, $0x10;
	v11 =	vand.u32 $0xFFFF0000, v11  }
0x91: {  	v11 =	vsel vm0, v62, v11  }
0x92: {  	v19 =	vor.u32 s6, v4;
	v11 =	vadd.f32 v11, v12;
	_ =	sdelay $0x1  }
0x93: {  	[tilespmem:v61+s25+$0x0] =	vst.idx.msk $0xffff, v11  }
0x94: {  	v11 =	vld.idx.msk [tilespmem:v63+s13+$0x0], $0xffff;
	_ =	sdelay $0x1  }
0x95: {  	(v2sf) =	vpush @!p0 v8, $0x9;
	v12 =	vld.idx.msk [tilespmem:v19+s17+$0x0], $0xffff;
	_ =	sdelay $0x1  }
0x96: {  	v20 =	vor.u32 v4, v13  }
0x97: {  	v10 =	vadd.s32 v7, v10;
	v21 =	vshll.u32 v11, $0x10;
	v11 =	vand.u32 $0xFFFF0000, v11  }
0x98: {  	v11 =	vsel vm0, v21, v11  }
0x99: {  	v22 =	vor.u32 s6, v6;
	v11 =	vadd.f32 v11, v12;
	_ =	sdelay $0x1  }
0x9a: {  	[tilespmem:v20+s25+$0x0] =	vst.idx.msk $0xffff, v11  }
0x9b: {  	v10 =	vld.idx.msk [tilespmem:v10+s13+$0x0], $0xffff;
	_ =	sdelay $0x1  }
0x9c: {  	v11 =	vld.idx.msk [tilespmem:v22+s17+$0x0], $0xffff;
	_ =	sdelay $0x1  }
0x9d: {  	v23 =	vor.u32 v6, v13  }
0x9e: {  	v24 =	vshll.u32 v10, $0x10;
	v10 =	vand.u32 $0xFFFF0000, v10  }
0x9f: {  	v10 =	vsel vm0, v24, v10  }
0xa0: {  	s6 =	spop @!p0 (v2sf);
	v10 =	vadd.f32 v10, v11  }
0xa1: {  	s6 =	sand.u32 @!p0 $0xFFFFF80, s6  }
0xa2: {  	s8 =	simm.s32 @!p0 $0xE500;
	s6 =	sadd.s32 @!p0 s1, s6;
	[tilespmem:v23+s25+$0x0] =	vst.idx.msk $0xffff, v10  }
0xa3: {  	[tilespmem:s8], [sflag:$0x2] =	stream.strided.gather @!p0 [hbm4b:s6+s3], $0x2000, s4, s3, $0x38;
	[tilespmem:$0x1C500] =	vst v63  }
0xa4: {  	_ =	swait.ge [sflag:s28], $0x2000  }
0xa5: {  	(v2sf) =	vpush v8, $0x2;
	_ =	sdelay $0x9  }
0xa6: {  	v10 =	vbroadcast v9, $0x2;
	_ =	sdelay $0x1  }
0xa7: {  	v11 =	vshll.u32 v10, $0x3  }
0xa8: {  	v10 =	vand.u32 $0x7F, v10;
	v11 =	vand.u32 $0xFFFFFC00, v11  }
0xa9: {  	v10 =	vor.u32 v10, v11  }
0xaa: {  	v11 =	vor.u32 v1, v10;
	s8 =	spop (v2sf)  }
0xab: {  	s6 =	sand.u32 $0x7F, s8  }
0xac: {  	v25 =	vor.u32 s6, v0  }
0xad: {  	[sflag:s28] =	ssyncset.done $0x0  }
0xae: {  	[sflag:s28] =	ssyncadd.s32 $0xFFFFE000;
	s8 =	sadd.s32 $0xFFFFFFFB, s7  }
0xaf: {  	v11 =	vld.idx.msk [tilespmem:v11+s13+$0x0], $0xffff;
	v26 =	vmov s8  }
0xb0: {  	v13 =	vand.u32 $0x7A, v26  }
0xb1: {  	v13 =	vbroadcast v13, $0x0;
	v12 =	vld.idx.msk [tilespmem:v25+s18+$0x0], $0xffff;
	_ =	sdelay $0x1  }
0xb2: {  	v27 =	vor.u32 v0, v13  }
0xb3: {  	v29 =	vadd.s32 v3, v10;
	v28 =	vshll.u32 v11, $0x10;
	v11 =	vand.u32 $0xFFFF0000, v11  }
0xb4: {  	v11 =	vsel vm0, v28, v11  }
0xb5: {  	v30 =	vor.u32 s6, v2;
	v11 =	vadd.f32 v11, v12;
	_ =	sdelay $0x1  }
0xb6: {  	[tilespmem:v27+s25+$0x0] =	vst.idx.msk $0xffff, v11  }
0xb7: {  	v11 =	vld.idx.msk [tilespmem:v29+s13+$0x0], $0xffff;
	_ =	sdelay $0x1  }
0xb8: {  	v12 =	vld.idx.msk [tilespmem:v30+s18+$0x0], $0xffff;
	_ =	sdelay $0x1  }
0xb9: {  	v31 =	vor.u32 v2, v13  }
0xba: {  	v33 =	vadd.s32 v5, v10;
	v32 =	vshll.u32 v11, $0x10;
	v11 =	vand.u32 $0xFFFF0000, v11  }
0xbb: {  	v11 =	vsel vm0, v32, v11  }
0xbc: {  	v34 =	vor.u32 s6, v4;
	v11 =	vadd.f32 v11, v12;
	_ =	sdelay $0x1  }
0xbd: {  	[tilespmem:v31+s25+$0x0] =	vst.idx.msk $0xffff, v11  }
0xbe: {  	v11 =	vld.idx.msk [tilespmem:v33+s13+$0x0], $0xffff;
	_ =	sdelay $0x1  }
0xbf: {  	(v2sf) =	vpush @!p0 v8, $0xA;
	v12 =	vld.idx.msk [tilespmem:v34+s18+$0x0], $0xffff;
	_ =	sdelay $0x1  }
0xc0: {  	v35 =	vor.u32 v4, v13  }
0xc1: {  	v10 =	vadd.s32 v7, v10;
	v36 =	vshll.u32 v11, $0x10;
	v11 =	vand.u32 $0xFFFF0000, v11  }
0xc2: {  	v11 =	vsel vm0, v36, v11  }
0xc3: {  	v37 =	vor.u32 s6, v6;
	v11 =	vadd.f32 v11, v12;
	_ =	sdelay $0x1  }
0xc4: {  	[tilespmem:v35+s25+$0x0] =	vst.idx.msk $0xffff, v11  }
0xc5: {  	v10 =	vld.idx.msk [tilespmem:v10+s13+$0x0], $0xffff;
	_ =	sdelay $0x1  }
0xc6: {  	v11 =	vld.idx.msk [tilespmem:v37+s18+$0x0], $0xffff;
	_ =	sdelay $0x1  }
0xc7: {  	v38 =	vor.u32 v6, v13  }
0xc8: {  	v39 =	vshll.u32 v10, $0x10;
	v10 =	vand.u32 $0xFFFF0000, v10  }
0xc9: {  	v10 =	vsel vm0, v39, v10  }
0xca: {  	s6 =	spop @!p0 (v2sf);
	v10 =	vadd.f32 v10, v11  }
0xcb: {  	s6 =	sand.u32 @!p0 $0xFFFFF80, s6  }
0xcc: {  	s8 =	simm.s32 @!p0 $0x10500;
	s6 =	sadd.s32 @!p0 s1, s6;
	[tilespmem:v38+s25+$0x0] =	vst.idx.msk $0xffff, v10  }
0xcd: {  	[tilespmem:s8], [sflag:$0x3] =	stream.strided.gather @!p0 [hbm4b:s6+s3], $0x2000, s4, s3, $0x38;
	[tilespmem:$0x1C500] =	vst v63  }
0xce: {  	_ =	swait.ge [sflag:s29], $0x2000  }
0xcf: {  	(v2sf) =	vpush v8, $0x3;
	_ =	sdelay $0x9  }
0xd0: {  	v10 =	vbroadcast v9, $0x3;
	_ =	sdelay $0x1  }
0xd1: {  	v11 =	vshll.u32 v10, $0x3  }
0xd2: {  	v10 =	vand.u32 $0x7F, v10;
	v11 =	vand.u32 $0xFFFFFC00, v11  }
0xd3: {  	v10 =	vor.u32 v10, v11  }
0xd4: {  	v11 =	vor.u32 v1, v10;
	s8 =	spop (v2sf)  }
0xd5: {  	s6 =	sand.u32 $0x7F, s8  }
0xd6: {  	v40 =	vor.u32 s6, v0  }
0xd7: {  	[sflag:s29] =	ssyncset.done $0x0  }
0xd8: {  	[sflag:s29] =	ssyncadd.s32 $0xFFFFE000;
	s8 =	sadd.s32 $0xFFFFFFFC, s7  }
0xd9: {  	v11 =	vld.idx.msk [tilespmem:v11+s13+$0x0], $0xffff;
	v41 =	vmov s8  }
0xda: {  	v13 =	vand.u32 $0x7B, v41  }
0xdb: {  	v13 =	vbroadcast v13, $0x0;
	v12 =	vld.idx.msk [tilespmem:v40+s19+$0x0], $0xffff;
	_ =	sdelay $0x1  }
0xdc: {  	v42 =	vor.u32 v0, v13  }
0xdd: {  	v44 =	vadd.s32 v3, v10;
	v43 =	vshll.u32 v11, $0x10;
	v11 =	vand.u32 $0xFFFF0000, v11  }
0xde: {  	v11 =	vsel vm0, v43, v11  }
0xdf: {  	v45 =	vor.u32 s6, v2;
	v11 =	vadd.f32 v11, v12;
	_ =	sdelay $0x1  }
0xe0: {  	[tilespmem:v42+s25+$0x0] =	vst.idx.msk $0xffff, v11  }
0xe1: {  	v11 =	vld.idx.msk [tilespmem:v44+s13+$0x0], $0xffff;
	_ =	sdelay $0x1  }
0xe2: {  	v12 =	vld.idx.msk [tilespmem:v45+s19+$0x0], $0xffff;
	_ =	sdelay $0x1  }
0xe3: {  	v46 =	vor.u32 v2, v13  }
0xe4: {  	v48 =	vadd.s32 v5, v10;
	v47 =	vshll.u32 v11, $0x10;
	v11 =	vand.u32 $0xFFFF0000, v11  }
0xe5: {  	v11 =	vsel vm0, v47, v11  }
0xe6: {  	v49 =	vor.u32 s6, v4;
	v11 =	vadd.f32 v11, v12;
	_ =	sdelay $0x1  }
0xe7: {  	[tilespmem:v46+s25+$0x0] =	vst.idx.msk $0xffff, v11  }
0xe8: {  	v11 =	vld.idx.msk [tilespmem:v48+s13+$0x0], $0xffff;
	_ =	sdelay $0x1  }
0xe9: {  	(v2sf) =	vpush @!p0 v8, $0xB;
	v12 =	vld.idx.msk [tilespmem:v49+s19+$0x0], $0xffff;
	_ =	sdelay $0x1  }
0xea: {  	v50 =	vor.u32 v4, v13  }
0xeb: {  	v10 =	vadd.s32 v7, v10;
	v51 =	vshll.u32 v11, $0x10;
	v11 =	vand.u32 $0xFFFF0000, v11  }
0xec: {  	v11 =	vsel vm0, v51, v11  }
0xed: {  	v52 =	vor.u32 s6, v6;
	v11 =	vadd.f32 v11, v12;
	_ =	sdelay $0x1  }
0xee: {  	[tilespmem:v50+s25+$0x0] =	vst.idx.msk $0xffff, v11  }
0xef: {  	v10 =	vld.idx.msk [tilespmem:v10+s13+$0x0], $0xffff;
	_ =	sdelay $0x1  }
0xf0: {  	v11 =	vld.idx.msk [tilespmem:v52+s19+$0x0], $0xffff;
	_ =	sdelay $0x1  }
0xf1: {  	v53 =	vor.u32 v6, v13  }
0xf2: {  	v54 =	vshll.u32 v10, $0x10;
	v10 =	vand.u32 $0xFFFF0000, v10  }
0xf3: {  	v10 =	vsel vm0, v54, v10  }
0xf4: {  	s6 =	spop @!p0 (v2sf);
	v10 =	vadd.f32 v10, v11  }
0xf5: {  	s6 =	sand.u32 @!p0 $0xFFFFF80, s6  }
0xf6: {  	s8 =	simm.s32 @!p0 $0x12500;
	s6 =	sadd.s32 @!p0 s1, s6;
	[tilespmem:v53+s25+$0x0] =	vst.idx.msk $0xffff, v10  }
0xf7: {  	[tilespmem:s8], [sflag:$0x4] =	stream.strided.gather @!p0 [hbm4b:s6+s3], $0x2000, s4, s3, $0x38;
	[tilespmem:$0x1C500] =	vst v63  }
0xf8: {  	_ =	swait.ge [sflag:s30], $0x2000  }
0xf9: {  	(v2sf) =	vpush v8, $0x4;
	_ =	sdelay $0x9  }
0xfa: {  	v10 =	vbroadcast v9, $0x4;
	_ =	sdelay $0x1  }
0xfb: {  	v11 =	vshll.u32 v10, $0x3  }
0xfc: {  	v10 =	vand.u32 $0x7F, v10;
	v11 =	vand.u32 $0xFFFFFC00, v11  }
0xfd: {  	v10 =	vor.u32 v10, v11  }
0xfe: {  	v11 =	vor.u32 v1, v10;
	s8 =	spop (v2sf)  }
0xff: {  	s6 =	sand.u32 $0x7F, s8  }
0x100: {  	v55 =	vor.u32 s6, v0  }
0x101: {  	[sflag:s30] =	ssyncset.done $0x0  }
0x102: {  	[sflag:s30] =	ssyncadd.s32 $0xFFFFE000;
	s8 =	sadd.s32 $0xFFFFFFFD, s7  }
0x103: {  	v11 =	vld.idx.msk [tilespmem:v11+s13+$0x0], $0xffff;
	v56 =	vmov s8  }
0x104: {  	v13 =	vand.u32 $0x7C, v56  }
0x105: {  	v13 =	vbroadcast v13, $0x0;
	v12 =	vld.idx.msk [tilespmem:v55+s20+$0x0], $0xffff;
	_ =	sdelay $0x1  }
0x106: {  	v57 =	vor.u32 v0, v13  }
0x107: {  	v59 =	vadd.s32 v3, v10;
	v58 =	vshll.u32 v11, $0x10;
	v11 =	vand.u32 $0xFFFF0000, v11  }
0x108: {  	v11 =	vsel vm0, v58, v11  }
0x109: {  	v60 =	vor.u32 s6, v2;
	v11 =	vadd.f32 v11, v12;
	_ =	sdelay $0x1  }
0x10a: {  	[tilespmem:v57+s25+$0x0] =	vst.idx.msk $0xffff, v11  }
0x10b: {  	v11 =	vld.idx.msk [tilespmem:v59+s13+$0x0], $0xffff;
	_ =	sdelay $0x1  }
0x10c: {  	v12 =	vld.idx.msk [tilespmem:v60+s20+$0x0], $0xffff;
	_ =	sdelay $0x1  }
0x10d: {  	v61 =	vor.u32 v2, v13  }
0x10e: {  	v63 =	vadd.s32 v5, v10;
	v62 =	vshll.u32 v11, $0x10;
	v11 =	vand.u32 $0xFFFF0000, v11  }
0x10f: {  	v11 =	vsel vm0, v62, v11  }
0x110: {  	v18 =	vor.u32 s6, v4;
	v11 =	vadd.f32 v11, v12;
	_ =	sdelay $0x1  }
0x111: {  	[tilespmem:v61+s25+$0x0] =	vst.idx.msk $0xffff, v11  }
0x112: {  	v11 =	vld.idx.msk [tilespmem:v63+s13+$0x0], $0xffff;
	_ =	sdelay $0x1  }
0x113: {  	(v2sf) =	vpush @!p0 v8, $0xC;
	v12 =	vld.idx.msk [tilespmem:v18+s20+$0x0], $0xffff;
	_ =	sdelay $0x1  }
0x114: {  	v19 =	vor.u32 v4, v13  }
0x115: {  	v10 =	vadd.s32 v7, v10;
	v20 =	vshll.u32 v11, $0x10;
	v11 =	vand.u32 $0xFFFF0000, v11  }
0x116: {  	v11 =	vsel vm0, v20, v11  }
0x117: {  	v21 =	vor.u32 s6, v6;
	v11 =	vadd.f32 v11, v12;
	_ =	sdelay $0x1  }
0x118: {  	[tilespmem:v19+s25+$0x0] =	vst.idx.msk $0xffff, v11  }
0x119: {  	v10 =	vld.idx.msk [tilespmem:v10+s13+$0x0], $0xffff;
	_ =	sdelay $0x1  }
0x11a: {  	v11 =	vld.idx.msk [tilespmem:v21+s20+$0x0], $0xffff;
	_ =	sdelay $0x1  }
0x11b: {  	v22 =	vor.u32 v6, v13  }
0x11c: {  	v23 =	vshll.u32 v10, $0x10;
	v10 =	vand.u32 $0xFFFF0000, v10  }
0x11d: {  	v10 =	vsel vm0, v23, v10  }
0x11e: {  	s6 =	spop @!p0 (v2sf);
	v10 =	vadd.f32 v10, v11  }
0x11f: {  	s6 =	sand.u32 @!p0 $0xFFFFF80, s6  }
0x120: {  	s8 =	simm.s32 @!p0 $0x14500;
	s6 =	sadd.s32 @!p0 s1, s6;
	[tilespmem:v22+s25+$0x0] =	vst.idx.msk $0xffff, v10  }
0x121: {  	[tilespmem:s8], [sflag:$0x5] =	stream.strided.gather @!p0 [hbm4b:s6+s3], $0x2000, s4, s3, $0x38;
	[tilespmem:$0x1C500] =	vst v63  }
0x122: {  	_ =	swait.ge [sflag:s31], $0x2000  }
0x123: {  	(v2sf) =	vpush v8, $0x5;
	_ =	sdelay $0x9  }
0x124: {  	v10 =	vbroadcast v9, $0x5;
	_ =	sdelay $0x1  }
0x125: {  	v11 =	vshll.u32 v10, $0x3  }
0x126: {  	v10 =	vand.u32 $0x7F, v10;
	v11 =	vand.u32 $0xFFFFFC00, v11  }
0x127: {  	v10 =	vor.u32 v10, v11  }
0x128: {  	v11 =	vor.u32 v1, v10;
	s8 =	spop (v2sf)  }
0x129: {  	s6 =	sand.u32 $0x7F, s8  }
0x12a: {  	v24 =	vor.u32 s6, v0  }
0x12b: {  	[sflag:s31] =	ssyncset.done $0x0  }
0x12c: {  	[sflag:s31] =	ssyncadd.s32 $0xFFFFE000;
	s8 =	sadd.s32 $0xFFFFFFFE, s7  }
0x12d: {  	v11 =	vld.idx.msk [tilespmem:v11+s13+$0x0], $0xffff;
	v25 =	vmov s8  }
0x12e: {  	v13 =	vand.u32 $0x7D, v25  }
0x12f: {  	v13 =	vbroadcast v13, $0x0;
	v12 =	vld.idx.msk [tilespmem:v24+s21+$0x0], $0xffff;
	_ =	sdelay $0x1  }
0x130: {  	v26 =	vor.u32 v0, v13  }
0x131: {  	v28 =	vadd.s32 v3, v10;
	v27 =	vshll.u32 v11, $0x10;
	v11 =	vand.u32 $0xFFFF0000, v11  }
0x132: {  	v11 =	vsel vm0, v27, v11  }
0x133: {  	v29 =	vor.u32 s6, v2;
	v11 =	vadd.f32 v11, v12;
	_ =	sdelay $0x1  }
0x134: {  	[tilespmem:v26+s25+$0x0] =	vst.idx.msk $0xffff, v11  }
0x135: {  	v11 =	vld.idx.msk [tilespmem:v28+s13+$0x0], $0xffff;
	_ =	sdelay $0x1  }
0x136: {  	v12 =	vld.idx.msk [tilespmem:v29+s21+$0x0], $0xffff;
	_ =	sdelay $0x1  }
0x137: {  	v30 =	vor.u32 v2, v13  }
0x138: {  	v32 =	vadd.s32 v5, v10;
	v31 =	vshll.u32 v11, $0x10;
	v11 =	vand.u32 $0xFFFF0000, v11  }
0x139: {  	v11 =	vsel vm0, v31, v11  }
0x13a: {  	v33 =	vor.u32 s6, v4;
	v11 =	vadd.f32 v11, v12;
	_ =	sdelay $0x1  }
0x13b: {  	[tilespmem:v30+s25+$0x0] =	vst.idx.msk $0xffff, v11  }
0x13c: {  	v11 =	vld.idx.msk [tilespmem:v32+s13+$0x0], $0xffff;
	_ =	sdelay $0x1  }
0x13d: {  	(v2sf) =	vpush @!p0 v8, $0xD;
	v12 =	vld.idx.msk [tilespmem:v33+s21+$0x0], $0xffff;
	_ =	sdelay $0x1  }
0x13e: {  	v34 =	vor.u32 v4, v13  }
0x13f: {  	v10 =	vadd.s32 v7, v10;
	v35 =	vshll.u32 v11, $0x10;
	v11 =	vand.u32 $0xFFFF0000, v11  }
0x140: {  	v11 =	vsel vm0, v35, v11  }
0x141: {  	v36 =	vor.u32 s6, v6;
	v11 =	vadd.f32 v11, v12;
	_ =	sdelay $0x1  }
0x142: {  	[tilespmem:v34+s25+$0x0] =	vst.idx.msk $0xffff, v11  }
0x143: {  	v10 =	vld.idx.msk [tilespmem:v10+s13+$0x0], $0xffff;
	_ =	sdelay $0x1  }
0x144: {  	v11 =	vld.idx.msk [tilespmem:v36+s21+$0x0], $0xffff;
	_ =	sdelay $0x1  }
0x145: {  	v37 =	vor.u32 v6, v13  }
0x146: {  	v38 =	vshll.u32 v10, $0x10;
	v10 =	vand.u32 $0xFFFF0000, v10  }
0x147: {  	v10 =	vsel vm0, v38, v10  }
0x148: {  	s6 =	spop @!p0 (v2sf);
	v10 =	vadd.f32 v10, v11  }
0x149: {  	s6 =	sand.u32 @!p0 $0xFFFFF80, s6  }
0x14a: {  	s8 =	simm.s32 @!p0 $0x16500;
	s6 =	sadd.s32 @!p0 s1, s6;
	[tilespmem:v37+s25+$0x0] =	vst.idx.msk $0xffff, v10  }
0x14b: {  	[tilespmem:s8], [sflag:$0x6] =	stream.strided.gather @!p0 [hbm4b:s6+s3], $0x2000, s4, s3, $0x38;
	[tilespmem:$0x1C500] =	vst v63  }
0x14c: {  	_ =	swait.ge [sflag:s0], $0x2000  }
0x14d: {  	(v2sf) =	vpush v8, $0x6;
	_ =	sdelay $0x9  }
0x14e: {  	v10 =	vbroadcast v9, $0x6;
	_ =	sdelay $0x1  }
0x14f: {  	v11 =	vshll.u32 v10, $0x3  }
0x150: {  	v10 =	vand.u32 $0x7F, v10;
	v11 =	vand.u32 $0xFFFFFC00, v11  }
0x151: {  	v10 =	vor.u32 v10, v11  }
0x152: {  	v11 =	vor.u32 v1, v10;
	s8 =	spop (v2sf)  }
0x153: {  	s6 =	sand.u32 $0x7F, s8  }
0x154: {  	v39 =	vor.u32 s6, v0  }
0x155: {  	[sflag:s0] =	ssyncset.done $0x0  }
0x156: {  	[sflag:s0] =	ssyncadd.s32 $0xFFFFE000;
	s8 =	sadd.s32 $0xFFFFFFFF, s7  }
0x157: {  	v11 =	vld.idx.msk [tilespmem:v11+s13+$0x0], $0xffff;
	v40 =	vmov s8  }
0x158: {  	v13 =	vand.u32 $0x7E, v40  }
0x159: {  	v13 =	vbroadcast v13, $0x0;
	v12 =	vld.idx.msk [tilespmem:v39+s22+$0x0], $0xffff;
	_ =	sdelay $0x1  }
0x15a: {  	v41 =	vor.u32 v0, v13  }
0x15b: {  	v43 =	vadd.s32 v3, v10;
	v42 =	vshll.u32 v11, $0x10;
	v11 =	vand.u32 $0xFFFF0000, v11  }
0x15c: {  	v11 =	vsel vm0, v42, v11  }
0x15d: {  	v44 =	vor.u32 s6, v2;
	v11 =	vadd.f32 v11, v12;
	_ =	sdelay $0x1  }
0x15e: {  	[tilespmem:v41+s25+$0x0] =	vst.idx.msk $0xffff, v11  }
0x15f: {  	v11 =	vld.idx.msk [tilespmem:v43+s13+$0x0], $0xffff;
	_ =	sdelay $0x1  }
0x160: {  	v12 =	vld.idx.msk [tilespmem:v44+s22+$0x0], $0xffff;
	_ =	sdelay $0x1  }
0x161: {  	v45 =	vor.u32 v2, v13  }
0x162: {  	v47 =	vadd.s32 v5, v10;
	v46 =	vshll.u32 v11, $0x10;
	v11 =	vand.u32 $0xFFFF0000, v11  }
0x163: {  	v11 =	vsel vm0, v46, v11  }
0x164: {  	v48 =	vor.u32 s6, v4;
	v11 =	vadd.f32 v11, v12;
	_ =	sdelay $0x1  }
0x165: {  	[tilespmem:v45+s25+$0x0] =	vst.idx.msk $0xffff, v11  }
0x166: {  	v11 =	vld.idx.msk [tilespmem:v47+s13+$0x0], $0xffff;
	_ =	sdelay $0x1  }
0x167: {  	(v2sf) =	vpush @!p0 v8, $0xE;
	v12 =	vld.idx.msk [tilespmem:v48+s22+$0x0], $0xffff;
	_ =	sdelay $0x1  }
0x168: {  	v49 =	vor.u32 v4, v13  }
0x169: {  	v10 =	vadd.s32 v7, v10;
	v50 =	vshll.u32 v11, $0x10;
	v11 =	vand.u32 $0xFFFF0000, v11  }
0x16a: {  	v11 =	vsel vm0, v50, v11  }
0x16b: {  	v51 =	vor.u32 s6, v6;
	v11 =	vadd.f32 v11, v12;
	_ =	sdelay $0x1  }
0x16c: {  	[tilespmem:v49+s25+$0x0] =	vst.idx.msk $0xffff, v11  }
0x16d: {  	v10 =	vld.idx.msk [tilespmem:v10+s13+$0x0], $0xffff;
	_ =	sdelay $0x1  }
0x16e: {  	v11 =	vld.idx.msk [tilespmem:v51+s22+$0x0], $0xffff;
	_ =	sdelay $0x1  }
0x16f: {  	v52 =	vor.u32 v6, v13  }
0x170: {  	v53 =	vshll.u32 v10, $0x10;
	v10 =	vand.u32 $0xFFFF0000, v10  }
0x171: {  	v10 =	vsel vm0, v53, v10  }
0x172: {  	s6 =	spop @!p0 (v2sf);
	v10 =	vadd.f32 v10, v11  }
0x173: {  	s6 =	sand.u32 @!p0 $0xFFFFF80, s6  }
0x174: {  	s8 =	simm.s32 @!p0 $0x18500;
	s6 =	sadd.s32 @!p0 s1, s6;
	[tilespmem:v52+s25+$0x0] =	vst.idx.msk $0xffff, v10  }
0x175: {  	[tilespmem:s8], [sflag:$0x7] =	stream.strided.gather @!p0 [hbm4b:s6+s3], $0x2000, s4, s3, $0x38;
	[tilespmem:$0x1C500] =	vst v63  }
0x176: {  	_ =	swait.ge [sflag:s2], $0x2000  }
0x177: {  	(v2sf) =	vpush v8, $0x7;
	_ =	sdelay $0x9  }
0x178: {  	v9 =	vbroadcast v9, $0x7;
	_ =	sdelay $0x1  }
0x179: {  	v10 =	vshll.u32 v9, $0x3  }
0x17a: {  	v9 =	vand.u32 $0x7F, v9;
	v10 =	vand.u32 $0xFFFFFC00, v10  }
0x17b: {  	v9 =	vor.u32 v9, v10  }
0x17c: {  	v10 =	vor.u32 v1, v9;
	s8 =	spop (v2sf)  }
0x17d: {  	s3 =	sand.u32 $0x7F, s8  }
0x17e: {  	v11 =	vor.u32 s3, v0  }
0x17f: {  	[sflag:s2] =	ssyncset.done $0x0  }
0x180: {  	[sflag:s2] =	ssyncadd.s32 $0xFFFFE000  }
0x181: {  	v54 =	vmov s7;
	v10 =	vld.idx.msk [tilespmem:v10+s13+$0x0], $0xffff  }
0x182: {  	v12 =	vand.u32 $0x7F, v54  }
0x183: {  	v12 =	vbroadcast v12, $0x0;
	v11 =	vld.idx.msk [tilespmem:v11+s23+$0x0], $0xffff;
	_ =	sdelay $0x1  }
0x184: {  	v55 =	vor.u32 v0, v12  }
0x185: {  	v57 =	vadd.s32 v3, v9;
	v56 =	vshll.u32 v10, $0x10;
	v10 =	vand.u32 $0xFFFF0000, v10  }
0x186: {  	v10 =	vsel vm0, v56, v10  }
0x187: {  	v10 =	vadd.f32 v10, v11;
	v11 =	vor.u32 s3, v2;
	_ =	sdelay $0x1  }
0x188: {  	[tilespmem:v55+s25+$0x0] =	vst.idx.msk $0xffff, v10  }
0x189: {  	v10 =	vld.idx.msk [tilespmem:v57+s13+$0x0], $0xffff;
	_ =	sdelay $0x1  }
0x18a: {  	v11 =	vld.idx.msk [tilespmem:v11+s23+$0x0], $0xffff;
	_ =	sdelay $0x1  }
0x18b: {  	v58 =	vor.u32 v2, v12  }
0x18c: {  	v60 =	vadd.s32 v5, v9;
	v59 =	vshll.u32 v10, $0x10;
	v10 =	vand.u32 $0xFFFF0000, v10  }
0x18d: {  	v10 =	vsel vm0, v59, v10  }
0x18e: {  	v10 =	vadd.f32 v10, v11;
	v11 =	vor.u32 s3, v4;
	_ =	sdelay $0x1  }
0x18f: {  	[tilespmem:v58+s25+$0x0] =	vst.idx.msk $0xffff, v10  }
0x190: {  	v10 =	vld.idx.msk [tilespmem:v60+s13+$0x0], $0xffff;
	_ =	sdelay $0x1  }
0x191: {  	v11 =	vld.idx.msk [tilespmem:v11+s23+$0x0], $0xffff;
	_ =	sdelay $0x1  }
0x192: {  	v61 =	vor.u32 v4, v12  }
0x193: {  	v9 =	vadd.s32 v7, v9;
	v62 =	vshll.u32 v10, $0x10;
	v10 =	vand.u32 $0xFFFF0000, v10  }
0x194: {  	v10 =	vsel vm0, v62, v10  }
0x195: {  	v10 =	vadd.f32 v10, v11;
	v11 =	vor.u32 s3, v6;
	_ =	sdelay $0x1  }
0x196: {  	[tilespmem:v61+s25+$0x0] =	vst.idx.msk $0xffff, v10  }
0x197: {  	v9 =	vld.idx.msk [tilespmem:v9+s13+$0x0], $0xffff;
	_ =	sdelay $0x1  }
0x198: {  	v10 =	vld.idx.msk [tilespmem:v11+s23+$0x0], $0xffff;
	_ =	sdelay $0x1  }
0x199: {  	v11 =	vor.u32 v6, v12  }
.Ltmp2:
0x19a: {  	v63 =	vshll.u32 v9, $0x10;
	v9 =	vand.u32 $0xFFFF0000, v9;
	(pc) =	sbr.rel @p0 .LBB2_4-.Ltmp2, $3  }
0x19b: {  	v9 =	vsel vm0, v63, v9  }
0x19c: {  	v9 =	vadd.f32 v9, v10;
	_ =	sdelay $0x1  }
0x19d: {  	[tilespmem:v11+s25+$0x0] =	vst.idx.msk $0xffff, v9  }
0x19e: {  	(v2sf) =	vpush v8, $0xF;
	_ =	sdelay $0xd  }
.Ltmp3:
0x19f: {  	_ = 	snop;
	(pc) =	sbr.rel .LBB2_2-.Ltmp3, $4  }
0x1a0: {  	s3 =	spop (v2sf)  }
0x1a1: {  	s7 =	sadd.s32 $0x8, s7;
	s3 =	sand.u32 $0xFFFFF80, s3  }
0x1a2: {  	s11 =	sadd.s32 $0x8, s11;
	s10 =	sadd.s32 $0x8, s10;
	s3 =	sadd.s32 s1, s3  }
0x1a3: {  	[tilespmem:s23], [sflag:$0x8] =	stream.strided.gather [hbm4b:s3+s14], $0x2000, s15, s14, $0x38;
	[tilespmem:$0x1C500] =	vst v63  }
.LBB2_4:
0x1a4: {  	s3 =	rddreg [dreg:$0x9];
	s4 =	simm.s32 $0x20000  }
0x1a5: {  	[hbm4b:s3+s14] =	stream.strided.scatter [tilespmem:s25], [sflag:$0x9], $0x2000, s4, s14, $0x38;
	[tilespmem:$0x1C500] =	vst v63  }
0x1a6: {  	v8 =	vld [tilespmem:$0x80];
	_ =	sdelay $0x4  }
0x1a7: {  	(v2sf) =	vpush v8, $0x0  }
0x1a8: {  	(v2sf) =	vpush v8, $0x1;
	_ =	sdelay $0x1  }
0x1a9: {  	(v2sf) =	vpush v8, $0x2;
	_ =	sdelay $0x4  }
0x1aa: {  	(v2sf) =	vpush v8, $0x3  }
0x1ab: {  	(v2sf) =	vpush v8, $0x4;
	_ =	sdelay $0x5  }
0x1ac: {  	s4 =	spop (v2sf);
	(v2sf) =	vpush v8, $0x5  }
0x1ad: {  	s6 =	spop (v2sf);
	(v2sf) =	vpush v8, $0x6  }
0x1ae: {  	s3 =	sand.u32 $0xFFFFF80, s4  }
0x1af: {  	s3 =	sadd.s32 s1, s3;
	s7 =	spop (v2sf)  }
0x1b0: {  	(v2sf) =	vpush v8, $0x7;
	[tilespmem:s16], [sflag:$0x1] =	stream.strided.gather [hbm4b:s3+s14], $0x2000, s15, s14, $0x38;
	[tilespmem:$0x1C500] =	vst v63  }
0x1b1: {  	s3 =	sand.u32 $0xFFFFF80, s6  }
0x1b2: {  	s3 =	sadd.s32 s1, s3  }
0x1b3: {  	[tilespmem:s17], [sflag:$0x2] =	stream.strided.gather [hbm4b:s3+s14], $0x2000, s15, s14, $0x38;
	[tilespmem:$0x1C500] =	vst v63  }
0x1b4: {  	s8 =	spop (v2sf);
	s3 =	sand.u32 $0xFFFFF80, s7  }
0x1b5: {  	s10 =	sand.u32 $0xFFFFF80, s8;
	s11 =	spop (v2sf);
	s3 =	sadd.s32 s1, s3  }
0x1b6: {  	[tilespmem:s18], [sflag:$0x3] =	stream.strided.gather [hbm4b:s3+s14], $0x2000, s15, s14, $0x38;
	[tilespmem:$0x1C500] =	vst v63  }
0x1b7: {  	s4 =	sand.u32 $0xFFFFF80, s11;
	s3 =	sadd.s32 s1, s10  }
0x1b8: {  	[tilespmem:s19], [sflag:$0x4] =	stream.strided.gather [hbm4b:s3+s14], $0x2000, s15, s14, $0x38;
	[tilespmem:$0x1C500] =	vst v63  }
0x1b9: {  	s3 =	sadd.s32 s1, s4  }
0x1ba: {  	[tilespmem:s20], [sflag:$0x5] =	stream.strided.gather [hbm4b:s3+s14], $0x2000, s15, s14, $0x38;
	[tilespmem:$0x1C500] =	vst v63  }
0x1bb: {  	s6 =	spop (v2sf)  }
0x1bc: {  	s7 =	sand.u32 $0xFFFFF80, s6;
	s8 =	spop (v2sf)  }
0x1bd: {  	s3 =	sadd.s32 s1, s7;
	s10 =	sand.u32 $0xFFFFF80, s8  }
0x1be: {  	[tilespmem:s21], [sflag:$0x6] =	stream.strided.gather [hbm4b:s3+s14], $0x2000, s15, s14, $0x38;
	[tilespmem:$0x1C500] =	vst v63  }
0x1bf: {  	s11 =	spop (v2sf);
	s3 =	sadd.s32 s1, s10  }
0x1c0: {  	[tilespmem:s22], [sflag:$0x7] =	stream.strided.gather [hbm4b:s3+s14], $0x2000, s15, s14, $0x38;
	[tilespmem:$0x1C500] =	vst v63  }
0x1c1: {  	s7 =	simm.s32 $0x300;
	s3 =	sand.u32 $0xFFFFF80, s11  }
0x1c2: {  	s10 =	simm.s32 $0x7;
	s11 =	simm.s32 $0x80;
	s3 =	sadd.s32 s1, s3  }
0x1c3: {  	[tilespmem:s23], [sflag:$0x8] =	stream.strided.gather [hbm4b:s3+s14], $0x2000, s15, s14, $0x38;
	[tilespmem:$0x1C500] =	vst v63  }
.LBB2_5:
0x1c4: {  	v8 =	vld [tilespmem:s11+$0x0];
	_ =	sdelay $0x3  }
0x1c5: {  	v9 =	vld [tilespmem:s7+$0x0];
	_ =	swait.ge [sflag:s24], $0x2000  }
0x1c6: {  	(v2sf) =	vpush v8, $0x0;
	_ =	sdelay $0x9  }
0x1c7: {  	v10 =	vbroadcast v9, $0x0;
	_ =	sdelay $0x1  }
0x1c8: {  	v11 =	vshll.u32 v10, $0x3  }
0x1c9: {  	v10 =	vand.u32 $0x7F, v10;
	v11 =	vand.u32 $0xFFFFFC00, v11  }
0x1ca: {  	v10 =	vor.u32 v10, v11  }
0x1cb: {  	v11 =	vor.u32 v1, v10;
	s3 =	spop (v2sf)  }
0x1cc: {  	s3 =	sand.u32 $0x7F, s3  }
0x1cd: {  	v12 =	vor.u32 s3, v0  }
0x1ce: {  	[sflag:s24] =	ssyncset.done $0x0  }
0x1cf: {  	s4 =	sadd.s32 $0xFFFFFFF9, s10;
	[sflag:s24] =	ssyncadd.s32 $0xFFFFE000  }
0x1d0: {  	v13 =	vmov s4;
	v11 =	vld.idx.msk [tilespmem:v11+s13+$0x0], $0xffff  }
0x1d1: {  	v13 =	vand.u32 $0x78, v13  }
0x1d2: {  	v13 =	vbroadcast v13, $0x0;
	v12 =	vld.idx.msk [tilespmem:v12+s16+$0x0], $0xffff;
	_ =	sdelay $0x1  }
0x1d3: {  	v14 =	vor.u32 v0, v13  }
0x1d4: {  	v16 =	vadd.s32 v3, v10;
	v15 =	vshll.u32 v11, $0x10;
	v11 =	vand.u32 $0xFFFF0000, v11  }
0x1d5: {  	v11 =	vsel vm0, v15, v11  }
0x1d6: {  	v45 =	vor.u32 s3, v2;
	v11 =	vadd.f32 v11, v12;
	_ =	sdelay $0x1  }
0x1d7: {  	[tilespmem:v14+s5+$0x0] =	vst.idx.msk $0xffff, v11  }
0x1d8: {  	v11 =	vld.idx.msk [tilespmem:v16+s13+$0x0], $0xffff;
	_ =	sdelay $0x1  }
0x1d9: {  	v12 =	vld.idx.msk [tilespmem:v45+s16+$0x0], $0xffff;
	_ =	sdelay $0x1  }
0x1da: {  	v46 =	vor.u32 v2, v13  }
0x1db: {  	v48 =	vadd.s32 v5, v10;
	v47 =	vshll.u32 v11, $0x10;
	v11 =	vand.u32 $0xFFFF0000, v11  }
0x1dc: {  	v11 =	vsel vm0, v47, v11  }
0x1dd: {  	v49 =	vor.u32 s3, v4;
	v11 =	vadd.f32 v11, v12;
	_ =	sdelay $0x1  }
0x1de: {  	[tilespmem:v46+s5+$0x0] =	vst.idx.msk $0xffff, v11  }
0x1df: {  	v11 =	vld.idx.msk [tilespmem:v48+s13+$0x0], $0xffff  }
0x1e0: {  	p0 =	seq.s32 s10, $0x7F  }
0x1e1: {  	(v2sf) =	vpush @!p0 v8, $0x8;
	v12 =	vld.idx.msk [tilespmem:v49+s16+$0x0], $0xffff;
	_ =	sdelay $0x1  }
0x1e2: {  	v50 =	vor.u32 v4, v13  }
0x1e3: {  	v10 =	vadd.s32 v7, v10;
	v51 =	vshll.u32 v11, $0x10;
	v11 =	vand.u32 $0xFFFF0000, v11  }
0x1e4: {  	v11 =	vsel vm0, v51, v11  }
0x1e5: {  	v52 =	vor.u32 s3, v6;
	v11 =	vadd.f32 v11, v12;
	_ =	sdelay $0x1  }
0x1e6: {  	[tilespmem:v50+s5+$0x0] =	vst.idx.msk $0xffff, v11  }
0x1e7: {  	v10 =	vld.idx.msk [tilespmem:v10+s13+$0x0], $0xffff;
	_ =	sdelay $0x1  }
0x1e8: {  	v11 =	vld.idx.msk [tilespmem:v52+s16+$0x0], $0xffff;
	_ =	sdelay $0x1  }
0x1e9: {  	v53 =	vor.u32 v6, v13  }
0x1ea: {  	v54 =	vshll.u32 v10, $0x10;
	v10 =	vand.u32 $0xFFFF0000, v10  }
0x1eb: {  	v10 =	vsel vm0, v54, v10  }
0x1ec: {  	s3 =	spop @!p0 (v2sf);
	v10 =	vadd.f32 v10, v11  }
0x1ed: {  	s4 =	simm.s32 @!p0 $0x7A1400;
	s3 =	sand.u32 @!p0 $0xFFFFF80, s3  }
0x1ee: {  	s8 =	simm.s32 @!p0 $0xC500;
	s6 =	sadd.s32 @!p0 s1, s3;
	s3 =	simm.s32 @!p0 $0x400;
	[tilespmem:v53+s5+$0x0] =	vst.idx.msk $0xffff, v10  }
0x1ef: {  	[tilespmem:s8], [sflag:$0x1] =	stream.strided.gather @!p0 [hbm4b:s6+s3], $0x2000, s4, s3, $0x38;
	[tilespmem:$0x1C500] =	vst v63  }
0x1f0: {  	_ =	swait.ge [sflag:s26], $0x2000  }
0x1f1: {  	(v2sf) =	vpush v8, $0x1;
	_ =	sdelay $0x9  }
0x1f2: {  	v10 =	vbroadcast v9, $0x1;
	_ =	sdelay $0x1  }
0x1f3: {  	v11 =	vshll.u32 v10, $0x3  }
0x1f4: {  	v10 =	vand.u32 $0x7F, v10;
	v11 =	vand.u32 $0xFFFFFC00, v11  }
0x1f5: {  	v10 =	vor.u32 v10, v11  }
0x1f6: {  	v11 =	vor.u32 v1, v10;
	s8 =	spop (v2sf)  }
0x1f7: {  	s6 =	sand.u32 $0x7F, s8  }
0x1f8: {  	v55 =	vor.u32 s6, v0  }
0x1f9: {  	[sflag:s26] =	ssyncset.done $0x0  }
0x1fa: {  	[sflag:s26] =	ssyncadd.s32 $0xFFFFE000;
	s8 =	sadd.s32 $0xFFFFFFFA, s10  }
0x1fb: {  	v11 =	vld.idx.msk [tilespmem:v11+s13+$0x0], $0xffff;
	v56 =	vmov s8  }
0x1fc: {  	v13 =	vand.u32 $0x79, v56  }
0x1fd: {  	v13 =	vbroadcast v13, $0x0;
	v12 =	vld.idx.msk [tilespmem:v55+s17+$0x0], $0xffff;
	_ =	sdelay $0x1  }
0x1fe: {  	v57 =	vor.u32 v0, v13  }
0x1ff: {  	v59 =	vadd.s32 v3, v10;
	v58 =	vshll.u32 v11, $0x10;
	v11 =	vand.u32 $0xFFFF0000, v11  }
0x200: {  	v11 =	vsel vm0, v58, v11  }
0x201: {  	v60 =	vor.u32 s6, v2;
	v11 =	vadd.f32 v11, v12;
	_ =	sdelay $0x1  }
0x202: {  	[tilespmem:v57+s5+$0x0] =	vst.idx.msk $0xffff, v11  }
0x203: {  	v11 =	vld.idx.msk [tilespmem:v59+s13+$0x0], $0xffff;
	_ =	sdelay $0x1  }
0x204: {  	v12 =	vld.idx.msk [tilespmem:v60+s17+$0x0], $0xffff;
	_ =	sdelay $0x1  }
0x205: {  	v61 =	vor.u32 v2, v13  }
0x206: {  	v63 =	vadd.s32 v5, v10;
	v62 =	vshll.u32 v11, $0x10;
	v11 =	vand.u32 $0xFFFF0000, v11  }
0x207: {  	v11 =	vsel vm0, v62, v11  }
0x208: {  	v19 =	vor.u32 s6, v4;
	v11 =	vadd.f32 v11, v12;
	_ =	sdelay $0x1  }
0x209: {  	[tilespmem:v61+s5+$0x0] =	vst.idx.msk $0xffff, v11  }
0x20a: {  	v11 =	vld.idx.msk [tilespmem:v63+s13+$0x0], $0xffff;
	_ =	sdelay $0x1  }
0x20b: {  	(v2sf) =	vpush @!p0 v8, $0x9;
	v12 =	vld.idx.msk [tilespmem:v19+s17+$0x0], $0xffff;
	_ =	sdelay $0x1  }
0x20c: {  	v20 =	vor.u32 v4, v13  }
0x20d: {  	v10 =	vadd.s32 v7, v10;
	v21 =	vshll.u32 v11, $0x10;
	v11 =	vand.u32 $0xFFFF0000, v11  }
0x20e: {  	v11 =	vsel vm0, v21, v11  }
0x20f: {  	v22 =	vor.u32 s6, v6;
	v11 =	vadd.f32 v11, v12;
	_ =	sdelay $0x1  }
0x210: {  	[tilespmem:v20+s5+$0x0] =	vst.idx.msk $0xffff, v11  }
0x211: {  	v10 =	vld.idx.msk [tilespmem:v10+s13+$0x0], $0xffff;
	_ =	sdelay $0x1  }
0x212: {  	v11 =	vld.idx.msk [tilespmem:v22+s17+$0x0], $0xffff;
	_ =	sdelay $0x1  }
0x213: {  	v23 =	vor.u32 v6, v13  }
0x214: {  	v24 =	vshll.u32 v10, $0x10;
	v10 =	vand.u32 $0xFFFF0000, v10  }
0x215: {  	v10 =	vsel vm0, v24, v10  }
0x216: {  	s6 =	spop @!p0 (v2sf);
	v10 =	vadd.f32 v10, v11  }
0x217: {  	s6 =	sand.u32 @!p0 $0xFFFFF80, s6  }
0x218: {  	s8 =	simm.s32 @!p0 $0xE500;
	s6 =	sadd.s32 @!p0 s1, s6;
	[tilespmem:v23+s5+$0x0] =	vst.idx.msk $0xffff, v10  }
0x219: {  	[tilespmem:s8], [sflag:$0x2] =	stream.strided.gather @!p0 [hbm4b:s6+s3], $0x2000, s4, s3, $0x38;
	[tilespmem:$0x1C500] =	vst v63  }
0x21a: {  	_ =	swait.ge [sflag:s28], $0x2000  }
0x21b: {  	(v2sf) =	vpush v8, $0x2;
	_ =	sdelay $0x9  }
0x21c: {  	v10 =	vbroadcast v9, $0x2;
	_ =	sdelay $0x1  }
0x21d: {  	v11 =	vshll.u32 v10, $0x3  }
0x21e: {  	v10 =	vand.u32 $0x7F, v10;
	v11 =	vand.u32 $0xFFFFFC00, v11  }
0x21f: {  	v10 =	vor.u32 v10, v11  }
0x220: {  	v11 =	vor.u32 v1, v10;
	s8 =	spop (v2sf)  }
0x221: {  	s6 =	sand.u32 $0x7F, s8  }
0x222: {  	v25 =	vor.u32 s6, v0  }
0x223: {  	[sflag:s28] =	ssyncset.done $0x0  }
0x224: {  	[sflag:s28] =	ssyncadd.s32 $0xFFFFE000;
	s8 =	sadd.s32 $0xFFFFFFFB, s10  }
0x225: {  	v11 =	vld.idx.msk [tilespmem:v11+s13+$0x0], $0xffff;
	v26 =	vmov s8  }
0x226: {  	v13 =	vand.u32 $0x7A, v26  }
0x227: {  	v13 =	vbroadcast v13, $0x0;
	v12 =	vld.idx.msk [tilespmem:v25+s18+$0x0], $0xffff;
	_ =	sdelay $0x1  }
0x228: {  	v27 =	vor.u32 v0, v13  }
0x229: {  	v29 =	vadd.s32 v3, v10;
	v28 =	vshll.u32 v11, $0x10;
	v11 =	vand.u32 $0xFFFF0000, v11  }
0x22a: {  	v11 =	vsel vm0, v28, v11  }
0x22b: {  	v30 =	vor.u32 s6, v2;
	v11 =	vadd.f32 v11, v12;
	_ =	sdelay $0x1  }
0x22c: {  	[tilespmem:v27+s5+$0x0] =	vst.idx.msk $0xffff, v11  }
0x22d: {  	v11 =	vld.idx.msk [tilespmem:v29+s13+$0x0], $0xffff;
	_ =	sdelay $0x1  }
0x22e: {  	v12 =	vld.idx.msk [tilespmem:v30+s18+$0x0], $0xffff;
	_ =	sdelay $0x1  }
0x22f: {  	v31 =	vor.u32 v2, v13  }
0x230: {  	v33 =	vadd.s32 v5, v10;
	v32 =	vshll.u32 v11, $0x10;
	v11 =	vand.u32 $0xFFFF0000, v11  }
0x231: {  	v11 =	vsel vm0, v32, v11  }
0x232: {  	v34 =	vor.u32 s6, v4;
	v11 =	vadd.f32 v11, v12;
	_ =	sdelay $0x1  }
0x233: {  	[tilespmem:v31+s5+$0x0] =	vst.idx.msk $0xffff, v11  }
0x234: {  	v11 =	vld.idx.msk [tilespmem:v33+s13+$0x0], $0xffff;
	_ =	sdelay $0x1  }
0x235: {  	(v2sf) =	vpush @!p0 v8, $0xA;
	v12 =	vld.idx.msk [tilespmem:v34+s18+$0x0], $0xffff;
	_ =	sdelay $0x1  }
0x236: {  	v35 =	vor.u32 v4, v13  }
0x237: {  	v10 =	vadd.s32 v7, v10;
	v36 =	vshll.u32 v11, $0x10;
	v11 =	vand.u32 $0xFFFF0000, v11  }
0x238: {  	v11 =	vsel vm0, v36, v11  }
0x239: {  	v37 =	vor.u32 s6, v6;
	v11 =	vadd.f32 v11, v12;
	_ =	sdelay $0x1  }
0x23a: {  	[tilespmem:v35+s5+$0x0] =	vst.idx.msk $0xffff, v11  }
0x23b: {  	v10 =	vld.idx.msk [tilespmem:v10+s13+$0x0], $0xffff;
	_ =	sdelay $0x1  }
0x23c: {  	v11 =	vld.idx.msk [tilespmem:v37+s18+$0x0], $0xffff;
	_ =	sdelay $0x1  }
0x23d: {  	v38 =	vor.u32 v6, v13  }
0x23e: {  	v39 =	vshll.u32 v10, $0x10;
	v10 =	vand.u32 $0xFFFF0000, v10  }
0x23f: {  	v10 =	vsel vm0, v39, v10  }
0x240: {  	s6 =	spop @!p0 (v2sf);
	v10 =	vadd.f32 v10, v11  }
0x241: {  	s6 =	sand.u32 @!p0 $0xFFFFF80, s6  }
0x242: {  	s8 =	simm.s32 @!p0 $0x10500;
	s6 =	sadd.s32 @!p0 s1, s6;
	[tilespmem:v38+s5+$0x0] =	vst.idx.msk $0xffff, v10  }
0x243: {  	[tilespmem:s8], [sflag:$0x3] =	stream.strided.gather @!p0 [hbm4b:s6+s3], $0x2000, s4, s3, $0x38;
	[tilespmem:$0x1C500] =	vst v63  }
0x244: {  	_ =	swait.ge [sflag:s29], $0x2000  }
0x245: {  	(v2sf) =	vpush v8, $0x3;
	_ =	sdelay $0x9  }
0x246: {  	v10 =	vbroadcast v9, $0x3;
	_ =	sdelay $0x1  }
0x247: {  	v11 =	vshll.u32 v10, $0x3  }
0x248: {  	v10 =	vand.u32 $0x7F, v10;
	v11 =	vand.u32 $0xFFFFFC00, v11  }
0x249: {  	v10 =	vor.u32 v10, v11  }
0x24a: {  	v11 =	vor.u32 v1, v10;
	s8 =	spop (v2sf)  }
0x24b: {  	s6 =	sand.u32 $0x7F, s8  }
0x24c: {  	v40 =	vor.u32 s6, v0  }
0x24d: {  	[sflag:s29] =	ssyncset.done $0x0  }
0x24e: {  	[sflag:s29] =	ssyncadd.s32 $0xFFFFE000;
	s8 =	sadd.s32 $0xFFFFFFFC, s10  }
0x24f: {  	v11 =	vld.idx.msk [tilespmem:v11+s13+$0x0], $0xffff;
	v41 =	vmov s8  }
0x250: {  	v13 =	vand.u32 $0x7B, v41  }
0x251: {  	v13 =	vbroadcast v13, $0x0;
	v12 =	vld.idx.msk [tilespmem:v40+s19+$0x0], $0xffff;
	_ =	sdelay $0x1  }
0x252: {  	v42 =	vor.u32 v0, v13  }
0x253: {  	v44 =	vadd.s32 v3, v10;
	v43 =	vshll.u32 v11, $0x10;
	v11 =	vand.u32 $0xFFFF0000, v11  }
0x254: {  	v11 =	vsel vm0, v43, v11  }
0x255: {  	v45 =	vor.u32 s6, v2;
	v11 =	vadd.f32 v11, v12;
	_ =	sdelay $0x1  }
0x256: {  	[tilespmem:v42+s5+$0x0] =	vst.idx.msk $0xffff, v11  }
0x257: {  	v11 =	vld.idx.msk [tilespmem:v44+s13+$0x0], $0xffff;
	_ =	sdelay $0x1  }
0x258: {  	v12 =	vld.idx.msk [tilespmem:v45+s19+$0x0], $0xffff;
	_ =	sdelay $0x1  }
0x259: {  	v46 =	vor.u32 v2, v13  }
0x25a: {  	v48 =	vadd.s32 v5, v10;
	v47 =	vshll.u32 v11, $0x10;
	v11 =	vand.u32 $0xFFFF0000, v11  }
0x25b: {  	v11 =	vsel vm0, v47, v11  }
0x25c: {  	v49 =	vor.u32 s6, v4;
	v11 =	vadd.f32 v11, v12;
	_ =	sdelay $0x1  }
0x25d: {  	[tilespmem:v46+s5+$0x0] =	vst.idx.msk $0xffff, v11  }
0x25e: {  	v11 =	vld.idx.msk [tilespmem:v48+s13+$0x0], $0xffff;
	_ =	sdelay $0x1  }
0x25f: {  	(v2sf) =	vpush @!p0 v8, $0xB;
	v12 =	vld.idx.msk [tilespmem:v49+s19+$0x0], $0xffff;
	_ =	sdelay $0x1  }
0x260: {  	v50 =	vor.u32 v4, v13  }
0x261: {  	v10 =	vadd.s32 v7, v10;
	v51 =	vshll.u32 v11, $0x10;
	v11 =	vand.u32 $0xFFFF0000, v11  }
0x262: {  	v11 =	vsel vm0, v51, v11  }
0x263: {  	v52 =	vor.u32 s6, v6;
	v11 =	vadd.f32 v11, v12;
	_ =	sdelay $0x1  }
0x264: {  	[tilespmem:v50+s5+$0x0] =	vst.idx.msk $0xffff, v11  }
0x265: {  	v10 =	vld.idx.msk [tilespmem:v10+s13+$0x0], $0xffff;
	_ =	sdelay $0x1  }
0x266: {  	v11 =	vld.idx.msk [tilespmem:v52+s19+$0x0], $0xffff;
	_ =	sdelay $0x1  }
0x267: {  	v53 =	vor.u32 v6, v13  }
0x268: {  	v54 =	vshll.u32 v10, $0x10;
	v10 =	vand.u32 $0xFFFF0000, v10  }
0x269: {  	v10 =	vsel vm0, v54, v10  }
0x26a: {  	s6 =	spop @!p0 (v2sf);
	v10 =	vadd.f32 v10, v11  }
0x26b: {  	s6 =	sand.u32 @!p0 $0xFFFFF80, s6  }
0x26c: {  	s8 =	simm.s32 @!p0 $0x12500;
	s6 =	sadd.s32 @!p0 s1, s6;
	[tilespmem:v53+s5+$0x0] =	vst.idx.msk $0xffff, v10  }
0x26d: {  	[tilespmem:s8], [sflag:$0x4] =	stream.strided.gather @!p0 [hbm4b:s6+s3], $0x2000, s4, s3, $0x38;
	[tilespmem:$0x1C500] =	vst v63  }
0x26e: {  	_ =	swait.ge [sflag:s30], $0x2000  }
0x26f: {  	(v2sf) =	vpush v8, $0x4;
	_ =	sdelay $0x9  }
0x270: {  	v10 =	vbroadcast v9, $0x4;
	_ =	sdelay $0x1  }
0x271: {  	v11 =	vshll.u32 v10, $0x3  }
0x272: {  	v10 =	vand.u32 $0x7F, v10;
	v11 =	vand.u32 $0xFFFFFC00, v11  }
0x273: {  	v10 =	vor.u32 v10, v11  }
0x274: {  	v11 =	vor.u32 v1, v10;
	s8 =	spop (v2sf)  }
0x275: {  	s6 =	sand.u32 $0x7F, s8  }
0x276: {  	v55 =	vor.u32 s6, v0  }
0x277: {  	[sflag:s30] =	ssyncset.done $0x0  }
0x278: {  	[sflag:s30] =	ssyncadd.s32 $0xFFFFE000;
	s8 =	sadd.s32 $0xFFFFFFFD, s10  }
0x279: {  	v11 =	vld.idx.msk [tilespmem:v11+s13+$0x0], $0xffff;
	v56 =	vmov s8  }
0x27a: {  	v13 =	vand.u32 $0x7C, v56  }
0x27b: {  	v13 =	vbroadcast v13, $0x0;
	v12 =	vld.idx.msk [tilespmem:v55+s20+$0x0], $0xffff;
	_ =	sdelay $0x1  }
0x27c: {  	v57 =	vor.u32 v0, v13  }
0x27d: {  	v59 =	vadd.s32 v3, v10;
	v58 =	vshll.u32 v11, $0x10;
	v11 =	vand.u32 $0xFFFF0000, v11  }
0x27e: {  	v11 =	vsel vm0, v58, v11  }
0x27f: {  	v60 =	vor.u32 s6, v2;
	v11 =	vadd.f32 v11, v12;
	_ =	sdelay $0x1  }
0x280: {  	[tilespmem:v57+s5+$0x0] =	vst.idx.msk $0xffff, v11  }
0x281: {  	v11 =	vld.idx.msk [tilespmem:v59+s13+$0x0], $0xffff;
	_ =	sdelay $0x1  }
0x282: {  	v12 =	vld.idx.msk [tilespmem:v60+s20+$0x0], $0xffff;
	_ =	sdelay $0x1  }
0x283: {  	v61 =	vor.u32 v2, v13  }
0x284: {  	v63 =	vadd.s32 v5, v10;
	v62 =	vshll.u32 v11, $0x10;
	v11 =	vand.u32 $0xFFFF0000, v11  }
0x285: {  	v11 =	vsel vm0, v62, v11  }
0x286: {  	v18 =	vor.u32 s6, v4;
	v11 =	vadd.f32 v11, v12;
	_ =	sdelay $0x1  }
0x287: {  	[tilespmem:v61+s5+$0x0] =	vst.idx.msk $0xffff, v11  }
0x288: {  	v11 =	vld.idx.msk [tilespmem:v63+s13+$0x0], $0xffff;
	_ =	sdelay $0x1  }
0x289: {  	(v2sf) =	vpush @!p0 v8, $0xC;
	v12 =	vld.idx.msk [tilespmem:v18+s20+$0x0], $0xffff;
	_ =	sdelay $0x1  }
0x28a: {  	v19 =	vor.u32 v4, v13  }
0x28b: {  	v10 =	vadd.s32 v7, v10;
	v20 =	vshll.u32 v11, $0x10;
	v11 =	vand.u32 $0xFFFF0000, v11  }
0x28c: {  	v11 =	vsel vm0, v20, v11  }
0x28d: {  	v21 =	vor.u32 s6, v6;
	v11 =	vadd.f32 v11, v12;
	_ =	sdelay $0x1  }
0x28e: {  	[tilespmem:v19+s5+$0x0] =	vst.idx.msk $0xffff, v11  }
0x28f: {  	v10 =	vld.idx.msk [tilespmem:v10+s13+$0x0], $0xffff;
	_ =	sdelay $0x1  }
0x290: {  	v11 =	vld.idx.msk [tilespmem:v21+s20+$0x0], $0xffff;
	_ =	sdelay $0x1  }
0x291: {  	v22 =	vor.u32 v6, v13  }
0x292: {  	v23 =	vshll.u32 v10, $0x10;
	v10 =	vand.u32 $0xFFFF0000, v10  }
0x293: {  	v10 =	vsel vm0, v23, v10  }
0x294: {  	s6 =	spop @!p0 (v2sf);
	v10 =	vadd.f32 v10, v11  }
0x295: {  	s6 =	sand.u32 @!p0 $0xFFFFF80, s6  }
0x296: {  	s8 =	simm.s32 @!p0 $0x14500;
	s6 =	sadd.s32 @!p0 s1, s6;
	[tilespmem:v22+s5+$0x0] =	vst.idx.msk $0xffff, v10  }
0x297: {  	[tilespmem:s8], [sflag:$0x5] =	stream.strided.gather @!p0 [hbm4b:s6+s3], $0x2000, s4, s3, $0x38;
	[tilespmem:$0x1C500] =	vst v63  }
0x298: {  	_ =	swait.ge [sflag:s31], $0x2000  }
0x299: {  	(v2sf) =	vpush v8, $0x5;
	_ =	sdelay $0x9  }
0x29a: {  	v10 =	vbroadcast v9, $0x5;
	_ =	sdelay $0x1  }
0x29b: {  	v11 =	vshll.u32 v10, $0x3  }
0x29c: {  	v10 =	vand.u32 $0x7F, v10;
	v11 =	vand.u32 $0xFFFFFC00, v11  }
0x29d: {  	v10 =	vor.u32 v10, v11  }
0x29e: {  	v11 =	vor.u32 v1, v10;
	s8 =	spop (v2sf)  }
0x29f: {  	s6 =	sand.u32 $0x7F, s8  }
0x2a0: {  	v24 =	vor.u32 s6, v0  }
0x2a1: {  	[sflag:s31] =	ssyncset.done $0x0  }
0x2a2: {  	[sflag:s31] =	ssyncadd.s32 $0xFFFFE000;
	s8 =	sadd.s32 $0xFFFFFFFE, s10  }
0x2a3: {  	v11 =	vld.idx.msk [tilespmem:v11+s13+$0x0], $0xffff;
	v25 =	vmov s8  }
0x2a4: {  	v13 =	vand.u32 $0x7D, v25  }
0x2a5: {  	v13 =	vbroadcast v13, $0x0;
	v12 =	vld.idx.msk [tilespmem:v24+s21+$0x0], $0xffff;
	_ =	sdelay $0x1  }
0x2a6: {  	v26 =	vor.u32 v0, v13  }
0x2a7: {  	v28 =	vadd.s32 v3, v10;
	v27 =	vshll.u32 v11, $0x10;
	v11 =	vand.u32 $0xFFFF0000, v11  }
0x2a8: {  	v11 =	vsel vm0, v27, v11  }
0x2a9: {  	v29 =	vor.u32 s6, v2;
	v11 =	vadd.f32 v11, v12;
	_ =	sdelay $0x1  }
0x2aa: {  	[tilespmem:v26+s5+$0x0] =	vst.idx.msk $0xffff, v11  }
0x2ab: {  	v11 =	vld.idx.msk [tilespmem:v28+s13+$0x0], $0xffff;
	_ =	sdelay $0x1  }
0x2ac: {  	v12 =	vld.idx.msk [tilespmem:v29+s21+$0x0], $0xffff;
	_ =	sdelay $0x1  }
0x2ad: {  	v30 =	vor.u32 v2, v13  }
0x2ae: {  	v32 =	vadd.s32 v5, v10;
	v31 =	vshll.u32 v11, $0x10;
	v11 =	vand.u32 $0xFFFF0000, v11  }
0x2af: {  	v11 =	vsel vm0, v31, v11  }
0x2b0: {  	v33 =	vor.u32 s6, v4;
	v11 =	vadd.f32 v11, v12;
	_ =	sdelay $0x1  }
0x2b1: {  	[tilespmem:v30+s5+$0x0] =	vst.idx.msk $0xffff, v11  }
0x2b2: {  	v11 =	vld.idx.msk [tilespmem:v32+s13+$0x0], $0xffff;
	_ =	sdelay $0x1  }
0x2b3: {  	(v2sf) =	vpush @!p0 v8, $0xD;
	v12 =	vld.idx.msk [tilespmem:v33+s21+$0x0], $0xffff;
	_ =	sdelay $0x1  }
0x2b4: {  	v34 =	vor.u32 v4, v13  }
0x2b5: {  	v10 =	vadd.s32 v7, v10;
	v35 =	vshll.u32 v11, $0x10;
	v11 =	vand.u32 $0xFFFF0000, v11  }
0x2b6: {  	v11 =	vsel vm0, v35, v11  }
0x2b7: {  	v36 =	vor.u32 s6, v6;
	v11 =	vadd.f32 v11, v12;
	_ =	sdelay $0x1  }
0x2b8: {  	[tilespmem:v34+s5+$0x0] =	vst.idx.msk $0xffff, v11  }
0x2b9: {  	v10 =	vld.idx.msk [tilespmem:v10+s13+$0x0], $0xffff;
	_ =	sdelay $0x1  }
0x2ba: {  	v11 =	vld.idx.msk [tilespmem:v36+s21+$0x0], $0xffff;
	_ =	sdelay $0x1  }
0x2bb: {  	v37 =	vor.u32 v6, v13  }
0x2bc: {  	v38 =	vshll.u32 v10, $0x10;
	v10 =	vand.u32 $0xFFFF0000, v10  }
0x2bd: {  	v10 =	vsel vm0, v38, v10  }
0x2be: {  	s6 =	spop @!p0 (v2sf);
	v10 =	vadd.f32 v10, v11  }
0x2bf: {  	s6 =	sand.u32 @!p0 $0xFFFFF80, s6  }
0x2c0: {  	s8 =	simm.s32 @!p0 $0x16500;
	s6 =	sadd.s32 @!p0 s1, s6;
	[tilespmem:v37+s5+$0x0] =	vst.idx.msk $0xffff, v10  }
0x2c1: {  	[tilespmem:s8], [sflag:$0x6] =	stream.strided.gather @!p0 [hbm4b:s6+s3], $0x2000, s4, s3, $0x38;
	[tilespmem:$0x1C500] =	vst v63  }
0x2c2: {  	_ =	swait.ge [sflag:s0], $0x2000  }
0x2c3: {  	(v2sf) =	vpush v8, $0x6;
	_ =	sdelay $0x9  }
0x2c4: {  	v10 =	vbroadcast v9, $0x6;
	_ =	sdelay $0x1  }
0x2c5: {  	v11 =	vshll.u32 v10, $0x3  }
0x2c6: {  	v10 =	vand.u32 $0x7F, v10;
	v11 =	vand.u32 $0xFFFFFC00, v11  }
0x2c7: {  	v10 =	vor.u32 v10, v11  }
0x2c8: {  	v11 =	vor.u32 v1, v10;
	s8 =	spop (v2sf)  }
0x2c9: {  	s6 =	sand.u32 $0x7F, s8  }
0x2ca: {  	v39 =	vor.u32 s6, v0  }
0x2cb: {  	[sflag:s0] =	ssyncset.done $0x0  }
0x2cc: {  	[sflag:s0] =	ssyncadd.s32 $0xFFFFE000;
	s8 =	sadd.s32 $0xFFFFFFFF, s10  }
0x2cd: {  	v11 =	vld.idx.msk [tilespmem:v11+s13+$0x0], $0xffff;
	v40 =	vmov s8  }
0x2ce: {  	v13 =	vand.u32 $0x7E, v40  }
0x2cf: {  	v13 =	vbroadcast v13, $0x0;
	v12 =	vld.idx.msk [tilespmem:v39+s22+$0x0], $0xffff;
	_ =	sdelay $0x1  }
0x2d0: {  	v41 =	vor.u32 v0, v13  }
0x2d1: {  	v43 =	vadd.s32 v3, v10;
	v42 =	vshll.u32 v11, $0x10;
	v11 =	vand.u32 $0xFFFF0000, v11  }
0x2d2: {  	v11 =	vsel vm0, v42, v11  }
0x2d3: {  	v44 =	vor.u32 s6, v2;
	v11 =	vadd.f32 v11, v12;
	_ =	sdelay $0x1  }
0x2d4: {  	[tilespmem:v41+s5+$0x0] =	vst.idx.msk $0xffff, v11  }
0x2d5: {  	v11 =	vld.idx.msk [tilespmem:v43+s13+$0x0], $0xffff;
	_ =	sdelay $0x1  }
0x2d6: {  	v12 =	vld.idx.msk [tilespmem:v44+s22+$0x0], $0xffff;
	_ =	sdelay $0x1  }
0x2d7: {  	v45 =	vor.u32 v2, v13  }
0x2d8: {  	v47 =	vadd.s32 v5, v10;
	v46 =	vshll.u32 v11, $0x10;
	v11 =	vand.u32 $0xFFFF0000, v11  }
0x2d9: {  	v11 =	vsel vm0, v46, v11  }
0x2da: {  	v48 =	vor.u32 s6, v4;
	v11 =	vadd.f32 v11, v12;
	_ =	sdelay $0x1  }
0x2db: {  	[tilespmem:v45+s5+$0x0] =	vst.idx.msk $0xffff, v11  }
0x2dc: {  	v11 =	vld.idx.msk [tilespmem:v47+s13+$0x0], $0xffff;
	_ =	sdelay $0x1  }
0x2dd: {  	(v2sf) =	vpush @!p0 v8, $0xE;
	v12 =	vld.idx.msk [tilespmem:v48+s22+$0x0], $0xffff;
	_ =	sdelay $0x1  }
0x2de: {  	v49 =	vor.u32 v4, v13  }
0x2df: {  	v10 =	vadd.s32 v7, v10;
	v50 =	vshll.u32 v11, $0x10;
	v11 =	vand.u32 $0xFFFF0000, v11  }
0x2e0: {  	v11 =	vsel vm0, v50, v11  }
0x2e1: {  	v51 =	vor.u32 s6, v6;
	v11 =	vadd.f32 v11, v12;
	_ =	sdelay $0x1  }
0x2e2: {  	[tilespmem:v49+s5+$0x0] =	vst.idx.msk $0xffff, v11  }
0x2e3: {  	v10 =	vld.idx.msk [tilespmem:v10+s13+$0x0], $0xffff;
	_ =	sdelay $0x1  }
0x2e4: {  	v11 =	vld.idx.msk [tilespmem:v51+s22+$0x0], $0xffff;
	_ =	sdelay $0x1  }
0x2e5: {  	v52 =	vor.u32 v6, v13  }
0x2e6: {  	v53 =	vshll.u32 v10, $0x10;
	v10 =	vand.u32 $0xFFFF0000, v10  }
0x2e7: {  	v10 =	vsel vm0, v53, v10  }
0x2e8: {  	s6 =	spop @!p0 (v2sf);
	v10 =	vadd.f32 v10, v11  }
0x2e9: {  	s6 =	sand.u32 @!p0 $0xFFFFF80, s6  }
0x2ea: {  	s8 =	simm.s32 @!p0 $0x18500;
	s6 =	sadd.s32 @!p0 s1, s6;
	[tilespmem:v52+s5+$0x0] =	vst.idx.msk $0xffff, v10  }
0x2eb: {  	[tilespmem:s8], [sflag:$0x7] =	stream.strided.gather @!p0 [hbm4b:s6+s3], $0x2000, s4, s3, $0x38;
	[tilespmem:$0x1C500] =	vst v63  }
0x2ec: {  	_ =	swait.ge [sflag:s2], $0x2000  }
0x2ed: {  	(v2sf) =	vpush v8, $0x7;
	_ =	sdelay $0x9  }
0x2ee: {  	v9 =	vbroadcast v9, $0x7;
	_ =	sdelay $0x1  }
0x2ef: {  	v10 =	vshll.u32 v9, $0x3  }
0x2f0: {  	v9 =	vand.u32 $0x7F, v9;
	v10 =	vand.u32 $0xFFFFFC00, v10  }
0x2f1: {  	v9 =	vor.u32 v9, v10  }
0x2f2: {  	v10 =	vor.u32 v1, v9;
	s8 =	spop (v2sf)  }
0x2f3: {  	s3 =	sand.u32 $0x7F, s8  }
0x2f4: {  	v11 =	vor.u32 s3, v0  }
0x2f5: {  	[sflag:s2] =	ssyncset.done $0x0  }
0x2f6: {  	[sflag:s2] =	ssyncadd.s32 $0xFFFFE000  }
0x2f7: {  	v54 =	vmov s10;
	v10 =	vld.idx.msk [tilespmem:v10+s13+$0x0], $0xffff  }
0x2f8: {  	v12 =	vand.u32 $0x7F, v54  }
0x2f9: {  	v12 =	vbroadcast v12, $0x0;
	v11 =	vld.idx.msk [tilespmem:v11+s23+$0x0], $0xffff;
	_ =	sdelay $0x1  }
0x2fa: {  	v55 =	vor.u32 v0, v12  }
0x2fb: {  	v57 =	vadd.s32 v3, v9;
	v56 =	vshll.u32 v10, $0x10;
	v10 =	vand.u32 $0xFFFF0000, v10  }
0x2fc: {  	v10 =	vsel vm0, v56, v10  }
0x2fd: {  	v10 =	vadd.f32 v10, v11;
	v11 =	vor.u32 s3, v2;
	_ =	sdelay $0x1  }
0x2fe: {  	[tilespmem:v55+s5+$0x0] =	vst.idx.msk $0xffff, v10  }
0x2ff: {  	v10 =	vld.idx.msk [tilespmem:v57+s13+$0x0], $0xffff;
	_ =	sdelay $0x1  }
0x300: {  	v11 =	vld.idx.msk [tilespmem:v11+s23+$0x0], $0xffff;
	_ =	sdelay $0x1  }
0x301: {  	v58 =	vor.u32 v2, v12  }
0x302: {  	v60 =	vadd.s32 v5, v9;
	v59 =	vshll.u32 v10, $0x10;
	v10 =	vand.u32 $0xFFFF0000, v10  }
0x303: {  	v10 =	vsel vm0, v59, v10  }
0x304: {  	v10 =	vadd.f32 v10, v11;
	v11 =	vor.u32 s3, v4;
	_ =	sdelay $0x1  }
0x305: {  	[tilespmem:v58+s5+$0x0] =	vst.idx.msk $0xffff, v10  }
0x306: {  	v10 =	vld.idx.msk [tilespmem:v60+s13+$0x0], $0xffff;
	_ =	sdelay $0x1  }
0x307: {  	v11 =	vld.idx.msk [tilespmem:v11+s23+$0x0], $0xffff;
	_ =	sdelay $0x1  }
0x308: {  	v61 =	vor.u32 v4, v12  }
0x309: {  	v9 =	vadd.s32 v7, v9;
	v62 =	vshll.u32 v10, $0x10;
	v10 =	vand.u32 $0xFFFF0000, v10  }
0x30a: {  	v10 =	vsel vm0, v62, v10  }
0x30b: {  	v10 =	vadd.f32 v10, v11;
	v11 =	vor.u32 s3, v6;
	_ =	sdelay $0x1  }
0x30c: {  	[tilespmem:v61+s5+$0x0] =	vst.idx.msk $0xffff, v10  }
0x30d: {  	v9 =	vld.idx.msk [tilespmem:v9+s13+$0x0], $0xffff;
	_ =	sdelay $0x1  }
0x30e: {  	v10 =	vld.idx.msk [tilespmem:v11+s23+$0x0], $0xffff;
	_ =	sdelay $0x1  }
0x30f: {  	v11 =	vor.u32 v6, v12  }
.Ltmp4:
0x310: {  	v63 =	vshll.u32 v9, $0x10;
	v9 =	vand.u32 $0xFFFF0000, v9;
	(pc) =	sbr.rel @p0 .LBB2_7-.Ltmp4, $3  }
0x311: {  	v9 =	vsel vm0, v63, v9  }
0x312: {  	v9 =	vadd.f32 v9, v10;
	_ =	sdelay $0x1  }
0x313: {  	[tilespmem:v11+s5+$0x0] =	vst.idx.msk $0xffff, v9  }
0x314: {  	(v2sf) =	vpush v8, $0xF;
	_ =	sdelay $0xd  }
.Ltmp5:
0x315: {  	_ = 	snop;
	(pc) =	sbr.rel .LBB2_5-.Ltmp5, $4  }
0x316: {  	s3 =	spop (v2sf)  }
0x317: {  	s10 =	sadd.s32 $0x8, s10;
	s3 =	sand.u32 $0xFFFFF80, s3  }
0x318: {  	s11 =	sadd.s32 $0x8, s11;
	s7 =	sadd.s32 $0x8, s7;
	s3 =	sadd.s32 s1, s3  }
0x319: {  	[tilespmem:s23], [sflag:$0x8] =	stream.strided.gather [hbm4b:s3+s14], $0x2000, s15, s14, $0x38;
	[tilespmem:$0x1C500] =	vst v63  }
.LBB2_7:
0x31a: {  	s3 =	rddreg [dreg:$0xa];
	s4 =	simm.s32 $0x20000;
	s11 =	simm.s32 $0x9  }
0x31b: {  	[hbm4b:s3+s14] =	stream.strided.scatter [tilespmem:s5], [sflag:$0xA], $0x2000, s4, s14, $0x38;
	[tilespmem:$0x1C500] =	vst v63  }
0x31c: {  	_ =	swait.ge [sflag:s11], $0x2000  }
0x31d: {  	[sflag:s11] =	ssyncset.done $0x0  }
0x31e: {  	[sflag:s11] =	ssyncadd.s32 $0xFFFFE000  }
0x31f: {  	v8 =	vld [tilespmem:$0x100];
	_ =	sdelay $0x4  }
0x320: {  	(v2sf) =	vpush v8, $0x0  }
0x321: {  	(v2sf) =	vpush v8, $0x1;
	_ =	sdelay $0x1  }
0x322: {  	(v2sf) =	vpush v8, $0x2;
	_ =	sdelay $0x4  }
0x323: {  	(v2sf) =	vpush v8, $0x3  }
0x324: {  	(v2sf) =	vpush v8, $0x4;
	_ =	sdelay $0x5  }
0x325: {  	s4 =	spop (v2sf);
	(v2sf) =	vpush v8, $0x5  }
0x326: {  	s6 =	spop (v2sf);
	(v2sf) =	vpush v8, $0x6  }
0x327: {  	s3 =	sand.u32 $0xFFFFF80, s4  }
0x328: {  	s3 =	sadd.s32 s1, s3;
	s7 =	spop (v2sf)  }
0x329: {  	(v2sf) =	vpush v8, $0x7;
	[tilespmem:s16], [sflag:$0x1] =	stream.strided.gather [hbm4b:s3+s14], $0x2000, s15, s14, $0x38;
	[tilespmem:$0x1C500] =	vst v63  }
0x32a: {  	s3 =	sand.u32 $0xFFFFF80, s6  }
0x32b: {  	s3 =	sadd.s32 s1, s3  }
0x32c: {  	[tilespmem:s17], [sflag:$0x2] =	stream.strided.gather [hbm4b:s3+s14], $0x2000, s15, s14, $0x38;
	[tilespmem:$0x1C500] =	vst v63  }
0x32d: {  	s8 =	spop (v2sf);
	s3 =	sand.u32 $0xFFFFF80, s7  }
0x32e: {  	s10 =	sand.u32 $0xFFFFF80, s8;
	s11 =	spop (v2sf);
	s3 =	sadd.s32 s1, s3  }
0x32f: {  	[tilespmem:s18], [sflag:$0x3] =	stream.strided.gather [hbm4b:s3+s14], $0x2000, s15, s14, $0x38;
	[tilespmem:$0x1C500] =	vst v63  }
0x330: {  	s4 =	sand.u32 $0xFFFFF80, s11;
	s3 =	sadd.s32 s1, s10  }
0x331: {  	[tilespmem:s19], [sflag:$0x4] =	stream.strided.gather [hbm4b:s3+s14], $0x2000, s15, s14, $0x38;
	[tilespmem:$0x1C500] =	vst v63  }
0x332: {  	s3 =	sadd.s32 s1, s4  }
0x333: {  	[tilespmem:s20], [sflag:$0x5] =	stream.strided.gather [hbm4b:s3+s14], $0x2000, s15, s14, $0x38;
	[tilespmem:$0x1C500] =	vst v63  }
0x334: {  	s6 =	spop (v2sf)  }
0x335: {  	s7 =	sand.u32 $0xFFFFF80, s6;
	s8 =	spop (v2sf)  }
0x336: {  	s3 =	sadd.s32 s1, s7;
	s10 =	sand.u32 $0xFFFFF80, s8  }
0x337: {  	[tilespmem:s21], [sflag:$0x6] =	stream.strided.gather [hbm4b:s3+s14], $0x2000, s15, s14, $0x38;
	[tilespmem:$0x1C500] =	vst v63  }
0x338: {  	s11 =	spop (v2sf);
	s3 =	sadd.s32 s1, s10  }
0x339: {  	[tilespmem:s22], [sflag:$0x7] =	stream.strided.gather [hbm4b:s3+s14], $0x2000, s15, s14, $0x38;
	[tilespmem:$0x1C500] =	vst v63  }
0x33a: {  	s7 =	simm.s32 $0x380;
	s3 =	sand.u32 $0xFFFFF80, s11  }
0x33b: {  	s10 =	simm.s32 $0x7;
	s11 =	simm.s32 $0x100;
	s3 =	sadd.s32 s1, s3  }
0x33c: {  	[tilespmem:s23], [sflag:$0x8] =	stream.strided.gather [hbm4b:s3+s14], $0x2000, s15, s14, $0x38;
	[tilespmem:$0x1C500] =	vst v63  }
.LBB2_8:
0x33d: {  	v8 =	vld [tilespmem:s11+$0x0];
	_ =	sdelay $0x3  }
0x33e: {  	v9 =	vld [tilespmem:s7+$0x0];
	_ =	swait.ge [sflag:s24], $0x2000  }
0x33f: {  	(v2sf) =	vpush v8, $0x0;
	_ =	sdelay $0x9  }
0x340: {  	v10 =	vbroadcast v9, $0x0;
	_ =	sdelay $0x1  }
0x341: {  	v11 =	vshll.u32 v10, $0x3  }
0x342: {  	v10 =	vand.u32 $0x7F, v10;
	v11 =	vand.u32 $0xFFFFFC00, v11  }
0x343: {  	v10 =	vor.u32 v10, v11  }
0x344: {  	v11 =	vor.u32 v1, v10;
	s3 =	spop (v2sf)  }
0x345: {  	s3 =	sand.u32 $0x7F, s3  }
0x346: {  	v12 =	vor.u32 s3, v0  }
0x347: {  	[sflag:s24] =	ssyncset.done $0x0  }
0x348: {  	s4 =	sadd.s32 $0xFFFFFFF9, s10;
	[sflag:s24] =	ssyncadd.s32 $0xFFFFE000  }
0x349: {  	v13 =	vmov s4;
	v11 =	vld.idx.msk [tilespmem:v11+s13+$0x0], $0xffff  }
0x34a: {  	v13 =	vand.u32 $0x78, v13  }
0x34b: {  	v13 =	vbroadcast v13, $0x0;
	v12 =	vld.idx.msk [tilespmem:v12+s16+$0x0], $0xffff;
	_ =	sdelay $0x1  }
0x34c: {  	v14 =	vor.u32 v0, v13  }
0x34d: {  	v16 =	vadd.s32 v3, v10;
	v15 =	vshll.u32 v11, $0x10;
	v11 =	vand.u32 $0xFFFF0000, v11  }
0x34e: {  	v11 =	vsel vm0, v15, v11  }
0x34f: {  	v45 =	vor.u32 s3, v2;
	v11 =	vadd.f32 v11, v12;
	_ =	sdelay $0x1  }
0x350: {  	[tilespmem:v14+s25+$0x0] =	vst.idx.msk $0xffff, v11  }
0x351: {  	v11 =	vld.idx.msk [tilespmem:v16+s13+$0x0], $0xffff;
	_ =	sdelay $0x1  }
0x352: {  	v12 =	vld.idx.msk [tilespmem:v45+s16+$0x0], $0xffff;
	_ =	sdelay $0x1  }
0x353: {  	v46 =	vor.u32 v2, v13  }
0x354: {  	v48 =	vadd.s32 v5, v10;
	v47 =	vshll.u32 v11, $0x10;
	v11 =	vand.u32 $0xFFFF0000, v11  }
0x355: {  	v11 =	vsel vm0, v47, v11  }
0x356: {  	v49 =	vor.u32 s3, v4;
	v11 =	vadd.f32 v11, v12;
	_ =	sdelay $0x1  }
0x357: {  	[tilespmem:v46+s25+$0x0] =	vst.idx.msk $0xffff, v11  }
0x358: {  	v11 =	vld.idx.msk [tilespmem:v48+s13+$0x0], $0xffff  }
0x359: {  	p0 =	seq.s32 s10, $0x7F  }
0x35a: {  	(v2sf) =	vpush @!p0 v8, $0x8;
	v12 =	vld.idx.msk [tilespmem:v49+s16+$0x0], $0xffff;
	_ =	sdelay $0x1  }
0x35b: {  	v50 =	vor.u32 v4, v13  }
0x35c: {  	v10 =	vadd.s32 v7, v10;
	v51 =	vshll.u32 v11, $0x10;
	v11 =	vand.u32 $0xFFFF0000, v11  }
0x35d: {  	v11 =	vsel vm0, v51, v11  }
0x35e: {  	v52 =	vor.u32 s3, v6;
	v11 =	vadd.f32 v11, v12;
	_ =	sdelay $0x1  }
0x35f: {  	[tilespmem:v50+s25+$0x0] =	vst.idx.msk $0xffff, v11  }
0x360: {  	v10 =	vld.idx.msk [tilespmem:v10+s13+$0x0], $0xffff;
	_ =	sdelay $0x1  }
0x361: {  	v11 =	vld.idx.msk [tilespmem:v52+s16+$0x0], $0xffff;
	_ =	sdelay $0x1  }
0x362: {  	v53 =	vor.u32 v6, v13  }
0x363: {  	v54 =	vshll.u32 v10, $0x10;
	v10 =	vand.u32 $0xFFFF0000, v10  }
0x364: {  	v10 =	vsel vm0, v54, v10  }
0x365: {  	s3 =	spop @!p0 (v2sf);
	v10 =	vadd.f32 v10, v11  }
0x366: {  	s4 =	simm.s32 @!p0 $0x7A1400;
	s3 =	sand.u32 @!p0 $0xFFFFF80, s3  }
0x367: {  	s8 =	simm.s32 @!p0 $0xC500;
	s6 =	sadd.s32 @!p0 s1, s3;
	s3 =	simm.s32 @!p0 $0x400;
	[tilespmem:v53+s25+$0x0] =	vst.idx.msk $0xffff, v10  }
0x368: {  	[tilespmem:s8], [sflag:$0x1] =	stream.strided.gather @!p0 [hbm4b:s6+s3], $0x2000, s4, s3, $0x38;
	[tilespmem:$0x1C500] =	vst v63  }
0x369: {  	_ =	swait.ge [sflag:s26], $0x2000  }
0x36a: {  	(v2sf) =	vpush v8, $0x1;
	_ =	sdelay $0x9  }
0x36b: {  	v10 =	vbroadcast v9, $0x1;
	_ =	sdelay $0x1  }
0x36c: {  	v11 =	vshll.u32 v10, $0x3  }
0x36d: {  	v10 =	vand.u32 $0x7F, v10;
	v11 =	vand.u32 $0xFFFFFC00, v11  }
0x36e: {  	v10 =	vor.u32 v10, v11  }
0x36f: {  	v11 =	vor.u32 v1, v10;
	s8 =	spop (v2sf)  }
0x370: {  	s6 =	sand.u32 $0x7F, s8  }
0x371: {  	v55 =	vor.u32 s6, v0  }
0x372: {  	[sflag:s26] =	ssyncset.done $0x0  }
0x373: {  	[sflag:s26] =	ssyncadd.s32 $0xFFFFE000;
	s8 =	sadd.s32 $0xFFFFFFFA, s10  }
0x374: {  	v11 =	vld.idx.msk [tilespmem:v11+s13+$0x0], $0xffff;
	v56 =	vmov s8  }
0x375: {  	v13 =	vand.u32 $0x79, v56  }
0x376: {  	v13 =	vbroadcast v13, $0x0;
	v12 =	vld.idx.msk [tilespmem:v55+s17+$0x0], $0xffff;
	_ =	sdelay $0x1  }
0x377: {  	v57 =	vor.u32 v0, v13  }
0x378: {  	v59 =	vadd.s32 v3, v10;
	v58 =	vshll.u32 v11, $0x10;
	v11 =	vand.u32 $0xFFFF0000, v11  }
0x379: {  	v11 =	vsel vm0, v58, v11  }
0x37a: {  	v60 =	vor.u32 s6, v2;
	v11 =	vadd.f32 v11, v12;
	_ =	sdelay $0x1  }
0x37b: {  	[tilespmem:v57+s25+$0x0] =	vst.idx.msk $0xffff, v11  }
0x37c: {  	v11 =	vld.idx.msk [tilespmem:v59+s13+$0x0], $0xffff;
	_ =	sdelay $0x1  }
0x37d: {  	v12 =	vld.idx.msk [tilespmem:v60+s17+$0x0], $0xffff;
	_ =	sdelay $0x1  }
0x37e: {  	v61 =	vor.u32 v2, v13  }
0x37f: {  	v63 =	vadd.s32 v5, v10;
	v62 =	vshll.u32 v11, $0x10;
	v11 =	vand.u32 $0xFFFF0000, v11  }
0x380: {  	v11 =	vsel vm0, v62, v11  }
0x381: {  	v19 =	vor.u32 s6, v4;
	v11 =	vadd.f32 v11, v12;
	_ =	sdelay $0x1  }
0x382: {  	[tilespmem:v61+s25+$0x0] =	vst.idx.msk $0xffff, v11  }
0x383: {  	v11 =	vld.idx.msk [tilespmem:v63+s13+$0x0], $0xffff;
	_ =	sdelay $0x1  }
0x384: {  	(v2sf) =	vpush @!p0 v8, $0x9;
	v12 =	vld.idx.msk [tilespmem:v19+s17+$0x0], $0xffff;
	_ =	sdelay $0x1  }
0x385: {  	v20 =	vor.u32 v4, v13  }
0x386: {  	v10 =	vadd.s32 v7, v10;
	v21 =	vshll.u32 v11, $0x10;
	v11 =	vand.u32 $0xFFFF0000, v11  }
0x387: {  	v11 =	vsel vm0, v21, v11  }
0x388: {  	v22 =	vor.u32 s6, v6;
	v11 =	vadd.f32 v11, v12;
	_ =	sdelay $0x1  }
0x389: {  	[tilespmem:v20+s25+$0x0] =	vst.idx.msk $0xffff, v11  }
0x38a: {  	v10 =	vld.idx.msk [tilespmem:v10+s13+$0x0], $0xffff;
	_ =	sdelay $0x1  }
0x38b: {  	v11 =	vld.idx.msk [tilespmem:v22+s17+$0x0], $0xffff;
	_ =	sdelay $0x1  }
0x38c: {  	v23 =	vor.u32 v6, v13  }
0x38d: {  	v24 =	vshll.u32 v10, $0x10;
	v10 =	vand.u32 $0xFFFF0000, v10  }
0x38e: {  	v10 =	vsel vm0, v24, v10  }
0x38f: {  	s6 =	spop @!p0 (v2sf);
	v10 =	vadd.f32 v10, v11  }
0x390: {  	s6 =	sand.u32 @!p0 $0xFFFFF80, s6  }
0x391: {  	s8 =	simm.s32 @!p0 $0xE500;
	s6 =	sadd.s32 @!p0 s1, s6;
	[tilespmem:v23+s25+$0x0] =	vst.idx.msk $0xffff, v10  }
0x392: {  	[tilespmem:s8], [sflag:$0x2] =	stream.strided.gather @!p0 [hbm4b:s6+s3], $0x2000, s4, s3, $0x38;
	[tilespmem:$0x1C500] =	vst v63  }
0x393: {  	_ =	swait.ge [sflag:s28], $0x2000  }
0x394: {  	(v2sf) =	vpush v8, $0x2;
	_ =	sdelay $0x9  }
0x395: {  	v10 =	vbroadcast v9, $0x2;
	_ =	sdelay $0x1  }
0x396: {  	v11 =	vshll.u32 v10, $0x3  }
0x397: {  	v10 =	vand.u32 $0x7F, v10;
	v11 =	vand.u32 $0xFFFFFC00, v11  }
0x398: {  	v10 =	vor.u32 v10, v11  }
0x399: {  	v11 =	vor.u32 v1, v10;
	s8 =	spop (v2sf)  }
0x39a: {  	s6 =	sand.u32 $0x7F, s8  }
0x39b: {  	v25 =	vor.u32 s6, v0  }
0x39c: {  	[sflag:s28] =	ssyncset.done $0x0  }
0x39d: {  	[sflag:s28] =	ssyncadd.s32 $0xFFFFE000;
	s8 =	sadd.s32 $0xFFFFFFFB, s10  }
0x39e: {  	v11 =	vld.idx.msk [tilespmem:v11+s13+$0x0], $0xffff;
	v26 =	vmov s8  }
0x39f: {  	v13 =	vand.u32 $0x7A, v26  }
0x3a0: {  	v13 =	vbroadcast v13, $0x0;
	v12 =	vld.idx.msk [tilespmem:v25+s18+$0x0], $0xffff;
	_ =	sdelay $0x1  }
0x3a1: {  	v27 =	vor.u32 v0, v13  }
0x3a2: {  	v29 =	vadd.s32 v3, v10;
	v28 =	vshll.u32 v11, $0x10;
	v11 =	vand.u32 $0xFFFF0000, v11  }
0x3a3: {  	v11 =	vsel vm0, v28, v11  }
0x3a4: {  	v30 =	vor.u32 s6, v2;
	v11 =	vadd.f32 v11, v12;
	_ =	sdelay $0x1  }
0x3a5: {  	[tilespmem:v27+s25+$0x0] =	vst.idx.msk $0xffff, v11  }
0x3a6: {  	v11 =	vld.idx.msk [tilespmem:v29+s13+$0x0], $0xffff;
	_ =	sdelay $0x1  }
0x3a7: {  	v12 =	vld.idx.msk [tilespmem:v30+s18+$0x0], $0xffff;
	_ =	sdelay $0x1  }
0x3a8: {  	v31 =	vor.u32 v2, v13  }
0x3a9: {  	v33 =	vadd.s32 v5, v10;
	v32 =	vshll.u32 v11, $0x10;
	v11 =	vand.u32 $0xFFFF0000, v11  }
0x3aa: {  	v11 =	vsel vm0, v32, v11  }
0x3ab: {  	v34 =	vor.u32 s6, v4;
	v11 =	vadd.f32 v11, v12;
	_ =	sdelay $0x1  }
0x3ac: {  	[tilespmem:v31+s25+$0x0] =	vst.idx.msk $0xffff, v11  }
0x3ad: {  	v11 =	vld.idx.msk [tilespmem:v33+s13+$0x0], $0xffff;
	_ =	sdelay $0x1  }
0x3ae: {  	(v2sf) =	vpush @!p0 v8, $0xA;
	v12 =	vld.idx.msk [tilespmem:v34+s18+$0x0], $0xffff;
	_ =	sdelay $0x1  }
0x3af: {  	v35 =	vor.u32 v4, v13  }
0x3b0: {  	v10 =	vadd.s32 v7, v10;
	v36 =	vshll.u32 v11, $0x10;
	v11 =	vand.u32 $0xFFFF0000, v11  }
0x3b1: {  	v11 =	vsel vm0, v36, v11  }
0x3b2: {  	v37 =	vor.u32 s6, v6;
	v11 =	vadd.f32 v11, v12;
	_ =	sdelay $0x1  }
0x3b3: {  	[tilespmem:v35+s25+$0x0] =	vst.idx.msk $0xffff, v11  }
0x3b4: {  	v10 =	vld.idx.msk [tilespmem:v10+s13+$0x0], $0xffff;
	_ =	sdelay $0x1  }
0x3b5: {  	v11 =	vld.idx.msk [tilespmem:v37+s18+$0x0], $0xffff;
	_ =	sdelay $0x1  }
0x3b6: {  	v38 =	vor.u32 v6, v13  }
0x3b7: {  	v39 =	vshll.u32 v10, $0x10;
	v10 =	vand.u32 $0xFFFF0000, v10  }
0x3b8: {  	v10 =	vsel vm0, v39, v10  }
0x3b9: {  	s6 =	spop @!p0 (v2sf);
	v10 =	vadd.f32 v10, v11  }
0x3ba: {  	s6 =	sand.u32 @!p0 $0xFFFFF80, s6  }
0x3bb: {  	s8 =	simm.s32 @!p0 $0x10500;
	s6 =	sadd.s32 @!p0 s1, s6;
	[tilespmem:v38+s25+$0x0] =	vst.idx.msk $0xffff, v10  }
0x3bc: {  	[tilespmem:s8], [sflag:$0x3] =	stream.strided.gather @!p0 [hbm4b:s6+s3], $0x2000, s4, s3, $0x38;
	[tilespmem:$0x1C500] =	vst v63  }
0x3bd: {  	_ =	swait.ge [sflag:s29], $0x2000  }
0x3be: {  	(v2sf) =	vpush v8, $0x3;
	_ =	sdelay $0x9  }
0x3bf: {  	v10 =	vbroadcast v9, $0x3;
	_ =	sdelay $0x1  }
0x3c0: {  	v11 =	vshll.u32 v10, $0x3  }
0x3c1: {  	v10 =	vand.u32 $0x7F, v10;
	v11 =	vand.u32 $0xFFFFFC00, v11  }
0x3c2: {  	v10 =	vor.u32 v10, v11  }
0x3c3: {  	v11 =	vor.u32 v1, v10;
	s8 =	spop (v2sf)  }
0x3c4: {  	s6 =	sand.u32 $0x7F, s8  }
0x3c5: {  	v40 =	vor.u32 s6, v0  }
0x3c6: {  	[sflag:s29] =	ssyncset.done $0x0  }
0x3c7: {  	[sflag:s29] =	ssyncadd.s32 $0xFFFFE000;
	s8 =	sadd.s32 $0xFFFFFFFC, s10  }
0x3c8: {  	v11 =	vld.idx.msk [tilespmem:v11+s13+$0x0], $0xffff;
	v41 =	vmov s8  }
0x3c9: {  	v13 =	vand.u32 $0x7B, v41  }
0x3ca: {  	v13 =	vbroadcast v13, $0x0;
	v12 =	vld.idx.msk [tilespmem:v40+s19+$0x0], $0xffff;
	_ =	sdelay $0x1  }
0x3cb: {  	v42 =	vor.u32 v0, v13  }
0x3cc: {  	v44 =	vadd.s32 v3, v10;
	v43 =	vshll.u32 v11, $0x10;
	v11 =	vand.u32 $0xFFFF0000, v11  }
0x3cd: {  	v11 =	vsel vm0, v43, v11  }
0x3ce: {  	v45 =	vor.u32 s6, v2;
	v11 =	vadd.f32 v11, v12;
	_ =	sdelay $0x1  }
0x3cf: {  	[tilespmem:v42+s25+$0x0] =	vst.idx.msk $0xffff, v11  }
0x3d0: {  	v11 =	vld.idx.msk [tilespmem:v44+s13+$0x0], $0xffff;
	_ =	sdelay $0x1  }
0x3d1: {  	v12 =	vld.idx.msk [tilespmem:v45+s19+$0x0], $0xffff;
	_ =	sdelay $0x1  }
0x3d2: {  	v46 =	vor.u32 v2, v13  }
0x3d3: {  	v48 =	vadd.s32 v5, v10;
	v47 =	vshll.u32 v11, $0x10;
	v11 =	vand.u32 $0xFFFF0000, v11  }
0x3d4: {  	v11 =	vsel vm0, v47, v11  }
0x3d5: {  	v49 =	vor.u32 s6, v4;
	v11 =	vadd.f32 v11, v12;
	_ =	sdelay $0x1  }
0x3d6: {  	[tilespmem:v46+s25+$0x0] =	vst.idx.msk $0xffff, v11  }
0x3d7: {  	v11 =	vld.idx.msk [tilespmem:v48+s13+$0x0], $0xffff;
	_ =	sdelay $0x1  }
0x3d8: {  	(v2sf) =	vpush @!p0 v8, $0xB;
	v12 =	vld.idx.msk [tilespmem:v49+s19+$0x0], $0xffff;
	_ =	sdelay $0x1  }
0x3d9: {  	v50 =	vor.u32 v4, v13  }
0x3da: {  	v10 =	vadd.s32 v7, v10;
	v51 =	vshll.u32 v11, $0x10;
	v11 =	vand.u32 $0xFFFF0000, v11  }
0x3db: {  	v11 =	vsel vm0, v51, v11  }
0x3dc: {  	v52 =	vor.u32 s6, v6;
	v11 =	vadd.f32 v11, v12;
	_ =	sdelay $0x1  }
0x3dd: {  	[tilespmem:v50+s25+$0x0] =	vst.idx.msk $0xffff, v11  }
0x3de: {  	v10 =	vld.idx.msk [tilespmem:v10+s13+$0x0], $0xffff;
	_ =	sdelay $0x1  }
0x3df: {  	v11 =	vld.idx.msk [tilespmem:v52+s19+$0x0], $0xffff;
	_ =	sdelay $0x1  }
0x3e0: {  	v53 =	vor.u32 v6, v13  }
0x3e1: {  	v54 =	vshll.u32 v10, $0x10;
	v10 =	vand.u32 $0xFFFF0000, v10  }
0x3e2: {  	v10 =	vsel vm0, v54, v10  }
0x3e3: {  	s6 =	spop @!p0 (v2sf);
	v10 =	vadd.f32 v10, v11  }
0x3e4: {  	s6 =	sand.u32 @!p0 $0xFFFFF80, s6  }
0x3e5: {  	s8 =	simm.s32 @!p0 $0x12500;
	s6 =	sadd.s32 @!p0 s1, s6;
	[tilespmem:v53+s25+$0x0] =	vst.idx.msk $0xffff, v10  }
0x3e6: {  	[tilespmem:s8], [sflag:$0x4] =	stream.strided.gather @!p0 [hbm4b:s6+s3], $0x2000, s4, s3, $0x38;
	[tilespmem:$0x1C500] =	vst v63  }
0x3e7: {  	_ =	swait.ge [sflag:s30], $0x2000  }
0x3e8: {  	(v2sf) =	vpush v8, $0x4;
	_ =	sdelay $0x9  }
0x3e9: {  	v10 =	vbroadcast v9, $0x4;
	_ =	sdelay $0x1  }
0x3ea: {  	v11 =	vshll.u32 v10, $0x3  }
0x3eb: {  	v10 =	vand.u32 $0x7F, v10;
	v11 =	vand.u32 $0xFFFFFC00, v11  }
0x3ec: {  	v10 =	vor.u32 v10, v11  }
0x3ed: {  	v11 =	vor.u32 v1, v10;
	s8 =	spop (v2sf)  }
0x3ee: {  	s6 =	sand.u32 $0x7F, s8  }
0x3ef: {  	v55 =	vor.u32 s6, v0  }
0x3f0: {  	[sflag:s30] =	ssyncset.done $0x0  }
0x3f1: {  	[sflag:s30] =	ssyncadd.s32 $0xFFFFE000;
	s8 =	sadd.s32 $0xFFFFFFFD, s10  }
0x3f2: {  	v11 =	vld.idx.msk [tilespmem:v11+s13+$0x0], $0xffff;
	v56 =	vmov s8  }
0x3f3: {  	v13 =	vand.u32 $0x7C, v56  }
0x3f4: {  	v13 =	vbroadcast v13, $0x0;
	v12 =	vld.idx.msk [tilespmem:v55+s20+$0x0], $0xffff;
	_ =	sdelay $0x1  }
0x3f5: {  	v57 =	vor.u32 v0, v13  }
0x3f6: {  	v59 =	vadd.s32 v3, v10;
	v58 =	vshll.u32 v11, $0x10;
	v11 =	vand.u32 $0xFFFF0000, v11  }
0x3f7: {  	v11 =	vsel vm0, v58, v11  }
0x3f8: {  	v60 =	vor.u32 s6, v2;
	v11 =	vadd.f32 v11, v12;
	_ =	sdelay $0x1  }
0x3f9: {  	[tilespmem:v57+s25+$0x0] =	vst.idx.msk $0xffff, v11  }
0x3fa: {  	v11 =	vld.idx.msk [tilespmem:v59+s13+$0x0], $0xffff;
	_ =	sdelay $0x1  }
0x3fb: {  	v12 =	vld.idx.msk [tilespmem:v60+s20+$0x0], $0xffff;
	_ =	sdelay $0x1  }
0x3fc: {  	v61 =	vor.u32 v2, v13  }
0x3fd: {  	v63 =	vadd.s32 v5, v10;
	v62 =	vshll.u32 v11, $0x10;
	v11 =	vand.u32 $0xFFFF0000, v11  }
0x3fe: {  	v11 =	vsel vm0, v62, v11  }
0x3ff: {  	v18 =	vor.u32 s6, v4;
	v11 =	vadd.f32 v11, v12;
	_ =	sdelay $0x1  }
0x400: {  	[tilespmem:v61+s25+$0x0] =	vst.idx.msk $0xffff, v11  }
0x401: {  	v11 =	vld.idx.msk [tilespmem:v63+s13+$0x0], $0xffff;
	_ =	sdelay $0x1  }
0x402: {  	(v2sf) =	vpush @!p0 v8, $0xC;
	v12 =	vld.idx.msk [tilespmem:v18+s20+$0x0], $0xffff;
	_ =	sdelay $0x1  }
0x403: {  	v19 =	vor.u32 v4, v13  }
0x404: {  	v10 =	vadd.s32 v7, v10;
	v20 =	vshll.u32 v11, $0x10;
	v11 =	vand.u32 $0xFFFF0000, v11  }
0x405: {  	v11 =	vsel vm0, v20, v11  }
0x406: {  	v21 =	vor.u32 s6, v6;
	v11 =	vadd.f32 v11, v12;
	_ =	sdelay $0x1  }
0x407: {  	[tilespmem:v19+s25+$0x0] =	vst.idx.msk $0xffff, v11  }
0x408: {  	v10 =	vld.idx.msk [tilespmem:v10+s13+$0x0], $0xffff;
	_ =	sdelay $0x1  }
0x409: {  	v11 =	vld.idx.msk [tilespmem:v21+s20+$0x0], $0xffff;
	_ =	sdelay $0x1  }
0x40a: {  	v22 =	vor.u32 v6, v13  }
0x40b: {  	v23 =	vshll.u32 v10, $0x10;
	v10 =	vand.u32 $0xFFFF0000, v10  }
0x40c: {  	v10 =	vsel vm0, v23, v10  }
0x40d: {  	s6 =	spop @!p0 (v2sf);
	v10 =	vadd.f32 v10, v11  }
0x40e: {  	s6 =	sand.u32 @!p0 $0xFFFFF80, s6  }
0x40f: {  	s8 =	simm.s32 @!p0 $0x14500;
	s6 =	sadd.s32 @!p0 s1, s6;
	[tilespmem:v22+s25+$0x0] =	vst.idx.msk $0xffff, v10  }
0x410: {  	[tilespmem:s8], [sflag:$0x5] =	stream.strided.gather @!p0 [hbm4b:s6+s3], $0x2000, s4, s3, $0x38;
	[tilespmem:$0x1C500] =	vst v63  }
0x411: {  	_ =	swait.ge [sflag:s31], $0x2000  }
0x412: {  	(v2sf) =	vpush v8, $0x5;
	_ =	sdelay $0x9  }
0x413: {  	v10 =	vbroadcast v9, $0x5;
	_ =	sdelay $0x1  }
0x414: {  	v11 =	vshll.u32 v10, $0x3  }
0x415: {  	v10 =	vand.u32 $0x7F, v10;
	v11 =	vand.u32 $0xFFFFFC00, v11  }
0x416: {  	v10 =	vor.u32 v10, v11  }
0x417: {  	v11 =	vor.u32 v1, v10;
	s8 =	spop (v2sf)  }
0x418: {  	s6 =	sand.u32 $0x7F, s8  }
0x419: {  	v24 =	vor.u32 s6, v0  }
0x41a: {  	[sflag:s31] =	ssyncset.done $0x0  }
0x41b: {  	[sflag:s31] =	ssyncadd.s32 $0xFFFFE000;
	s8 =	sadd.s32 $0xFFFFFFFE, s10  }
0x41c: {  	v11 =	vld.idx.msk [tilespmem:v11+s13+$0x0], $0xffff;
	v25 =	vmov s8  }
0x41d: {  	v13 =	vand.u32 $0x7D, v25  }
0x41e: {  	v13 =	vbroadcast v13, $0x0;
	v12 =	vld.idx.msk [tilespmem:v24+s21+$0x0], $0xffff;
	_ =	sdelay $0x1  }
0x41f: {  	v26 =	vor.u32 v0, v13  }
0x420: {  	v28 =	vadd.s32 v3, v10;
	v27 =	vshll.u32 v11, $0x10;
	v11 =	vand.u32 $0xFFFF0000, v11  }
0x421: {  	v11 =	vsel vm0, v27, v11  }
0x422: {  	v29 =	vor.u32 s6, v2;
	v11 =	vadd.f32 v11, v12;
	_ =	sdelay $0x1  }
0x423: {  	[tilespmem:v26+s25+$0x0] =	vst.idx.msk $0xffff, v11  }
0x424: {  	v11 =	vld.idx.msk [tilespmem:v28+s13+$0x0], $0xffff;
	_ =	sdelay $0x1  }
0x425: {  	v12 =	vld.idx.msk [tilespmem:v29+s21+$0x0], $0xffff;
	_ =	sdelay $0x1  }
0x426: {  	v30 =	vor.u32 v2, v13  }
0x427: {  	v32 =	vadd.s32 v5, v10;
	v31 =	vshll.u32 v11, $0x10;
	v11 =	vand.u32 $0xFFFF0000, v11  }
0x428: {  	v11 =	vsel vm0, v31, v11  }
0x429: {  	v33 =	vor.u32 s6, v4;
	v11 =	vadd.f32 v11, v12;
	_ =	sdelay $0x1  }
0x42a: {  	[tilespmem:v30+s25+$0x0] =	vst.idx.msk $0xffff, v11  }
0x42b: {  	v11 =	vld.idx.msk [tilespmem:v32+s13+$0x0], $0xffff;
	_ =	sdelay $0x1  }
0x42c: {  	(v2sf) =	vpush @!p0 v8, $0xD;
	v12 =	vld.idx.msk [tilespmem:v33+s21+$0x0], $0xffff;
	_ =	sdelay $0x1  }
0x42d: {  	v34 =	vor.u32 v4, v13  }
0x42e: {  	v10 =	vadd.s32 v7, v10;
	v35 =	vshll.u32 v11, $0x10;
	v11 =	vand.u32 $0xFFFF0000, v11  }
0x42f: {  	v11 =	vsel vm0, v35, v11  }
0x430: {  	v36 =	vor.u32 s6, v6;
	v11 =	vadd.f32 v11, v12;
	_ =	sdelay $0x1  }
0x431: {  	[tilespmem:v34+s25+$0x0] =	vst.idx.msk $0xffff, v11  }
0x432: {  	v10 =	vld.idx.msk [tilespmem:v10+s13+$0x0], $0xffff;
	_ =	sdelay $0x1  }
0x433: {  	v11 =	vld.idx.msk [tilespmem:v36+s21+$0x0], $0xffff;
	_ =	sdelay $0x1  }
0x434: {  	v37 =	vor.u32 v6, v13  }
0x435: {  	v38 =	vshll.u32 v10, $0x10;
	v10 =	vand.u32 $0xFFFF0000, v10  }
0x436: {  	v10 =	vsel vm0, v38, v10  }
0x437: {  	s6 =	spop @!p0 (v2sf);
	v10 =	vadd.f32 v10, v11  }
0x438: {  	s6 =	sand.u32 @!p0 $0xFFFFF80, s6  }
0x439: {  	s8 =	simm.s32 @!p0 $0x16500;
	s6 =	sadd.s32 @!p0 s1, s6;
	[tilespmem:v37+s25+$0x0] =	vst.idx.msk $0xffff, v10  }
0x43a: {  	[tilespmem:s8], [sflag:$0x6] =	stream.strided.gather @!p0 [hbm4b:s6+s3], $0x2000, s4, s3, $0x38;
	[tilespmem:$0x1C500] =	vst v63  }
0x43b: {  	_ =	swait.ge [sflag:s0], $0x2000  }
0x43c: {  	(v2sf) =	vpush v8, $0x6;
	_ =	sdelay $0x9  }
0x43d: {  	v10 =	vbroadcast v9, $0x6;
	_ =	sdelay $0x1  }
0x43e: {  	v11 =	vshll.u32 v10, $0x3  }
0x43f: {  	v10 =	vand.u32 $0x7F, v10;
	v11 =	vand.u32 $0xFFFFFC00, v11  }
0x440: {  	v10 =	vor.u32 v10, v11  }
0x441: {  	v11 =	vor.u32 v1, v10;
	s8 =	spop (v2sf)  }
0x442: {  	s6 =	sand.u32 $0x7F, s8  }
0x443: {  	v39 =	vor.u32 s6, v0  }
0x444: {  	[sflag:s0] =	ssyncset.done $0x0  }
0x445: {  	[sflag:s0] =	ssyncadd.s32 $0xFFFFE000;
	s8 =	sadd.s32 $0xFFFFFFFF, s10  }
0x446: {  	v11 =	vld.idx.msk [tilespmem:v11+s13+$0x0], $0xffff;
	v40 =	vmov s8  }
0x447: {  	v13 =	vand.u32 $0x7E, v40  }
0x448: {  	v13 =	vbroadcast v13, $0x0;
	v12 =	vld.idx.msk [tilespmem:v39+s22+$0x0], $0xffff;
	_ =	sdelay $0x1  }
0x449: {  	v41 =	vor.u32 v0, v13  }
0x44a: {  	v43 =	vadd.s32 v3, v10;
	v42 =	vshll.u32 v11, $0x10;
	v11 =	vand.u32 $0xFFFF0000, v11  }
0x44b: {  	v11 =	vsel vm0, v42, v11  }
0x44c: {  	v44 =	vor.u32 s6, v2;
	v11 =	vadd.f32 v11, v12;
	_ =	sdelay $0x1  }
0x44d: {  	[tilespmem:v41+s25+$0x0] =	vst.idx.msk $0xffff, v11  }
0x44e: {  	v11 =	vld.idx.msk [tilespmem:v43+s13+$0x0], $0xffff;
	_ =	sdelay $0x1  }
0x44f: {  	v12 =	vld.idx.msk [tilespmem:v44+s22+$0x0], $0xffff;
	_ =	sdelay $0x1  }
0x450: {  	v45 =	vor.u32 v2, v13  }
0x451: {  	v47 =	vadd.s32 v5, v10;
	v46 =	vshll.u32 v11, $0x10;
	v11 =	vand.u32 $0xFFFF0000, v11  }
0x452: {  	v11 =	vsel vm0, v46, v11  }
0x453: {  	v48 =	vor.u32 s6, v4;
	v11 =	vadd.f32 v11, v12;
	_ =	sdelay $0x1  }
0x454: {  	[tilespmem:v45+s25+$0x0] =	vst.idx.msk $0xffff, v11  }
0x455: {  	v11 =	vld.idx.msk [tilespmem:v47+s13+$0x0], $0xffff;
	_ =	sdelay $0x1  }
0x456: {  	(v2sf) =	vpush @!p0 v8, $0xE;
	v12 =	vld.idx.msk [tilespmem:v48+s22+$0x0], $0xffff;
	_ =	sdelay $0x1  }
0x457: {  	v49 =	vor.u32 v4, v13  }
0x458: {  	v10 =	vadd.s32 v7, v10;
	v50 =	vshll.u32 v11, $0x10;
	v11 =	vand.u32 $0xFFFF0000, v11  }
0x459: {  	v11 =	vsel vm0, v50, v11  }
0x45a: {  	v51 =	vor.u32 s6, v6;
	v11 =	vadd.f32 v11, v12;
	_ =	sdelay $0x1  }
0x45b: {  	[tilespmem:v49+s25+$0x0] =	vst.idx.msk $0xffff, v11  }
0x45c: {  	v10 =	vld.idx.msk [tilespmem:v10+s13+$0x0], $0xffff;
	_ =	sdelay $0x1  }
0x45d: {  	v11 =	vld.idx.msk [tilespmem:v51+s22+$0x0], $0xffff;
	_ =	sdelay $0x1  }
0x45e: {  	v52 =	vor.u32 v6, v13  }
0x45f: {  	v53 =	vshll.u32 v10, $0x10;
	v10 =	vand.u32 $0xFFFF0000, v10  }
0x460: {  	v10 =	vsel vm0, v53, v10  }
0x461: {  	s6 =	spop @!p0 (v2sf);
	v10 =	vadd.f32 v10, v11  }
0x462: {  	s6 =	sand.u32 @!p0 $0xFFFFF80, s6  }
0x463: {  	s8 =	simm.s32 @!p0 $0x18500;
	s6 =	sadd.s32 @!p0 s1, s6;
	[tilespmem:v52+s25+$0x0] =	vst.idx.msk $0xffff, v10  }
0x464: {  	[tilespmem:s8], [sflag:$0x7] =	stream.strided.gather @!p0 [hbm4b:s6+s3], $0x2000, s4, s3, $0x38;
	[tilespmem:$0x1C500] =	vst v63  }
0x465: {  	_ =	swait.ge [sflag:s2], $0x2000  }
0x466: {  	(v2sf) =	vpush v8, $0x7;
	_ =	sdelay $0x9  }
0x467: {  	v9 =	vbroadcast v9, $0x7;
	_ =	sdelay $0x1  }
0x468: {  	v10 =	vshll.u32 v9, $0x3  }
0x469: {  	v9 =	vand.u32 $0x7F, v9;
	v10 =	vand.u32 $0xFFFFFC00, v10  }
0x46a: {  	v9 =	vor.u32 v9, v10  }
0x46b: {  	v10 =	vor.u32 v1, v9;
	s8 =	spop (v2sf)  }
0x46c: {  	s3 =	sand.u32 $0x7F, s8  }
0x46d: {  	v11 =	vor.u32 s3, v0  }
0x46e: {  	[sflag:s2] =	ssyncset.done $0x0  }
0x46f: {  	[sflag:s2] =	ssyncadd.s32 $0xFFFFE000  }
0x470: {  	v54 =	vmov s10;
	v10 =	vld.idx.msk [tilespmem:v10+s13+$0x0], $0xffff  }
0x471: {  	v12 =	vand.u32 $0x7F, v54  }
0x472: {  	v12 =	vbroadcast v12, $0x0;
	v11 =	vld.idx.msk [tilespmem:v11+s23+$0x0], $0xffff;
	_ =	sdelay $0x1  }
0x473: {  	v55 =	vor.u32 v0, v12  }
0x474: {  	v57 =	vadd.s32 v3, v9;
	v56 =	vshll.u32 v10, $0x10;
	v10 =	vand.u32 $0xFFFF0000, v10  }
0x475: {  	v10 =	vsel vm0, v56, v10  }
0x476: {  	v10 =	vadd.f32 v10, v11;
	v11 =	vor.u32 s3, v2;
	_ =	sdelay $0x1  }
0x477: {  	[tilespmem:v55+s25+$0x0] =	vst.idx.msk $0xffff, v10  }
0x478: {  	v10 =	vld.idx.msk [tilespmem:v57+s13+$0x0], $0xffff;
	_ =	sdelay $0x1  }
0x479: {  	v11 =	vld.idx.msk [tilespmem:v11+s23+$0x0], $0xffff;
	_ =	sdelay $0x1  }
0x47a: {  	v58 =	vor.u32 v2, v12  }
0x47b: {  	v60 =	vadd.s32 v5, v9;
	v59 =	vshll.u32 v10, $0x10;
	v10 =	vand.u32 $0xFFFF0000, v10  }
0x47c: {  	v10 =	vsel vm0, v59, v10  }
0x47d: {  	v10 =	vadd.f32 v10, v11;
	v11 =	vor.u32 s3, v4;
	_ =	sdelay $0x1  }
0x47e: {  	[tilespmem:v58+s25+$0x0] =	vst.idx.msk $0xffff, v10  }
0x47f: {  	v10 =	vld.idx.msk [tilespmem:v60+s13+$0x0], $0xffff;
	_ =	sdelay $0x1  }
0x480: {  	v11 =	vld.idx.msk [tilespmem:v11+s23+$0x0], $0xffff;
	_ =	sdelay $0x1  }
0x481: {  	v61 =	vor.u32 v4, v12  }
0x482: {  	v9 =	vadd.s32 v7, v9;
	v62 =	vshll.u32 v10, $0x10;
	v10 =	vand.u32 $0xFFFF0000, v10  }
0x483: {  	v10 =	vsel vm0, v62, v10  }
0x484: {  	v10 =	vadd.f32 v10, v11;
	v11 =	vor.u32 s3, v6;
	_ =	sdelay $0x1  }
0x485: {  	[tilespmem:v61+s25+$0x0] =	vst.idx.msk $0xffff, v10  }
0x486: {  	v9 =	vld.idx.msk [tilespmem:v9+s13+$0x0], $0xffff;
	_ =	sdelay $0x1  }
0x487: {  	v10 =	vld.idx.msk [tilespmem:v11+s23+$0x0], $0xffff;
	_ =	sdelay $0x1  }
0x488: {  	v11 =	vor.u32 v6, v12  }
.Ltmp6:
0x489: {  	v63 =	vshll.u32 v9, $0x10;
	v9 =	vand.u32 $0xFFFF0000, v9;
	(pc) =	sbr.rel @p0 .LBB2_10-.Ltmp6, $3  }
0x48a: {  	v9 =	vsel vm0, v63, v9  }
0x48b: {  	v9 =	vadd.f32 v9, v10;
	_ =	sdelay $0x1  }
0x48c: {  	[tilespmem:v11+s25+$0x0] =	vst.idx.msk $0xffff, v9  }
0x48d: {  	(v2sf) =	vpush v8, $0xF;
	_ =	sdelay $0xd  }
.Ltmp7:
0x48e: {  	_ = 	snop;
	(pc) =	sbr.rel .LBB2_8-.Ltmp7, $4  }
0x48f: {  	s3 =	spop (v2sf)  }
0x490: {  	s10 =	sadd.s32 $0x8, s10;
	s3 =	sand.u32 $0xFFFFF80, s3  }
0x491: {  	s11 =	sadd.s32 $0x8, s11;
	s7 =	sadd.s32 $0x8, s7;
	s3 =	sadd.s32 s1, s3  }
0x492: {  	[tilespmem:s23], [sflag:$0x8] =	stream.strided.gather [hbm4b:s3+s14], $0x2000, s15, s14, $0x38;
	[tilespmem:$0x1C500] =	vst v63  }
.LBB2_10:
0x493: {  	s10 =	simm.s32 $0x400;
	s3 =	rddreg [dreg:$0xb];
	s4 =	simm.s32 $0x20000  }
0x494: {  	[hbm4b:s3+s10] =	stream.strided.scatter [tilespmem:s25], [sflag:$0x9], $0x2000, s4, s10, $0x38;
	[tilespmem:$0x1C500] =	vst v63  }
0x495: {  	s4 =	simm.s32 $0xA  }
0x496: {  	_ =	swait.ge [sflag:s4], $0x2000  }
0x497: {  	[sflag:s4] =	ssyncset.done $0x0  }
0x498: {  	[sflag:s4] =	ssyncadd.s32 $0xFFFFE000  }
0x499: {  	v8 =	vld [tilespmem:$0x180];
	_ =	sdelay $0x4  }
0x49a: {  	(v2sf) =	vpush v8, $0x0  }
0x49b: {  	(v2sf) =	vpush v8, $0x1;
	_ =	sdelay $0x1  }
0x49c: {  	(v2sf) =	vpush v8, $0x2;
	_ =	sdelay $0x4  }
0x49d: {  	(v2sf) =	vpush v8, $0x3  }
0x49e: {  	(v2sf) =	vpush v8, $0x4;
	_ =	sdelay $0x5  }
0x49f: {  	s6 =	spop (v2sf);
	(v2sf) =	vpush v8, $0x5  }
0x4a0: {  	s7 =	spop (v2sf);
	(v2sf) =	vpush v8, $0x6  }
0x4a1: {  	s3 =	sand.u32 $0xFFFFF80, s6  }
0x4a2: {  	s3 =	sadd.s32 s1, s3;
	s8 =	spop (v2sf)  }
0x4a3: {  	(v2sf) =	vpush v8, $0x7;
	[tilespmem:s16], [sflag:$0x1] =	stream.strided.gather [hbm4b:s3+s10], $0x2000, s15, s10, $0x38;
	[tilespmem:$0x1C500] =	vst v63  }
0x4a4: {  	s3 =	sand.u32 $0xFFFFF80, s7  }
0x4a5: {  	s3 =	sadd.s32 s1, s3  }
0x4a6: {  	[tilespmem:s17], [sflag:$0x2] =	stream.strided.gather [hbm4b:s3+s10], $0x2000, s15, s10, $0x38;
	[tilespmem:$0x1C500] =	vst v63  }
0x4a7: {  	s11 =	spop (v2sf);
	s3 =	sand.u32 $0xFFFFF80, s8  }
0x4a8: {  	s6 =	sand.u32 $0xFFFFF80, s11;
	s7 =	spop (v2sf);
	s3 =	sadd.s32 s1, s3  }
0x4a9: {  	[tilespmem:s18], [sflag:$0x3] =	stream.strided.gather [hbm4b:s3+s10], $0x2000, s15, s10, $0x38;
	[tilespmem:$0x1C500] =	vst v63  }
0x4aa: {  	s8 =	sand.u32 $0xFFFFF80, s7;
	s3 =	sadd.s32 s1, s6  }
0x4ab: {  	[tilespmem:s19], [sflag:$0x4] =	stream.strided.gather [hbm4b:s3+s10], $0x2000, s15, s10, $0x38;
	[tilespmem:$0x1C500] =	vst v63  }
0x4ac: {  	s3 =	sadd.s32 s1, s8  }
0x4ad: {  	[tilespmem:s20], [sflag:$0x5] =	stream.strided.gather [hbm4b:s3+s10], $0x2000, s15, s10, $0x38;
	[tilespmem:$0x1C500] =	vst v63  }
0x4ae: {  	s11 =	spop (v2sf)  }
0x4af: {  	s6 =	sand.u32 $0xFFFFF80, s11;
	s7 =	spop (v2sf)  }
0x4b0: {  	s3 =	sadd.s32 s1, s6;
	s8 =	sand.u32 $0xFFFFF80, s7  }
0x4b1: {  	[tilespmem:s21], [sflag:$0x6] =	stream.strided.gather [hbm4b:s3+s10], $0x2000, s15, s10, $0x38;
	[tilespmem:$0x1C500] =	vst v63  }
0x4b2: {  	s11 =	spop (v2sf);
	s3 =	sadd.s32 s1, s8  }
0x4b3: {  	[tilespmem:s22], [sflag:$0x7] =	stream.strided.gather [hbm4b:s3+s10], $0x2000, s15, s10, $0x38;
	[tilespmem:$0x1C500] =	vst v63  }
0x4b4: {  	s3 =	sand.u32 $0xFFFFF80, s11  }
0x4b5: {  	s7 =	simm.s32 $0x180;
	s11 =	simm.s32 $0x7;
	s3 =	sadd.s32 s1, s3  }
0x4b6: {  	[tilespmem:s23], [sflag:$0x8] =	stream.strided.gather [hbm4b:s3+s10], $0x2000, s15, s10, $0x38;
	[tilespmem:$0x1C500] =	vst v63  }
.LBB2_11:
0x4b7: {  	v8 =	vld [tilespmem:s7+$0x0];
	_ =	sdelay $0x3  }
0x4b8: {  	v9 =	vld [tilespmem:s10+$0x0];
	_ =	swait.ge [sflag:s24], $0x2000  }
0x4b9: {  	(v2sf) =	vpush v8, $0x0;
	_ =	sdelay $0x9  }
0x4ba: {  	v10 =	vbroadcast v9, $0x0;
	_ =	sdelay $0x1  }
0x4bb: {  	v11 =	vshll.u32 v10, $0x3  }
0x4bc: {  	v10 =	vand.u32 $0x7F, v10;
	v11 =	vand.u32 $0xFFFFFC00, v11  }
0x4bd: {  	v10 =	vor.u32 v10, v11  }
0x4be: {  	v11 =	vor.u32 v1, v10;
	s3 =	spop (v2sf)  }
0x4bf: {  	s3 =	sand.u32 $0x7F, s3  }
0x4c0: {  	v12 =	vor.u32 s3, v0  }
0x4c1: {  	[sflag:s24] =	ssyncset.done $0x0  }
0x4c2: {  	s4 =	sadd.s32 $0xFFFFFFF9, s11;
	[sflag:s24] =	ssyncadd.s32 $0xFFFFE000  }
0x4c3: {  	v13 =	vmov s4;
	v11 =	vld.idx.msk [tilespmem:v11+s13+$0x0], $0xffff  }
0x4c4: {  	v13 =	vand.u32 $0x78, v13  }
0x4c5: {  	v13 =	vbroadcast v13, $0x0;
	v12 =	vld.idx.msk [tilespmem:v12+s16+$0x0], $0xffff;
	_ =	sdelay $0x1  }
0x4c6: {  	v14 =	vor.u32 v0, v13  }
0x4c7: {  	v16 =	vadd.s32 v3, v10;
	v15 =	vshll.u32 v11, $0x10;
	v11 =	vand.u32 $0xFFFF0000, v11  }
0x4c8: {  	v11 =	vsel vm0, v15, v11  }
0x4c9: {  	v45 =	vor.u32 s3, v2;
	v11 =	vadd.f32 v11, v12;
	_ =	sdelay $0x1  }
0x4ca: {  	[tilespmem:v14+s5+$0x0] =	vst.idx.msk $0xffff, v11  }
0x4cb: {  	v11 =	vld.idx.msk [tilespmem:v16+s13+$0x0], $0xffff;
	_ =	sdelay $0x1  }
0x4cc: {  	v12 =	vld.idx.msk [tilespmem:v45+s16+$0x0], $0xffff;
	_ =	sdelay $0x1  }
0x4cd: {  	v46 =	vor.u32 v2, v13  }
0x4ce: {  	v48 =	vadd.s32 v5, v10;
	v47 =	vshll.u32 v11, $0x10;
	v11 =	vand.u32 $0xFFFF0000, v11  }
0x4cf: {  	v11 =	vsel vm0, v47, v11  }
0x4d0: {  	v49 =	vor.u32 s3, v4;
	v11 =	vadd.f32 v11, v12;
	_ =	sdelay $0x1  }
0x4d1: {  	[tilespmem:v46+s5+$0x0] =	vst.idx.msk $0xffff, v11  }
0x4d2: {  	v11 =	vld.idx.msk [tilespmem:v48+s13+$0x0], $0xffff  }
0x4d3: {  	p0 =	seq.s32 s11, $0x7F  }
0x4d4: {  	(v2sf) =	vpush @!p0 v8, $0x8;
	v12 =	vld.idx.msk [tilespmem:v49+s16+$0x0], $0xffff;
	_ =	sdelay $0x1  }
0x4d5: {  	v50 =	vor.u32 v4, v13  }
0x4d6: {  	v10 =	vadd.s32 v7, v10;
	v51 =	vshll.u32 v11, $0x10;
	v11 =	vand.u32 $0xFFFF0000, v11  }
0x4d7: {  	v11 =	vsel vm0, v51, v11  }
0x4d8: {  	v52 =	vor.u32 s3, v6;
	v11 =	vadd.f32 v11, v12;
	_ =	sdelay $0x1  }
0x4d9: {  	[tilespmem:v50+s5+$0x0] =	vst.idx.msk $0xffff, v11  }
0x4da: {  	v10 =	vld.idx.msk [tilespmem:v10+s13+$0x0], $0xffff;
	_ =	sdelay $0x1  }
0x4db: {  	v11 =	vld.idx.msk [tilespmem:v52+s16+$0x0], $0xffff;
	_ =	sdelay $0x1  }
0x4dc: {  	v53 =	vor.u32 v6, v13  }
0x4dd: {  	v54 =	vshll.u32 v10, $0x10;
	v10 =	vand.u32 $0xFFFF0000, v10  }
0x4de: {  	v10 =	vsel vm0, v54, v10  }
0x4df: {  	s3 =	spop @!p0 (v2sf);
	v10 =	vadd.f32 v10, v11  }
0x4e0: {  	s4 =	simm.s32 @!p0 $0x7A1400;
	s3 =	sand.u32 @!p0 $0xFFFFF80, s3  }
0x4e1: {  	s8 =	simm.s32 @!p0 $0xC500;
	s6 =	sadd.s32 @!p0 s1, s3;
	s3 =	simm.s32 @!p0 $0x400;
	[tilespmem:v53+s5+$0x0] =	vst.idx.msk $0xffff, v10  }
0x4e2: {  	[tilespmem:s8], [sflag:$0x1] =	stream.strided.gather @!p0 [hbm4b:s6+s3], $0x2000, s4, s3, $0x38;
	[tilespmem:$0x1C500] =	vst v63  }
0x4e3: {  	_ =	swait.ge [sflag:s26], $0x2000  }
0x4e4: {  	(v2sf) =	vpush v8, $0x1;
	_ =	sdelay $0x9  }
0x4e5: {  	v10 =	vbroadcast v9, $0x1;
	_ =	sdelay $0x1  }
0x4e6: {  	v11 =	vshll.u32 v10, $0x3  }
0x4e7: {  	v10 =	vand.u32 $0x7F, v10;
	v11 =	vand.u32 $0xFFFFFC00, v11  }
0x4e8: {  	v10 =	vor.u32 v10, v11  }
0x4e9: {  	v11 =	vor.u32 v1, v10;
	s8 =	spop (v2sf)  }
0x4ea: {  	s6 =	sand.u32 $0x7F, s8  }
0x4eb: {  	v55 =	vor.u32 s6, v0  }
0x4ec: {  	[sflag:s26] =	ssyncset.done $0x0  }
0x4ed: {  	[sflag:s26] =	ssyncadd.s32 $0xFFFFE000;
	s8 =	sadd.s32 $0xFFFFFFFA, s11  }
0x4ee: {  	v11 =	vld.idx.msk [tilespmem:v11+s13+$0x0], $0xffff;
	v56 =	vmov s8  }
0x4ef: {  	v13 =	vand.u32 $0x79, v56  }
0x4f0: {  	v13 =	vbroadcast v13, $0x0;
	v12 =	vld.idx.msk [tilespmem:v55+s17+$0x0], $0xffff;
	_ =	sdelay $0x1  }
0x4f1: {  	v57 =	vor.u32 v0, v13  }
0x4f2: {  	v59 =	vadd.s32 v3, v10;
	v58 =	vshll.u32 v11, $0x10;
	v11 =	vand.u32 $0xFFFF0000, v11  }
0x4f3: {  	v11 =	vsel vm0, v58, v11  }
0x4f4: {  	v60 =	vor.u32 s6, v2;
	v11 =	vadd.f32 v11, v12;
	_ =	sdelay $0x1  }
0x4f5: {  	[tilespmem:v57+s5+$0x0] =	vst.idx.msk $0xffff, v11  }
0x4f6: {  	v11 =	vld.idx.msk [tilespmem:v59+s13+$0x0], $0xffff;
	_ =	sdelay $0x1  }
0x4f7: {  	v12 =	vld.idx.msk [tilespmem:v60+s17+$0x0], $0xffff;
	_ =	sdelay $0x1  }
0x4f8: {  	v61 =	vor.u32 v2, v13  }
0x4f9: {  	v63 =	vadd.s32 v5, v10;
	v62 =	vshll.u32 v11, $0x10;
	v11 =	vand.u32 $0xFFFF0000, v11  }
0x4fa: {  	v11 =	vsel vm0, v62, v11  }
0x4fb: {  	v19 =	vor.u32 s6, v4;
	v11 =	vadd.f32 v11, v12;
	_ =	sdelay $0x1  }
0x4fc: {  	[tilespmem:v61+s5+$0x0] =	vst.idx.msk $0xffff, v11  }
0x4fd: {  	v11 =	vld.idx.msk [tilespmem:v63+s13+$0x0], $0xffff;
	_ =	sdelay $0x1  }
0x4fe: {  	(v2sf) =	vpush @!p0 v8, $0x9;
	v12 =	vld.idx.msk [tilespmem:v19+s17+$0x0], $0xffff;
	_ =	sdelay $0x1  }
0x4ff: {  	v20 =	vor.u32 v4, v13  }
0x500: {  	v10 =	vadd.s32 v7, v10;
	v21 =	vshll.u32 v11, $0x10;
	v11 =	vand.u32 $0xFFFF0000, v11  }
0x501: {  	v11 =	vsel vm0, v21, v11  }
0x502: {  	v22 =	vor.u32 s6, v6;
	v11 =	vadd.f32 v11, v12;
	_ =	sdelay $0x1  }
0x503: {  	[tilespmem:v20+s5+$0x0] =	vst.idx.msk $0xffff, v11  }
0x504: {  	v10 =	vld.idx.msk [tilespmem:v10+s13+$0x0], $0xffff;
	_ =	sdelay $0x1  }
0x505: {  	v11 =	vld.idx.msk [tilespmem:v22+s17+$0x0], $0xffff;
	_ =	sdelay $0x1  }
0x506: {  	v23 =	vor.u32 v6, v13  }
0x507: {  	v24 =	vshll.u32 v10, $0x10;
	v10 =	vand.u32 $0xFFFF0000, v10  }
0x508: {  	v10 =	vsel vm0, v24, v10  }
0x509: {  	s6 =	spop @!p0 (v2sf);
	v10 =	vadd.f32 v10, v11  }
0x50a: {  	s6 =	sand.u32 @!p0 $0xFFFFF80, s6  }
0x50b: {  	s8 =	simm.s32 @!p0 $0xE500;
	s6 =	sadd.s32 @!p0 s1, s6;
	[tilespmem:v23+s5+$0x0] =	vst.idx.msk $0xffff, v10  }
0x50c: {  	[tilespmem:s8], [sflag:$0x2] =	stream.strided.gather @!p0 [hbm4b:s6+s3], $0x2000, s4, s3, $0x38;
	[tilespmem:$0x1C500] =	vst v63  }
0x50d: {  	_ =	swait.ge [sflag:s28], $0x2000  }
0x50e: {  	(v2sf) =	vpush v8, $0x2;
	_ =	sdelay $0x9  }
0x50f: {  	v10 =	vbroadcast v9, $0x2;
	_ =	sdelay $0x1  }
0x510: {  	v11 =	vshll.u32 v10, $0x3  }
0x511: {  	v10 =	vand.u32 $0x7F, v10;
	v11 =	vand.u32 $0xFFFFFC00, v11  }
0x512: {  	v10 =	vor.u32 v10, v11  }
0x513: {  	v11 =	vor.u32 v1, v10;
	s8 =	spop (v2sf)  }
0x514: {  	s6 =	sand.u32 $0x7F, s8  }
0x515: {  	v25 =	vor.u32 s6, v0  }
0x516: {  	[sflag:s28] =	ssyncset.done $0x0  }
0x517: {  	[sflag:s28] =	ssyncadd.s32 $0xFFFFE000;
	s8 =	sadd.s32 $0xFFFFFFFB, s11  }
0x518: {  	v11 =	vld.idx.msk [tilespmem:v11+s13+$0x0], $0xffff;
	v26 =	vmov s8  }
0x519: {  	v13 =	vand.u32 $0x7A, v26  }
0x51a: {  	v13 =	vbroadcast v13, $0x0;
	v12 =	vld.idx.msk [tilespmem:v25+s18+$0x0], $0xffff;
	_ =	sdelay $0x1  }
0x51b: {  	v27 =	vor.u32 v0, v13  }
0x51c: {  	v29 =	vadd.s32 v3, v10;
	v28 =	vshll.u32 v11, $0x10;
	v11 =	vand.u32 $0xFFFF0000, v11  }
0x51d: {  	v11 =	vsel vm0, v28, v11  }
0x51e: {  	v30 =	vor.u32 s6, v2;
	v11 =	vadd.f32 v11, v12;
	_ =	sdelay $0x1  }
0x51f: {  	[tilespmem:v27+s5+$0x0] =	vst.idx.msk $0xffff, v11  }
0x520: {  	v11 =	vld.idx.msk [tilespmem:v29+s13+$0x0], $0xffff;
	_ =	sdelay $0x1  }
0x521: {  	v12 =	vld.idx.msk [tilespmem:v30+s18+$0x0], $0xffff;
	_ =	sdelay $0x1  }
0x522: {  	v31 =	vor.u32 v2, v13  }
0x523: {  	v33 =	vadd.s32 v5, v10;
	v32 =	vshll.u32 v11, $0x10;
	v11 =	vand.u32 $0xFFFF0000, v11  }
0x524: {  	v11 =	vsel vm0, v32, v11  }
0x525: {  	v34 =	vor.u32 s6, v4;
	v11 =	vadd.f32 v11, v12;
	_ =	sdelay $0x1  }
0x526: {  	[tilespmem:v31+s5+$0x0] =	vst.idx.msk $0xffff, v11  }
0x527: {  	v11 =	vld.idx.msk [tilespmem:v33+s13+$0x0], $0xffff;
	_ =	sdelay $0x1  }
0x528: {  	(v2sf) =	vpush @!p0 v8, $0xA;
	v12 =	vld.idx.msk [tilespmem:v34+s18+$0x0], $0xffff;
	_ =	sdelay $0x1  }
0x529: {  	v35 =	vor.u32 v4, v13  }
0x52a: {  	v10 =	vadd.s32 v7, v10;
	v36 =	vshll.u32 v11, $0x10;
	v11 =	vand.u32 $0xFFFF0000, v11  }
0x52b: {  	v11 =	vsel vm0, v36, v11  }
0x52c: {  	v37 =	vor.u32 s6, v6;
	v11 =	vadd.f32 v11, v12;
	_ =	sdelay $0x1  }
0x52d: {  	[tilespmem:v35+s5+$0x0] =	vst.idx.msk $0xffff, v11  }
0x52e: {  	v10 =	vld.idx.msk [tilespmem:v10+s13+$0x0], $0xffff;
	_ =	sdelay $0x1  }
0x52f: {  	v11 =	vld.idx.msk [tilespmem:v37+s18+$0x0], $0xffff;
	_ =	sdelay $0x1  }
0x530: {  	v38 =	vor.u32 v6, v13  }
0x531: {  	v39 =	vshll.u32 v10, $0x10;
	v10 =	vand.u32 $0xFFFF0000, v10  }
0x532: {  	v10 =	vsel vm0, v39, v10  }
0x533: {  	s6 =	spop @!p0 (v2sf);
	v10 =	vadd.f32 v10, v11  }
0x534: {  	s6 =	sand.u32 @!p0 $0xFFFFF80, s6  }
0x535: {  	s8 =	simm.s32 @!p0 $0x10500;
	s6 =	sadd.s32 @!p0 s1, s6;
	[tilespmem:v38+s5+$0x0] =	vst.idx.msk $0xffff, v10  }
0x536: {  	[tilespmem:s8], [sflag:$0x3] =	stream.strided.gather @!p0 [hbm4b:s6+s3], $0x2000, s4, s3, $0x38;
	[tilespmem:$0x1C500] =	vst v63  }
0x537: {  	_ =	swait.ge [sflag:s29], $0x2000  }
0x538: {  	(v2sf) =	vpush v8, $0x3;
	_ =	sdelay $0x9  }
0x539: {  	v10 =	vbroadcast v9, $0x3;
	_ =	sdelay $0x1  }
0x53a: {  	v11 =	vshll.u32 v10, $0x3  }
0x53b: {  	v10 =	vand.u32 $0x7F, v10;
	v11 =	vand.u32 $0xFFFFFC00, v11  }
0x53c: {  	v10 =	vor.u32 v10, v11  }
0x53d: {  	v11 =	vor.u32 v1, v10;
	s8 =	spop (v2sf)  }
0x53e: {  	s6 =	sand.u32 $0x7F, s8  }
0x53f: {  	v40 =	vor.u32 s6, v0  }
0x540: {  	[sflag:s29] =	ssyncset.done $0x0  }
0x541: {  	[sflag:s29] =	ssyncadd.s32 $0xFFFFE000;
	s8 =	sadd.s32 $0xFFFFFFFC, s11  }
0x542: {  	v11 =	vld.idx.msk [tilespmem:v11+s13+$0x0], $0xffff;
	v41 =	vmov s8  }
0x543: {  	v13 =	vand.u32 $0x7B, v41  }
0x544: {  	v13 =	vbroadcast v13, $0x0;
	v12 =	vld.idx.msk [tilespmem:v40+s19+$0x0], $0xffff;
	_ =	sdelay $0x1  }
0x545: {  	v42 =	vor.u32 v0, v13  }
0x546: {  	v44 =	vadd.s32 v3, v10;
	v43 =	vshll.u32 v11, $0x10;
	v11 =	vand.u32 $0xFFFF0000, v11  }
0x547: {  	v11 =	vsel vm0, v43, v11  }
0x548: {  	v45 =	vor.u32 s6, v2;
	v11 =	vadd.f32 v11, v12;
	_ =	sdelay $0x1  }
0x549: {  	[tilespmem:v42+s5+$0x0] =	vst.idx.msk $0xffff, v11  }
0x54a: {  	v11 =	vld.idx.msk [tilespmem:v44+s13+$0x0], $0xffff;
	_ =	sdelay $0x1  }
0x54b: {  	v12 =	vld.idx.msk [tilespmem:v45+s19+$0x0], $0xffff;
	_ =	sdelay $0x1  }
0x54c: {  	v46 =	vor.u32 v2, v13  }
0x54d: {  	v48 =	vadd.s32 v5, v10;
	v47 =	vshll.u32 v11, $0x10;
	v11 =	vand.u32 $0xFFFF0000, v11  }
0x54e: {  	v11 =	vsel vm0, v47, v11  }
0x54f: {  	v49 =	vor.u32 s6, v4;
	v11 =	vadd.f32 v11, v12;
	_ =	sdelay $0x1  }
0x550: {  	[tilespmem:v46+s5+$0x0] =	vst.idx.msk $0xffff, v11  }
0x551: {  	v11 =	vld.idx.msk [tilespmem:v48+s13+$0x0], $0xffff;
	_ =	sdelay $0x1  }
0x552: {  	(v2sf) =	vpush @!p0 v8, $0xB;
	v12 =	vld.idx.msk [tilespmem:v49+s19+$0x0], $0xffff;
	_ =	sdelay $0x1  }
0x553: {  	v50 =	vor.u32 v4, v13  }
0x554: {  	v10 =	vadd.s32 v7, v10;
	v51 =	vshll.u32 v11, $0x10;
	v11 =	vand.u32 $0xFFFF0000, v11  }
0x555: {  	v11 =	vsel vm0, v51, v11  }
0x556: {  	v52 =	vor.u32 s6, v6;
	v11 =	vadd.f32 v11, v12;
	_ =	sdelay $0x1  }
0x557: {  	[tilespmem:v50+s5+$0x0] =	vst.idx.msk $0xffff, v11  }
0x558: {  	v10 =	vld.idx.msk [tilespmem:v10+s13+$0x0], $0xffff;
	_ =	sdelay $0x1  }
0x559: {  	v11 =	vld.idx.msk [tilespmem:v52+s19+$0x0], $0xffff;
	_ =	sdelay $0x1  }
0x55a: {  	v53 =	vor.u32 v6, v13  }
0x55b: {  	v54 =	vshll.u32 v10, $0x10;
	v10 =	vand.u32 $0xFFFF0000, v10  }
0x55c: {  	v10 =	vsel vm0, v54, v10  }
0x55d: {  	s6 =	spop @!p0 (v2sf);
	v10 =	vadd.f32 v10, v11  }
0x55e: {  	s6 =	sand.u32 @!p0 $0xFFFFF80, s6  }
0x55f: {  	s8 =	simm.s32 @!p0 $0x12500;
	s6 =	sadd.s32 @!p0 s1, s6;
	[tilespmem:v53+s5+$0x0] =	vst.idx.msk $0xffff, v10  }
0x560: {  	[tilespmem:s8], [sflag:$0x4] =	stream.strided.gather @!p0 [hbm4b:s6+s3], $0x2000, s4, s3, $0x38;
	[tilespmem:$0x1C500] =	vst v63  }
0x561: {  	_ =	swait.ge [sflag:s30], $0x2000  }
0x562: {  	(v2sf) =	vpush v8, $0x4;
	_ =	sdelay $0x9  }
0x563: {  	v10 =	vbroadcast v9, $0x4;
	_ =	sdelay $0x1  }
0x564: {  	v11 =	vshll.u32 v10, $0x3  }
0x565: {  	v10 =	vand.u32 $0x7F, v10;
	v11 =	vand.u32 $0xFFFFFC00, v11  }
0x566: {  	v10 =	vor.u32 v10, v11  }
0x567: {  	v11 =	vor.u32 v1, v10;
	s8 =	spop (v2sf)  }
0x568: {  	s6 =	sand.u32 $0x7F, s8  }
0x569: {  	v55 =	vor.u32 s6, v0  }
0x56a: {  	[sflag:s30] =	ssyncset.done $0x0  }
0x56b: {  	[sflag:s30] =	ssyncadd.s32 $0xFFFFE000;
	s8 =	sadd.s32 $0xFFFFFFFD, s11  }
0x56c: {  	v11 =	vld.idx.msk [tilespmem:v11+s13+$0x0], $0xffff;
	v56 =	vmov s8  }
0x56d: {  	v13 =	vand.u32 $0x7C, v56  }
0x56e: {  	v13 =	vbroadcast v13, $0x0;
	v12 =	vld.idx.msk [tilespmem:v55+s20+$0x0], $0xffff;
	_ =	sdelay $0x1  }
0x56f: {  	v57 =	vor.u32 v0, v13  }
0x570: {  	v59 =	vadd.s32 v3, v10;
	v58 =	vshll.u32 v11, $0x10;
	v11 =	vand.u32 $0xFFFF0000, v11  }
0x571: {  	v11 =	vsel vm0, v58, v11  }
0x572: {  	v60 =	vor.u32 s6, v2;
	v11 =	vadd.f32 v11, v12;
	_ =	sdelay $0x1  }
0x573: {  	[tilespmem:v57+s5+$0x0] =	vst.idx.msk $0xffff, v11  }
0x574: {  	v11 =	vld.idx.msk [tilespmem:v59+s13+$0x0], $0xffff;
	_ =	sdelay $0x1  }
0x575: {  	v12 =	vld.idx.msk [tilespmem:v60+s20+$0x0], $0xffff;
	_ =	sdelay $0x1  }
0x576: {  	v61 =	vor.u32 v2, v13  }
0x577: {  	v63 =	vadd.s32 v5, v10;
	v62 =	vshll.u32 v11, $0x10;
	v11 =	vand.u32 $0xFFFF0000, v11  }
0x578: {  	v11 =	vsel vm0, v62, v11  }
0x579: {  	v18 =	vor.u32 s6, v4;
	v11 =	vadd.f32 v11, v12;
	_ =	sdelay $0x1  }
0x57a: {  	[tilespmem:v61+s5+$0x0] =	vst.idx.msk $0xffff, v11  }
0x57b: {  	v11 =	vld.idx.msk [tilespmem:v63+s13+$0x0], $0xffff;
	_ =	sdelay $0x1  }
0x57c: {  	(v2sf) =	vpush @!p0 v8, $0xC;
	v12 =	vld.idx.msk [tilespmem:v18+s20+$0x0], $0xffff;
	_ =	sdelay $0x1  }
0x57d: {  	v19 =	vor.u32 v4, v13  }
0x57e: {  	v10 =	vadd.s32 v7, v10;
	v20 =	vshll.u32 v11, $0x10;
	v11 =	vand.u32 $0xFFFF0000, v11  }
0x57f: {  	v11 =	vsel vm0, v20, v11  }
0x580: {  	v21 =	vor.u32 s6, v6;
	v11 =	vadd.f32 v11, v12;
	_ =	sdelay $0x1  }
0x581: {  	[tilespmem:v19+s5+$0x0] =	vst.idx.msk $0xffff, v11  }
0x582: {  	v10 =	vld.idx.msk [tilespmem:v10+s13+$0x0], $0xffff;
	_ =	sdelay $0x1  }
0x583: {  	v11 =	vld.idx.msk [tilespmem:v21+s20+$0x0], $0xffff;
	_ =	sdelay $0x1  }
0x584: {  	v22 =	vor.u32 v6, v13  }
0x585: {  	v23 =	vshll.u32 v10, $0x10;
	v10 =	vand.u32 $0xFFFF0000, v10  }
0x586: {  	v10 =	vsel vm0, v23, v10  }
0x587: {  	s6 =	spop @!p0 (v2sf);
	v10 =	vadd.f32 v10, v11  }
0x588: {  	s6 =	sand.u32 @!p0 $0xFFFFF80, s6  }
0x589: {  	s8 =	simm.s32 @!p0 $0x14500;
	s6 =	sadd.s32 @!p0 s1, s6;
	[tilespmem:v22+s5+$0x0] =	vst.idx.msk $0xffff, v10  }
0x58a: {  	[tilespmem:s8], [sflag:$0x5] =	stream.strided.gather @!p0 [hbm4b:s6+s3], $0x2000, s4, s3, $0x38;
	[tilespmem:$0x1C500] =	vst v63  }
0x58b: {  	_ =	swait.ge [sflag:s31], $0x2000  }
0x58c: {  	(v2sf) =	vpush v8, $0x5;
	_ =	sdelay $0x9  }
0x58d: {  	v10 =	vbroadcast v9, $0x5;
	_ =	sdelay $0x1  }
0x58e: {  	v11 =	vshll.u32 v10, $0x3  }
0x58f: {  	v10 =	vand.u32 $0x7F, v10;
	v11 =	vand.u32 $0xFFFFFC00, v11  }
0x590: {  	v10 =	vor.u32 v10, v11  }
0x591: {  	v11 =	vor.u32 v1, v10;
	s8 =	spop (v2sf)  }
0x592: {  	s6 =	sand.u32 $0x7F, s8  }
0x593: {  	v24 =	vor.u32 s6, v0  }
0x594: {  	[sflag:s31] =	ssyncset.done $0x0  }
0x595: {  	[sflag:s31] =	ssyncadd.s32 $0xFFFFE000;
	s8 =	sadd.s32 $0xFFFFFFFE, s11  }
0x596: {  	v11 =	vld.idx.msk [tilespmem:v11+s13+$0x0], $0xffff;
	v25 =	vmov s8  }
0x597: {  	v13 =	vand.u32 $0x7D, v25  }
0x598: {  	v13 =	vbroadcast v13, $0x0;
	v12 =	vld.idx.msk [tilespmem:v24+s21+$0x0], $0xffff;
	_ =	sdelay $0x1  }
0x599: {  	v26 =	vor.u32 v0, v13  }
0x59a: {  	v28 =	vadd.s32 v3, v10;
	v27 =	vshll.u32 v11, $0x10;
	v11 =	vand.u32 $0xFFFF0000, v11  }
0x59b: {  	v11 =	vsel vm0, v27, v11  }
0x59c: {  	v29 =	vor.u32 s6, v2;
	v11 =	vadd.f32 v11, v12;
	_ =	sdelay $0x1  }
0x59d: {  	[tilespmem:v26+s5+$0x0] =	vst.idx.msk $0xffff, v11  }
0x59e: {  	v11 =	vld.idx.msk [tilespmem:v28+s13+$0x0], $0xffff;
	_ =	sdelay $0x1  }
0x59f: {  	v12 =	vld.idx.msk [tilespmem:v29+s21+$0x0], $0xffff;
	_ =	sdelay $0x1  }
0x5a0: {  	v30 =	vor.u32 v2, v13  }
0x5a1: {  	v32 =	vadd.s32 v5, v10;
	v31 =	vshll.u32 v11, $0x10;
	v11 =	vand.u32 $0xFFFF0000, v11  }
0x5a2: {  	v11 =	vsel vm0, v31, v11  }
0x5a3: {  	v33 =	vor.u32 s6, v4;
	v11 =	vadd.f32 v11, v12;
	_ =	sdelay $0x1  }
0x5a4: {  	[tilespmem:v30+s5+$0x0] =	vst.idx.msk $0xffff, v11  }
0x5a5: {  	v11 =	vld.idx.msk [tilespmem:v32+s13+$0x0], $0xffff;
	_ =	sdelay $0x1  }
0x5a6: {  	(v2sf) =	vpush @!p0 v8, $0xD;
	v12 =	vld.idx.msk [tilespmem:v33+s21+$0x0], $0xffff;
	_ =	sdelay $0x1  }
0x5a7: {  	v34 =	vor.u32 v4, v13  }
0x5a8: {  	v10 =	vadd.s32 v7, v10;
	v35 =	vshll.u32 v11, $0x10;
	v11 =	vand.u32 $0xFFFF0000, v11  }
0x5a9: {  	v11 =	vsel vm0, v35, v11  }
0x5aa: {  	v36 =	vor.u32 s6, v6;
	v11 =	vadd.f32 v11, v12;
	_ =	sdelay $0x1  }
0x5ab: {  	[tilespmem:v34+s5+$0x0] =	vst.idx.msk $0xffff, v11  }
0x5ac: {  	v10 =	vld.idx.msk [tilespmem:v10+s13+$0x0], $0xffff;
	_ =	sdelay $0x1  }
0x5ad: {  	v11 =	vld.idx.msk [tilespmem:v36+s21+$0x0], $0xffff;
	_ =	sdelay $0x1  }
0x5ae: {  	v37 =	vor.u32 v6, v13  }
0x5af: {  	v38 =	vshll.u32 v10, $0x10;
	v10 =	vand.u32 $0xFFFF0000, v10  }
0x5b0: {  	v10 =	vsel vm0, v38, v10  }
0x5b1: {  	s6 =	spop @!p0 (v2sf);
	v10 =	vadd.f32 v10, v11  }
0x5b2: {  	s6 =	sand.u32 @!p0 $0xFFFFF80, s6  }
0x5b3: {  	s8 =	simm.s32 @!p0 $0x16500;
	s6 =	sadd.s32 @!p0 s1, s6;
	[tilespmem:v37+s5+$0x0] =	vst.idx.msk $0xffff, v10  }
0x5b4: {  	[tilespmem:s8], [sflag:$0x6] =	stream.strided.gather @!p0 [hbm4b:s6+s3], $0x2000, s4, s3, $0x38;
	[tilespmem:$0x1C500] =	vst v63  }
0x5b5: {  	_ =	swait.ge [sflag:s0], $0x2000  }
0x5b6: {  	(v2sf) =	vpush v8, $0x6;
	_ =	sdelay $0x9  }
0x5b7: {  	v10 =	vbroadcast v9, $0x6;
	_ =	sdelay $0x1  }
0x5b8: {  	v11 =	vshll.u32 v10, $0x3  }
0x5b9: {  	v10 =	vand.u32 $0x7F, v10;
	v11 =	vand.u32 $0xFFFFFC00, v11  }
0x5ba: {  	v10 =	vor.u32 v10, v11  }
0x5bb: {  	v11 =	vor.u32 v1, v10;
	s8 =	spop (v2sf)  }
0x5bc: {  	s6 =	sand.u32 $0x7F, s8  }
0x5bd: {  	v39 =	vor.u32 s6, v0  }
0x5be: {  	[sflag:s0] =	ssyncset.done $0x0  }
0x5bf: {  	[sflag:s0] =	ssyncadd.s32 $0xFFFFE000;
	s8 =	sadd.s32 $0xFFFFFFFF, s11  }
0x5c0: {  	v11 =	vld.idx.msk [tilespmem:v11+s13+$0x0], $0xffff;
	v40 =	vmov s8  }
0x5c1: {  	v13 =	vand.u32 $0x7E, v40  }
0x5c2: {  	v13 =	vbroadcast v13, $0x0;
	v12 =	vld.idx.msk [tilespmem:v39+s22+$0x0], $0xffff;
	_ =	sdelay $0x1  }
0x5c3: {  	v41 =	vor.u32 v0, v13  }
0x5c4: {  	v43 =	vadd.s32 v3, v10;
	v42 =	vshll.u32 v11, $0x10;
	v11 =	vand.u32 $0xFFFF0000, v11  }
0x5c5: {  	v11 =	vsel vm0, v42, v11  }
0x5c6: {  	v44 =	vor.u32 s6, v2;
	v11 =	vadd.f32 v11, v12;
	_ =	sdelay $0x1  }
0x5c7: {  	[tilespmem:v41+s5+$0x0] =	vst.idx.msk $0xffff, v11  }
0x5c8: {  	v11 =	vld.idx.msk [tilespmem:v43+s13+$0x0], $0xffff;
	_ =	sdelay $0x1  }
0x5c9: {  	v12 =	vld.idx.msk [tilespmem:v44+s22+$0x0], $0xffff;
	_ =	sdelay $0x1  }
0x5ca: {  	v45 =	vor.u32 v2, v13  }
0x5cb: {  	v47 =	vadd.s32 v5, v10;
	v46 =	vshll.u32 v11, $0x10;
	v11 =	vand.u32 $0xFFFF0000, v11  }
0x5cc: {  	v11 =	vsel vm0, v46, v11  }
0x5cd: {  	v48 =	vor.u32 s6, v4;
	v11 =	vadd.f32 v11, v12;
	_ =	sdelay $0x1  }
0x5ce: {  	[tilespmem:v45+s5+$0x0] =	vst.idx.msk $0xffff, v11  }
0x5cf: {  	v11 =	vld.idx.msk [tilespmem:v47+s13+$0x0], $0xffff;
	_ =	sdelay $0x1  }
0x5d0: {  	(v2sf) =	vpush @!p0 v8, $0xE;
	v12 =	vld.idx.msk [tilespmem:v48+s22+$0x0], $0xffff;
	_ =	sdelay $0x1  }
0x5d1: {  	v49 =	vor.u32 v4, v13  }
0x5d2: {  	v10 =	vadd.s32 v7, v10;
	v50 =	vshll.u32 v11, $0x10;
	v11 =	vand.u32 $0xFFFF0000, v11  }
0x5d3: {  	v11 =	vsel vm0, v50, v11  }
0x5d4: {  	v51 =	vor.u32 s6, v6;
	v11 =	vadd.f32 v11, v12;
	_ =	sdelay $0x1  }
0x5d5: {  	[tilespmem:v49+s5+$0x0] =	vst.idx.msk $0xffff, v11  }
0x5d6: {  	v10 =	vld.idx.msk [tilespmem:v10+s13+$0x0], $0xffff;
	_ =	sdelay $0x1  }
0x5d7: {  	v11 =	vld.idx.msk [tilespmem:v51+s22+$0x0], $0xffff;
	_ =	sdelay $0x1  }
0x5d8: {  	v52 =	vor.u32 v6, v13  }
0x5d9: {  	v53 =	vshll.u32 v10, $0x10;
	v10 =	vand.u32 $0xFFFF0000, v10  }
0x5da: {  	v10 =	vsel vm0, v53, v10  }
0x5db: {  	s6 =	spop @!p0 (v2sf);
	v10 =	vadd.f32 v10, v11  }
0x5dc: {  	s6 =	sand.u32 @!p0 $0xFFFFF80, s6  }
0x5dd: {  	s8 =	simm.s32 @!p0 $0x18500;
	s6 =	sadd.s32 @!p0 s1, s6;
	[tilespmem:v52+s5+$0x0] =	vst.idx.msk $0xffff, v10  }
0x5de: {  	[tilespmem:s8], [sflag:$0x7] =	stream.strided.gather @!p0 [hbm4b:s6+s3], $0x2000, s4, s3, $0x38;
	[tilespmem:$0x1C500] =	vst v63  }
0x5df: {  	_ =	swait.ge [sflag:s2], $0x2000  }
0x5e0: {  	(v2sf) =	vpush v8, $0x7;
	_ =	sdelay $0x9  }
0x5e1: {  	v9 =	vbroadcast v9, $0x7;
	_ =	sdelay $0x1  }
0x5e2: {  	v10 =	vshll.u32 v9, $0x3  }
0x5e3: {  	v9 =	vand.u32 $0x7F, v9;
	v10 =	vand.u32 $0xFFFFFC00, v10  }
0x5e4: {  	v9 =	vor.u32 v9, v10  }
0x5e5: {  	v10 =	vor.u32 v1, v9;
	s8 =	spop (v2sf)  }
0x5e6: {  	s3 =	sand.u32 $0x7F, s8  }
0x5e7: {  	v11 =	vor.u32 s3, v0  }
0x5e8: {  	[sflag:s2] =	ssyncset.done $0x0  }
0x5e9: {  	[sflag:s2] =	ssyncadd.s32 $0xFFFFE000  }
0x5ea: {  	v54 =	vmov s11;
	v10 =	vld.idx.msk [tilespmem:v10+s13+$0x0], $0xffff  }
0x5eb: {  	v12 =	vand.u32 $0x7F, v54  }
0x5ec: {  	v12 =	vbroadcast v12, $0x0;
	v11 =	vld.idx.msk [tilespmem:v11+s23+$0x0], $0xffff;
	_ =	sdelay $0x1  }
0x5ed: {  	v55 =	vor.u32 v0, v12  }
0x5ee: {  	v57 =	vadd.s32 v3, v9;
	v56 =	vshll.u32 v10, $0x10;
	v10 =	vand.u32 $0xFFFF0000, v10  }
0x5ef: {  	v10 =	vsel vm0, v56, v10  }
0x5f0: {  	v10 =	vadd.f32 v10, v11;
	v11 =	vor.u32 s3, v2;
	_ =	sdelay $0x1  }
0x5f1: {  	[tilespmem:v55+s5+$0x0] =	vst.idx.msk $0xffff, v10  }
0x5f2: {  	v10 =	vld.idx.msk [tilespmem:v57+s13+$0x0], $0xffff;
	_ =	sdelay $0x1  }
0x5f3: {  	v11 =	vld.idx.msk [tilespmem:v11+s23+$0x0], $0xffff;
	_ =	sdelay $0x1  }
0x5f4: {  	v58 =	vor.u32 v2, v12  }
0x5f5: {  	v60 =	vadd.s32 v5, v9;
	v59 =	vshll.u32 v10, $0x10;
	v10 =	vand.u32 $0xFFFF0000, v10  }
0x5f6: {  	v10 =	vsel vm0, v59, v10  }
0x5f7: {  	v10 =	vadd.f32 v10, v11;
	v11 =	vor.u32 s3, v4;
	_ =	sdelay $0x1  }
0x5f8: {  	[tilespmem:v58+s5+$0x0] =	vst.idx.msk $0xffff, v10  }
0x5f9: {  	v10 =	vld.idx.msk [tilespmem:v60+s13+$0x0], $0xffff;
	_ =	sdelay $0x1  }
0x5fa: {  	v11 =	vld.idx.msk [tilespmem:v11+s23+$0x0], $0xffff;
	_ =	sdelay $0x1  }
0x5fb: {  	v61 =	vor.u32 v4, v12  }
0x5fc: {  	v9 =	vadd.s32 v7, v9;
	v62 =	vshll.u32 v10, $0x10;
	v10 =	vand.u32 $0xFFFF0000, v10  }
0x5fd: {  	v10 =	vsel vm0, v62, v10  }
0x5fe: {  	v10 =	vadd.f32 v10, v11;
	v11 =	vor.u32 s3, v6;
	_ =	sdelay $0x1  }
0x5ff: {  	[tilespmem:v61+s5+$0x0] =	vst.idx.msk $0xffff, v10  }
0x600: {  	v9 =	vld.idx.msk [tilespmem:v9+s13+$0x0], $0xffff;
	_ =	sdelay $0x1  }
0x601: {  	v10 =	vld.idx.msk [tilespmem:v11+s23+$0x0], $0xffff;
	_ =	sdelay $0x1  }
0x602: {  	v11 =	vor.u32 v6, v12  }
.Ltmp8:
0x603: {  	v63 =	vshll.u32 v9, $0x10;
	v9 =	vand.u32 $0xFFFF0000, v9;
	(pc) =	sbr.rel @p0 .LBB2_13-.Ltmp8, $3  }
0x604: {  	v9 =	vsel vm0, v63, v9  }
0x605: {  	v9 =	vadd.f32 v9, v10;
	_ =	sdelay $0x1  }
0x606: {  	[tilespmem:v11+s5+$0x0] =	vst.idx.msk $0xffff, v9  }
0x607: {  	(v2sf) =	vpush v8, $0xF;
	_ =	sdelay $0xd  }
.Ltmp9:
0x608: {  	_ = 	snop;
	(pc) =	sbr.rel .LBB2_11-.Ltmp9, $4  }
0x609: {  	s3 =	spop (v2sf)  }
0x60a: {  	s11 =	sadd.s32 $0x8, s11;
	s3 =	sand.u32 $0xFFFFF80, s3  }
0x60b: {  	s7 =	sadd.s32 $0x8, s7;
	s10 =	sadd.s32 $0x8, s10;
	s3 =	sadd.s32 s1, s3  }
0x60c: {  	[tilespmem:s23], [sflag:$0x8] =	stream.strided.gather [hbm4b:s3+s14], $0x2000, s15, s14, $0x38;
	[tilespmem:$0x1C500] =	vst v63  }
.LBB2_14:
0x60d: {  	_ =	sfence.sel $0x180000  }
0x60e: {  	[bflag:$0x0] =	sbarrier.arrive $0xFFFF  }
0x60f: {  	_ =	strace $0x90000047  }
0x610: {  	s0 =	stileid.u32;
	[bflag:$0x2] =	sbarrier.arrive $0xFFFF  }
0x611: {  	p0 =	sne.s32 s0, $0x0;
	s0 =	rddreg [dreg:$0x5]  }
0x612: {  	s0 =	sadd.s32 @!p0 $0x100000, s0  }
0x613: {  	[sflag:s0] =	ssyncadd.tile.s32 @!p0 $0x1;
	_ =	shalt  }
.Lfunc_end2:
_tile_overlayer_lowered:
.L_overlay_start_2:
0x614: {  	(tag) =	ssettag $0x2  }
0x615: {  	s0 =	rddreg [dreg:$0x0];
	s2 =	stileid.u32  }
0x616: {  	s1 =	rddreg [dreg:$0x1];
	p0 =	sne.s32 s2, $0x0  }
0x617: {  	s3 =	rddreg [dreg:$0x2];
	[bflag:$0x3] =	sbarrier.arrive $0xFFFF;
	s2 =	simm.s32 @!p0 $0x1C0B  }
0x618: {  	[timem:s3], [sflag:s2] =	dma.local @!p0 [hbm:s0], s1  }
0x619: {  	s0 =	simm.s32 @!p0 $0xB  }
0x61a: {  	_ =	swait.ge @!p0 [sflag:s0], s1  }
0x61b: {  	s1 =	ssub.s32 @!p0 $0x0, s1;
	[sflag:s0] =	ssyncset.done @!p0 $0x0  }
0x61c: {  	[sflag:s0] =	ssyncadd.s32 @!p0 s1  }
0x61d: {  	[bflag:$0x3] =	sbarrier.arrive $0xFFFF  }
0x61e: {  	_ =	shalt  }

</sc_bundles>
